<compile_context>
chip_gen: v7x
topology: tpu7x:2x2x1
jax: 0.10.2.dev20260603
libtpu: 0.0.44.dev20260713+nightly
codegen_flags: <defaults>
</compile_context>

<pallas_src>
import functools
import math

import jax
import jax.numpy as jnp
from jax import lax
from jax.experimental import pallas as pl
from jax.experimental.pallas import tpu as pltpu
from jax.experimental.pallas import tpu_sc as plsc

N = 10000
D = 128
G = 64
L_OUT = 64

NC = 2
NS = 16
NW = NC * NS
CHUNK = 128
N_PAD = 10112
ROWS_PER_TILE = N_PAD // NS


NBUF = 2


def _make_sc_agg(cpw):
    mesh = plsc.VectorSubcoreMesh(core_axis_name="c", subcore_axis_name="s")

    @functools.partial(
        pl.kernel,
        mesh=mesh,
        out_type=jax.ShapeDtypeStruct((NC * N_PAD, D), jnp.float32),
        scratch_types=[
            pltpu.VMEM((cpw, CHUNK), jnp.int32),
            pltpu.VMEM_SHARED((N_PAD, D), jnp.float32),
        ]
        + [pltpu.VMEM((CHUNK, D), jnp.float32) for _ in range(NBUF)]
        + [pltpu.VMEM((CHUNK,), jnp.int32) for _ in range(2 * NBUF)]
        + [pltpu.SemaphoreType.DMA for _ in range(NBUF)],
    )
    def sc_agg(h_hbm, packed_hbm, zeros_hbm, out_hbm,
               packed_v, acc_sh, *rest):
        rows = rest[:NBUF]
        srcb = rest[NBUF:2 * NBUF]
        dstb = rest[2 * NBUF:3 * NBUF]
        gsem = rest[3 * NBUF:]
        c = lax.axis_index("c")
        s = lax.axis_index("s")
        wid = s * NC + c
        r0 = s * ROWS_PER_TILE

        def unpack(j, b):
            for k in range(CHUNK // 16):
                sl = pl.ds(16 * k, 16)
                p = packed_v[j, sl]
                srcb[b][sl] = lax.bitwise_and(p, 0xFFFF)
                dstb[b][sl] = lax.shift_right_logical(p, 16)

        pltpu.sync_copy(packed_hbm.at[wid], packed_v)
        pltpu.sync_copy(zeros_hbm.at[pl.ds(r0, ROWS_PER_TILE)],
                        acc_sh.at[pl.ds(r0, ROWS_PER_TILE)])
        plsc.subcore_barrier()

        for b in range(NBUF):
            unpack(b, b)
            pltpu.async_copy(h_hbm.at[srcb[b]], rows[b], gsem[b])

        def body(jj, carry):
            for b in range(NBUF):
                j = jj * NBUF + b
                pltpu.make_async_copy(h_hbm.at[pl.ds(0, CHUNK)],
                                      rows[b], gsem[b]).wait()
                pltpu.sync_copy(rows[b], acc_sh.at[dstb[b]], add=True)
                jn = j + NBUF

                @pl.when(jn < cpw)
                def _():
                    unpack(jn, b)
                    pltpu.async_copy(h_hbm.at[srcb[b]], rows[b], gsem[b])
            return carry

        lax.fori_loop(0, cpw // NBUF, body, 0)
        plsc.subcore_barrier()
        pltpu.sync_copy(acc_sh.at[pl.ds(r0, ROWS_PER_TILE)],
                        out_hbm.at[pl.ds(c * N_PAD + r0, ROWS_PER_TILE)])

    return sc_agg


BLK = 2000


def _gelu(x):
    return 0.5 * x * (1.0 + lax.erf(x * (1.0 / math.sqrt(2.0))))


def _affine_body(x_ref, s_ref, t_ref, o_ref):
    o_ref[...] = x_ref[...] * s_ref[...] + t_ref[...]


_affine_call = pl.pallas_call(
    _affine_body,
    grid=(N // BLK,),
    in_specs=[
        pl.BlockSpec((BLK, D), lambda i: (i, 0)),
        pl.BlockSpec((1, D), lambda i: (0, 0)),
        pl.BlockSpec((1, D), lambda i: (0, 0)),
    ],
    out_specs=pl.BlockSpec((BLK, D), lambda i: (i, 0)),
    out_shape=jax.ShapeDtypeStruct((N, D), jnp.float32),
)


def _layer_body(h_ref, a0_ref, a1_ref, epsr_ref, w1_ref, b1_ref,
                w2_ref, b2_ref, s2_ref, t2_ref, o_ref):
    m = h_ref[...] * epsr_ref[...] + a0_ref[0] + a1_ref[0]
    y = _gelu(jnp.dot(m, w1_ref[...], preferred_element_type=jnp.float32)
              + b1_ref[...])
    z = jnp.dot(y, w2_ref[...], preferred_element_type=jnp.float32) + b2_ref[...]
    o_ref[...] = _gelu(z * s2_ref[...] + t2_ref[...])


_layer_call = pl.pallas_call(
    _layer_body,
    grid=(N // BLK,),
    in_specs=[
        pl.BlockSpec((BLK, D), lambda i: (i, 0)),
        pl.BlockSpec((1, BLK, D), lambda i: (0, i, 0)),
        pl.BlockSpec((1, BLK, D), lambda i: (1, i, 0)),
        pl.BlockSpec((1, D), lambda i: (0, 0)),
        pl.BlockSpec((D, D), lambda i: (0, 0)),
        pl.BlockSpec((1, D), lambda i: (0, 0)),
        pl.BlockSpec((D, D), lambda i: (0, 0)),
        pl.BlockSpec((1, D), lambda i: (0, 0)),
        pl.BlockSpec((1, D), lambda i: (0, 0)),
        pl.BlockSpec((1, D), lambda i: (0, 0)),
    ],
    out_specs=pl.BlockSpec((BLK, D), lambda i: (i, 0)),
    out_shape=jax.ShapeDtypeStruct((N, D), jnp.float32),
)


def _layer_pool_head_body(h_ref, a0_ref, a1_ref, epsr_ref, w1_ref, b1_ref,
                          w2_ref, b2_ref, s2_ref, t2_ref,
                          b_ref, fw1_ref, fb1_ref, lg_ref, lb_ref,
                          fw2_ref, fb2_ref, o_ref, pool_acc, cnt_acc):
    i = pl.program_id(0)

    @pl.when(i == 0)
    def _():
        pool_acc[...] = jnp.zeros_like(pool_acc)
        cnt_acc[...] = jnp.zeros_like(cnt_acc)

    m = h_ref[...] * epsr_ref[...] + a0_ref[0] + a1_ref[0]
    y = _gelu(jnp.dot(m, w1_ref[...], preferred_element_type=jnp.float32)
              + b1_ref[...])
    z = jnp.dot(y, w2_ref[...], preferred_element_type=jnp.float32) + b2_ref[...]
    hblk = _gelu(z * s2_ref[...] + t2_ref[...])

    mask = (b_ref[...] == lax.broadcasted_iota(jnp.int32, (BLK, G), 1)
            ).astype(jnp.float32)
    pool_acc[...] += lax.dot_general(mask, hblk,
                                     (((0,), (0,)), ((), ())),
                                     preferred_element_type=jnp.float32)
    cnt_acc[...] += lax.dot_general(mask, jnp.ones((BLK, 1), jnp.float32),
                                    (((0,), (0,)), ((), ())),
                                    preferred_element_type=jnp.float32)

    @pl.when(i == pl.num_programs(0) - 1)
    def _():
        cnt = jnp.maximum(cnt_acc[...], 1.0)
        pooled = pool_acc[...] / cnt
        o1 = jnp.dot(pooled, fw1_ref[...],
                     preferred_element_type=jnp.float32) + fb1_ref[...]
        mu = jnp.mean(o1, axis=-1, keepdims=True)
        var = jnp.mean((o1 - mu) ** 2, axis=-1, keepdims=True)
        o1 = (o1 - mu) / jnp.sqrt(var + 1e-5) * lg_ref[...] + lb_ref[...]
        o1 = _gelu(o1) + pooled
        o_ref[...] = jnp.dot(o1, fw2_ref[...],
                             preferred_element_type=jnp.float32) + fb2_ref[...]


_layer_pool_head_call = pl.pallas_call(
    _layer_pool_head_body,
    grid=(N // BLK,),
    in_specs=[
        pl.BlockSpec((BLK, D), lambda i: (i, 0)),
        pl.BlockSpec((1, BLK, D), lambda i: (0, i, 0)),
        pl.BlockSpec((1, BLK, D), lambda i: (1, i, 0)),
        pl.BlockSpec((1, D), lambda i: (0, 0)),
        pl.BlockSpec((D, D), lambda i: (0, 0)),
        pl.BlockSpec((1, D), lambda i: (0, 0)),
        pl.BlockSpec((D, D), lambda i: (0, 0)),
        pl.BlockSpec((1, D), lambda i: (0, 0)),
        pl.BlockSpec((1, D), lambda i: (0, 0)),
        pl.BlockSpec((1, D), lambda i: (0, 0)),
        pl.BlockSpec((BLK, 1), lambda i: (i, 0)),
        pl.BlockSpec((D, D), lambda i: (0, 0)),
        pl.BlockSpec((1, D), lambda i: (0, 0)),
        pl.BlockSpec((1, D), lambda i: (0, 0)),
        pl.BlockSpec((1, D), lambda i: (0, 0)),
        pl.BlockSpec((D, L_OUT), lambda i: (0, 0)),
        pl.BlockSpec((1, L_OUT), lambda i: (0, 0)),
    ],
    out_specs=pl.BlockSpec((G, L_OUT), lambda i: (0, 0)),
    out_shape=jax.ShapeDtypeStruct((G, L_OUT), jnp.float32),
    scratch_shapes=[
        pltpu.VMEM((G, D), jnp.float32),
        pltpu.VMEM((G, 1), jnp.float32),
    ],
)


def kernel(x, edge_index, batch, params):
    src = edge_index[0].astype(jnp.int32)
    dst = edge_index[1].astype(jnp.int32)
    e = src.shape[0]
    epw = e // NW
    cpw = NBUF * (-(-epw // (CHUNK * NBUF)))
    ppw = cpw * CHUNK - epw
    dummy_src = jnp.arange(NW * ppw, dtype=jnp.int32) % N
    dummy_dst = N + (jnp.arange(NW * ppw, dtype=jnp.int32) % (N_PAD - N))
    packed = (src | (dst << 16)).reshape(NW, epw)
    dummy = (dummy_src | (dummy_dst << 16)).reshape(NW, ppw)
    packed = jnp.concatenate([packed, dummy], axis=1).reshape(NW, cpw, CHUNK)
    zeros = jnp.zeros((N_PAD, D), jnp.float32)
    bi = batch.astype(jnp.int32).reshape(N, 1)

    sc_agg = _make_sc_agg(cpw)

    p_in = params["input_bn"]
    s_in = (p_in["gamma"] / jnp.sqrt(p_in["var"] + 1e-5)).reshape(1, D)
    t_in = (p_in["beta"] - p_in["mean"] * s_in[0]).reshape(1, D)
    h = _affine_call(x, s_in, t_in)

    n_conv = len(params["convs"])
    for li, cp in enumerate(params["convs"]):
        mlp = cp["mlp"]
        bn1 = mlp["bn1"]
        s1 = bn1["gamma"] / jnp.sqrt(bn1["var"] + 1e-5)
        t1 = bn1["beta"] - bn1["mean"] * s1
        w1f = mlp["fc1_w"] * s1[None, :]
        b1f = (mlp["fc1_b"] * s1 + t1).reshape(1, D)
        w2 = mlp["fc2_w"]
        b2 = mlp["fc2_b"].reshape(1, D)
        bn = cp["bn"]
        s2 = (bn["gamma"] / jnp.sqrt(bn["var"] + 1e-5)).reshape(1, D)
        t2 = (bn["beta"] - bn["mean"] * s2[0]).reshape(1, D)
        epsr = jnp.full((1, D), 1.0, jnp.float32) + cp["eps"]

        parts = sc_agg(h, packed, zeros).reshape(NC, N_PAD, D)
        if li < n_conv - 1:
            h = _layer_call(h, parts, parts, epsr, w1f, b1f, w2, b2, s2, t2)
        else:
            return _layer_pool_head_call(
                h, parts, parts, epsr, w1f, b1f, w2, b2, s2, t2, bi,
                params["fc1_w"], params["fc1_b"].reshape(1, D),
                params["ln_gamma"].reshape(1, D),
                params["ln_beta"].reshape(1, D),
                params["fc2_w"], params["fc2_b"].reshape(1, L_OUT),
            )

# --- scband reference (transcript-rebuilt; emitter-appended) ---
"""Pipeline reference for scband-enhanced-gin-79044578116198 (READ-ONLY COPY).

The authoritative reference and input builder live on the scoring server;
editing this copy changes nothing except your own understanding.
"""

import jax, jax.numpy as jnp
import numpy as np

N = 10000
E = 320000
D = 128
H = 128
L = 64
G = 64
NL = 3


def _bn_params(dim):
    return {"gamma": jnp.ones((dim,), jnp.float32), "beta": jnp.zeros((dim,), jnp.float32),
            "mean": jnp.zeros((dim,), jnp.float32), "var": jnp.ones((dim,), jnp.float32)}


def _lin(key, i, o):
    w = jax.random.normal(key, (i, o), jnp.float32) * (1.0 / np.sqrt(i))
    b = jnp.zeros((o,), jnp.float32)
    return w, b


def setup_inputs(seed: int = 0) -> dict:
    key = jax.random.key(seed)
    ks = jax.random.split(key, 32)
    x = jax.random.normal(ks[0], (N, D), jnp.float32)
    edge_index = jax.random.randint(ks[1], (2, E), 0, N, dtype=jnp.int64)
    batch = jnp.sort(jax.random.randint(ks[2], (N,), 0, G, dtype=jnp.int64))
    convs = []
    kidx = 3
    in_dim = D
    for _ in range(NL):
        fc1_w, fc1_b = _lin(ks[kidx], in_dim, H); kidx += 1
        fc2_w, fc2_b = _lin(ks[kidx], H, H); kidx += 1
        convs.append({
            "eps": jnp.zeros((), jnp.float32),
            "mlp": {"fc1_w": fc1_w, "fc1_b": fc1_b, "bn1": _bn_params(H),
                     "fc2_w": fc2_w, "fc2_b": fc2_b},
            "bn": _bn_params(H),
        })
        in_dim = H
    fc1_w, fc1_b = _lin(ks[kidx], H, H); kidx += 1
    fc2_w, fc2_b = _lin(ks[kidx], H, L); kidx += 1
    params = {
        "input_bn": _bn_params(D),
        "convs": convs,
        "fc1_w": fc1_w, "fc1_b": fc1_b,
        "ln_gamma": jnp.ones((H,), jnp.float32), "ln_beta": jnp.zeros((H,), jnp.float32),
        "fc2_w": fc2_w, "fc2_b": fc2_b,
    }
    return {"x": x, "edge_index": edge_index, "batch": batch, "params": params}


def _bn(x, p):
    return (x - p["mean"]) / jnp.sqrt(p["var"] + 1e-5) * p["gamma"] + p["beta"]


def _mlp(x, p):
    x = x @ p["fc1_w"] + p["fc1_b"]
    x = _bn(x, p["bn1"])
    x = jax.nn.gelu(x, approximate=False)
    # dropout is identity in eval mode
    return x @ p["fc2_w"] + p["fc2_b"]


def reference(x, edge_index, batch, params):
    h = _bn(x, params["input_bn"])
    src = edge_index[0]
    dst = edge_index[1]
    for cp in params["convs"]:
        # GINConv, aggr='sum': scatter-add messages from src into dst
        agg = jnp.zeros((h.shape[0], h.shape[1]), h.dtype).at[dst].add(h[src])
        m = (1.0 + cp["eps"]) * h + agg
        h = _mlp(m, cp["mlp"])
        h = _bn(h, cp["bn"])
        h = jax.nn.gelu(h, approximate=False)
    # global mean pool over batch segments
    counts = jnp.zeros((G,), h.dtype).at[batch].add(1.0)
    pooled = jnp.zeros((G, h.shape[1]), h.dtype).at[batch].add(h)
    pooled = pooled / jnp.clip(counts, 1.0)[:, None]
    out = pooled @ params["fc1_w"] + params["fc1_b"]
    mu = out.mean(axis=-1, keepdims=True)
    var = ((out - mu) ** 2).mean(axis=-1, keepdims=True)
    out = (out - mu) / jnp.sqrt(var + 1e-5) * params["ln_gamma"] + params["ln_beta"]
    out = jax.nn.gelu(out, approximate=False)
    out = out + pooled
    out = out @ params["fc2_w"] + params["fc2_b"]
    return out

if __name__ == "__main__":
    import jax
    _d = setup_inputs()
    print(jax.jit(kernel)(*tuple(_d.values())))

</pallas_src>

<mosaic_0001>
#map = affine_map<(d0, d1) -> (0, 0)>
#map1 = affine_map<(d0, d1) -> (0, 0, 0)>
module attributes {stable_mosaic.version = 14 : i64} {
  func.func @sc_agg(%arg0: i32, %arg1: i32, %arg2: memref<10000x128xf32, #tpu.memory_space<hbm>>, %arg3: memref<32x80x128xi32, #tpu.memory_space<hbm>>, %arg4: memref<10112x128xf32, #tpu.memory_space<hbm>>, %arg5: memref<20224x128xf32, #tpu.memory_space<hbm>>, %arg6: memref<80x128xi32, #tpu.memory_space<vmem>>, %arg7: memref<10112x128xf32, #tpu.memory_space<vmem_shared>>, %arg8: memref<128x128xf32, #tpu.memory_space<vmem>>, %arg9: memref<128x128xf32, #tpu.memory_space<vmem>>, %arg10: memref<128xi32, #tpu.memory_space<vmem>>, %arg11: memref<128xi32, #tpu.memory_space<vmem>>, %arg12: memref<128xi32, #tpu.memory_space<vmem>>, %arg13: memref<128xi32, #tpu.memory_space<vmem>>, %arg14: memref<!tpu.dma_semaphore, #tpu.memory_space<semaphore_mem>>, %arg15: memref<!tpu.dma_semaphore, #tpu.memory_space<semaphore_mem>>) attributes {dimension_semantics = [#tpu.dimension_semantics<core_parallel>, #tpu.dimension_semantics<subcore_parallel>], iteration_bounds = array<i64: 2, 16>, scalar_prefetch = 0 : i64, scratch_operands = 10 : i64, tpu.core_type = #tpu.core_type<sc_vector_subcore>, window_params = [{transform_indices = #map}, {transform_indices = #map1}, {transform_indices = #map}, {transform_indices = #map}]} {
    %mul3A = arith.constant 2 : i32
    %mul3A_0 = arith.muli %arg1, %mul3A : i32
    %add3A = arith.addi %mul3A_0, %arg0 : i32
    %mul3A_1 = arith.constant 632 : i32
    %mul3A_2 = arith.muli %arg1, %mul3A_1 : i32
    "tpu.region"() ({
      %run_scoped3A = tpu.sem_alloc : memref<!tpu.dma_semaphore, #tpu.memory_space<semaphore_mem>>
      %dma_start3A_317 = arith.constant 0 : i32
      %dma_start3A_318 = arith.constant 0 : i32
      %dma_start3A_319 = tpu.memref_slice %arg3[%add3A, %dma_start3A_317, %dma_start3A_318] : memref<32x80x128xi32, #tpu.memory_space<hbm>> -> memref<1x80x128xi32, #tpu.memory_space<hbm>>
      %dma_start3A_320 = tpu.memref_squeeze %dma_start3A_319 : memref<1x80x128xi32, #tpu.memory_space<hbm>> -> memref<80x128xi32, #tpu.memory_space<hbm>>
      %dma_start3A_321 = arith.constant 0 : i32
      %dma_start3A_322 = arith.constant 0 : i32
      %dma_start3A_323 = tpu.memref_slice %arg3[%add3A, %dma_start3A_321, %dma_start3A_322] : memref<32x80x128xi32, #tpu.memory_space<hbm>> -> memref<1x80x128xi32, #tpu.memory_space<hbm>>
      %dma_start3A_324 = tpu.memref_squeeze %dma_start3A_323 : memref<1x80x128xi32, #tpu.memory_space<hbm>> -> memref<80x128xi32, #tpu.memory_space<hbm>>
      tpu.enqueue_dma source(%dma_start3A_324 : memref<80x128xi32, #tpu.memory_space<hbm>>) target(%arg6 : memref<80x128xi32, #tpu.memory_space<vmem>>) target_semaphore(%run_scoped3A : memref<!tpu.dma_semaphore, #tpu.memory_space<semaphore_mem>>)
      %dma_wait3A = arith.constant 0 : i32
      %dma_wait3A_325 = arith.constant 0 : i32
      %dma_wait3A_326 = tpu.memref_slice %arg3[%add3A, %dma_wait3A, %dma_wait3A_325] : memref<32x80x128xi32, #tpu.memory_space<hbm>> -> memref<1x80x128xi32, #tpu.memory_space<hbm>>
      %dma_wait3A_327 = tpu.memref_squeeze %dma_wait3A_326 : memref<1x80x128xi32, #tpu.memory_space<hbm>> -> memref<80x128xi32, #tpu.memory_space<hbm>>
      %dma_wait3A_328 = arith.constant 0 : i32
      %dma_wait3A_329 = arith.constant 0 : i32
      %dma_wait3A_330 = tpu.memref_slice %arg3[%add3A, %dma_wait3A_328, %dma_wait3A_329] : memref<32x80x128xi32, #tpu.memory_space<hbm>> -> memref<1x80x128xi32, #tpu.memory_space<hbm>>
      %dma_wait3A_331 = tpu.memref_squeeze %dma_wait3A_330 : memref<1x80x128xi32, #tpu.memory_space<hbm>> -> memref<80x128xi32, #tpu.memory_space<hbm>>
      tpu.wait_dma2 semaphore(%run_scoped3A : memref<!tpu.dma_semaphore, #tpu.memory_space<semaphore_mem>>) src(%dma_wait3A_331 : memref<80x128xi32, #tpu.memory_space<hbm>>) dst(%arg6 : memref<80x128xi32, #tpu.memory_space<vmem>>)
      tpu.yield
    }) : () -> ()
    "tpu.region"() ({
      %run_scoped3A = tpu.sem_alloc : memref<!tpu.dma_semaphore, #tpu.memory_space<semaphore_mem>>
      %dma_start3A_317 = arith.constant 0 : i32
      %dma_start3A_318 = tpu.memref_slice %arg7[%mul3A_2, %dma_start3A_317] : memref<10112x128xf32, #tpu.memory_space<vmem_shared>> -> memref<632x128xf32, #tpu.memory_space<vmem_shared>>
      %dma_start3A_319 = arith.constant 0 : i32
      %dma_start3A_320 = tpu.memref_slice %arg4[%mul3A_2, %dma_start3A_319] : memref<10112x128xf32, #tpu.memory_space<hbm>> -> memref<632x128xf32, #tpu.memory_space<hbm>>
      tpu.enqueue_dma source(%dma_start3A_320 : memref<632x128xf32, #tpu.memory_space<hbm>>) target(%dma_start3A_318 : memref<632x128xf32, #tpu.memory_space<vmem_shared>>) target_semaphore(%run_scoped3A : memref<!tpu.dma_semaphore, #tpu.memory_space<semaphore_mem>>)
      %dma_wait3A = arith.constant 0 : i32
      %dma_wait3A_321 = tpu.memref_slice %arg7[%mul3A_2, %dma_wait3A] : memref<10112x128xf32, #tpu.memory_space<vmem_shared>> -> memref<632x128xf32, #tpu.memory_space<vmem_shared>>
      %dma_wait3A_322 = arith.constant 0 : i32
      %dma_wait3A_323 = tpu.memref_slice %arg4[%mul3A_2, %dma_wait3A_322] : memref<10112x128xf32, #tpu.memory_space<hbm>> -> memref<632x128xf32, #tpu.memory_space<hbm>>
      tpu.wait_dma2 semaphore(%run_scoped3A : memref<!tpu.dma_semaphore, #tpu.memory_space<semaphore_mem>>) src(%dma_wait3A_323 : memref<632x128xf32, #tpu.memory_space<hbm>>) dst(%dma_wait3A_321 : memref<632x128xf32, #tpu.memory_space<vmem_shared>>)
      tpu.yield
    }) : () -> ()
    %barrier3A = arith.constant 0 : index
    tpu.barrier barrier_id(%barrier3A)
    %get3A = arith.constant 0 : i32
    %get3A_3 = arith.index_cast %get3A : i32 to index
    %get3A_4 = arith.constant 0 : index
    %get3A_5 = tpu.vector_load %arg6[%get3A_3, %get3A_4] {strides = array<i32>} : memref<80x128xi32, #tpu.memory_space<vmem>>, vector<1x16xi32>,
    %get3A_6 = vector.shape_cast %get3A_5 : vector<1x16xi32> to vector<16xi32>
    %and3A = arith.constant 65535 : i32
    %and3A_7 = vector.broadcast %and3A : i32 to vector<16xi32>
    %and3A_8 = arith.andi %get3A_6, %and3A_7 : vector<16xi32>
    %swap3A = arith.constant 0 : index
    %swap3A_9 = tpu.vector_load %arg10[%swap3A] {strides = array<i32>} : memref<128xi32, #tpu.memory_space<vmem>>, vector<16xi32>,
    %swap3A_10 = vector.shape_cast %swap3A_9 : vector<16xi32> to vector<16xi32>
    %swap3A_11 = vector.shape_cast %and3A_8 : vector<16xi32> to vector<16xi32>
    tpu.vector_store %arg10[%swap3A], %swap3A_11 {strides = array<i32>} : memref<128xi32, #tpu.memory_space<vmem>>, vector<16xi32>,
    %shift_right_logical3A = arith.constant 16 : i32
    %shift_right_logical3A_12 = vector.broadcast %shift_right_logical3A : i32 to vector<16xi32>
    %shift_right_logical3A_13 = arith.shrui %get3A_6, %shift_right_logical3A_12 : vector<16xi32>
    %swap3A_14 = arith.constant 0 : index
    %swap3A_15 = tpu.vector_load %arg12[%swap3A_14] {strides = array<i32>} : memref<128xi32, #tpu.memory_space<vmem>>, vector<16xi32>,
    %swap3A_16 = vector.shape_cast %swap3A_15 : vector<16xi32> to vector<16xi32>
    %swap3A_17 = vector.shape_cast %shift_right_logical3A_13 : vector<16xi32> to vector<16xi32>
    tpu.vector_store %arg12[%swap3A_14], %swap3A_17 {strides = array<i32>} : memref<128xi32, #tpu.memory_space<vmem>>, vector<16xi32>,
    %get3A_18 = arith.constant 0 : i32
    %get3A_19 = arith.index_cast %get3A_18 : i32 to index
    %get3A_20 = arith.constant 16 : index
    %get3A_21 = tpu.vector_load %arg6[%get3A_19, %get3A_20] {strides = array<i32>} : memref<80x128xi32, #tpu.memory_space<vmem>>, vector<1x16xi32>,
    %get3A_22 = vector.shape_cast %get3A_21 : vector<1x16xi32> to vector<16xi32>
    %and3A_23 = arith.constant 65535 : i32
    %and3A_24 = vector.broadcast %and3A_23 : i32 to vector<16xi32>
    %and3A_25 = arith.andi %get3A_22, %and3A_24 : vector<16xi32>
    %swap3A_26 = arith.constant 16 : index
    %swap3A_27 = tpu.vector_load %arg10[%swap3A_26] {strides = array<i32>} : memref<128xi32, #tpu.memory_space<vmem>>, vector<16xi32>,
    %swap3A_28 = vector.shape_cast %swap3A_27 : vector<16xi32> to vector<16xi32>
    %swap3A_29 = vector.shape_cast %and3A_25 : vector<16xi32> to vector<16xi32>
    tpu.vector_store %arg10[%swap3A_26], %swap3A_29 {strides = array<i32>} : memref<128xi32, #tpu.memory_space<vmem>>, vector<16xi32>,
    %shift_right_logical3A_30 = arith.constant 16 : i32
    %shift_right_logical3A_31 = vector.broadcast %shift_right_logical3A_30 : i32 to vector<16xi32>
    %shift_right_logical3A_32 = arith.shrui %get3A_22, %shift_right_logical3A_31 : vector<16xi32>
    %swap3A_33 = arith.constant 16 : index
    %swap3A_34 = tpu.vector_load %arg12[%swap3A_33] {strides = array<i32>} : memref<128xi32, #tpu.memory_space<vmem>>, vector<16xi32>,
    %swap3A_35 = vector.shape_cast %swap3A_34 : vector<16xi32> to vector<16xi32>
    %swap3A_36 = vector.shape_cast %shift_right_logical3A_32 : vector<16xi32> to vector<16xi32>
    tpu.vector_store %arg12[%swap3A_33], %swap3A_36 {strides = array<i32>} : memref<128xi32, #tpu.memory_space<vmem>>, vector<16xi32>,
    %get3A_37 = arith.constant 0 : i32
    %get3A_38 = arith.index_cast %get3A_37 : i32 to index
    %get3A_39 = arith.constant 32 : index
    %get3A_40 = tpu.vector_load %arg6[%get3A_38, %get3A_39] {strides = array<i32>} : memref<80x128xi32, #tpu.memory_space<vmem>>, vector<1x16xi32>,
    %get3A_41 = vector.shape_cast %get3A_40 : vector<1x16xi32> to vector<16xi32>
    %and3A_42 = arith.constant 65535 : i32
    %and3A_43 = vector.broadcast %and3A_42 : i32 to vector<16xi32>
    %and3A_44 = arith.andi %get3A_41, %and3A_43 : vector<16xi32>
    %swap3A_45 = arith.constant 32 : index
    %swap3A_46 = tpu.vector_load %arg10[%swap3A_45] {strides = array<i32>} : memref<128xi32, #tpu.memory_space<vmem>>, vector<16xi32>,
    %swap3A_47 = vector.shape_cast %swap3A_46 : vector<16xi32> to vector<16xi32>
    %swap3A_48 = vector.shape_cast %and3A_44 : vector<16xi32> to vector<16xi32>
    tpu.vector_store %arg10[%swap3A_45], %swap3A_48 {strides = array<i32>} : memref<128xi32, #tpu.memory_space<vmem>>, vector<16xi32>,
    %shift_right_logical3A_49 = arith.constant 16 : i32
    %shift_right_logical3A_50 = vector.broadcast %shift_right_logical3A_49 : i32 to vector<16xi32>
    %shift_right_logical3A_51 = arith.shrui %get3A_41, %shift_right_logical3A_50 : vector<16xi32>
    %swap3A_52 = arith.constant 32 : index
    %swap3A_53 = tpu.vector_load %arg12[%swap3A_52] {strides = array<i32>} : memref<128xi32, #tpu.memory_space<vmem>>, vector<16xi32>,
    %swap3A_54 = vector.shape_cast %swap3A_53 : vector<16xi32> to vector<16xi32>
    %swap3A_55 = vector.shape_cast %shift_right_logical3A_51 : vector<16xi32> to vector<16xi32>
    tpu.vector_store %arg12[%swap3A_52], %swap3A_55 {strides = array<i32>} : memref<128xi32, #tpu.memory_space<vmem>>, vector<16xi32>,
    %get3A_56 = arith.constant 0 : i32
    %get3A_57 = arith.index_cast %get3A_56 : i32 to index
    %get3A_58 = arith.constant 48 : index
    %get3A_59 = tpu.vector_load %arg6[%get3A_57, %get3A_58] {strides = array<i32>} : memref<80x128xi32, #tpu.memory_space<vmem>>, vector<1x16xi32>,
    %get3A_60 = vector.shape_cast %get3A_59 : vector<1x16xi32> to vector<16xi32>
    %and3A_61 = arith.constant 65535 : i32
    %and3A_62 = vector.broadcast %and3A_61 : i32 to vector<16xi32>
    %and3A_63 = arith.andi %get3A_60, %and3A_62 : vector<16xi32>
    %swap3A_64 = arith.constant 48 : index
    %swap3A_65 = tpu.vector_load %arg10[%swap3A_64] {strides = array<i32>} : memref<128xi32, #tpu.memory_space<vmem>>, vector<16xi32>,
    %swap3A_66 = vector.shape_cast %swap3A_65 : vector<16xi32> to vector<16xi32>
    %swap3A_67 = vector.shape_cast %and3A_63 : vector<16xi32> to vector<16xi32>
    tpu.vector_store %arg10[%swap3A_64], %swap3A_67 {strides = array<i32>} : memref<128xi32, #tpu.memory_space<vmem>>, vector<16xi32>,
    %shift_right_logical3A_68 = arith.constant 16 : i32
    %shift_right_logical3A_69 = vector.broadcast %shift_right_logical3A_68 : i32 to vector<16xi32>
    %shift_right_logical3A_70 = arith.shrui %get3A_60, %shift_right_logical3A_69 : vector<16xi32>
    %swap3A_71 = arith.constant 48 : index
    %swap3A_72 = tpu.vector_load %arg12[%swap3A_71] {strides = array<i32>} : memref<128xi32, #tpu.memory_space<vmem>>, vector<16xi32>,
    %swap3A_73 = vector.shape_cast %swap3A_72 : vector<16xi32> to vector<16xi32>
    %swap3A_74 = vector.shape_cast %shift_right_logical3A_70 : vector<16xi32> to vector<16xi32>
    tpu.vector_store %arg12[%swap3A_71], %swap3A_74 {strides = array<i32>} : memref<128xi32, #tpu.memory_space<vmem>>, vector<16xi32>,
    %get3A_75 = arith.constant 0 : i32
    %get3A_76 = arith.index_cast %get3A_75 : i32 to index
    %get3A_77 = arith.constant 64 : index
    %get3A_78 = tpu.vector_load %arg6[%get3A_76, %get3A_77] {strides = array<i32>} : memref<80x128xi32, #tpu.memory_space<vmem>>, vector<1x16xi32>,
    %get3A_79 = vector.shape_cast %get3A_78 : vector<1x16xi32> to vector<16xi32>
    %and3A_80 = arith.constant 65535 : i32
    %and3A_81 = vector.broadcast %and3A_80 : i32 to vector<16xi32>
    %and3A_82 = arith.andi %get3A_79, %and3A_81 : vector<16xi32>
    %swap3A_83 = arith.constant 64 : index
    %swap3A_84 = tpu.vector_load %arg10[%swap3A_83] {strides = array<i32>} : memref<128xi32, #tpu.memory_space<vmem>>, vector<16xi32>,
    %swap3A_85 = vector.shape_cast %swap3A_84 : vector<16xi32> to vector<16xi32>
    %swap3A_86 = vector.shape_cast %and3A_82 : vector<16xi32> to vector<16xi32>
    tpu.vector_store %arg10[%swap3A_83], %swap3A_86 {strides = array<i32>} : memref<128xi32, #tpu.memory_space<vmem>>, vector<16xi32>,
    %shift_right_logical3A_87 = arith.constant 16 : i32
    %shift_right_logical3A_88 = vector.broadcast %shift_right_logical3A_87 : i32 to vector<16xi32>
    %shift_right_logical3A_89 = arith.shrui %get3A_79, %shift_right_logical3A_88 : vector<16xi32>
    %swap3A_90 = arith.constant 64 : index
    %swap3A_91 = tpu.vector_load %arg12[%swap3A_90] {strides = array<i32>} : memref<128xi32, #tpu.memory_space<vmem>>, vector<16xi32>,
    %swap3A_92 = vector.shape_cast %swap3A_91 : vector<16xi32> to vector<16xi32>
    %swap3A_93 = vector.shape_cast %shift_right_logical3A_89 : vector<16xi32> to vector<16xi32>
    tpu.vector_store %arg12[%swap3A_90], %swap3A_93 {strides = array<i32>} : memref<128xi32, #tpu.memory_space<vmem>>, vector<16xi32>,
    %get3A_94 = arith.constant 0 : i32
    %get3A_95 = arith.index_cast %get3A_94 : i32 to index
    %get3A_96 = arith.constant 80 : index
    %get3A_97 = tpu.vector_load %arg6[%get3A_95, %get3A_96] {strides = array<i32>} : memref<80x128xi32, #tpu.memory_space<vmem>>, vector<1x16xi32>,
    %get3A_98 = vector.shape_cast %get3A_97 : vector<1x16xi32> to vector<16xi32>
    %and3A_99 = arith.constant 65535 : i32
    %and3A_100 = vector.broadcast %and3A_99 : i32 to vector<16xi32>
    %and3A_101 = arith.andi %get3A_98, %and3A_100 : vector<16xi32>
    %swap3A_102 = arith.constant 80 : index
    %swap3A_103 = tpu.vector_load %arg10[%swap3A_102] {strides = array<i32>} : memref<128xi32, #tpu.memory_space<vmem>>, vector<16xi32>,
    %swap3A_104 = vector.shape_cast %swap3A_103 : vector<16xi32> to vector<16xi32>
    %swap3A_105 = vector.shape_cast %and3A_101 : vector<16xi32> to vector<16xi32>
    tpu.vector_store %arg10[%swap3A_102], %swap3A_105 {strides = array<i32>} : memref<128xi32, #tpu.memory_space<vmem>>, vector<16xi32>,
    %shift_right_logical3A_106 = arith.constant 16 : i32
    %shift_right_logical3A_107 = vector.broadcast %shift_right_logical3A_106 : i32 to vector<16xi32>
    %shift_right_logical3A_108 = arith.shrui %get3A_98, %shift_right_logical3A_107 : vector<16xi32>
    %swap3A_109 = arith.constant 80 : index
    %swap3A_110 = tpu.vector_load %arg12[%swap3A_109] {strides = array<i32>} : memref<128xi32, #tpu.memory_space<vmem>>, vector<16xi32>,
    %swap3A_111 = vector.shape_cast %swap3A_110 : vector<16xi32> to vector<16xi32>
    %swap3A_112 = vector.shape_cast %shift_right_logical3A_108 : vector<16xi32> to vector<16xi32>
    tpu.vector_store %arg12[%swap3A_109], %swap3A_112 {strides = array<i32>} : memref<128xi32, #tpu.memory_space<vmem>>, vector<16xi32>,
    %get3A_113 = arith.constant 0 : i32
    %get3A_114 = arith.index_cast %get3A_113 : i32 to index
    %get3A_115 = arith.constant 96 : index
    %get3A_116 = tpu.vector_load %arg6[%get3A_114, %get3A_115] {strides = array<i32>} : memref<80x128xi32, #tpu.memory_space<vmem>>, vector<1x16xi32>,
    %get3A_117 = vector.shape_cast %get3A_116 : vector<1x16xi32> to vector<16xi32>
    %and3A_118 = arith.constant 65535 : i32
    %and3A_119 = vector.broadcast %and3A_118 : i32 to vector<16xi32>
    %and3A_120 = arith.andi %get3A_117, %and3A_119 : vector<16xi32>
    %swap3A_121 = arith.constant 96 : index
    %swap3A_122 = tpu.vector_load %arg10[%swap3A_121] {strides = array<i32>} : memref<128xi32, #tpu.memory_space<vmem>>, vector<16xi32>,
    %swap3A_123 = vector.shape_cast %swap3A_122 : vector<16xi32> to vector<16xi32>
    %swap3A_124 = vector.shape_cast %and3A_120 : vector<16xi32> to vector<16xi32>
    tpu.vector_store %arg10[%swap3A_121], %swap3A_124 {strides = array<i32>} : memref<128xi32, #tpu.memory_space<vmem>>, vector<16xi32>,
    %shift_right_logical3A_125 = arith.constant 16 : i32
    %shift_right_logical3A_126 = vector.broadcast %shift_right_logical3A_125 : i32 to vector<16xi32>
    %shift_right_logical3A_127 = arith.shrui %get3A_117, %shift_right_logical3A_126 : vector<16xi32>
    %swap3A_128 = arith.constant 96 : index
    %swap3A_129 = tpu.vector_load %arg12[%swap3A_128] {strides = array<i32>} : memref<128xi32, #tpu.memory_space<vmem>>, vector<16xi32>,
    %swap3A_130 = vector.shape_cast %swap3A_129 : vector<16xi32> to vector<16xi32>
    %swap3A_131 = vector.shape_cast %shift_right_logical3A_127 : vector<16xi32> to vector<16xi32>
    tpu.vector_store %arg12[%swap3A_128], %swap3A_131 {strides = array<i32>} : memref<128xi32, #tpu.memory_space<vmem>>, vector<16xi32>,
    %get3A_132 = arith.constant 0 : i32
    %get3A_133 = arith.index_cast %get3A_132 : i32 to index
    %get3A_134 = arith.constant 112 : index
    %get3A_135 = tpu.vector_load %arg6[%get3A_133, %get3A_134] {strides = array<i32>} : memref<80x128xi32, #tpu.memory_space<vmem>>, vector<1x16xi32>,
    %get3A_136 = vector.shape_cast %get3A_135 : vector<1x16xi32> to vector<16xi32>
    %and3A_137 = arith.constant 65535 : i32
    %and3A_138 = vector.broadcast %and3A_137 : i32 to vector<16xi32>
    %and3A_139 = arith.andi %get3A_136, %and3A_138 : vector<16xi32>
    %swap3A_140 = arith.constant 112 : index
    %swap3A_141 = tpu.vector_load %arg10[%swap3A_140] {strides = array<i32>} : memref<128xi32, #tpu.memory_space<vmem>>, vector<16xi32>,
    %swap3A_142 = vector.shape_cast %swap3A_141 : vector<16xi32> to vector<16xi32>
    %swap3A_143 = vector.shape_cast %and3A_139 : vector<16xi32> to vector<16xi32>
    tpu.vector_store %arg10[%swap3A_140], %swap3A_143 {strides = array<i32>} : memref<128xi32, #tpu.memory_space<vmem>>, vector<16xi32>,
    %shift_right_logical3A_144 = arith.constant 16 : i32
    %shift_right_logical3A_145 = vector.broadcast %shift_right_logical3A_144 : i32 to vector<16xi32>
    %shift_right_logical3A_146 = arith.shrui %get3A_136, %shift_right_logical3A_145 : vector<16xi32>
    %swap3A_147 = arith.constant 112 : index
    %swap3A_148 = tpu.vector_load %arg12[%swap3A_147] {strides = array<i32>} : memref<128xi32, #tpu.memory_space<vmem>>, vector<16xi32>,
    %swap3A_149 = vector.shape_cast %swap3A_148 : vector<16xi32> to vector<16xi32>
    %swap3A_150 = vector.shape_cast %shift_right_logical3A_146 : vector<16xi32> to vector<16xi32>
    tpu.vector_store %arg12[%swap3A_147], %swap3A_150 {strides = array<i32>} : memref<128xi32, #tpu.memory_space<vmem>>, vector<16xi32>,
    %dma_start3A = arith.constant 0 : i32
    %dma_start3A_151 = arith.constant 0 : i32
    %dma_start3A_152 = tpu.memref_slice %arg2[%dma_start3A, %dma_start3A_151] : memref<10000x128xf32, #tpu.memory_space<hbm>> -> memref<10000x128xf32, #tpu.memory_space<hbm>>
    tpu.enqueue_indirect_dma source(%dma_start3A_152 : memref<10000x128xf32, #tpu.memory_space<hbm>>) target(%arg8 : memref<128x128xf32, #tpu.memory_space<vmem>>) offsets(%arg10 : memref<128xi32, #tpu.memory_space<vmem>>) semaphore(%arg14 : memref<!tpu.dma_semaphore, #tpu.memory_space<semaphore_mem>>)
    %get3A_153 = arith.constant 1 : i32
    %get3A_154 = arith.index_cast %get3A_153 : i32 to index
    %get3A_155 = arith.constant 0 : index
    %get3A_156 = tpu.vector_load %arg6[%get3A_154, %get3A_155] {strides = array<i32>} : memref<80x128xi32, #tpu.memory_space<vmem>>, vector<1x16xi32>,
    %get3A_157 = vector.shape_cast %get3A_156 : vector<1x16xi32> to vector<16xi32>
    %and3A_158 = arith.constant 65535 : i32
    %and3A_159 = vector.broadcast %and3A_158 : i32 to vector<16xi32>
    %and3A_160 = arith.andi %get3A_157, %and3A_159 : vector<16xi32>
    %swap3A_161 = arith.constant 0 : index
    %swap3A_162 = tpu.vector_load %arg11[%swap3A_161] {strides = array<i32>} : memref<128xi32, #tpu.memory_space<vmem>>, vector<16xi32>,
    %swap3A_163 = vector.shape_cast %swap3A_162 : vector<16xi32> to vector<16xi32>
    %swap3A_164 = vector.shape_cast %and3A_160 : vector<16xi32> to vector<16xi32>
    tpu.vector_store %arg11[%swap3A_161], %swap3A_164 {strides = array<i32>} : memref<128xi32, #tpu.memory_space<vmem>>, vector<16xi32>,
    %shift_right_logical3A_165 = arith.constant 16 : i32
    %shift_right_logical3A_166 = vector.broadcast %shift_right_logical3A_165 : i32 to vector<16xi32>
    %shift_right_logical3A_167 = arith.shrui %get3A_157, %shift_right_logical3A_166 : vector<16xi32>
    %swap3A_168 = arith.constant 0 : index
    %swap3A_169 = tpu.vector_load %arg13[%swap3A_168] {strides = array<i32>} : memref<128xi32, #tpu.memory_space<vmem>>, vector<16xi32>,
    %swap3A_170 = vector.shape_cast %swap3A_169 : vector<16xi32> to vector<16xi32>
    %swap3A_171 = vector.shape_cast %shift_right_logical3A_167 : vector<16xi32> to vector<16xi32>
    tpu.vector_store %arg13[%swap3A_168], %swap3A_171 {strides = array<i32>} : memref<128xi32, #tpu.memory_space<vmem>>, vector<16xi32>,
    %get3A_172 = arith.constant 1 : i32
    %get3A_173 = arith.index_cast %get3A_172 : i32 to index
    %get3A_174 = arith.constant 16 : index
    %get3A_175 = tpu.vector_load %arg6[%get3A_173, %get3A_174] {strides = array<i32>} : memref<80x128xi32, #tpu.memory_space<vmem>>, vector<1x16xi32>,
    %get3A_176 = vector.shape_cast %get3A_175 : vector<1x16xi32> to vector<16xi32>
    %and3A_177 = arith.constant 65535 : i32
    %and3A_178 = vector.broadcast %and3A_177 : i32 to vector<16xi32>
    %and3A_179 = arith.andi %get3A_176, %and3A_178 : vector<16xi32>
    %swap3A_180 = arith.constant 16 : index
    %swap3A_181 = tpu.vector_load %arg11[%swap3A_180] {strides = array<i32>} : memref<128xi32, #tpu.memory_space<vmem>>, vector<16xi32>,
    %swap3A_182 = vector.shape_cast %swap3A_181 : vector<16xi32> to vector<16xi32>
    %swap3A_183 = vector.shape_cast %and3A_179 : vector<16xi32> to vector<16xi32>
    tpu.vector_store %arg11[%swap3A_180], %swap3A_183 {strides = array<i32>} : memref<128xi32, #tpu.memory_space<vmem>>, vector<16xi32>,
    %shift_right_logical3A_184 = arith.constant 16 : i32
    %shift_right_logical3A_185 = vector.broadcast %shift_right_logical3A_184 : i32 to vector<16xi32>
    %shift_right_logical3A_186 = arith.shrui %get3A_176, %shift_right_logical3A_185 : vector<16xi32>
    %swap3A_187 = arith.constant 16 : index
    %swap3A_188 = tpu.vector_load %arg13[%swap3A_187] {strides = array<i32>} : memref<128xi32, #tpu.memory_space<vmem>>, vector<16xi32>,
    %swap3A_189 = vector.shape_cast %swap3A_188 : vector<16xi32> to vector<16xi32>
    %swap3A_190 = vector.shape_cast %shift_right_logical3A_186 : vector<16xi32> to vector<16xi32>
    tpu.vector_store %arg13[%swap3A_187], %swap3A_190 {strides = array<i32>} : memref<128xi32, #tpu.memory_space<vmem>>, vector<16xi32>,
    %get3A_191 = arith.constant 1 : i32
    %get3A_192 = arith.index_cast %get3A_191 : i32 to index
    %get3A_193 = arith.constant 32 : index
    %get3A_194 = tpu.vector_load %arg6[%get3A_192, %get3A_193] {strides = array<i32>} : memref<80x128xi32, #tpu.memory_space<vmem>>, vector<1x16xi32>,
    %get3A_195 = vector.shape_cast %get3A_194 : vector<1x16xi32> to vector<16xi32>
    %and3A_196 = arith.constant 65535 : i32
    %and3A_197 = vector.broadcast %and3A_196 : i32 to vector<16xi32>
    %and3A_198 = arith.andi %get3A_195, %and3A_197 : vector<16xi32>
    %swap3A_199 = arith.constant 32 : index
    %swap3A_200 = tpu.vector_load %arg11[%swap3A_199] {strides = array<i32>} : memref<128xi32, #tpu.memory_space<vmem>>, vector<16xi32>,
    %swap3A_201 = vector.shape_cast %swap3A_200 : vector<16xi32> to vector<16xi32>
    %swap3A_202 = vector.shape_cast %and3A_198 : vector<16xi32> to vector<16xi32>
    tpu.vector_store %arg11[%swap3A_199], %swap3A_202 {strides = array<i32>} : memref<128xi32, #tpu.memory_space<vmem>>, vector<16xi32>,
    %shift_right_logical3A_203 = arith.constant 16 : i32
    %shift_right_logical3A_204 = vector.broadcast %shift_right_logical3A_203 : i32 to vector<16xi32>
    %shift_right_logical3A_205 = arith.shrui %get3A_195, %shift_right_logical3A_204 : vector<16xi32>
    %swap3A_206 = arith.constant 32 : index
    %swap3A_207 = tpu.vector_load %arg13[%swap3A_206] {strides = array<i32>} : memref<128xi32, #tpu.memory_space<vmem>>, vector<16xi32>,
    %swap3A_208 = vector.shape_cast %swap3A_207 : vector<16xi32> to vector<16xi32>
    %swap3A_209 = vector.shape_cast %shift_right_logical3A_205 : vector<16xi32> to vector<16xi32>
    tpu.vector_store %arg13[%swap3A_206], %swap3A_209 {strides = array<i32>} : memref<128xi32, #tpu.memory_space<vmem>>, vector<16xi32>,
    %get3A_210 = arith.constant 1 : i32
    %get3A_211 = arith.index_cast %get3A_210 : i32 to index
    %get3A_212 = arith.constant 48 : index
    %get3A_213 = tpu.vector_load %arg6[%get3A_211, %get3A_212] {strides = array<i32>} : memref<80x128xi32, #tpu.memory_space<vmem>>, vector<1x16xi32>,
    %get3A_214 = vector.shape_cast %get3A_213 : vector<1x16xi32> to vector<16xi32>
    %and3A_215 = arith.constant 65535 : i32
    %and3A_216 = vector.broadcast %and3A_215 : i32 to vector<16xi32>
    %and3A_217 = arith.andi %get3A_214, %and3A_216 : vector<16xi32>
    %swap3A_218 = arith.constant 48 : index
    %swap3A_219 = tpu.vector_load %arg11[%swap3A_218] {strides = array<i32>} : memref<128xi32, #tpu.memory_space<vmem>>, vector<16xi32>,
    %swap3A_220 = vector.shape_cast %swap3A_219 : vector<16xi32> to vector<16xi32>
    %swap3A_221 = vector.shape_cast %and3A_217 : vector<16xi32> to vector<16xi32>
    tpu.vector_store %arg11[%swap3A_218], %swap3A_221 {strides = array<i32>} : memref<128xi32, #tpu.memory_space<vmem>>, vector<16xi32>,
    %shift_right_logical3A_222 = arith.constant 16 : i32
    %shift_right_logical3A_223 = vector.broadcast %shift_right_logical3A_222 : i32 to vector<16xi32>
    %shift_right_logical3A_224 = arith.shrui %get3A_214, %shift_right_logical3A_223 : vector<16xi32>
    %swap3A_225 = arith.constant 48 : index
    %swap3A_226 = tpu.vector_load %arg13[%swap3A_225] {strides = array<i32>} : memref<128xi32, #tpu.memory_space<vmem>>, vector<16xi32>,
    %swap3A_227 = vector.shape_cast %swap3A_226 : vector<16xi32> to vector<16xi32>
    %swap3A_228 = vector.shape_cast %shift_right_logical3A_224 : vector<16xi32> to vector<16xi32>
    tpu.vector_store %arg13[%swap3A_225], %swap3A_228 {strides = array<i32>} : memref<128xi32, #tpu.memory_space<vmem>>, vector<16xi32>,
    %get3A_229 = arith.constant 1 : i32
    %get3A_230 = arith.index_cast %get3A_229 : i32 to index
    %get3A_231 = arith.constant 64 : index
    %get3A_232 = tpu.vector_load %arg6[%get3A_230, %get3A_231] {strides = array<i32>} : memref<80x128xi32, #tpu.memory_space<vmem>>, vector<1x16xi32>,
    %get3A_233 = vector.shape_cast %get3A_232 : vector<1x16xi32> to vector<16xi32>
    %and3A_234 = arith.constant 65535 : i32
    %and3A_235 = vector.broadcast %and3A_234 : i32 to vector<16xi32>
    %and3A_236 = arith.andi %get3A_233, %and3A_235 : vector<16xi32>
    %swap3A_237 = arith.constant 64 : index
    %swap3A_238 = tpu.vector_load %arg11[%swap3A_237] {strides = array<i32>} : memref<128xi32, #tpu.memory_space<vmem>>, vector<16xi32>,
    %swap3A_239 = vector.shape_cast %swap3A_238 : vector<16xi32> to vector<16xi32>
    %swap3A_240 = vector.shape_cast %and3A_236 : vector<16xi32> to vector<16xi32>
    tpu.vector_store %arg11[%swap3A_237], %swap3A_240 {strides = array<i32>} : memref<128xi32, #tpu.memory_space<vmem>>, vector<16xi32>,
    %shift_right_logical3A_241 = arith.constant 16 : i32
    %shift_right_logical3A_242 = vector.broadcast %shift_right_logical3A_241 : i32 to vector<16xi32>
    %shift_right_logical3A_243 = arith.shrui %get3A_233, %shift_right_logical3A_242 : vector<16xi32>
    %swap3A_244 = arith.constant 64 : index
    %swap3A_245 = tpu.vector_load %arg13[%swap3A_244] {strides = array<i32>} : memref<128xi32, #tpu.memory_space<vmem>>, vector<16xi32>,
    %swap3A_246 = vector.shape_cast %swap3A_245 : vector<16xi32> to vector<16xi32>
    %swap3A_247 = vector.shape_cast %shift_right_logical3A_243 : vector<16xi32> to vector<16xi32>
    tpu.vector_store %arg13[%swap3A_244], %swap3A_247 {strides = array<i32>} : memref<128xi32, #tpu.memory_space<vmem>>, vector<16xi32>,
    %get3A_248 = arith.constant 1 : i32
    %get3A_249 = arith.index_cast %get3A_248 : i32 to index
    %get3A_250 = arith.constant 80 : index
    %get3A_251 = tpu.vector_load %arg6[%get3A_249, %get3A_250] {strides = array<i32>} : memref<80x128xi32, #tpu.memory_space<vmem>>, vector<1x16xi32>,
    %get3A_252 = vector.shape_cast %get3A_251 : vector<1x16xi32> to vector<16xi32>
    %and3A_253 = arith.constant 65535 : i32
    %and3A_254 = vector.broadcast %and3A_253 : i32 to vector<16xi32>
    %and3A_255 = arith.andi %get3A_252, %and3A_254 : vector<16xi32>
    %swap3A_256 = arith.constant 80 : index
    %swap3A_257 = tpu.vector_load %arg11[%swap3A_256] {strides = array<i32>} : memref<128xi32, #tpu.memory_space<vmem>>, vector<16xi32>,
    %swap3A_258 = vector.shape_cast %swap3A_257 : vector<16xi32> to vector<16xi32>
    %swap3A_259 = vector.shape_cast %and3A_255 : vector<16xi32> to vector<16xi32>
    tpu.vector_store %arg11[%swap3A_256], %swap3A_259 {strides = array<i32>} : memref<128xi32, #tpu.memory_space<vmem>>, vector<16xi32>,
    %shift_right_logical3A_260 = arith.constant 16 : i32
    %shift_right_logical3A_261 = vector.broadcast %shift_right_logical3A_260 : i32 to vector<16xi32>
    %shift_right_logical3A_262 = arith.shrui %get3A_252, %shift_right_logical3A_261 : vector<16xi32>
    %swap3A_263 = arith.constant 80 : index
    %swap3A_264 = tpu.vector_load %arg13[%swap3A_263] {strides = array<i32>} : memref<128xi32, #tpu.memory_space<vmem>>, vector<16xi32>,
    %swap3A_265 = vector.shape_cast %swap3A_264 : vector<16xi32> to vector<16xi32>
    %swap3A_266 = vector.shape_cast %shift_right_logical3A_262 : vector<16xi32> to vector<16xi32>
    tpu.vector_store %arg13[%swap3A_263], %swap3A_266 {strides = array<i32>} : memref<128xi32, #tpu.memory_space<vmem>>, vector<16xi32>,
    %get3A_267 = arith.constant 1 : i32
    %get3A_268 = arith.index_cast %get3A_267 : i32 to index
    %get3A_269 = arith.constant 96 : index
    %get3A_270 = tpu.vector_load %arg6[%get3A_268, %get3A_269] {strides = array<i32>} : memref<80x128xi32, #tpu.memory_space<vmem>>, vector<1x16xi32>,
    %get3A_271 = vector.shape_cast %get3A_270 : vector<1x16xi32> to vector<16xi32>
    %and3A_272 = arith.constant 65535 : i32
    %and3A_273 = vector.broadcast %and3A_272 : i32 to vector<16xi32>
    %and3A_274 = arith.andi %get3A_271, %and3A_273 : vector<16xi32>
    %swap3A_275 = arith.constant 96 : index
    %swap3A_276 = tpu.vector_load %arg11[%swap3A_275] {strides = array<i32>} : memref<128xi32, #tpu.memory_space<vmem>>, vector<16xi32>,
    %swap3A_277 = vector.shape_cast %swap3A_276 : vector<16xi32> to vector<16xi32>
    %swap3A_278 = vector.shape_cast %and3A_274 : vector<16xi32> to vector<16xi32>
    tpu.vector_store %arg11[%swap3A_275], %swap3A_278 {strides = array<i32>} : memref<128xi32, #tpu.memory_space<vmem>>, vector<16xi32>,
    %shift_right_logical3A_279 = arith.constant 16 : i32
    %shift_right_logical3A_280 = vector.broadcast %shift_right_logical3A_279 : i32 to vector<16xi32>
    %shift_right_logical3A_281 = arith.shrui %get3A_271, %shift_right_logical3A_280 : vector<16xi32>
    %swap3A_282 = arith.constant 96 : index
    %swap3A_283 = tpu.vector_load %arg13[%swap3A_282] {strides = array<i32>} : memref<128xi32, #tpu.memory_space<vmem>>, vector<16xi32>,
    %swap3A_284 = vector.shape_cast %swap3A_283 : vector<16xi32> to vector<16xi32>
    %swap3A_285 = vector.shape_cast %shift_right_logical3A_281 : vector<16xi32> to vector<16xi32>
    tpu.vector_store %arg13[%swap3A_282], %swap3A_285 {strides = array<i32>} : memref<128xi32, #tpu.memory_space<vmem>>, vector<16xi32>,
    %get3A_286 = arith.constant 1 : i32
    %get3A_287 = arith.index_cast %get3A_286 : i32 to index
    %get3A_288 = arith.constant 112 : index
    %get3A_289 = tpu.vector_load %arg6[%get3A_287, %get3A_288] {strides = array<i32>} : memref<80x128xi32, #tpu.memory_space<vmem>>, vector<1x16xi32>,
    %get3A_290 = vector.shape_cast %get3A_289 : vector<1x16xi32> to vector<16xi32>
    %and3A_291 = arith.constant 65535 : i32
    %and3A_292 = vector.broadcast %and3A_291 : i32 to vector<16xi32>
    %and3A_293 = arith.andi %get3A_290, %and3A_292 : vector<16xi32>
    %swap3A_294 = arith.constant 112 : index
    %swap3A_295 = tpu.vector_load %arg11[%swap3A_294] {strides = array<i32>} : memref<128xi32, #tpu.memory_space<vmem>>, vector<16xi32>,
    %swap3A_296 = vector.shape_cast %swap3A_295 : vector<16xi32> to vector<16xi32>
    %swap3A_297 = vector.shape_cast %and3A_293 : vector<16xi32> to vector<16xi32>
    tpu.vector_store %arg11[%swap3A_294], %swap3A_297 {strides = array<i32>} : memref<128xi32, #tpu.memory_space<vmem>>, vector<16xi32>,
    %shift_right_logical3A_298 = arith.constant 16 : i32
    %shift_right_logical3A_299 = vector.broadcast %shift_right_logical3A_298 : i32 to vector<16xi32>
    %shift_right_logical3A_300 = arith.shrui %get3A_290, %shift_right_logical3A_299 : vector<16xi32>
    %swap3A_301 = arith.constant 112 : index
    %swap3A_302 = tpu.vector_load %arg13[%swap3A_301] {strides = array<i32>} : memref<128xi32, #tpu.memory_space<vmem>>, vector<16xi32>,
    %swap3A_303 = vector.shape_cast %swap3A_302 : vector<16xi32> to vector<16xi32>
    %swap3A_304 = vector.shape_cast %shift_right_logical3A_300 : vector<16xi32> to vector<16xi32>
    tpu.vector_store %arg13[%swap3A_301], %swap3A_304 {strides = array<i32>} : memref<128xi32, #tpu.memory_space<vmem>>, vector<16xi32>,
    %dma_start3A_305 = arith.constant 0 : i32
    %dma_start3A_306 = arith.constant 0 : i32
    %dma_start3A_307 = tpu.memref_slice %arg2[%dma_start3A_305, %dma_start3A_306] : memref<10000x128xf32, #tpu.memory_space<hbm>> -> memref<10000x128xf32, #tpu.memory_space<hbm>>
    tpu.enqueue_indirect_dma source(%dma_start3A_307 : memref<10000x128xf32, #tpu.memory_space<hbm>>) target(%arg9 : memref<128x128xf32, #tpu.memory_space<vmem>>) offsets(%arg11 : memref<128xi32, #tpu.memory_space<vmem>>) semaphore(%arg15 : memref<!tpu.dma_semaphore, #tpu.memory_space<semaphore_mem>>)
    %scan3A = arith.constant 0 : i32
    %scan3A_308 = arith.constant 0 : i32
    %scan3A_309 = arith.constant 40 : i32
    %scan3A_310 = arith.addi %scan3A_308, %scan3A_309 : i32
    %scan3A_311 = arith.constant 1 : i32
    scf.for %scan3A_317 = %scan3A_308 to %scan3A_310 step %scan3A_311  : i32 {
      %mul3A_318 = arith.constant 2 : i32
      %mul3A_319 = arith.muli %scan3A_317, %mul3A_318 : i32
      %add3A_320 = arith.constant 0 : i32
      %add3A_321 = arith.addi %mul3A_319, %add3A_320 : i32
      %dma_wait3A = arith.constant 0 : i32
      %dma_wait3A_322 = arith.constant 0 : i32
      %dma_wait3A_323 = tpu.memref_slice %arg2[%dma_wait3A, %dma_wait3A_322] : memref<10000x128xf32, #tpu.memory_space<hbm>> -> memref<128x128xf32, #tpu.memory_space<hbm>>
      %dma_wait3A_324 = arith.constant 0 : i32
      %dma_wait3A_325 = arith.constant 0 : i32
      %dma_wait3A_326 = tpu.memref_slice %arg2[%dma_wait3A_324, %dma_wait3A_325] : memref<10000x128xf32, #tpu.memory_space<hbm>> -> memref<128x128xf32, #tpu.memory_space<hbm>>
      tpu.wait_dma2 semaphore(%arg14 : memref<!tpu.dma_semaphore, #tpu.memory_space<semaphore_mem>>) src(%dma_wait3A_326 : memref<128x128xf32, #tpu.memory_space<hbm>>) dst(%arg8 : memref<128x128xf32, #tpu.memory_space<vmem>>)
      "tpu.region"() ({
        %run_scoped3A = tpu.sem_alloc : memref<!tpu.dma_semaphore, #tpu.memory_space<semaphore_mem>>
        %dma_start3A_348 = arith.constant 0 : i32
        %dma_start3A_349 = arith.constant 0 : i32
        %dma_start3A_350 = tpu.memref_slice %arg7[%dma_start3A_348, %dma_start3A_349] : memref<10112x128xf32, #tpu.memory_space<vmem_shared>> -> memref<10112x128xf32, #tpu.memory_space<vmem_shared>>
        tpu.enqueue_indirect_dma source(%arg8 : memref<128x128xf32, #tpu.memory_space<vmem>>) target(%dma_start3A_350 : memref<10112x128xf32, #tpu.memory_space<vmem_shared>>) offsets(%arg12 : memref<128xi32, #tpu.memory_space<vmem>>) semaphore(%run_scoped3A : memref<!tpu.dma_semaphore, #tpu.memory_space<semaphore_mem>>) {add = true}
        %dma_wait3A_351 = arith.constant 0 : i32
        %dma_wait3A_352 = arith.constant 0 : i32
        %dma_wait3A_353 = tpu.memref_slice %arg7[%dma_wait3A_351, %dma_wait3A_352] : memref<10112x128xf32, #tpu.memory_space<vmem_shared>> -> memref<10112x128xf32, #tpu.memory_space<vmem_shared>>
        tpu.wait_indirect_dma semaphore(%run_scoped3A : memref<!tpu.dma_semaphore, #tpu.memory_space<semaphore_mem>>) src(%arg8 : memref<128x128xf32, #tpu.memory_space<vmem>>) dst(%dma_wait3A_353 : memref<10112x128xf32, #tpu.memory_space<vmem_shared>>)
        tpu.yield
      }) : () -> ()
      %add3A_327 = arith.constant 2 : i32
      %add3A_328 = arith.addi %add3A_321, %add3A_327 : i32
      %lt3A = arith.constant 80 : i32
      %lt3A_329 = arith.cmpi slt, %add3A_328, %lt3A : i32
      %convert_element_type3A = arith.extui %lt3A_329 : i1 to i32
      %cond3A = arith.constant 0 : i32
      %cond3A_330 = arith.cmpi ne, %convert_element_type3A, %cond3A : i32
      scf.if %cond3A_330 {
        %get3A_348 = arith.index_cast %add3A_328 : i32 to index
        %get3A_349 = arith.constant 0 : index
        %get3A_350 = tpu.vector_load %arg6[%get3A_348, %get3A_349] {strides = array<i32>} : memref<80x128xi32, #tpu.memory_space<vmem>>, vector<1x16xi32>,
        %get3A_351 = vector.shape_cast %get3A_350 : vector<1x16xi32> to vector<16xi32>
        %and3A_352 = arith.constant 65535 : i32
        %and3A_353 = vector.broadcast %and3A_352 : i32 to vector<16xi32>
        %and3A_354 = arith.andi %get3A_351, %and3A_353 : vector<16xi32>
        %swap3A_355 = arith.constant 0 : index
        %swap3A_356 = tpu.vector_load %arg10[%swap3A_355] {strides = array<i32>} : memref<128xi32, #tpu.memory_space<vmem>>, vector<16xi32>,
        %swap3A_357 = vector.shape_cast %swap3A_356 : vector<16xi32> to vector<16xi32>
        %swap3A_358 = vector.shape_cast %and3A_354 : vector<16xi32> to vector<16xi32>
        tpu.vector_store %arg10[%swap3A_355], %swap3A_358 {strides = array<i32>} : memref<128xi32, #tpu.memory_space<vmem>>, vector<16xi32>,
        %shift_right_logical3A_359 = arith.constant 16 : i32
        %shift_right_logical3A_360 = vector.broadcast %shift_right_logical3A_359 : i32 to vector<16xi32>
        %shift_right_logical3A_361 = arith.shrui %get3A_351, %shift_right_logical3A_360 : vector<16xi32>
        %swap3A_362 = arith.constant 0 : index
        %swap3A_363 = tpu.vector_load %arg12[%swap3A_362] {strides = array<i32>} : memref<128xi32, #tpu.memory_space<vmem>>, vector<16xi32>,
        %swap3A_364 = vector.shape_cast %swap3A_363 : vector<16xi32> to vector<16xi32>
        %swap3A_365 = vector.shape_cast %shift_right_logical3A_361 : vector<16xi32> to vector<16xi32>
        tpu.vector_store %arg12[%swap3A_362], %swap3A_365 {strides = array<i32>} : memref<128xi32, #tpu.memory_space<vmem>>, vector<16xi32>,
        %get3A_366 = arith.index_cast %add3A_328 : i32 to index
        %get3A_367 = arith.constant 16 : index
        %get3A_368 = tpu.vector_load %arg6[%get3A_366, %get3A_367] {strides = array<i32>} : memref<80x128xi32, #tpu.memory_space<vmem>>, vector<1x16xi32>,
        %get3A_369 = vector.shape_cast %get3A_368 : vector<1x16xi32> to vector<16xi32>
        %and3A_370 = arith.constant 65535 : i32
        %and3A_371 = vector.broadcast %and3A_370 : i32 to vector<16xi32>
        %and3A_372 = arith.andi %get3A_369, %and3A_371 : vector<16xi32>
        %swap3A_373 = arith.constant 16 : index
        %swap3A_374 = tpu.vector_load %arg10[%swap3A_373] {strides = array<i32>} : memref<128xi32, #tpu.memory_space<vmem>>, vector<16xi32>,
        %swap3A_375 = vector.shape_cast %swap3A_374 : vector<16xi32> to vector<16xi32>
        %swap3A_376 = vector.shape_cast %and3A_372 : vector<16xi32> to vector<16xi32>
        tpu.vector_store %arg10[%swap3A_373], %swap3A_376 {strides = array<i32>} : memref<128xi32, #tpu.memory_space<vmem>>, vector<16xi32>,
        %shift_right_logical3A_377 = arith.constant 16 : i32
        %shift_right_logical3A_378 = vector.broadcast %shift_right_logical3A_377 : i32 to vector<16xi32>
        %shift_right_logical3A_379 = arith.shrui %get3A_369, %shift_right_logical3A_378 : vector<16xi32>
        %swap3A_380 = arith.constant 16 : index
        %swap3A_381 = tpu.vector_load %arg12[%swap3A_380] {strides = array<i32>} : memref<128xi32, #tpu.memory_space<vmem>>, vector<16xi32>,
        %swap3A_382 = vector.shape_cast %swap3A_381 : vector<16xi32> to vector<16xi32>
        %swap3A_383 = vector.shape_cast %shift_right_logical3A_379 : vector<16xi32> to vector<16xi32>
        tpu.vector_store %arg12[%swap3A_380], %swap3A_383 {strides = array<i32>} : memref<128xi32, #tpu.memory_space<vmem>>, vector<16xi32>,
        %get3A_384 = arith.index_cast %add3A_328 : i32 to index
        %get3A_385 = arith.constant 32 : index
        %get3A_386 = tpu.vector_load %arg6[%get3A_384, %get3A_385] {strides = array<i32>} : memref<80x128xi32, #tpu.memory_space<vmem>>, vector<1x16xi32>,
        %get3A_387 = vector.shape_cast %get3A_386 : vector<1x16xi32> to vector<16xi32>
        %and3A_388 = arith.constant 65535 : i32
        %and3A_389 = vector.broadcast %and3A_388 : i32 to vector<16xi32>
        %and3A_390 = arith.andi %get3A_387, %and3A_389 : vector<16xi32>
        %swap3A_391 = arith.constant 32 : index
        %swap3A_392 = tpu.vector_load %arg10[%swap3A_391] {strides = array<i32>} : memref<128xi32, #tpu.memory_space<vmem>>, vector<16xi32>,
        %swap3A_393 = vector.shape_cast %swap3A_392 : vector<16xi32> to vector<16xi32>
        %swap3A_394 = vector.shape_cast %and3A_390 : vector<16xi32> to vector<16xi32>
        tpu.vector_store %arg10[%swap3A_391], %swap3A_394 {strides = array<i32>} : memref<128xi32, #tpu.memory_space<vmem>>, vector<16xi32>,
        %shift_right_logical3A_395 = arith.constant 16 : i32
        %shift_right_logical3A_396 = vector.broadcast %shift_right_logical3A_395 : i32 to vector<16xi32>
        %shift_right_logical3A_397 = arith.shrui %get3A_387, %shift_right_logical3A_396 : vector<16xi32>
        %swap3A_398 = arith.constant 32 : index
        %swap3A_399 = tpu.vector_load %arg12[%swap3A_398] {strides = array<i32>} : memref<128xi32, #tpu.memory_space<vmem>>, vector<16xi32>,
        %swap3A_400 = vector.shape_cast %swap3A_399 : vector<16xi32> to vector<16xi32>
        %swap3A_401 = vector.shape_cast %shift_right_logical3A_397 : vector<16xi32> to vector<16xi32>
        tpu.vector_store %arg12[%swap3A_398], %swap3A_401 {strides = array<i32>} : memref<128xi32, #tpu.memory_space<vmem>>, vector<16xi32>,
        %get3A_402 = arith.index_cast %add3A_328 : i32 to index
        %get3A_403 = arith.constant 48 : index
        %get3A_404 = tpu.vector_load %arg6[%get3A_402, %get3A_403] {strides = array<i32>} : memref<80x128xi32, #tpu.memory_space<vmem>>, vector<1x16xi32>,
        %get3A_405 = vector.shape_cast %get3A_404 : vector<1x16xi32> to vector<16xi32>
        %and3A_406 = arith.constant 65535 : i32
        %and3A_407 = vector.broadcast %and3A_406 : i32 to vector<16xi32>
        %and3A_408 = arith.andi %get3A_405, %and3A_407 : vector<16xi32>
        %swap3A_409 = arith.constant 48 : index
        %swap3A_410 = tpu.vector_load %arg10[%swap3A_409] {strides = array<i32>} : memref<128xi32, #tpu.memory_space<vmem>>, vector<16xi32>,
        %swap3A_411 = vector.shape_cast %swap3A_410 : vector<16xi32> to vector<16xi32>
        %swap3A_412 = vector.shape_cast %and3A_408 : vector<16xi32> to vector<16xi32>
        tpu.vector_store %arg10[%swap3A_409], %swap3A_412 {strides = array<i32>} : memref<128xi32, #tpu.memory_space<vmem>>, vector<16xi32>,
        %shift_right_logical3A_413 = arith.constant 16 : i32
        %shift_right_logical3A_414 = vector.broadcast %shift_right_logical3A_413 : i32 to vector<16xi32>
        %shift_right_logical3A_415 = arith.shrui %get3A_405, %shift_right_logical3A_414 : vector<16xi32>
        %swap3A_416 = arith.constant 48 : index
        %swap3A_417 = tpu.vector_load %arg12[%swap3A_416] {strides = array<i32>} : memref<128xi32, #tpu.memory_space<vmem>>, vector<16xi32>,
        %swap3A_418 = vector.shape_cast %swap3A_417 : vector<16xi32> to vector<16xi32>
        %swap3A_419 = vector.shape_cast %shift_right_logical3A_415 : vector<16xi32> to vector<16xi32>
        tpu.vector_store %arg12[%swap3A_416], %swap3A_419 {strides = array<i32>} : memref<128xi32, #tpu.memory_space<vmem>>, vector<16xi32>,
        %get3A_420 = arith.index_cast %add3A_328 : i32 to index
        %get3A_421 = arith.constant 64 : index
        %get3A_422 = tpu.vector_load %arg6[%get3A_420, %get3A_421] {strides = array<i32>} : memref<80x128xi32, #tpu.memory_space<vmem>>, vector<1x16xi32>,
        %get3A_423 = vector.shape_cast %get3A_422 : vector<1x16xi32> to vector<16xi32>
        %and3A_424 = arith.constant 65535 : i32
        %and3A_425 = vector.broadcast %and3A_424 : i32 to vector<16xi32>
        %and3A_426 = arith.andi %get3A_423, %and3A_425 : vector<16xi32>
        %swap3A_427 = arith.constant 64 : index
        %swap3A_428 = tpu.vector_load %arg10[%swap3A_427] {strides = array<i32>} : memref<128xi32, #tpu.memory_space<vmem>>, vector<16xi32>,
        %swap3A_429 = vector.shape_cast %swap3A_428 : vector<16xi32> to vector<16xi32>
        %swap3A_430 = vector.shape_cast %and3A_426 : vector<16xi32> to vector<16xi32>
        tpu.vector_store %arg10[%swap3A_427], %swap3A_430 {strides = array<i32>} : memref<128xi32, #tpu.memory_space<vmem>>, vector<16xi32>,
        %shift_right_logical3A_431 = arith.constant 16 : i32
        %shift_right_logical3A_432 = vector.broadcast %shift_right_logical3A_431 : i32 to vector<16xi32>
        %shift_right_logical3A_433 = arith.shrui %get3A_423, %shift_right_logical3A_432 : vector<16xi32>
        %swap3A_434 = arith.constant 64 : index
        %swap3A_435 = tpu.vector_load %arg12[%swap3A_434] {strides = array<i32>} : memref<128xi32, #tpu.memory_space<vmem>>, vector<16xi32>,
        %swap3A_436 = vector.shape_cast %swap3A_435 : vector<16xi32> to vector<16xi32>
        %swap3A_437 = vector.shape_cast %shift_right_logical3A_433 : vector<16xi32> to vector<16xi32>
        tpu.vector_store %arg12[%swap3A_434], %swap3A_437 {strides = array<i32>} : memref<128xi32, #tpu.memory_space<vmem>>, vector<16xi32>,
        %get3A_438 = arith.index_cast %add3A_328 : i32 to index
        %get3A_439 = arith.constant 80 : index
        %get3A_440 = tpu.vector_load %arg6[%get3A_438, %get3A_439] {strides = array<i32>} : memref<80x128xi32, #tpu.memory_space<vmem>>, vector<1x16xi32>,
        %get3A_441 = vector.shape_cast %get3A_440 : vector<1x16xi32> to vector<16xi32>
        %and3A_442 = arith.constant 65535 : i32
        %and3A_443 = vector.broadcast %and3A_442 : i32 to vector<16xi32>
        %and3A_444 = arith.andi %get3A_441, %and3A_443 : vector<16xi32>
        %swap3A_445 = arith.constant 80 : index
        %swap3A_446 = tpu.vector_load %arg10[%swap3A_445] {strides = array<i32>} : memref<128xi32, #tpu.memory_space<vmem>>, vector<16xi32>,
        %swap3A_447 = vector.shape_cast %swap3A_446 : vector<16xi32> to vector<16xi32>
        %swap3A_448 = vector.shape_cast %and3A_444 : vector<16xi32> to vector<16xi32>
        tpu.vector_store %arg10[%swap3A_445], %swap3A_448 {strides = array<i32>} : memref<128xi32, #tpu.memory_space<vmem>>, vector<16xi32>,
        %shift_right_logical3A_449 = arith.constant 16 : i32
        %shift_right_logical3A_450 = vector.broadcast %shift_right_logical3A_449 : i32 to vector<16xi32>
        %shift_right_logical3A_451 = arith.shrui %get3A_441, %shift_right_logical3A_450 : vector<16xi32>
        %swap3A_452 = arith.constant 80 : index
        %swap3A_453 = tpu.vector_load %arg12[%swap3A_452] {strides = array<i32>} : memref<128xi32, #tpu.memory_space<vmem>>, vector<16xi32>,
        %swap3A_454 = vector.shape_cast %swap3A_453 : vector<16xi32> to vector<16xi32>
        %swap3A_455 = vector.shape_cast %shift_right_logical3A_451 : vector<16xi32> to vector<16xi32>
        tpu.vector_store %arg12[%swap3A_452], %swap3A_455 {strides = array<i32>} : memref<128xi32, #tpu.memory_space<vmem>>, vector<16xi32>,
        %get3A_456 = arith.index_cast %add3A_328 : i32 to index
        %get3A_457 = arith.constant 96 : index
        %get3A_458 = tpu.vector_load %arg6[%get3A_456, %get3A_457] {strides = array<i32>} : memref<80x128xi32, #tpu.memory_space<vmem>>, vector<1x16xi32>,
        %get3A_459 = vector.shape_cast %get3A_458 : vector<1x16xi32> to vector<16xi32>
        %and3A_460 = arith.constant 65535 : i32
        %and3A_461 = vector.broadcast %and3A_460 : i32 to vector<16xi32>
        %and3A_462 = arith.andi %get3A_459, %and3A_461 : vector<16xi32>
        %swap3A_463 = arith.constant 96 : index
        %swap3A_464 = tpu.vector_load %arg10[%swap3A_463] {strides = array<i32>} : memref<128xi32, #tpu.memory_space<vmem>>, vector<16xi32>,
        %swap3A_465 = vector.shape_cast %swap3A_464 : vector<16xi32> to vector<16xi32>
        %swap3A_466 = vector.shape_cast %and3A_462 : vector<16xi32> to vector<16xi32>
        tpu.vector_store %arg10[%swap3A_463], %swap3A_466 {strides = array<i32>} : memref<128xi32, #tpu.memory_space<vmem>>, vector<16xi32>,
        %shift_right_logical3A_467 = arith.constant 16 : i32
        %shift_right_logical3A_468 = vector.broadcast %shift_right_logical3A_467 : i32 to vector<16xi32>
        %shift_right_logical3A_469 = arith.shrui %get3A_459, %shift_right_logical3A_468 : vector<16xi32>
        %swap3A_470 = arith.constant 96 : index
        %swap3A_471 = tpu.vector_load %arg12[%swap3A_470] {strides = array<i32>} : memref<128xi32, #tpu.memory_space<vmem>>, vector<16xi32>,
        %swap3A_472 = vector.shape_cast %swap3A_471 : vector<16xi32> to vector<16xi32>
        %swap3A_473 = vector.shape_cast %shift_right_logical3A_469 : vector<16xi32> to vector<16xi32>
        tpu.vector_store %arg12[%swap3A_470], %swap3A_473 {strides = array<i32>} : memref<128xi32, #tpu.memory_space<vmem>>, vector<16xi32>,
        %get3A_474 = arith.index_cast %add3A_328 : i32 to index
        %get3A_475 = arith.constant 112 : index
        %get3A_476 = tpu.vector_load %arg6[%get3A_474, %get3A_475] {strides = array<i32>} : memref<80x128xi32, #tpu.memory_space<vmem>>, vector<1x16xi32>,
        %get3A_477 = vector.shape_cast %get3A_476 : vector<1x16xi32> to vector<16xi32>
        %and3A_478 = arith.constant 65535 : i32
        %and3A_479 = vector.broadcast %and3A_478 : i32 to vector<16xi32>
        %and3A_480 = arith.andi %get3A_477, %and3A_479 : vector<16xi32>
        %swap3A_481 = arith.constant 112 : index
        %swap3A_482 = tpu.vector_load %arg10[%swap3A_481] {strides = array<i32>} : memref<128xi32, #tpu.memory_space<vmem>>, vector<16xi32>,
        %swap3A_483 = vector.shape_cast %swap3A_482 : vector<16xi32> to vector<16xi32>
        %swap3A_484 = vector.shape_cast %and3A_480 : vector<16xi32> to vector<16xi32>
        tpu.vector_store %arg10[%swap3A_481], %swap3A_484 {strides = array<i32>} : memref<128xi32, #tpu.memory_space<vmem>>, vector<16xi32>,
        %shift_right_logical3A_485 = arith.constant 16 : i32
        %shift_right_logical3A_486 = vector.broadcast %shift_right_logical3A_485 : i32 to vector<16xi32>
        %shift_right_logical3A_487 = arith.shrui %get3A_477, %shift_right_logical3A_486 : vector<16xi32>
        %swap3A_488 = arith.constant 112 : index
        %swap3A_489 = tpu.vector_load %arg12[%swap3A_488] {strides = array<i32>} : memref<128xi32, #tpu.memory_space<vmem>>, vector<16xi32>,
        %swap3A_490 = vector.shape_cast %swap3A_489 : vector<16xi32> to vector<16xi32>
        %swap3A_491 = vector.shape_cast %shift_right_logical3A_487 : vector<16xi32> to vector<16xi32>
        tpu.vector_store %arg12[%swap3A_488], %swap3A_491 {strides = array<i32>} : memref<128xi32, #tpu.memory_space<vmem>>, vector<16xi32>,
        %dma_start3A_492 = arith.constant 0 : i32
        %dma_start3A_493 = arith.constant 0 : i32
        %dma_start3A_494 = tpu.memref_slice %arg2[%dma_start3A_492, %dma_start3A_493] : memref<10000x128xf32, #tpu.memory_space<hbm>> -> memref<10000x128xf32, #tpu.memory_space<hbm>>
        tpu.enqueue_indirect_dma source(%dma_start3A_494 : memref<10000x128xf32, #tpu.memory_space<hbm>>) target(%arg8 : memref<128x128xf32, #tpu.memory_space<vmem>>) offsets(%arg10 : memref<128xi32, #tpu.memory_space<vmem>>) semaphore(%arg14 : memref<!tpu.dma_semaphore, #tpu.memory_space<semaphore_mem>>)
      } else {
      }
      %mul3A_331 = arith.constant 2 : i32
      %mul3A_332 = arith.muli %scan3A_317, %mul3A_331 : i32
      %add3A_333 = arith.constant 1 : i32
      %add3A_334 = arith.addi %mul3A_332, %add3A_333 : i32
      %dma_wait3A_335 = arith.constant 0 : i32
      %dma_wait3A_336 = arith.constant 0 : i32
      %dma_wait3A_337 = tpu.memref_slice %arg2[%dma_wait3A_335, %dma_wait3A_336] : memref<10000x128xf32, #tpu.memory_space<hbm>> -> memref<128x128xf32, #tpu.memory_space<hbm>>
      %dma_wait3A_338 = arith.constant 0 : i32
      %dma_wait3A_339 = arith.constant 0 : i32
      %dma_wait3A_340 = tpu.memref_slice %arg2[%dma_wait3A_338, %dma_wait3A_339] : memref<10000x128xf32, #tpu.memory_space<hbm>> -> memref<128x128xf32, #tpu.memory_space<hbm>>
      tpu.wait_dma2 semaphore(%arg15 : memref<!tpu.dma_semaphore, #tpu.memory_space<semaphore_mem>>) src(%dma_wait3A_340 : memref<128x128xf32, #tpu.memory_space<hbm>>) dst(%arg9 : memref<128x128xf32, #tpu.memory_space<vmem>>)
      "tpu.region"() ({
        %run_scoped3A = tpu.sem_alloc : memref<!tpu.dma_semaphore, #tpu.memory_space<semaphore_mem>>
        %dma_start3A_348 = arith.constant 0 : i32
        %dma_start3A_349 = arith.constant 0 : i32
        %dma_start3A_350 = tpu.memref_slice %arg7[%dma_start3A_348, %dma_start3A_349] : memref<10112x128xf32, #tpu.memory_space<vmem_shared>> -> memref<10112x128xf32, #tpu.memory_space<vmem_shared>>
        tpu.enqueue_indirect_dma source(%arg9 : memref<128x128xf32, #tpu.memory_space<vmem>>) target(%dma_start3A_350 : memref<10112x128xf32, #tpu.memory_space<vmem_shared>>) offsets(%arg13 : memref<128xi32, #tpu.memory_space<vmem>>) semaphore(%run_scoped3A : memref<!tpu.dma_semaphore, #tpu.memory_space<semaphore_mem>>) {add = true}
        %dma_wait3A_351 = arith.constant 0 : i32
        %dma_wait3A_352 = arith.constant 0 : i32
        %dma_wait3A_353 = tpu.memref_slice %arg7[%dma_wait3A_351, %dma_wait3A_352] : memref<10112x128xf32, #tpu.memory_space<vmem_shared>> -> memref<10112x128xf32, #tpu.memory_space<vmem_shared>>
        tpu.wait_indirect_dma semaphore(%run_scoped3A : memref<!tpu.dma_semaphore, #tpu.memory_space<semaphore_mem>>) src(%arg9 : memref<128x128xf32, #tpu.memory_space<vmem>>) dst(%dma_wait3A_353 : memref<10112x128xf32, #tpu.memory_space<vmem_shared>>)
        tpu.yield
      }) : () -> ()
      %add3A_341 = arith.constant 2 : i32
      %add3A_342 = arith.addi %add3A_334, %add3A_341 : i32
      %lt3A_343 = arith.constant 80 : i32
      %lt3A_344 = arith.cmpi slt, %add3A_342, %lt3A_343 : i32
      %convert_element_type3A_345 = arith.extui %lt3A_344 : i1 to i32
      %cond3A_346 = arith.constant 0 : i32
      %cond3A_347 = arith.cmpi ne, %convert_element_type3A_345, %cond3A_346 : i32
      scf.if %cond3A_347 {
        %get3A_348 = arith.index_cast %add3A_342 : i32 to index
        %get3A_349 = arith.constant 0 : index
        %get3A_350 = tpu.vector_load %arg6[%get3A_348, %get3A_349] {strides = array<i32>} : memref<80x128xi32, #tpu.memory_space<vmem>>, vector<1x16xi32>,
        %get3A_351 = vector.shape_cast %get3A_350 : vector<1x16xi32> to vector<16xi32>
        %and3A_352 = arith.constant 65535 : i32
        %and3A_353 = vector.broadcast %and3A_352 : i32 to vector<16xi32>
        %and3A_354 = arith.andi %get3A_351, %and3A_353 : vector<16xi32>
        %swap3A_355 = arith.constant 0 : index
        %swap3A_356 = tpu.vector_load %arg11[%swap3A_355] {strides = array<i32>} : memref<128xi32, #tpu.memory_space<vmem>>, vector<16xi32>,
        %swap3A_357 = vector.shape_cast %swap3A_356 : vector<16xi32> to vector<16xi32>
        %swap3A_358 = vector.shape_cast %and3A_354 : vector<16xi32> to vector<16xi32>
        tpu.vector_store %arg11[%swap3A_355], %swap3A_358 {strides = array<i32>} : memref<128xi32, #tpu.memory_space<vmem>>, vector<16xi32>,
        %shift_right_logical3A_359 = arith.constant 16 : i32
        %shift_right_logical3A_360 = vector.broadcast %shift_right_logical3A_359 : i32 to vector<16xi32>
        %shift_right_logical3A_361 = arith.shrui %get3A_351, %shift_right_logical3A_360 : vector<16xi32>
        %swap3A_362 = arith.constant 0 : index
        %swap3A_363 = tpu.vector_load %arg13[%swap3A_362] {strides = array<i32>} : memref<128xi32, #tpu.memory_space<vmem>>, vector<16xi32>,
        %swap3A_364 = vector.shape_cast %swap3A_363 : vector<16xi32> to vector<16xi32>
        %swap3A_365 = vector.shape_cast %shift_right_logical3A_361 : vector<16xi32> to vector<16xi32>
        tpu.vector_store %arg13[%swap3A_362], %swap3A_365 {strides = array<i32>} : memref<128xi32, #tpu.memory_space<vmem>>, vector<16xi32>,
        %get3A_366 = arith.index_cast %add3A_342 : i32 to index
        %get3A_367 = arith.constant 16 : index
        %get3A_368 = tpu.vector_load %arg6[%get3A_366, %get3A_367] {strides = array<i32>} : memref<80x128xi32, #tpu.memory_space<vmem>>, vector<1x16xi32>,
        %get3A_369 = vector.shape_cast %get3A_368 : vector<1x16xi32> to vector<16xi32>
        %and3A_370 = arith.constant 65535 : i32
        %and3A_371 = vector.broadcast %and3A_370 : i32 to vector<16xi32>
        %and3A_372 = arith.andi %get3A_369, %and3A_371 : vector<16xi32>
        %swap3A_373 = arith.constant 16 : index
        %swap3A_374 = tpu.vector_load %arg11[%swap3A_373] {strides = array<i32>} : memref<128xi32, #tpu.memory_space<vmem>>, vector<16xi32>,
        %swap3A_375 = vector.shape_cast %swap3A_374 : vector<16xi32> to vector<16xi32>
        %swap3A_376 = vector.shape_cast %and3A_372 : vector<16xi32> to vector<16xi32>
        tpu.vector_store %arg11[%swap3A_373], %swap3A_376 {strides = array<i32>} : memref<128xi32, #tpu.memory_space<vmem>>, vector<16xi32>,
        %shift_right_logical3A_377 = arith.constant 16 : i32
        %shift_right_logical3A_378 = vector.broadcast %shift_right_logical3A_377 : i32 to vector<16xi32>
        %shift_right_logical3A_379 = arith.shrui %get3A_369, %shift_right_logical3A_378 : vector<16xi32>
        %swap3A_380 = arith.constant 16 : index
        %swap3A_381 = tpu.vector_load %arg13[%swap3A_380] {strides = array<i32>} : memref<128xi32, #tpu.memory_space<vmem>>, vector<16xi32>,
        %swap3A_382 = vector.shape_cast %swap3A_381 : vector<16xi32> to vector<16xi32>
        %swap3A_383 = vector.shape_cast %shift_right_logical3A_379 : vector<16xi32> to vector<16xi32>
        tpu.vector_store %arg13[%swap3A_380], %swap3A_383 {strides = array<i32>} : memref<128xi32, #tpu.memory_space<vmem>>, vector<16xi32>,
        %get3A_384 = arith.index_cast %add3A_342 : i32 to index
        %get3A_385 = arith.constant 32 : index
        %get3A_386 = tpu.vector_load %arg6[%get3A_384, %get3A_385] {strides = array<i32>} : memref<80x128xi32, #tpu.memory_space<vmem>>, vector<1x16xi32>,
        %get3A_387 = vector.shape_cast %get3A_386 : vector<1x16xi32> to vector<16xi32>
        %and3A_388 = arith.constant 65535 : i32
        %and3A_389 = vector.broadcast %and3A_388 : i32 to vector<16xi32>
        %and3A_390 = arith.andi %get3A_387, %and3A_389 : vector<16xi32>
        %swap3A_391 = arith.constant 32 : index
        %swap3A_392 = tpu.vector_load %arg11[%swap3A_391] {strides = array<i32>} : memref<128xi32, #tpu.memory_space<vmem>>, vector<16xi32>,
        %swap3A_393 = vector.shape_cast %swap3A_392 : vector<16xi32> to vector<16xi32>
        %swap3A_394 = vector.shape_cast %and3A_390 : vector<16xi32> to vector<16xi32>
        tpu.vector_store %arg11[%swap3A_391], %swap3A_394 {strides = array<i32>} : memref<128xi32, #tpu.memory_space<vmem>>, vector<16xi32>,
        %shift_right_logical3A_395 = arith.constant 16 : i32
        %shift_right_logical3A_396 = vector.broadcast %shift_right_logical3A_395 : i32 to vector<16xi32>
        %shift_right_logical3A_397 = arith.shrui %get3A_387, %shift_right_logical3A_396 : vector<16xi32>
        %swap3A_398 = arith.constant 32 : index
        %swap3A_399 = tpu.vector_load %arg13[%swap3A_398] {strides = array<i32>} : memref<128xi32, #tpu.memory_space<vmem>>, vector<16xi32>,
        %swap3A_400 = vector.shape_cast %swap3A_399 : vector<16xi32> to vector<16xi32>
        %swap3A_401 = vector.shape_cast %shift_right_logical3A_397 : vector<16xi32> to vector<16xi32>
        tpu.vector_store %arg13[%swap3A_398], %swap3A_401 {strides = array<i32>} : memref<128xi32, #tpu.memory_space<vmem>>, vector<16xi32>,
        %get3A_402 = arith.index_cast %add3A_342 : i32 to index
        %get3A_403 = arith.constant 48 : index
        %get3A_404 = tpu.vector_load %arg6[%get3A_402, %get3A_403] {strides = array<i32>} : memref<80x128xi32, #tpu.memory_space<vmem>>, vector<1x16xi32>,
        %get3A_405 = vector.shape_cast %get3A_404 : vector<1x16xi32> to vector<16xi32>
        %and3A_406 = arith.constant 65535 : i32
        %and3A_407 = vector.broadcast %and3A_406 : i32 to vector<16xi32>
        %and3A_408 = arith.andi %get3A_405, %and3A_407 : vector<16xi32>
        %swap3A_409 = arith.constant 48 : index
        %swap3A_410 = tpu.vector_load %arg11[%swap3A_409] {strides = array<i32>} : memref<128xi32, #tpu.memory_space<vmem>>, vector<16xi32>,
        %swap3A_411 = vector.shape_cast %swap3A_410 : vector<16xi32> to vector<16xi32>
        %swap3A_412 = vector.shape_cast %and3A_408 : vector<16xi32> to vector<16xi32>
        tpu.vector_store %arg11[%swap3A_409], %swap3A_412 {strides = array<i32>} : memref<128xi32, #tpu.memory_space<vmem>>, vector<16xi32>,
        %shift_right_logical3A_413 = arith.constant 16 : i32
        %shift_right_logical3A_414 = vector.broadcast %shift_right_logical3A_413 : i32 to vector<16xi32>
        %shift_right_logical3A_415 = arith.shrui %get3A_405, %shift_right_logical3A_414 : vector<16xi32>
        %swap3A_416 = arith.constant 48 : index
        %swap3A_417 = tpu.vector_load %arg13[%swap3A_416] {strides = array<i32>} : memref<128xi32, #tpu.memory_space<vmem>>, vector<16xi32>,
        %swap3A_418 = vector.shape_cast %swap3A_417 : vector<16xi32> to vector<16xi32>
        %swap3A_419 = vector.shape_cast %shift_right_logical3A_415 : vector<16xi32> to vector<16xi32>
        tpu.vector_store %arg13[%swap3A_416], %swap3A_419 {strides = array<i32>} : memref<128xi32, #tpu.memory_space<vmem>>, vector<16xi32>,
        %get3A_420 = arith.index_cast %add3A_342 : i32 to index
        %get3A_421 = arith.constant 64 : index
        %get3A_422 = tpu.vector_load %arg6[%get3A_420, %get3A_421] {strides = array<i32>} : memref<80x128xi32, #tpu.memory_space<vmem>>, vector<1x16xi32>,
        %get3A_423 = vector.shape_cast %get3A_422 : vector<1x16xi32> to vector<16xi32>
        %and3A_424 = arith.constant 65535 : i32
        %and3A_425 = vector.broadcast %and3A_424 : i32 to vector<16xi32>
        %and3A_426 = arith.andi %get3A_423, %and3A_425 : vector<16xi32>
        %swap3A_427 = arith.constant 64 : index
        %swap3A_428 = tpu.vector_load %arg11[%swap3A_427] {strides = array<i32>} : memref<128xi32, #tpu.memory_space<vmem>>, vector<16xi32>,
        %swap3A_429 = vector.shape_cast %swap3A_428 : vector<16xi32> to vector<16xi32>
        %swap3A_430 = vector.shape_cast %and3A_426 : vector<16xi32> to vector<16xi32>
        tpu.vector_store %arg11[%swap3A_427], %swap3A_430 {strides = array<i32>} : memref<128xi32, #tpu.memory_space<vmem>>, vector<16xi32>,
        %shift_right_logical3A_431 = arith.constant 16 : i32
        %shift_right_logical3A_432 = vector.broadcast %shift_right_logical3A_431 : i32 to vector<16xi32>
        %shift_right_logical3A_433 = arith.shrui %get3A_423, %shift_right_logical3A_432 : vector<16xi32>
        %swap3A_434 = arith.constant 64 : index
        %swap3A_435 = tpu.vector_load %arg13[%swap3A_434] {strides = array<i32>} : memref<128xi32, #tpu.memory_space<vmem>>, vector<16xi32>,
        %swap3A_436 = vector.shape_cast %swap3A_435 : vector<16xi32> to vector<16xi32>
        %swap3A_437 = vector.shape_cast %shift_right_logical3A_433 : vector<16xi32> to vector<16xi32>
        tpu.vector_store %arg13[%swap3A_434], %swap3A_437 {strides = array<i32>} : memref<128xi32, #tpu.memory_space<vmem>>, vector<16xi32>,
        %get3A_438 = arith.index_cast %add3A_342 : i32 to index
        %get3A_439 = arith.constant 80 : index
        %get3A_440 = tpu.vector_load %arg6[%get3A_438, %get3A_439] {strides = array<i32>} : memref<80x128xi32, #tpu.memory_space<vmem>>, vector<1x16xi32>,
        %get3A_441 = vector.shape_cast %get3A_440 : vector<1x16xi32> to vector<16xi32>
        %and3A_442 = arith.constant 65535 : i32
        %and3A_443 = vector.broadcast %and3A_442 : i32 to vector<16xi32>
        %and3A_444 = arith.andi %get3A_441, %and3A_443 : vector<16xi32>
        %swap3A_445 = arith.constant 80 : index
        %swap3A_446 = tpu.vector_load %arg11[%swap3A_445] {strides = array<i32>} : memref<128xi32, #tpu.memory_space<vmem>>, vector<16xi32>,
        %swap3A_447 = vector.shape_cast %swap3A_446 : vector<16xi32> to vector<16xi32>
        %swap3A_448 = vector.shape_cast %and3A_444 : vector<16xi32> to vector<16xi32>
        tpu.vector_store %arg11[%swap3A_445], %swap3A_448 {strides = array<i32>} : memref<128xi32, #tpu.memory_space<vmem>>, vector<16xi32>,
        %shift_right_logical3A_449 = arith.constant 16 : i32
        %shift_right_logical3A_450 = vector.broadcast %shift_right_logical3A_449 : i32 to vector<16xi32>
        %shift_right_logical3A_451 = arith.shrui %get3A_441, %shift_right_logical3A_450 : vector<16xi32>
        %swap3A_452 = arith.constant 80 : index
        %swap3A_453 = tpu.vector_load %arg13[%swap3A_452] {strides = array<i32>} : memref<128xi32, #tpu.memory_space<vmem>>, vector<16xi32>,
        %swap3A_454 = vector.shape_cast %swap3A_453 : vector<16xi32> to vector<16xi32>
        %swap3A_455 = vector.shape_cast %shift_right_logical3A_451 : vector<16xi32> to vector<16xi32>
        tpu.vector_store %arg13[%swap3A_452], %swap3A_455 {strides = array<i32>} : memref<128xi32, #tpu.memory_space<vmem>>, vector<16xi32>,
        %get3A_456 = arith.index_cast %add3A_342 : i32 to index
        %get3A_457 = arith.constant 96 : index
        %get3A_458 = tpu.vector_load %arg6[%get3A_456, %get3A_457] {strides = array<i32>} : memref<80x128xi32, #tpu.memory_space<vmem>>, vector<1x16xi32>,
        %get3A_459 = vector.shape_cast %get3A_458 : vector<1x16xi32> to vector<16xi32>
        %and3A_460 = arith.constant 65535 : i32
        %and3A_461 = vector.broadcast %and3A_460 : i32 to vector<16xi32>
        %and3A_462 = arith.andi %get3A_459, %and3A_461 : vector<16xi32>
        %swap3A_463 = arith.constant 96 : index
        %swap3A_464 = tpu.vector_load %arg11[%swap3A_463] {strides = array<i32>} : memref<128xi32, #tpu.memory_space<vmem>>, vector<16xi32>,
        %swap3A_465 = vector.shape_cast %swap3A_464 : vector<16xi32> to vector<16xi32>
        %swap3A_466 = vector.shape_cast %and3A_462 : vector<16xi32> to vector<16xi32>
        tpu.vector_store %arg11[%swap3A_463], %swap3A_466 {strides = array<i32>} : memref<128xi32, #tpu.memory_space<vmem>>, vector<16xi32>,
        %shift_right_logical3A_467 = arith.constant 16 : i32
        %shift_right_logical3A_468 = vector.broadcast %shift_right_logical3A_467 : i32 to vector<16xi32>
        %shift_right_logical3A_469 = arith.shrui %get3A_459, %shift_right_logical3A_468 : vector<16xi32>
        %swap3A_470 = arith.constant 96 : index
        %swap3A_471 = tpu.vector_load %arg13[%swap3A_470] {strides = array<i32>} : memref<128xi32, #tpu.memory_space<vmem>>, vector<16xi32>,
        %swap3A_472 = vector.shape_cast %swap3A_471 : vector<16xi32> to vector<16xi32>
        %swap3A_473 = vector.shape_cast %shift_right_logical3A_469 : vector<16xi32> to vector<16xi32>
        tpu.vector_store %arg13[%swap3A_470], %swap3A_473 {strides = array<i32>} : memref<128xi32, #tpu.memory_space<vmem>>, vector<16xi32>,
        %get3A_474 = arith.index_cast %add3A_342 : i32 to index
        %get3A_475 = arith.constant 112 : index
        %get3A_476 = tpu.vector_load %arg6[%get3A_474, %get3A_475] {strides = array<i32>} : memref<80x128xi32, #tpu.memory_space<vmem>>, vector<1x16xi32>,
        %get3A_477 = vector.shape_cast %get3A_476 : vector<1x16xi32> to vector<16xi32>
        %and3A_478 = arith.constant 65535 : i32
        %and3A_479 = vector.broadcast %and3A_478 : i32 to vector<16xi32>
        %and3A_480 = arith.andi %get3A_477, %and3A_479 : vector<16xi32>
        %swap3A_481 = arith.constant 112 : index
        %swap3A_482 = tpu.vector_load %arg11[%swap3A_481] {strides = array<i32>} : memref<128xi32, #tpu.memory_space<vmem>>, vector<16xi32>,
        %swap3A_483 = vector.shape_cast %swap3A_482 : vector<16xi32> to vector<16xi32>
        %swap3A_484 = vector.shape_cast %and3A_480 : vector<16xi32> to vector<16xi32>
        tpu.vector_store %arg11[%swap3A_481], %swap3A_484 {strides = array<i32>} : memref<128xi32, #tpu.memory_space<vmem>>, vector<16xi32>,
        %shift_right_logical3A_485 = arith.constant 16 : i32
        %shift_right_logical3A_486 = vector.broadcast %shift_right_logical3A_485 : i32 to vector<16xi32>
        %shift_right_logical3A_487 = arith.shrui %get3A_477, %shift_right_logical3A_486 : vector<16xi32>
        %swap3A_488 = arith.constant 112 : index
        %swap3A_489 = tpu.vector_load %arg13[%swap3A_488] {strides = array<i32>} : memref<128xi32, #tpu.memory_space<vmem>>, vector<16xi32>,
        %swap3A_490 = vector.shape_cast %swap3A_489 : vector<16xi32> to vector<16xi32>
        %swap3A_491 = vector.shape_cast %shift_right_logical3A_487 : vector<16xi32> to vector<16xi32>
        tpu.vector_store %arg13[%swap3A_488], %swap3A_491 {strides = array<i32>} : memref<128xi32, #tpu.memory_space<vmem>>, vector<16xi32>,
        %dma_start3A_492 = arith.constant 0 : i32
        %dma_start3A_493 = arith.constant 0 : i32
        %dma_start3A_494 = tpu.memref_slice %arg2[%dma_start3A_492, %dma_start3A_493] : memref<10000x128xf32, #tpu.memory_space<hbm>> -> memref<10000x128xf32, #tpu.memory_space<hbm>>
        tpu.enqueue_indirect_dma source(%dma_start3A_494 : memref<10000x128xf32, #tpu.memory_space<hbm>>) target(%arg9 : memref<128x128xf32, #tpu.memory_space<vmem>>) offsets(%arg11 : memref<128xi32, #tpu.memory_space<vmem>>) semaphore(%arg15 : memref<!tpu.dma_semaphore, #tpu.memory_space<semaphore_mem>>)
      } else {
      }
    }
    %scan3A_312 = arith.constant 40 : i32
    %barrier3A_313 = arith.constant 0 : index
    tpu.barrier barrier_id(%barrier3A_313)
    %mul3A_314 = arith.constant 10112 : i32
    %mul3A_315 = arith.muli %arg0, %mul3A_314 : i32
    %add3A_316 = arith.addi %mul3A_315, %mul3A_2 : i32
    "tpu.region"() ({
      %run_scoped3A = tpu.sem_alloc : memref<!tpu.dma_semaphore, #tpu.memory_space<semaphore_mem>>
      %dma_start3A_317 = arith.constant 0 : i32
      %dma_start3A_318 = tpu.memref_slice %arg5[%add3A_316, %dma_start3A_317] : memref<20224x128xf32, #tpu.memory_space<hbm>> -> memref<632x128xf32, #tpu.memory_space<hbm>>
      %dma_start3A_319 = arith.constant 0 : i32
      %dma_start3A_320 = tpu.memref_slice %arg7[%mul3A_2, %dma_start3A_319] : memref<10112x128xf32, #tpu.memory_space<vmem_shared>> -> memref<632x128xf32, #tpu.memory_space<vmem_shared>>
      tpu.enqueue_dma source(%dma_start3A_320 : memref<632x128xf32, #tpu.memory_space<vmem_shared>>) target(%dma_start3A_318 : memref<632x128xf32, #tpu.memory_space<hbm>>) target_semaphore(%run_scoped3A : memref<!tpu.dma_semaphore, #tpu.memory_space<semaphore_mem>>)
      %dma_wait3A = arith.constant 0 : i32
      %dma_wait3A_321 = tpu.memref_slice %arg5[%add3A_316, %dma_wait3A] : memref<20224x128xf32, #tpu.memory_space<hbm>> -> memref<632x128xf32, #tpu.memory_space<hbm>>
      %dma_wait3A_322 = arith.constant 0 : i32
      %dma_wait3A_323 = tpu.memref_slice %arg7[%mul3A_2, %dma_wait3A_322] : memref<10112x128xf32, #tpu.memory_space<vmem_shared>> -> memref<632x128xf32, #tpu.memory_space<vmem_shared>>
      tpu.wait_dma2 semaphore(%run_scoped3A : memref<!tpu.dma_semaphore, #tpu.memory_space<semaphore_mem>>) src(%dma_wait3A_323 : memref<632x128xf32, #tpu.memory_space<vmem_shared>>) dst(%dma_wait3A_321 : memref<632x128xf32, #tpu.memory_space<hbm>>)
      tpu.yield
    }) : () -> ()
    return
  }
}

#map = affine_map<(d0, d1) -> (0, 0)>
#map1 = affine_map<(d0, d1) -> (0, 0, 0)>
module attributes {stable_mosaic.version = 14 : i64} {
  func.func @sc_agg(%arg0: i32, %arg1: i32, %arg2: memref<10000x128xf32, #tpu.memory_space<hbm>>, %arg3: memref<32x80x128xi32, #tpu.memory_space<hbm>>, %arg4: memref<10112x128xf32, #tpu.memory_space<hbm>>, %arg5: memref<20224x128xf32, #tpu.memory_space<hbm>>, %arg6: memref<80x128xi32, #tpu.memory_space<vmem>>, %arg7: memref<10112x128xf32, #tpu.memory_space<vmem_shared>>, %arg8: memref<128x128xf32, #tpu.memory_space<vmem>>, %arg9: memref<128x128xf32, #tpu.memory_space<vmem>>, %arg10: memref<128xi32, #tpu.memory_space<vmem>>, %arg11: memref<128xi32, #tpu.memory_space<vmem>>, %arg12: memref<128xi32, #tpu.memory_space<vmem>>, %arg13: memref<128xi32, #tpu.memory_space<vmem>>, %arg14: memref<!tpu.dma_semaphore, #tpu.memory_space<semaphore_mem>>, %arg15: memref<!tpu.dma_semaphore, #tpu.memory_space<semaphore_mem>>) attributes {dimension_semantics = [#tpu.dimension_semantics<core_parallel>, #tpu.dimension_semantics<subcore_parallel>], iteration_bounds = array<i64: 2, 16>, scalar_prefetch = 0 : i64, scratch_operands = 10 : i64, tpu.core_type = #tpu.core_type<sc_vector_subcore>, window_params = [{transform_indices = #map}, {transform_indices = #map1}, {transform_indices = #map}, {transform_indices = #map}]} {
    %mul3A = arith.constant 2 : i32
    %mul3A_0 = arith.muli %arg1, %mul3A : i32
    %add3A = arith.addi %mul3A_0, %arg0 : i32
    %mul3A_1 = arith.constant 632 : i32
    %mul3A_2 = arith.muli %arg1, %mul3A_1 : i32
    "tpu.region"() ({
      %run_scoped3A = tpu.sem_alloc : memref<!tpu.dma_semaphore, #tpu.memory_space<semaphore_mem>>
      %dma_start3A_317 = arith.constant 0 : i32
      %dma_start3A_318 = arith.constant 0 : i32
      %dma_start3A_319 = tpu.memref_slice %arg3[%add3A, %dma_start3A_317, %dma_start3A_318] : memref<32x80x128xi32, #tpu.memory_space<hbm>> -> memref<1x80x128xi32, #tpu.memory_space<hbm>>
      %dma_start3A_320 = tpu.memref_squeeze %dma_start3A_319 : memref<1x80x128xi32, #tpu.memory_space<hbm>> -> memref<80x128xi32, #tpu.memory_space<hbm>>
      %dma_start3A_321 = arith.constant 0 : i32
      %dma_start3A_322 = arith.constant 0 : i32
      %dma_start3A_323 = tpu.memref_slice %arg3[%add3A, %dma_start3A_321, %dma_start3A_322] : memref<32x80x128xi32, #tpu.memory_space<hbm>> -> memref<1x80x128xi32, #tpu.memory_space<hbm>>
      %dma_start3A_324 = tpu.memref_squeeze %dma_start3A_323 : memref<1x80x128xi32, #tpu.memory_space<hbm>> -> memref<80x128xi32, #tpu.memory_space<hbm>>
      tpu.enqueue_dma source(%dma_start3A_324 : memref<80x128xi32, #tpu.memory_space<hbm>>) target(%arg6 : memref<80x128xi32, #tpu.memory_space<vmem>>) target_semaphore(%run_scoped3A : memref<!tpu.dma_semaphore, #tpu.memory_space<semaphore_mem>>)
      %dma_wait3A = arith.constant 0 : i32
      %dma_wait3A_325 = arith.constant 0 : i32
      %dma_wait3A_326 = tpu.memref_slice %arg3[%add3A, %dma_wait3A, %dma_wait3A_325] : memref<32x80x128xi32, #tpu.memory_space<hbm>> -> memref<1x80x128xi32, #tpu.memory_space<hbm>>
      %dma_wait3A_327 = tpu.memref_squeeze %dma_wait3A_326 : memref<1x80x128xi32, #tpu.memory_space<hbm>> -> memref<80x128xi32, #tpu.memory_space<hbm>>
      %dma_wait3A_328 = arith.constant 0 : i32
      %dma_wait3A_329 = arith.constant 0 : i32
      %dma_wait3A_330 = tpu.memref_slice %arg3[%add3A, %dma_wait3A_328, %dma_wait3A_329] : memref<32x80x128xi32, #tpu.memory_space<hbm>> -> memref<1x80x128xi32, #tpu.memory_space<hbm>>
      %dma_wait3A_331 = tpu.memref_squeeze %dma_wait3A_330 : memref<1x80x128xi32, #tpu.memory_space<hbm>> -> memref<80x128xi32, #tpu.memory_space<hbm>>
      tpu.wait_dma2 semaphore(%run_scoped3A : memref<!tpu.dma_semaphore, #tpu.memory_space<semaphore_mem>>) src(%dma_wait3A_331 : memref<80x128xi32, #tpu.memory_space<hbm>>) dst(%arg6 : memref<80x128xi32, #tpu.memory_space<vmem>>)
      tpu.yield
    }) : () -> ()
    "tpu.region"() ({
      %run_scoped3A = tpu.sem_alloc : memref<!tpu.dma_semaphore, #tpu.memory_space<semaphore_mem>>
      %dma_start3A_317 = arith.constant 0 : i32
      %dma_start3A_318 = tpu.memref_slice %arg7[%mul3A_2, %dma_start3A_317] : memref<10112x128xf32, #tpu.memory_space<vmem_shared>> -> memref<632x128xf32, #tpu.memory_space<vmem_shared>>
      %dma_start3A_319 = arith.constant 0 : i32
      %dma_start3A_320 = tpu.memref_slice %arg4[%mul3A_2, %dma_start3A_319] : memref<10112x128xf32, #tpu.memory_space<hbm>> -> memref<632x128xf32, #tpu.memory_space<hbm>>
      tpu.enqueue_dma source(%dma_start3A_320 : memref<632x128xf32, #tpu.memory_space<hbm>>) target(%dma_start3A_318 : memref<632x128xf32, #tpu.memory_space<vmem_shared>>) target_semaphore(%run_scoped3A : memref<!tpu.dma_semaphore, #tpu.memory_space<semaphore_mem>>)
      %dma_wait3A = arith.constant 0 : i32
      %dma_wait3A_321 = tpu.memref_slice %arg7[%mul3A_2, %dma_wait3A] : memref<10112x128xf32, #tpu.memory_space<vmem_shared>> -> memref<632x128xf32, #tpu.memory_space<vmem_shared>>
      %dma_wait3A_322 = arith.constant 0 : i32
      %dma_wait3A_323 = tpu.memref_slice %arg4[%mul3A_2, %dma_wait3A_322] : memref<10112x128xf32, #tpu.memory_space<hbm>> -> memref<632x128xf32, #tpu.memory_space<hbm>>
      tpu.wait_dma2 semaphore(%run_scoped3A : memref<!tpu.dma_semaphore, #tpu.memory_space<semaphore_mem>>) src(%dma_wait3A_323 : memref<632x128xf32, #tpu.memory_space<hbm>>) dst(%dma_wait3A_321 : memref<632x128xf32, #tpu.memory_space<vmem_shared>>)
      tpu.yield
    }) : () -> ()
    %barrier3A = arith.constant 0 : index
    tpu.barrier barrier_id(%barrier3A)
    %get3A = arith.constant 0 : i32
    %get3A_3 = arith.index_cast %get3A : i32 to index
    %get3A_4 = arith.constant 0 : index
    %get3A_5 = tpu.vector_load %arg6[%get3A_3, %get3A_4] {strides = array<i32>} : memref<80x128xi32, #tpu.memory_space<vmem>>, vector<1x16xi32>,
    %get3A_6 = vector.shape_cast %get3A_5 : vector<1x16xi32> to vector<16xi32>
    %and3A = arith.constant 65535 : i32
    %and3A_7 = vector.broadcast %and3A : i32 to vector<16xi32>
    %and3A_8 = arith.andi %get3A_6, %and3A_7 : vector<16xi32>
    %swap3A = arith.constant 0 : index
    %swap3A_9 = tpu.vector_load %arg10[%swap3A] {strides = array<i32>} : memref<128xi32, #tpu.memory_space<vmem>>, vector<16xi32>,
    %swap3A_10 = vector.shape_cast %swap3A_9 : vector<16xi32> to vector<16xi32>
    %swap3A_11 = vector.shape_cast %and3A_8 : vector<16xi32> to vector<16xi32>
    tpu.vector_store %arg10[%swap3A], %swap3A_11 {strides = array<i32>} : memref<128xi32, #tpu.memory_space<vmem>>, vector<16xi32>,
    %shift_right_logical3A = arith.constant 16 : i32
    %shift_right_logical3A_12 = vector.broadcast %shift_right_logical3A : i32 to vector<16xi32>
    %shift_right_logical3A_13 = arith.shrui %get3A_6, %shift_right_logical3A_12 : vector<16xi32>
    %swap3A_14 = arith.constant 0 : index
    %swap3A_15 = tpu.vector_load %arg12[%swap3A_14] {strides = array<i32>} : memref<128xi32, #tpu.memory_space<vmem>>, vector<16xi32>,
    %swap3A_16 = vector.shape_cast %swap3A_15 : vector<16xi32> to vector<16xi32>
    %swap3A_17 = vector.shape_cast %shift_right_logical3A_13 : vector<16xi32> to vector<16xi32>
    tpu.vector_store %arg12[%swap3A_14], %swap3A_17 {strides = array<i32>} : memref<128xi32, #tpu.memory_space<vmem>>, vector<16xi32>,
    %get3A_18 = arith.constant 0 : i32
    %get3A_19 = arith.index_cast %get3A_18 : i32 to index
    %get3A_20 = arith.constant 16 : index
    %get3A_21 = tpu.vector_load %arg6[%get3A_19, %get3A_20] {strides = array<i32>} : memref<80x128xi32, #tpu.memory_space<vmem>>, vector<1x16xi32>,
    %get3A_22 = vector.shape_cast %get3A_21 : vector<1x16xi32> to vector<16xi32>
    %and3A_23 = arith.constant 65535 : i32
    %and3A_24 = vector.broadcast %and3A_23 : i32 to vector<16xi32>
    %and3A_25 = arith.andi %get3A_22, %and3A_24 : vector<16xi32>
    %swap3A_26 = arith.constant 16 : index
    %swap3A_27 = tpu.vector_load %arg10[%swap3A_26] {strides = array<i32>} : memref<128xi32, #tpu.memory_space<vmem>>, vector<16xi32>,
    %swap3A_28 = vector.shape_cast %swap3A_27 : vector<16xi32> to vector<16xi32>
    %swap3A_29 = vector.shape_cast %and3A_25 : vector<16xi32> to vector<16xi32>
    tpu.vector_store %arg10[%swap3A_26], %swap3A_29 {strides = array<i32>} : memref<128xi32, #tpu.memory_space<vmem>>, vector<16xi32>,
    %shift_right_logical3A_30 = arith.constant 16 : i32
    %shift_right_logical3A_31 = vector.broadcast %shift_right_logical3A_30 : i32 to vector<16xi32>
    %shift_right_logical3A_32 = arith.shrui %get3A_22, %shift_right_logical3A_31 : vector<16xi32>
    %swap3A_33 = arith.constant 16 : index
    %swap3A_34 = tpu.vector_load %arg12[%swap3A_33] {strides = array<i32>} : memref<128xi32, #tpu.memory_space<vmem>>, vector<16xi32>,
    %swap3A_35 = vector.shape_cast %swap3A_34 : vector<16xi32> to vector<16xi32>
    %swap3A_36 = vector.shape_cast %shift_right_logical3A_32 : vector<16xi32> to vector<16xi32>
    tpu.vector_store %arg12[%swap3A_33], %swap3A_36 {strides = array<i32>} : memref<128xi32, #tpu.memory_space<vmem>>, vector<16xi32>,
    %get3A_37 = arith.constant 0 : i32
    %get3A_38 = arith.index_cast %get3A_37 : i32 to index
    %get3A_39 = arith.constant 32 : index
    %get3A_40 = tpu.vector_load %arg6[%get3A_38, %get3A_39] {strides = array<i32>} : memref<80x128xi32, #tpu.memory_space<vmem>>, vector<1x16xi32>,
    %get3A_41 = vector.shape_cast %get3A_40 : vector<1x16xi32> to vector<16xi32>
    %and3A_42 = arith.constant 65535 : i32
    %and3A_43 = vector.broadcast %and3A_42 : i32 to vector<16xi32>
    %and3A_44 = arith.andi %get3A_41, %and3A_43 : vector<16xi32>
    %swap3A_45 = arith.constant 32 : index
    %swap3A_46 = tpu.vector_load %arg10[%swap3A_45] {strides = array<i32>} : memref<128xi32, #tpu.memory_space<vmem>>, vector<16xi32>,
    %swap3A_47 = vector.shape_cast %swap3A_46 : vector<16xi32> to vector<16xi32>
    %swap3A_48 = vector.shape_cast %and3A_44 : vector<16xi32> to vector<16xi32>
    tpu.vector_store %arg10[%swap3A_45], %swap3A_48 {strides = array<i32>} : memref<128xi32, #tpu.memory_space<vmem>>, vector<16xi32>,
    %shift_right_logical3A_49 = arith.constant 16 : i32
    %shift_right_logical3A_50 = vector.broadcast %shift_right_logical3A_49 : i32 to vector<16xi32>
    %shift_right_logical3A_51 = arith.shrui %get3A_41, %shift_right_logical3A_50 : vector<16xi32>
    %swap3A_52 = arith.constant 32 : index
    %swap3A_53 = tpu.vector_load %arg12[%swap3A_52] {strides = array<i32>} : memref<128xi32, #tpu.memory_space<vmem>>, vector<16xi32>,
    %swap3A_54 = vector.shape_cast %swap3A_53 : vector<16xi32> to vector<16xi32>
    %swap3A_55 = vector.shape_cast %shift_right_logical3A_51 : vector<16xi32> to vector<16xi32>
    tpu.vector_store %arg12[%swap3A_52], %swap3A_55 {strides = array<i32>} : memref<128xi32, #tpu.memory_space<vmem>>, vector<16xi32>,
    %get3A_56 = arith.constant 0 : i32
    %get3A_57 = arith.index_cast %get3A_56 : i32 to index
    %get3A_58 = arith.constant 48 : index
    %get3A_59 = tpu.vector_load %arg6[%get3A_57, %get3A_58] {strides = array<i32>} : memref<80x128xi32, #tpu.memory_space<vmem>>, vector<1x16xi32>,
    %get3A_60 = vector.shape_cast %get3A_59 : vector<1x16xi32> to vector<16xi32>
    %and3A_61 = arith.constant 65535 : i32
    %and3A_62 = vector.broadcast %and3A_61 : i32 to vector<16xi32>
    %and3A_63 = arith.andi %get3A_60, %and3A_62 : vector<16xi32>
    %swap3A_64 = arith.constant 48 : index
    %swap3A_65 = tpu.vector_load %arg10[%swap3A_64] {strides = array<i32>} : memref<128xi32, #tpu.memory_space<vmem>>, vector<16xi32>,
    %swap3A_66 = vector.shape_cast %swap3A_65 : vector<16xi32> to vector<16xi32>
    %swap3A_67 = vector.shape_cast %and3A_63 : vector<16xi32> to vector<16xi32>
    tpu.vector_store %arg10[%swap3A_64], %swap3A_67 {strides = array<i32>} : memref<128xi32, #tpu.memory_space<vmem>>, vector<16xi32>,
    %shift_right_logical3A_68 = arith.constant 16 : i32
    %shift_right_logical3A_69 = vector.broadcast %shift_right_logical3A_68 : i32 to vector<16xi32>
    %shift_right_logical3A_70 = arith.shrui %get3A_60, %shift_right_logical3A_69 : vector<16xi32>
    %swap3A_71 = arith.constant 48 : index
    %swap3A_72 = tpu.vector_load %arg12[%swap3A_71] {strides = array<i32>} : memref<128xi32, #tpu.memory_space<vmem>>, vector<16xi32>,
    %swap3A_73 = vector.shape_cast %swap3A_72 : vector<16xi32> to vector<16xi32>
    %swap3A_74 = vector.shape_cast %shift_right_logical3A_70 : vector<16xi32> to vector<16xi32>
    tpu.vector_store %arg12[%swap3A_71], %swap3A_74 {strides = array<i32>} : memref<128xi32, #tpu.memory_space<vmem>>, vector<16xi32>,
    %get3A_75 = arith.constant 0 : i32
    %get3A_76 = arith.index_cast %get3A_75 : i32 to index
    %get3A_77 = arith.constant 64 : index
    %get3A_78 = tpu.vector_load %arg6[%get3A_76, %get3A_77] {strides = array<i32>} : memref<80x128xi32, #tpu.memory_space<vmem>>, vector<1x16xi32>,
    %get3A_79 = vector.shape_cast %get3A_78 : vector<1x16xi32> to vector<16xi32>
    %and3A_80 = arith.constant 65535 : i32
    %and3A_81 = vector.broadcast %and3A_80 : i32 to vector<16xi32>
    %and3A_82 = arith.andi %get3A_79, %and3A_81 : vector<16xi32>
    %swap3A_83 = arith.constant 64 : index
    %swap3A_84 = tpu.vector_load %arg10[%swap3A_83] {strides = array<i32>} : memref<128xi32, #tpu.memory_space<vmem>>, vector<16xi32>,
    %swap3A_85 = vector.shape_cast %swap3A_84 : vector<16xi32> to vector<16xi32>
    %swap3A_86 = vector.shape_cast %and3A_82 : vector<16xi32> to vector<16xi32>
    tpu.vector_store %arg10[%swap3A_83], %swap3A_86 {strides = array<i32>} : memref<128xi32, #tpu.memory_space<vmem>>, vector<16xi32>,
    %shift_right_logical3A_87 = arith.constant 16 : i32
    %shift_right_logical3A_88 = vector.broadcast %shift_right_logical3A_87 : i32 to vector<16xi32>
    %shift_right_logical3A_89 = arith.shrui %get3A_79, %shift_right_logical3A_88 : vector<16xi32>
    %swap3A_90 = arith.constant 64 : index
    %swap3A_91 = tpu.vector_load %arg12[%swap3A_90] {strides = array<i32>} : memref<128xi32, #tpu.memory_space<vmem>>, vector<16xi32>,
    %swap3A_92 = vector.shape_cast %swap3A_91 : vector<16xi32> to vector<16xi32>
    %swap3A_93 = vector.shape_cast %shift_right_logical3A_89 : vector<16xi32> to vector<16xi32>
    tpu.vector_store %arg12[%swap3A_90], %swap3A_93 {strides = array<i32>} : memref<128xi32, #tpu.memory_space<vmem>>, vector<16xi32>,
    %get3A_94 = arith.constant 0 : i32
    %get3A_95 = arith.index_cast %get3A_94 : i32 to index
    %get3A_96 = arith.constant 80 : index
    %get3A_97 = tpu.vector_load %arg6[%get3A_95, %get3A_96] {strides = array<i32>} : memref<80x128xi32, #tpu.memory_space<vmem>>, vector<1x16xi32>,
    %get3A_98 = vector.shape_cast %get3A_97 : vector<1x16xi32> to vector<16xi32>
    %and3A_99 = arith.constant 65535 : i32
    %and3A_100 = vector.broadcast %and3A_99 : i32 to vector<16xi32>
    %and3A_101 = arith.andi %get3A_98, %and3A_100 : vector<16xi32>
    %swap3A_102 = arith.constant 80 : index
    %swap3A_103 = tpu.vector_load %arg10[%swap3A_102] {strides = array<i32>} : memref<128xi32, #tpu.memory_space<vmem>>, vector<16xi32>,
    %swap3A_104 = vector.shape_cast %swap3A_103 : vector<16xi32> to vector<16xi32>
    %swap3A_105 = vector.shape_cast %and3A_101 : vector<16xi32> to vector<16xi32>
    tpu.vector_store %arg10[%swap3A_102], %swap3A_105 {strides = array<i32>} : memref<128xi32, #tpu.memory_space<vmem>>, vector<16xi32>,
    %shift_right_logical3A_106 = arith.constant 16 : i32
    %shift_right_logical3A_107 = vector.broadcast %shift_right_logical3A_106 : i32 to vector<16xi32>
    %shift_right_logical3A_108 = arith.shrui %get3A_98, %shift_right_logical3A_107 : vector<16xi32>
    %swap3A_109 = arith.constant 80 : index
    %swap3A_110 = tpu.vector_load %arg12[%swap3A_109] {strides = array<i32>} : memref<128xi32, #tpu.memory_space<vmem>>, vector<16xi32>,
    %swap3A_111 = vector.shape_cast %swap3A_110 : vector<16xi32> to vector<16xi32>
    %swap3A_112 = vector.shape_cast %shift_right_logical3A_108 : vector<16xi32> to vector<16xi32>
    tpu.vector_store %arg12[%swap3A_109], %swap3A_112 {strides = array<i32>} : memref<128xi32, #tpu.memory_space<vmem>>, vector<16xi32>,
    %get3A_113 = arith.constant 0 : i32
    %get3A_114 = arith.index_cast %get3A_113 : i32 to index
    %get3A_115 = arith.constant 96 : index
    %get3A_116 = tpu.vector_load %arg6[%get3A_114, %get3A_115] {strides = array<i32>} : memref<80x128xi32, #tpu.memory_space<vmem>>, vector<1x16xi32>,
    %get3A_117 = vector.shape_cast %get3A_116 : vector<1x16xi32> to vector<16xi32>
    %and3A_118 = arith.constant 65535 : i32
    %and3A_119 = vector.broadcast %and3A_118 : i32 to vector<16xi32>
    %and3A_120 = arith.andi %get3A_117, %and3A_119 : vector<16xi32>
    %swap3A_121 = arith.constant 96 : index
    %swap3A_122 = tpu.vector_load %arg10[%swap3A_121] {strides = array<i32>} : memref<128xi32, #tpu.memory_space<vmem>>, vector<16xi32>,
    %swap3A_123 = vector.shape_cast %swap3A_122 : vector<16xi32> to vector<16xi32>
    %swap3A_124 = vector.shape_cast %and3A_120 : vector<16xi32> to vector<16xi32>
    tpu.vector_store %arg10[%swap3A_121], %swap3A_124 {strides = array<i32>} : memref<128xi32, #tpu.memory_space<vmem>>, vector<16xi32>,
    %shift_right_logical3A_125 = arith.constant 16 : i32
    %shift_right_logical3A_126 = vector.broadcast %shift_right_logical3A_125 : i32 to vector<16xi32>
    %shift_right_logical3A_127 = arith.shrui %get3A_117, %shift_right_logical3A_126 : vector<16xi32>
    %swap3A_128 = arith.constant 96 : index
    %swap3A_129 = tpu.vector_load %arg12[%swap3A_128] {strides = array<i32>} : memref<128xi32, #tpu.memory_space<vmem>>, vector<16xi32>,
    %swap3A_130 = vector.shape_cast %swap3A_129 : vector<16xi32> to vector<16xi32>
    %swap3A_131 = vector.shape_cast %shift_right_logical3A_127 : vector<16xi32> to vector<16xi32>
    tpu.vector_store %arg12[%swap3A_128], %swap3A_131 {strides = array<i32>} : memref<128xi32, #tpu.memory_space<vmem>>, vector<16xi32>,
    %get3A_132 = arith.constant 0 : i32
    %get3A_133 = arith.index_cast %get3A_132 : i32 to index
    %get3A_134 = arith.constant 112 : index
    %get3A_135 = tpu.vector_load %arg6[%get3A_133, %get3A_134] {strides = array<i32>} : memref<80x128xi32, #tpu.memory_space<vmem>>, vector<1x16xi32>,
    %get3A_136 = vector.shape_cast %get3A_135 : vector<1x16xi32> to vector<16xi32>
    %and3A_137 = arith.constant 65535 : i32
    %and3A_138 = vector.broadcast %and3A_137 : i32 to vector<16xi32>
    %and3A_139 = arith.andi %get3A_136, %and3A_138 : vector<16xi32>
    %swap3A_140 = arith.constant 112 : index
    %swap3A_141 = tpu.vector_load %arg10[%swap3A_140] {strides = array<i32>} : memref<128xi32, #tpu.memory_space<vmem>>, vector<16xi32>,
    %swap3A_142 = vector.shape_cast %swap3A_141 : vector<16xi32> to vector<16xi32>
    %swap3A_143 = vector.shape_cast %and3A_139 : vector<16xi32> to vector<16xi32>
    tpu.vector_store %arg10[%swap3A_140], %swap3A_143 {strides = array<i32>} : memref<128xi32, #tpu.memory_space<vmem>>, vector<16xi32>,
    %shift_right_logical3A_144 = arith.constant 16 : i32
    %shift_right_logical3A_145 = vector.broadcast %shift_right_logical3A_144 : i32 to vector<16xi32>
    %shift_right_logical3A_146 = arith.shrui %get3A_136, %shift_right_logical3A_145 : vector<16xi32>
    %swap3A_147 = arith.constant 112 : index
    %swap3A_148 = tpu.vector_load %arg12[%swap3A_147] {strides = array<i32>} : memref<128xi32, #tpu.memory_space<vmem>>, vector<16xi32>,
    %swap3A_149 = vector.shape_cast %swap3A_148 : vector<16xi32> to vector<16xi32>
    %swap3A_150 = vector.shape_cast %shift_right_logical3A_146 : vector<16xi32> to vector<16xi32>
    tpu.vector_store %arg12[%swap3A_147], %swap3A_150 {strides = array<i32>} : memref<128xi32, #tpu.memory_space<vmem>>, vector<16xi32>,
    %dma_start3A = arith.constant 0 : i32
    %dma_start3A_151 = arith.constant 0 : i32
    %dma_start3A_152 = tpu.memref_slice %arg2[%dma_start3A, %dma_start3A_151] : memref<10000x128xf32, #tpu.memory_space<hbm>> -> memref<10000x128xf32, #tpu.memory_space<hbm>>
    tpu.enqueue_indirect_dma source(%dma_start3A_152 : memref<10000x128xf32, #tpu.memory_space<hbm>>) target(%arg8 : memref<128x128xf32, #tpu.memory_space<vmem>>) offsets(%arg10 : memref<128xi32, #tpu.memory_space<vmem>>) semaphore(%arg14 : memref<!tpu.dma_semaphore, #tpu.memory_space<semaphore_mem>>)
    %get3A_153 = arith.constant 1 : i32
    %get3A_154 = arith.index_cast %get3A_153 : i32 to index
    %get3A_155 = arith.constant 0 : index
    %get3A_156 = tpu.vector_load %arg6[%get3A_154, %get3A_155] {strides = array<i32>} : memref<80x128xi32, #tpu.memory_space<vmem>>, vector<1x16xi32>,
    %get3A_157 = vector.shape_cast %get3A_156 : vector<1x16xi32> to vector<16xi32>
    %and3A_158 = arith.constant 65535 : i32
    %and3A_159 = vector.broadcast %and3A_158 : i32 to vector<16xi32>
    %and3A_160 = arith.andi %get3A_157, %and3A_159 : vector<16xi32>
    %swap3A_161 = arith.constant 0 : index
    %swap3A_162 = tpu.vector_load %arg11[%swap3A_161] {strides = array<i32>} : memref<128xi32, #tpu.memory_space<vmem>>, vector<16xi32>,
    %swap3A_163 = vector.shape_cast %swap3A_162 : vector<16xi32> to vector<16xi32>
    %swap3A_164 = vector.shape_cast %and3A_160 : vector<16xi32> to vector<16xi32>
    tpu.vector_store %arg11[%swap3A_161], %swap3A_164 {strides = array<i32>} : memref<128xi32, #tpu.memory_space<vmem>>, vector<16xi32>,
    %shift_right_logical3A_165 = arith.constant 16 : i32
    %shift_right_logical3A_166 = vector.broadcast %shift_right_logical3A_165 : i32 to vector<16xi32>
    %shift_right_logical3A_167 = arith.shrui %get3A_157, %shift_right_logical3A_166 : vector<16xi32>
    %swap3A_168 = arith.constant 0 : index
    %swap3A_169 = tpu.vector_load %arg13[%swap3A_168] {strides = array<i32>} : memref<128xi32, #tpu.memory_space<vmem>>, vector<16xi32>,
    %swap3A_170 = vector.shape_cast %swap3A_169 : vector<16xi32> to vector<16xi32>
    %swap3A_171 = vector.shape_cast %shift_right_logical3A_167 : vector<16xi32> to vector<16xi32>
    tpu.vector_store %arg13[%swap3A_168], %swap3A_171 {strides = array<i32>} : memref<128xi32, #tpu.memory_space<vmem>>, vector<16xi32>,
    %get3A_172 = arith.constant 1 : i32
    %get3A_173 = arith.index_cast %get3A_172 : i32 to index
    %get3A_174 = arith.constant 16 : index
    %get3A_175 = tpu.vector_load %arg6[%get3A_173, %get3A_174] {strides = array<i32>} : memref<80x128xi32, #tpu.memory_space<vmem>>, vector<1x16xi32>,
    %get3A_176 = vector.shape_cast %get3A_175 : vector<1x16xi32> to vector<16xi32>
    %and3A_177 = arith.constant 65535 : i32
    %and3A_178 = vector.broadcast %and3A_177 : i32 to vector<16xi32>
    %and3A_179 = arith.andi %get3A_176, %and3A_178 : vector<16xi32>
    %swap3A_180 = arith.constant 16 : index
    %swap3A_181 = tpu.vector_load %arg11[%swap3A_180] {strides = array<i32>} : memref<128xi32, #tpu.memory_space<vmem>>, vector<16xi32>,
    %swap3A_182 = vector.shape_cast %swap3A_181 : vector<16xi32> to vector<16xi32>
    %swap3A_183 = vector.shape_cast %and3A_179 : vector<16xi32> to vector<16xi32>
    tpu.vector_store %arg11[%swap3A_180], %swap3A_183 {strides = array<i32>} : memref<128xi32, #tpu.memory_space<vmem>>, vector<16xi32>,
    %shift_right_logical3A_184 = arith.constant 16 : i32
    %shift_right_logical3A_185 = vector.broadcast %shift_right_logical3A_184 : i32 to vector<16xi32>
    %shift_right_logical3A_186 = arith.shrui %get3A_176, %shift_right_logical3A_185 : vector<16xi32>
    %swap3A_187 = arith.constant 16 : index
    %swap3A_188 = tpu.vector_load %arg13[%swap3A_187] {strides = array<i32>} : memref<128xi32, #tpu.memory_space<vmem>>, vector<16xi32>,
    %swap3A_189 = vector.shape_cast %swap3A_188 : vector<16xi32> to vector<16xi32>
    %swap3A_190 = vector.shape_cast %shift_right_logical3A_186 : vector<16xi32> to vector<16xi32>
    tpu.vector_store %arg13[%swap3A_187], %swap3A_190 {strides = array<i32>} : memref<128xi32, #tpu.memory_space<vmem>>, vector<16xi32>,
    %get3A_191 = arith.constant 1 : i32
    %get3A_192 = arith.index_cast %get3A_191 : i32 to index
    %get3A_193 = arith.constant 32 : index
    %get3A_194 = tpu.vector_load %arg6[%get3A_192, %get3A_193] {strides = array<i32>} : memref<80x128xi32, #tpu.memory_space<vmem>>, vector<1x16xi32>,
    %get3A_195 = vector.shape_cast %get3A_194 : vector<1x16xi32> to vector<16xi32>
    %and3A_196 = arith.constant 65535 : i32
    %and3A_197 = vector.broadcast %and3A_196 : i32 to vector<16xi32>
    %and3A_198 = arith.andi %get3A_195, %and3A_197 : vector<16xi32>
    %swap3A_199 = arith.constant 32 : index
    %swap3A_200 = tpu.vector_load %arg11[%swap3A_199] {strides = array<i32>} : memref<128xi32, #tpu.memory_space<vmem>>, vector<16xi32>,
    %swap3A_201 = vector.shape_cast %swap3A_200 : vector<16xi32> to vector<16xi32>
    %swap3A_202 = vector.shape_cast %and3A_198 : vector<16xi32> to vector<16xi32>
    tpu.vector_store %arg11[%swap3A_199], %swap3A_202 {strides = array<i32>} : memref<128xi32, #tpu.memory_space<vmem>>, vector<16xi32>,
    %shift_right_logical3A_203 = arith.constant 16 : i32
    %shift_right_logical3A_204 = vector.broadcast %shift_right_logical3A_203 : i32 to vector<16xi32>
    %shift_right_logical3A_205 = arith.shrui %get3A_195, %shift_right_logical3A_204 : vector<16xi32>
    %swap3A_206 = arith.constant 32 : index
    %swap3A_207 = tpu.vector_load %arg13[%swap3A_206] {strides = array<i32>} : memref<128xi32, #tpu.memory_space<vmem>>, vector<16xi32>,
    %swap3A_208 = vector.shape_cast %swap3A_207 : vector<16xi32> to vector<16xi32>
    %swap3A_209 = vector.shape_cast %shift_right_logical3A_205 : vector<16xi32> to vector<16xi32>
    tpu.vector_store %arg13[%swap3A_206], %swap3A_209 {strides = array<i32>} : memref<128xi32, #tpu.memory_space<vmem>>, vector<16xi32>,
    %get3A_210 = arith.constant 1 : i32
    %get3A_211 = arith.index_cast %get3A_210 : i32 to index
    %get3A_212 = arith.constant 48 : index
    %get3A_213 = tpu.vector_load %arg6[%get3A_211, %get3A_212] {strides = array<i32>} : memref<80x128xi32, #tpu.memory_space<vmem>>, vector<1x16xi32>,
    %get3A_214 = vector.shape_cast %get3A_213 : vector<1x16xi32> to vector<16xi32>
    %and3A_215 = arith.constant 65535 : i32
    %and3A_216 = vector.broadcast %and3A_215 : i32 to vector<16xi32>
    %and3A_217 = arith.andi %get3A_214, %and3A_216 : vector<16xi32>
    %swap3A_218 = arith.constant 48 : index
    %swap3A_219 = tpu.vector_load %arg11[%swap3A_218] {strides = array<i32>} : memref<128xi32, #tpu.memory_space<vmem>>, vector<16xi32>,
    %swap3A_220 = vector.shape_cast %swap3A_219 : vector<16xi32> to vector<16xi32>
    %swap3A_221 = vector.shape_cast %and3A_217 : vector<16xi32> to vector<16xi32>
    tpu.vector_store %arg11[%swap3A_218], %swap3A_221 {strides = array<i32>} : memref<128xi32, #tpu.memory_space<vmem>>, vector<16xi32>,
    %shift_right_logical3A_222 = arith.constant 16 : i32
    %shift_right_logical3A_223 = vector.broadcast %shift_right_logical3A_222 : i32 to vector<16xi32>
    %shift_right_logical3A_224 = arith.shrui %get3A_214, %shift_right_logical3A_223 : vector<16xi32>
    %swap3A_225 = arith.constant 48 : index
    %swap3A_226 = tpu.vector_load %arg13[%swap3A_225] {strides = array<i32>} : memref<128xi32, #tpu.memory_space<vmem>>, vector<16xi32>,
    %swap3A_227 = vector.shape_cast %swap3A_226 : vector<16xi32> to vector<16xi32>
    %swap3A_228 = vector.shape_cast %shift_right_logical3A_224 : vector<16xi32> to vector<16xi32>
    tpu.vector_store %arg13[%swap3A_225], %swap3A_228 {strides = array<i32>} : memref<128xi32, #tpu.memory_space<vmem>>, vector<16xi32>,
    %get3A_229 = arith.constant 1 : i32
    %get3A_230 = arith.index_cast %get3A_229 : i32 to index
    %get3A_231 = arith.constant 64 : index
    %get3A_232 = tpu.vector_load %arg6[%get3A_230, %get3A_231] {strides = array<i32>} : memref<80x128xi32, #tpu.memory_space<vmem>>, vector<1x16xi32>,
    %get3A_233 = vector.shape_cast %get3A_232 : vector<1x16xi32> to vector<16xi32>
    %and3A_234 = arith.constant 65535 : i32
    %and3A_235 = vector.broadcast %and3A_234 : i32 to vector<16xi32>
    %and3A_236 = arith.andi %get3A_233, %and3A_235 : vector<16xi32>
    %swap3A_237 = arith.constant 64 : index
    %swap3A_238 = tpu.vector_load %arg11[%swap3A_237] {strides = array<i32>} : memref<128xi32, #tpu.memory_space<vmem>>, vector<16xi32>,
    %swap3A_239 = vector.shape_cast %swap3A_238 : vector<16xi32> to vector<16xi32>
    %swap3A_240 = vector.shape_cast %and3A_236 : vector<16xi32> to vector<16xi32>
    tpu.vector_store %arg11[%swap3A_237], %swap3A_240 {strides = array<i32>} : memref<128xi32, #tpu.memory_space<vmem>>, vector<16xi32>,
    %shift_right_logical3A_241 = arith.constant 16 : i32
    %shift_right_logical3A_242 = vector.broadcast %shift_right_logical3A_241 : i32 to vector<16xi32>
    %shift_right_logical3A_243 = arith.shrui %get3A_233, %shift_right_logical3A_242 : vector<16xi32>
    %swap3A_244 = arith.constant 64 : index
    %swap3A_245 = tpu.vector_load %arg13[%swap3A_244] {strides = array<i32>} : memref<128xi32, #tpu.memory_space<vmem>>, vector<16xi32>,
    %swap3A_246 = vector.shape_cast %swap3A_245 : vector<16xi32> to vector<16xi32>
    %swap3A_247 = vector.shape_cast %shift_right_logical3A_243 : vector<16xi32> to vector<16xi32>
    tpu.vector_store %arg13[%swap3A_244], %swap3A_247 {strides = array<i32>} : memref<128xi32, #tpu.memory_space<vmem>>, vector<16xi32>,
    %get3A_248 = arith.constant 1 : i32
    %get3A_249 = arith.index_cast %get3A_248 : i32 to index
    %get3A_250 = arith.constant 80 : index
    %get3A_251 = tpu.vector_load %arg6[%get3A_249, %get3A_250] {strides = array<i32>} : memref<80x128xi32, #tpu.memory_space<vmem>>, vector<1x16xi32>,
    %get3A_252 = vector.shape_cast %get3A_251 : vector<1x16xi32> to vector<16xi32>
    %and3A_253 = arith.constant 65535 : i32
    %and3A_254 = vector.broadcast %and3A_253 : i32 to vector<16xi32>
    %and3A_255 = arith.andi %get3A_252, %and3A_254 : vector<16xi32>
    %swap3A_256 = arith.constant 80 : index
    %swap3A_257 = tpu.vector_load %arg11[%swap3A_256] {strides = array<i32>} : memref<128xi32, #tpu.memory_space<vmem>>, vector<16xi32>,
    %swap3A_258 = vector.shape_cast %swap3A_257 : vector<16xi32> to vector<16xi32>
    %swap3A_259 = vector.shape_cast %and3A_255 : vector<16xi32> to vector<16xi32>
    tpu.vector_store %arg11[%swap3A_256], %swap3A_259 {strides = array<i32>} : memref<128xi32, #tpu.memory_space<vmem>>, vector<16xi32>,
    %shift_right_logical3A_260 = arith.constant 16 : i32
    %shift_right_logical3A_261 = vector.broadcast %shift_right_logical3A_260 : i32 to vector<16xi32>
    %shift_right_logical3A_262 = arith.shrui %get3A_252, %shift_right_logical3A_261 : vector<16xi32>
    %swap3A_263 = arith.constant 80 : index
    %swap3A_264 = tpu.vector_load %arg13[%swap3A_263] {strides = array<i32>} : memref<128xi32, #tpu.memory_space<vmem>>, vector<16xi32>,
    %swap3A_265 = vector.shape_cast %swap3A_264 : vector<16xi32> to vector<16xi32>
    %swap3A_266 = vector.shape_cast %shift_right_logical3A_262 : vector<16xi32> to vector<16xi32>
    tpu.vector_store %arg13[%swap3A_263], %swap3A_266 {strides = array<i32>} : memref<128xi32, #tpu.memory_space<vmem>>, vector<16xi32>,
    %get3A_267 = arith.constant 1 : i32
    %get3A_268 = arith.index_cast %get3A_267 : i32 to index
    %get3A_269 = arith.constant 96 : index
    %get3A_270 = tpu.vector_load %arg6[%get3A_268, %get3A_269] {strides = array<i32>} : memref<80x128xi32, #tpu.memory_space<vmem>>, vector<1x16xi32>,
    %get3A_271 = vector.shape_cast %get3A_270 : vector<1x16xi32> to vector<16xi32>
    %and3A_272 = arith.constant 65535 : i32
    %and3A_273 = vector.broadcast %and3A_272 : i32 to vector<16xi32>
    %and3A_274 = arith.andi %get3A_271, %and3A_273 : vector<16xi32>
    %swap3A_275 = arith.constant 96 : index
    %swap3A_276 = tpu.vector_load %arg11[%swap3A_275] {strides = array<i32>} : memref<128xi32, #tpu.memory_space<vmem>>, vector<16xi32>,
    %swap3A_277 = vector.shape_cast %swap3A_276 : vector<16xi32> to vector<16xi32>
    %swap3A_278 = vector.shape_cast %and3A_274 : vector<16xi32> to vector<16xi32>
    tpu.vector_store %arg11[%swap3A_275], %swap3A_278 {strides = array<i32>} : memref<128xi32, #tpu.memory_space<vmem>>, vector<16xi32>,
    %shift_right_logical3A_279 = arith.constant 16 : i32
    %shift_right_logical3A_280 = vector.broadcast %shift_right_logical3A_279 : i32 to vector<16xi32>
    %shift_right_logical3A_281 = arith.shrui %get3A_271, %shift_right_logical3A_280 : vector<16xi32>
    %swap3A_282 = arith.constant 96 : index
    %swap3A_283 = tpu.vector_load %arg13[%swap3A_282] {strides = array<i32>} : memref<128xi32, #tpu.memory_space<vmem>>, vector<16xi32>,
    %swap3A_284 = vector.shape_cast %swap3A_283 : vector<16xi32> to vector<16xi32>
    %swap3A_285 = vector.shape_cast %shift_right_logical3A_281 : vector<16xi32> to vector<16xi32>
    tpu.vector_store %arg13[%swap3A_282], %swap3A_285 {strides = array<i32>} : memref<128xi32, #tpu.memory_space<vmem>>, vector<16xi32>,
    %get3A_286 = arith.constant 1 : i32
    %get3A_287 = arith.index_cast %get3A_286 : i32 to index
    %get3A_288 = arith.constant 112 : index
    %get3A_289 = tpu.vector_load %arg6[%get3A_287, %get3A_288] {strides = array<i32>} : memref<80x128xi32, #tpu.memory_space<vmem>>, vector<1x16xi32>,
    %get3A_290 = vector.shape_cast %get3A_289 : vector<1x16xi32> to vector<16xi32>
    %and3A_291 = arith.constant 65535 : i32
    %and3A_292 = vector.broadcast %and3A_291 : i32 to vector<16xi32>
    %and3A_293 = arith.andi %get3A_290, %and3A_292 : vector<16xi32>
    %swap3A_294 = arith.constant 112 : index
    %swap3A_295 = tpu.vector_load %arg11[%swap3A_294] {strides = array<i32>} : memref<128xi32, #tpu.memory_space<vmem>>, vector<16xi32>,
    %swap3A_296 = vector.shape_cast %swap3A_295 : vector<16xi32> to vector<16xi32>
    %swap3A_297 = vector.shape_cast %and3A_293 : vector<16xi32> to vector<16xi32>
    tpu.vector_store %arg11[%swap3A_294], %swap3A_297 {strides = array<i32>} : memref<128xi32, #tpu.memory_space<vmem>>, vector<16xi32>,
    %shift_right_logical3A_298 = arith.constant 16 : i32
    %shift_right_logical3A_299 = vector.broadcast %shift_right_logical3A_298 : i32 to vector<16xi32>
    %shift_right_logical3A_300 = arith.shrui %get3A_290, %shift_right_logical3A_299 : vector<16xi32>
    %swap3A_301 = arith.constant 112 : index
    %swap3A_302 = tpu.vector_load %arg13[%swap3A_301] {strides = array<i32>} : memref<128xi32, #tpu.memory_space<vmem>>, vector<16xi32>,
    %swap3A_303 = vector.shape_cast %swap3A_302 : vector<16xi32> to vector<16xi32>
    %swap3A_304 = vector.shape_cast %shift_right_logical3A_300 : vector<16xi32> to vector<16xi32>
    tpu.vector_store %arg13[%swap3A_301], %swap3A_304 {strides = array<i32>} : memref<128xi32, #tpu.memory_space<vmem>>, vector<16xi32>,
    %dma_start3A_305 = arith.constant 0 : i32
    %dma_start3A_306 = arith.constant 0 : i32
    %dma_start3A_307 = tpu.memref_slice %arg2[%dma_start3A_305, %dma_start3A_306] : memref<10000x128xf32, #tpu.memory_space<hbm>> -> memref<10000x128xf32, #tpu.memory_space<hbm>>
    tpu.enqueue_indirect_dma source(%dma_start3A_307 : memref<10000x128xf32, #tpu.memory_space<hbm>>) target(%arg9 : memref<128x128xf32, #tpu.memory_space<vmem>>) offsets(%arg11 : memref<128xi32, #tpu.memory_space<vmem>>) semaphore(%arg15 : memref<!tpu.dma_semaphore, #tpu.memory_space<semaphore_mem>>)
    %scan3A = arith.constant 0 : i32
    %scan3A_308 = arith.constant 0 : i32
    %scan3A_309 = arith.constant 40 : i32
    %scan3A_310 = arith.addi %scan3A_308, %scan3A_309 : i32
    %scan3A_311 = arith.constant 1 : i32
    scf.for %scan3A_317 = %scan3A_308 to %scan3A_310 step %scan3A_311  : i32 {
      %mul3A_318 = arith.constant 2 : i32
      %mul3A_319 = arith.muli %scan3A_317, %mul3A_318 : i32
      %add3A_320 = arith.constant 0 : i32
      %add3A_321 = arith.addi %mul3A_319, %add3A_320 : i32
      %dma_wait3A = arith.constant 0 : i32
      %dma_wait3A_322 = arith.constant 0 : i32
      %dma_wait3A_323 = tpu.memref_slice %arg2[%dma_wait3A, %dma_wait3A_322] : memref<10000x128xf32, #tpu.memory_space<hbm>> -> memref<128x128xf32, #tpu.memory_space<hbm>>
      %dma_wait3A_324 = arith.constant 0 : i32
      %dma_wait3A_325 = arith.constant 0 : i32
      %dma_wait3A_326 = tpu.memref_slice %arg2[%dma_wait3A_324, %dma_wait3A_325] : memref<10000x128xf32, #tpu.memory_space<hbm>> -> memref<128x128xf32, #tpu.memory_space<hbm>>
      tpu.wait_dma2 semaphore(%arg14 : memref<!tpu.dma_semaphore, #tpu.memory_space<semaphore_mem>>) src(%dma_wait3A_326 : memref<128x128xf32, #tpu.memory_space<hbm>>) dst(%arg8 : memref<128x128xf32, #tpu.memory_space<vmem>>)
      "tpu.region"() ({
        %run_scoped3A = tpu.sem_alloc : memref<!tpu.dma_semaphore, #tpu.memory_space<semaphore_mem>>
        %dma_start3A_348 = arith.constant 0 : i32
        %dma_start3A_349 = arith.constant 0 : i32
        %dma_start3A_350 = tpu.memref_slice %arg7[%dma_start3A_348, %dma_start3A_349] : memref<10112x128xf32, #tpu.memory_space<vmem_shared>> -> memref<10112x128xf32, #tpu.memory_space<vmem_shared>>
        tpu.enqueue_indirect_dma source(%arg8 : memref<128x128xf32, #tpu.memory_space<vmem>>) target(%dma_start3A_350 : memref<10112x128xf32, #tpu.memory_space<vmem_shared>>) offsets(%arg12 : memref<128xi32, #tpu.memory_space<vmem>>) semaphore(%run_scoped3A : memref<!tpu.dma_semaphore, #tpu.memory_space<semaphore_mem>>) {add = true}
        %dma_wait3A_351 = arith.constant 0 : i32
        %dma_wait3A_352 = arith.constant 0 : i32
        %dma_wait3A_353 = tpu.memref_slice %arg7[%dma_wait3A_351, %dma_wait3A_352] : memref<10112x128xf32, #tpu.memory_space<vmem_shared>> -> memref<10112x128xf32, #tpu.memory_space<vmem_shared>>
        tpu.wait_indirect_dma semaphore(%run_scoped3A : memref<!tpu.dma_semaphore, #tpu.memory_space<semaphore_mem>>) src(%arg8 : memref<128x128xf32, #tpu.memory_space<vmem>>) dst(%dma_wait3A_353 : memref<10112x128xf32, #tpu.memory_space<vmem_shared>>)
        tpu.yield
      }) : () -> ()
      %add3A_327 = arith.constant 2 : i32
      %add3A_328 = arith.addi %add3A_321, %add3A_327 : i32
      %lt3A = arith.constant 80 : i32
      %lt3A_329 = arith.cmpi slt, %add3A_328, %lt3A : i32
      %convert_element_type3A = arith.extui %lt3A_329 : i1 to i32
      %cond3A = arith.constant 0 : i32
      %cond3A_330 = arith.cmpi ne, %convert_element_type3A, %cond3A : i32
      scf.if %cond3A_330 {
        %get3A_348 = arith.index_cast %add3A_328 : i32 to index
        %get3A_349 = arith.constant 0 : index
        %get3A_350 = tpu.vector_load %arg6[%get3A_348, %get3A_349] {strides = array<i32>} : memref<80x128xi32, #tpu.memory_space<vmem>>, vector<1x16xi32>,
        %get3A_351 = vector.shape_cast %get3A_350 : vector<1x16xi32> to vector<16xi32>
        %and3A_352 = arith.constant 65535 : i32
        %and3A_353 = vector.broadcast %and3A_352 : i32 to vector<16xi32>
        %and3A_354 = arith.andi %get3A_351, %and3A_353 : vector<16xi32>
        %swap3A_355 = arith.constant 0 : index
        %swap3A_356 = tpu.vector_load %arg10[%swap3A_355] {strides = array<i32>} : memref<128xi32, #tpu.memory_space<vmem>>, vector<16xi32>,
        %swap3A_357 = vector.shape_cast %swap3A_356 : vector<16xi32> to vector<16xi32>
        %swap3A_358 = vector.shape_cast %and3A_354 : vector<16xi32> to vector<16xi32>
        tpu.vector_store %arg10[%swap3A_355], %swap3A_358 {strides = array<i32>} : memref<128xi32, #tpu.memory_space<vmem>>, vector<16xi32>,
        %shift_right_logical3A_359 = arith.constant 16 : i32
        %shift_right_logical3A_360 = vector.broadcast %shift_right_logical3A_359 : i32 to vector<16xi32>
        %shift_right_logical3A_361 = arith.shrui %get3A_351, %shift_right_logical3A_360 : vector<16xi32>
        %swap3A_362 = arith.constant 0 : index
        %swap3A_363 = tpu.vector_load %arg12[%swap3A_362] {strides = array<i32>} : memref<128xi32, #tpu.memory_space<vmem>>, vector<16xi32>,
        %swap3A_364 = vector.shape_cast %swap3A_363 : vector<16xi32> to vector<16xi32>
        %swap3A_365 = vector.shape_cast %shift_right_logical3A_361 : vector<16xi32> to vector<16xi32>
        tpu.vector_store %arg12[%swap3A_362], %swap3A_365 {strides = array<i32>} : memref<128xi32, #tpu.memory_space<vmem>>, vector<16xi32>,
        %get3A_366 = arith.index_cast %add3A_328 : i32 to index
        %get3A_367 = arith.constant 16 : index
        %get3A_368 = tpu.vector_load %arg6[%get3A_366, %get3A_367] {strides = array<i32>} : memref<80x128xi32, #tpu.memory_space<vmem>>, vector<1x16xi32>,
        %get3A_369 = vector.shape_cast %get3A_368 : vector<1x16xi32> to vector<16xi32>
        %and3A_370 = arith.constant 65535 : i32
        %and3A_371 = vector.broadcast %and3A_370 : i32 to vector<16xi32>
        %and3A_372 = arith.andi %get3A_369, %and3A_371 : vector<16xi32>
        %swap3A_373 = arith.constant 16 : index
        %swap3A_374 = tpu.vector_load %arg10[%swap3A_373] {strides = array<i32>} : memref<128xi32, #tpu.memory_space<vmem>>, vector<16xi32>,
        %swap3A_375 = vector.shape_cast %swap3A_374 : vector<16xi32> to vector<16xi32>
        %swap3A_376 = vector.shape_cast %and3A_372 : vector<16xi32> to vector<16xi32>
        tpu.vector_store %arg10[%swap3A_373], %swap3A_376 {strides = array<i32>} : memref<128xi32, #tpu.memory_space<vmem>>, vector<16xi32>,
        %shift_right_logical3A_377 = arith.constant 16 : i32
        %shift_right_logical3A_378 = vector.broadcast %shift_right_logical3A_377 : i32 to vector<16xi32>
        %shift_right_logical3A_379 = arith.shrui %get3A_369, %shift_right_logical3A_378 : vector<16xi32>
        %swap3A_380 = arith.constant 16 : index
        %swap3A_381 = tpu.vector_load %arg12[%swap3A_380] {strides = array<i32>} : memref<128xi32, #tpu.memory_space<vmem>>, vector<16xi32>,
        %swap3A_382 = vector.shape_cast %swap3A_381 : vector<16xi32> to vector<16xi32>
        %swap3A_383 = vector.shape_cast %shift_right_logical3A_379 : vector<16xi32> to vector<16xi32>
        tpu.vector_store %arg12[%swap3A_380], %swap3A_383 {strides = array<i32>} : memref<128xi32, #tpu.memory_space<vmem>>, vector<16xi32>,
        %get3A_384 = arith.index_cast %add3A_328 : i32 to index
        %get3A_385 = arith.constant 32 : index
        %get3A_386 = tpu.vector_load %arg6[%get3A_384, %get3A_385] {strides = array<i32>} : memref<80x128xi32, #tpu.memory_space<vmem>>, vector<1x16xi32>,
        %get3A_387 = vector.shape_cast %get3A_386 : vector<1x16xi32> to vector<16xi32>
        %and3A_388 = arith.constant 65535 : i32
        %and3A_389 = vector.broadcast %and3A_388 : i32 to vector<16xi32>
        %and3A_390 = arith.andi %get3A_387, %and3A_389 : vector<16xi32>
        %swap3A_391 = arith.constant 32 : index
        %swap3A_392 = tpu.vector_load %arg10[%swap3A_391] {strides = array<i32>} : memref<128xi32, #tpu.memory_space<vmem>>, vector<16xi32>,
        %swap3A_393 = vector.shape_cast %swap3A_392 : vector<16xi32> to vector<16xi32>
        %swap3A_394 = vector.shape_cast %and3A_390 : vector<16xi32> to vector<16xi32>
        tpu.vector_store %arg10[%swap3A_391], %swap3A_394 {strides = array<i32>} : memref<128xi32, #tpu.memory_space<vmem>>, vector<16xi32>,
        %shift_right_logical3A_395 = arith.constant 16 : i32
        %shift_right_logical3A_396 = vector.broadcast %shift_right_logical3A_395 : i32 to vector<16xi32>
        %shift_right_logical3A_397 = arith.shrui %get3A_387, %shift_right_logical3A_396 : vector<16xi32>
        %swap3A_398 = arith.constant 32 : index
        %swap3A_399 = tpu.vector_load %arg12[%swap3A_398] {strides = array<i32>} : memref<128xi32, #tpu.memory_space<vmem>>, vector<16xi32>,
        %swap3A_400 = vector.shape_cast %swap3A_399 : vector<16xi32> to vector<16xi32>
        %swap3A_401 = vector.shape_cast %shift_right_logical3A_397 : vector<16xi32> to vector<16xi32>
        tpu.vector_store %arg12[%swap3A_398], %swap3A_401 {strides = array<i32>} : memref<128xi32, #tpu.memory_space<vmem>>, vector<16xi32>,
        %get3A_402 = arith.index_cast %add3A_328 : i32 to index
        %get3A_403 = arith.constant 48 : index
        %get3A_404 = tpu.vector_load %arg6[%get3A_402, %get3A_403] {strides = array<i32>} : memref<80x128xi32, #tpu.memory_space<vmem>>, vector<1x16xi32>,
        %get3A_405 = vector.shape_cast %get3A_404 : vector<1x16xi32> to vector<16xi32>
        %and3A_406 = arith.constant 65535 : i32
        %and3A_407 = vector.broadcast %and3A_406 : i32 to vector<16xi32>
        %and3A_408 = arith.andi %get3A_405, %and3A_407 : vector<16xi32>
        %swap3A_409 = arith.constant 48 : index
        %swap3A_410 = tpu.vector_load %arg10[%swap3A_409] {strides = array<i32>} : memref<128xi32, #tpu.memory_space<vmem>>, vector<16xi32>,
        %swap3A_411 = vector.shape_cast %swap3A_410 : vector<16xi32> to vector<16xi32>
        %swap3A_412 = vector.shape_cast %and3A_408 : vector<16xi32> to vector<16xi32>
        tpu.vector_store %arg10[%swap3A_409], %swap3A_412 {strides = array<i32>} : memref<128xi32, #tpu.memory_space<vmem>>, vector<16xi32>,
        %shift_right_logical3A_413 = arith.constant 16 : i32
        %shift_right_logical3A_414 = vector.broadcast %shift_right_logical3A_413 : i32 to vector<16xi32>
        %shift_right_logical3A_415 = arith.shrui %get3A_405, %shift_right_logical3A_414 : vector<16xi32>
        %swap3A_416 = arith.constant 48 : index
        %swap3A_417 = tpu.vector_load %arg12[%swap3A_416] {strides = array<i32>} : memref<128xi32, #tpu.memory_space<vmem>>, vector<16xi32>,
        %swap3A_418 = vector.shape_cast %swap3A_417 : vector<16xi32> to vector<16xi32>
        %swap3A_419 = vector.shape_cast %shift_right_logical3A_415 : vector<16xi32> to vector<16xi32>
        tpu.vector_store %arg12[%swap3A_416], %swap3A_419 {strides = array<i32>} : memref<128xi32, #tpu.memory_space<vmem>>, vector<16xi32>,
        %get3A_420 = arith.index_cast %add3A_328 : i32 to index
        %get3A_421 = arith.constant 64 : index
        %get3A_422 = tpu.vector_load %arg6[%get3A_420, %get3A_421] {strides = array<i32>} : memref<80x128xi32, #tpu.memory_space<vmem>>, vector<1x16xi32>,
        %get3A_423 = vector.shape_cast %get3A_422 : vector<1x16xi32> to vector<16xi32>
        %and3A_424 = arith.constant 65535 : i32
        %and3A_425 = vector.broadcast %and3A_424 : i32 to vector<16xi32>
        %and3A_426 = arith.andi %get3A_423, %and3A_425 : vector<16xi32>
        %swap3A_427 = arith.constant 64 : index
        %swap3A_428 = tpu.vector_load %arg10[%swap3A_427] {strides = array<i32>} : memref<128xi32, #tpu.memory_space<vmem>>, vector<16xi32>,
        %swap3A_429 = vector.shape_cast %swap3A_428 : vector<16xi32> to vector<16xi32>
        %swap3A_430 = vector.shape_cast %and3A_426 : vector<16xi32> to vector<16xi32>
        tpu.vector_store %arg10[%swap3A_427], %swap3A_430 {strides = array<i32>} : memref<128xi32, #tpu.memory_space<vmem>>, vector<16xi32>,
        %shift_right_logical3A_431 = arith.constant 16 : i32
        %shift_right_logical3A_432 = vector.broadcast %shift_right_logical3A_431 : i32 to vector<16xi32>
        %shift_right_logical3A_433 = arith.shrui %get3A_423, %shift_right_logical3A_432 : vector<16xi32>
        %swap3A_434 = arith.constant 64 : index
        %swap3A_435 = tpu.vector_load %arg12[%swap3A_434] {strides = array<i32>} : memref<128xi32, #tpu.memory_space<vmem>>, vector<16xi32>,
        %swap3A_436 = vector.shape_cast %swap3A_435 : vector<16xi32> to vector<16xi32>
        %swap3A_437 = vector.shape_cast %shift_right_logical3A_433 : vector<16xi32> to vector<16xi32>
        tpu.vector_store %arg12[%swap3A_434], %swap3A_437 {strides = array<i32>} : memref<128xi32, #tpu.memory_space<vmem>>, vector<16xi32>,
        %get3A_438 = arith.index_cast %add3A_328 : i32 to index
        %get3A_439 = arith.constant 80 : index
        %get3A_440 = tpu.vector_load %arg6[%get3A_438, %get3A_439] {strides = array<i32>} : memref<80x128xi32, #tpu.memory_space<vmem>>, vector<1x16xi32>,
        %get3A_441 = vector.shape_cast %get3A_440 : vector<1x16xi32> to vector<16xi32>
        %and3A_442 = arith.constant 65535 : i32
        %and3A_443 = vector.broadcast %and3A_442 : i32 to vector<16xi32>
        %and3A_444 = arith.andi %get3A_441, %and3A_443 : vector<16xi32>
        %swap3A_445 = arith.constant 80 : index
        %swap3A_446 = tpu.vector_load %arg10[%swap3A_445] {strides = array<i32>} : memref<128xi32, #tpu.memory_space<vmem>>, vector<16xi32>,
        %swap3A_447 = vector.shape_cast %swap3A_446 : vector<16xi32> to vector<16xi32>
        %swap3A_448 = vector.shape_cast %and3A_444 : vector<16xi32> to vector<16xi32>
        tpu.vector_store %arg10[%swap3A_445], %swap3A_448 {strides = array<i32>} : memref<128xi32, #tpu.memory_space<vmem>>, vector<16xi32>,
        %shift_right_logical3A_449 = arith.constant 16 : i32
        %shift_right_logical3A_450 = vector.broadcast %shift_right_logical3A_449 : i32 to vector<16xi32>
        %shift_right_logical3A_451 = arith.shrui %get3A_441, %shift_right_logical3A_450 : vector<16xi32>
        %swap3A_452 = arith.constant 80 : index
        %swap3A_453 = tpu.vector_load %arg12[%swap3A_452] {strides = array<i32>} : memref<128xi32, #tpu.memory_space<vmem>>, vector<16xi32>,
        %swap3A_454 = vector.shape_cast %swap3A_453 : vector<16xi32> to vector<16xi32>
        %swap3A_455 = vector.shape_cast %shift_right_logical3A_451 : vector<16xi32> to vector<16xi32>
        tpu.vector_store %arg12[%swap3A_452], %swap3A_455 {strides = array<i32>} : memref<128xi32, #tpu.memory_space<vmem>>, vector<16xi32>,
        %get3A_456 = arith.index_cast %add3A_328 : i32 to index
        %get3A_457 = arith.constant 96 : index
        %get3A_458 = tpu.vector_load %arg6[%get3A_456, %get3A_457] {strides = array<i32>} : memref<80x128xi32, #tpu.memory_space<vmem>>, vector<1x16xi32>,
        %get3A_459 = vector.shape_cast %get3A_458 : vector<1x16xi32> to vector<16xi32>
        %and3A_460 = arith.constant 65535 : i32
        %and3A_461 = vector.broadcast %and3A_460 : i32 to vector<16xi32>
        %and3A_462 = arith.andi %get3A_459, %and3A_461 : vector<16xi32>
        %swap3A_463 = arith.constant 96 : index
        %swap3A_464 = tpu.vector_load %arg10[%swap3A_463] {strides = array<i32>} : memref<128xi32, #tpu.memory_space<vmem>>, vector<16xi32>,
        %swap3A_465 = vector.shape_cast %swap3A_464 : vector<16xi32> to vector<16xi32>
        %swap3A_466 = vector.shape_cast %and3A_462 : vector<16xi32> to vector<16xi32>
        tpu.vector_store %arg10[%swap3A_463], %swap3A_466 {strides = array<i32>} : memref<128xi32, #tpu.memory_space<vmem>>, vector<16xi32>,
        %shift_right_logical3A_467 = arith.constant 16 : i32
        %shift_right_logical3A_468 = vector.broadcast %shift_right_logical3A_467 : i32 to vector<16xi32>
        %shift_right_logical3A_469 = arith.shrui %get3A_459, %shift_right_logical3A_468 : vector<16xi32>
        %swap3A_470 = arith.constant 96 : index
        %swap3A_471 = tpu.vector_load %arg12[%swap3A_470] {strides = array<i32>} : memref<128xi32, #tpu.memory_space<vmem>>, vector<16xi32>,
        %swap3A_472 = vector.shape_cast %swap3A_471 : vector<16xi32> to vector<16xi32>
        %swap3A_473 = vector.shape_cast %shift_right_logical3A_469 : vector<16xi32> to vector<16xi32>
        tpu.vector_store %arg12[%swap3A_470], %swap3A_473 {strides = array<i32>} : memref<128xi32, #tpu.memory_space<vmem>>, vector<16xi32>,
        %get3A_474 = arith.index_cast %add3A_328 : i32 to index
        %get3A_475 = arith.constant 112 : index
        %get3A_476 = tpu.vector_load %arg6[%get3A_474, %get3A_475] {strides = array<i32>} : memref<80x128xi32, #tpu.memory_space<vmem>>, vector<1x16xi32>,
        %get3A_477 = vector.shape_cast %get3A_476 : vector<1x16xi32> to vector<16xi32>
        %and3A_478 = arith.constant 65535 : i32
        %and3A_479 = vector.broadcast %and3A_478 : i32 to vector<16xi32>
        %and3A_480 = arith.andi %get3A_477, %and3A_479 : vector<16xi32>
        %swap3A_481 = arith.constant 112 : index
        %swap3A_482 = tpu.vector_load %arg10[%swap3A_481] {strides = array<i32>} : memref<128xi32, #tpu.memory_space<vmem>>, vector<16xi32>,
        %swap3A_483 = vector.shape_cast %swap3A_482 : vector<16xi32> to vector<16xi32>
        %swap3A_484 = vector.shape_cast %and3A_480 : vector<16xi32> to vector<16xi32>
        tpu.vector_store %arg10[%swap3A_481], %swap3A_484 {strides = array<i32>} : memref<128xi32, #tpu.memory_space<vmem>>, vector<16xi32>,
        %shift_right_logical3A_485 = arith.constant 16 : i32
        %shift_right_logical3A_486 = vector.broadcast %shift_right_logical3A_485 : i32 to vector<16xi32>
        %shift_right_logical3A_487 = arith.shrui %get3A_477, %shift_right_logical3A_486 : vector<16xi32>
        %swap3A_488 = arith.constant 112 : index
        %swap3A_489 = tpu.vector_load %arg12[%swap3A_488] {strides = array<i32>} : memref<128xi32, #tpu.memory_space<vmem>>, vector<16xi32>,
        %swap3A_490 = vector.shape_cast %swap3A_489 : vector<16xi32> to vector<16xi32>
        %swap3A_491 = vector.shape_cast %shift_right_logical3A_487 : vector<16xi32> to vector<16xi32>
        tpu.vector_store %arg12[%swap3A_488], %swap3A_491 {strides = array<i32>} : memref<128xi32, #tpu.memory_space<vmem>>, vector<16xi32>,
        %dma_start3A_492 = arith.constant 0 : i32
        %dma_start3A_493 = arith.constant 0 : i32
        %dma_start3A_494 = tpu.memref_slice %arg2[%dma_start3A_492, %dma_start3A_493] : memref<10000x128xf32, #tpu.memory_space<hbm>> -> memref<10000x128xf32, #tpu.memory_space<hbm>>
        tpu.enqueue_indirect_dma source(%dma_start3A_494 : memref<10000x128xf32, #tpu.memory_space<hbm>>) target(%arg8 : memref<128x128xf32, #tpu.memory_space<vmem>>) offsets(%arg10 : memref<128xi32, #tpu.memory_space<vmem>>) semaphore(%arg14 : memref<!tpu.dma_semaphore, #tpu.memory_space<semaphore_mem>>)
      } else {
      }
      %mul3A_331 = arith.constant 2 : i32
      %mul3A_332 = arith.muli %scan3A_317, %mul3A_331 : i32
      %add3A_333 = arith.constant 1 : i32
      %add3A_334 = arith.addi %mul3A_332, %add3A_333 : i32
      %dma_wait3A_335 = arith.constant 0 : i32
      %dma_wait3A_336 = arith.constant 0 : i32
      %dma_wait3A_337 = tpu.memref_slice %arg2[%dma_wait3A_335, %dma_wait3A_336] : memref<10000x128xf32, #tpu.memory_space<hbm>> -> memref<128x128xf32, #tpu.memory_space<hbm>>
      %dma_wait3A_338 = arith.constant 0 : i32
      %dma_wait3A_339 = arith.constant 0 : i32
      %dma_wait3A_340 = tpu.memref_slice %arg2[%dma_wait3A_338, %dma_wait3A_339] : memref<10000x128xf32, #tpu.memory_space<hbm>> -> memref<128x128xf32, #tpu.memory_space<hbm>>
      tpu.wait_dma2 semaphore(%arg15 : memref<!tpu.dma_semaphore, #tpu.memory_space<semaphore_mem>>) src(%dma_wait3A_340 : memref<128x128xf32, #tpu.memory_space<hbm>>) dst(%arg9 : memref<128x128xf32, #tpu.memory_space<vmem>>)
      "tpu.region"() ({
        %run_scoped3A = tpu.sem_alloc : memref<!tpu.dma_semaphore, #tpu.memory_space<semaphore_mem>>
        %dma_start3A_348 = arith.constant 0 : i32
        %dma_start3A_349 = arith.constant 0 : i32
        %dma_start3A_350 = tpu.memref_slice %arg7[%dma_start3A_348, %dma_start3A_349] : memref<10112x128xf32, #tpu.memory_space<vmem_shared>> -> memref<10112x128xf32, #tpu.memory_space<vmem_shared>>
        tpu.enqueue_indirect_dma source(%arg9 : memref<128x128xf32, #tpu.memory_space<vmem>>) target(%dma_start3A_350 : memref<10112x128xf32, #tpu.memory_space<vmem_shared>>) offsets(%arg13 : memref<128xi32, #tpu.memory_space<vmem>>) semaphore(%run_scoped3A : memref<!tpu.dma_semaphore, #tpu.memory_space<semaphore_mem>>) {add = true}
        %dma_wait3A_351 = arith.constant 0 : i32
        %dma_wait3A_352 = arith.constant 0 : i32
        %dma_wait3A_353 = tpu.memref_slice %arg7[%dma_wait3A_351, %dma_wait3A_352] : memref<10112x128xf32, #tpu.memory_space<vmem_shared>> -> memref<10112x128xf32, #tpu.memory_space<vmem_shared>>
        tpu.wait_indirect_dma semaphore(%run_scoped3A : memref<!tpu.dma_semaphore, #tpu.memory_space<semaphore_mem>>) src(%arg9 : memref<128x128xf32, #tpu.memory_space<vmem>>) dst(%dma_wait3A_353 : memref<10112x128xf32, #tpu.memory_space<vmem_shared>>)
        tpu.yield
      }) : () -> ()
      %add3A_341 = arith.constant 2 : i32
      %add3A_342 = arith.addi %add3A_334, %add3A_341 : i32
      %lt3A_343 = arith.constant 80 : i32
      %lt3A_344 = arith.cmpi slt, %add3A_342, %lt3A_343 : i32
      %convert_element_type3A_345 = arith.extui %lt3A_344 : i1 to i32
      %cond3A_346 = arith.constant 0 : i32
      %cond3A_347 = arith.cmpi ne, %convert_element_type3A_345, %cond3A_346 : i32
      scf.if %cond3A_347 {
        %get3A_348 = arith.index_cast %add3A_342 : i32 to index
        %get3A_349 = arith.constant 0 : index
        %get3A_350 = tpu.vector_load %arg6[%get3A_348, %get3A_349] {strides = array<i32>} : memref<80x128xi32, #tpu.memory_space<vmem>>, vector<1x16xi32>,
        %get3A_351 = vector.shape_cast %get3A_350 : vector<1x16xi32> to vector<16xi32>
        %and3A_352 = arith.constant 65535 : i32
        %and3A_353 = vector.broadcast %and3A_352 : i32 to vector<16xi32>
        %and3A_354 = arith.andi %get3A_351, %and3A_353 : vector<16xi32>
        %swap3A_355 = arith.constant 0 : index
        %swap3A_356 = tpu.vector_load %arg11[%swap3A_355] {strides = array<i32>} : memref<128xi32, #tpu.memory_space<vmem>>, vector<16xi32>,
        %swap3A_357 = vector.shape_cast %swap3A_356 : vector<16xi32> to vector<16xi32>
        %swap3A_358 = vector.shape_cast %and3A_354 : vector<16xi32> to vector<16xi32>
        tpu.vector_store %arg11[%swap3A_355], %swap3A_358 {strides = array<i32>} : memref<128xi32, #tpu.memory_space<vmem>>, vector<16xi32>,
        %shift_right_logical3A_359 = arith.constant 16 : i32
        %shift_right_logical3A_360 = vector.broadcast %shift_right_logical3A_359 : i32 to vector<16xi32>
        %shift_right_logical3A_361 = arith.shrui %get3A_351, %shift_right_logical3A_360 : vector<16xi32>
        %swap3A_362 = arith.constant 0 : index
        %swap3A_363 = tpu.vector_load %arg13[%swap3A_362] {strides = array<i32>} : memref<128xi32, #tpu.memory_space<vmem>>, vector<16xi32>,
        %swap3A_364 = vector.shape_cast %swap3A_363 : vector<16xi32> to vector<16xi32>
        %swap3A_365 = vector.shape_cast %shift_right_logical3A_361 : vector<16xi32> to vector<16xi32>
        tpu.vector_store %arg13[%swap3A_362], %swap3A_365 {strides = array<i32>} : memref<128xi32, #tpu.memory_space<vmem>>, vector<16xi32>,
        %get3A_366 = arith.index_cast %add3A_342 : i32 to index
        %get3A_367 = arith.constant 16 : index
        %get3A_368 = tpu.vector_load %arg6[%get3A_366, %get3A_367] {strides = array<i32>} : memref<80x128xi32, #tpu.memory_space<vmem>>, vector<1x16xi32>,
        %get3A_369 = vector.shape_cast %get3A_368 : vector<1x16xi32> to vector<16xi32>
        %and3A_370 = arith.constant 65535 : i32
        %and3A_371 = vector.broadcast %and3A_370 : i32 to vector<16xi32>
        %and3A_372 = arith.andi %get3A_369, %and3A_371 : vector<16xi32>
        %swap3A_373 = arith.constant 16 : index
        %swap3A_374 = tpu.vector_load %arg11[%swap3A_373] {strides = array<i32>} : memref<128xi32, #tpu.memory_space<vmem>>, vector<16xi32>,
        %swap3A_375 = vector.shape_cast %swap3A_374 : vector<16xi32> to vector<16xi32>
        %swap3A_376 = vector.shape_cast %and3A_372 : vector<16xi32> to vector<16xi32>
        tpu.vector_store %arg11[%swap3A_373], %swap3A_376 {strides = array<i32>} : memref<128xi32, #tpu.memory_space<vmem>>, vector<16xi32>,
        %shift_right_logical3A_377 = arith.constant 16 : i32
        %shift_right_logical3A_378 = vector.broadcast %shift_right_logical3A_377 : i32 to vector<16xi32>
        %shift_right_logical3A_379 = arith.shrui %get3A_369, %shift_right_logical3A_378 : vector<16xi32>
        %swap3A_380 = arith.constant 16 : index
        %swap3A_381 = tpu.vector_load %arg13[%swap3A_380] {strides = array<i32>} : memref<128xi32, #tpu.memory_space<vmem>>, vector<16xi32>,
        %swap3A_382 = vector.shape_cast %swap3A_381 : vector<16xi32> to vector<16xi32>
        %swap3A_383 = vector.shape_cast %shift_right_logical3A_379 : vector<16xi32> to vector<16xi32>
        tpu.vector_store %arg13[%swap3A_380], %swap3A_383 {strides = array<i32>} : memref<128xi32, #tpu.memory_space<vmem>>, vector<16xi32>,
        %get3A_384 = arith.index_cast %add3A_342 : i32 to index
        %get3A_385 = arith.constant 32 : index
        %get3A_386 = tpu.vector_load %arg6[%get3A_384, %get3A_385] {strides = array<i32>} : memref<80x128xi32, #tpu.memory_space<vmem>>, vector<1x16xi32>,
        %get3A_387 = vector.shape_cast %get3A_386 : vector<1x16xi32> to vector<16xi32>
        %and3A_388 = arith.constant 65535 : i32
        %and3A_389 = vector.broadcast %and3A_388 : i32 to vector<16xi32>
        %and3A_390 = arith.andi %get3A_387, %and3A_389 : vector<16xi32>
        %swap3A_391 = arith.constant 32 : index
        %swap3A_392 = tpu.vector_load %arg11[%swap3A_391] {strides = array<i32>} : memref<128xi32, #tpu.memory_space<vmem>>, vector<16xi32>,
        %swap3A_393 = vector.shape_cast %swap3A_392 : vector<16xi32> to vector<16xi32>
        %swap3A_394 = vector.shape_cast %and3A_390 : vector<16xi32> to vector<16xi32>
        tpu.vector_store %arg11[%swap3A_391], %swap3A_394 {strides = array<i32>} : memref<128xi32, #tpu.memory_space<vmem>>, vector<16xi32>,
        %shift_right_logical3A_395 = arith.constant 16 : i32
        %shift_right_logical3A_396 = vector.broadcast %shift_right_logical3A_395 : i32 to vector<16xi32>
        %shift_right_logical3A_397 = arith.shrui %get3A_387, %shift_right_logical3A_396 : vector<16xi32>
        %swap3A_398 = arith.constant 32 : index
        %swap3A_399 = tpu.vector_load %arg13[%swap3A_398] {strides = array<i32>} : memref<128xi32, #tpu.memory_space<vmem>>, vector<16xi32>,
        %swap3A_400 = vector.shape_cast %swap3A_399 : vector<16xi32> to vector<16xi32>
        %swap3A_401 = vector.shape_cast %shift_right_logical3A_397 : vector<16xi32> to vector<16xi32>
        tpu.vector_store %arg13[%swap3A_398], %swap3A_401 {strides = array<i32>} : memref<128xi32, #tpu.memory_space<vmem>>, vector<16xi32>,
        %get3A_402 = arith.index_cast %add3A_342 : i32 to index
        %get3A_403 = arith.constant 48 : index
        %get3A_404 = tpu.vector_load %arg6[%get3A_402, %get3A_403] {strides = array<i32>} : memref<80x128xi32, #tpu.memory_space<vmem>>, vector<1x16xi32>,
        %get3A_405 = vector.shape_cast %get3A_404 : vector<1x16xi32> to vector<16xi32>
        %and3A_406 = arith.constant 65535 : i32
        %and3A_407 = vector.broadcast %and3A_406 : i32 to vector<16xi32>
        %and3A_408 = arith.andi %get3A_405, %and3A_407 : vector<16xi32>
        %swap3A_409 = arith.constant 48 : index
        %swap3A_410 = tpu.vector_load %arg11[%swap3A_409] {strides = array<i32>} : memref<128xi32, #tpu.memory_space<vmem>>, vector<16xi32>,
        %swap3A_411 = vector.shape_cast %swap3A_410 : vector<16xi32> to vector<16xi32>
        %swap3A_412 = vector.shape_cast %and3A_408 : vector<16xi32> to vector<16xi32>
        tpu.vector_store %arg11[%swap3A_409], %swap3A_412 {strides = array<i32>} : memref<128xi32, #tpu.memory_space<vmem>>, vector<16xi32>,
        %shift_right_logical3A_413 = arith.constant 16 : i32
        %shift_right_logical3A_414 = vector.broadcast %shift_right_logical3A_413 : i32 to vector<16xi32>
        %shift_right_logical3A_415 = arith.shrui %get3A_405, %shift_right_logical3A_414 : vector<16xi32>
        %swap3A_416 = arith.constant 48 : index
        %swap3A_417 = tpu.vector_load %arg13[%swap3A_416] {strides = array<i32>} : memref<128xi32, #tpu.memory_space<vmem>>, vector<16xi32>,
        %swap3A_418 = vector.shape_cast %swap3A_417 : vector<16xi32> to vector<16xi32>
        %swap3A_419 = vector.shape_cast %shift_right_logical3A_415 : vector<16xi32> to vector<16xi32>
        tpu.vector_store %arg13[%swap3A_416], %swap3A_419 {strides = array<i32>} : memref<128xi32, #tpu.memory_space<vmem>>, vector<16xi32>,
        %get3A_420 = arith.index_cast %add3A_342 : i32 to index
        %get3A_421 = arith.constant 64 : index
        %get3A_422 = tpu.vector_load %arg6[%get3A_420, %get3A_421] {strides = array<i32>} : memref<80x128xi32, #tpu.memory_space<vmem>>, vector<1x16xi32>,
        %get3A_423 = vector.shape_cast %get3A_422 : vector<1x16xi32> to vector<16xi32>
        %and3A_424 = arith.constant 65535 : i32
        %and3A_425 = vector.broadcast %and3A_424 : i32 to vector<16xi32>
        %and3A_426 = arith.andi %get3A_423, %and3A_425 : vector<16xi32>
        %swap3A_427 = arith.constant 64 : index
        %swap3A_428 = tpu.vector_load %arg11[%swap3A_427] {strides = array<i32>} : memref<128xi32, #tpu.memory_space<vmem>>, vector<16xi32>,
        %swap3A_429 = vector.shape_cast %swap3A_428 : vector<16xi32> to vector<16xi32>
        %swap3A_430 = vector.shape_cast %and3A_426 : vector<16xi32> to vector<16xi32>
        tpu.vector_store %arg11[%swap3A_427], %swap3A_430 {strides = array<i32>} : memref<128xi32, #tpu.memory_space<vmem>>, vector<16xi32>,
        %shift_right_logical3A_431 = arith.constant 16 : i32
        %shift_right_logical3A_432 = vector.broadcast %shift_right_logical3A_431 : i32 to vector<16xi32>
        %shift_right_logical3A_433 = arith.shrui %get3A_423, %shift_right_logical3A_432 : vector<16xi32>
        %swap3A_434 = arith.constant 64 : index
        %swap3A_435 = tpu.vector_load %arg13[%swap3A_434] {strides = array<i32>} : memref<128xi32, #tpu.memory_space<vmem>>, vector<16xi32>,
        %swap3A_436 = vector.shape_cast %swap3A_435 : vector<16xi32> to vector<16xi32>
        %swap3A_437 = vector.shape_cast %shift_right_logical3A_433 : vector<16xi32> to vector<16xi32>
        tpu.vector_store %arg13[%swap3A_434], %swap3A_437 {strides = array<i32>} : memref<128xi32, #tpu.memory_space<vmem>>, vector<16xi32>,
        %get3A_438 = arith.index_cast %add3A_342 : i32 to index
        %get3A_439 = arith.constant 80 : index
        %get3A_440 = tpu.vector_load %arg6[%get3A_438, %get3A_439] {strides = array<i32>} : memref<80x128xi32, #tpu.memory_space<vmem>>, vector<1x16xi32>,
        %get3A_441 = vector.shape_cast %get3A_440 : vector<1x16xi32> to vector<16xi32>
        %and3A_442 = arith.constant 65535 : i32
        %and3A_443 = vector.broadcast %and3A_442 : i32 to vector<16xi32>
        %and3A_444 = arith.andi %get3A_441, %and3A_443 : vector<16xi32>
        %swap3A_445 = arith.constant 80 : index
        %swap3A_446 = tpu.vector_load %arg11[%swap3A_445] {strides = array<i32>} : memref<128xi32, #tpu.memory_space<vmem>>, vector<16xi32>,
        %swap3A_447 = vector.shape_cast %swap3A_446 : vector<16xi32> to vector<16xi32>
        %swap3A_448 = vector.shape_cast %and3A_444 : vector<16xi32> to vector<16xi32>
        tpu.vector_store %arg11[%swap3A_445], %swap3A_448 {strides = array<i32>} : memref<128xi32, #tpu.memory_space<vmem>>, vector<16xi32>,
        %shift_right_logical3A_449 = arith.constant 16 : i32
        %shift_right_logical3A_450 = vector.broadcast %shift_right_logical3A_449 : i32 to vector<16xi32>
        %shift_right_logical3A_451 = arith.shrui %get3A_441, %shift_right_logical3A_450 : vector<16xi32>
        %swap3A_452 = arith.constant 80 : index
        %swap3A_453 = tpu.vector_load %arg13[%swap3A_452] {strides = array<i32>} : memref<128xi32, #tpu.memory_space<vmem>>, vector<16xi32>,
        %swap3A_454 = vector.shape_cast %swap3A_453 : vector<16xi32> to vector<16xi32>
        %swap3A_455 = vector.shape_cast %shift_right_logical3A_451 : vector<16xi32> to vector<16xi32>
        tpu.vector_store %arg13[%swap3A_452], %swap3A_455 {strides = array<i32>} : memref<128xi32, #tpu.memory_space<vmem>>, vector<16xi32>,
        %get3A_456 = arith.index_cast %add3A_342 : i32 to index
        %get3A_457 = arith.constant 96 : index
        %get3A_458 = tpu.vector_load %arg6[%get3A_456, %get3A_457] {strides = array<i32>} : memref<80x128xi32, #tpu.memory_space<vmem>>, vector<1x16xi32>,
        %get3A_459 = vector.shape_cast %get3A_458 : vector<1x16xi32> to vector<16xi32>
        %and3A_460 = arith.constant 65535 : i32
        %and3A_461 = vector.broadcast %and3A_460 : i32 to vector<16xi32>
        %and3A_462 = arith.andi %get3A_459, %and3A_461 : vector<16xi32>
        %swap3A_463 = arith.constant 96 : index
        %swap3A_464 = tpu.vector_load %arg11[%swap3A_463] {strides = array<i32>} : memref<128xi32, #tpu.memory_space<vmem>>, vector<16xi32>,
        %swap3A_465 = vector.shape_cast %swap3A_464 : vector<16xi32> to vector<16xi32>
        %swap3A_466 = vector.shape_cast %and3A_462 : vector<16xi32> to vector<16xi32>
        tpu.vector_store %arg11[%swap3A_463], %swap3A_466 {strides = array<i32>} : memref<128xi32, #tpu.memory_space<vmem>>, vector<16xi32>,
        %shift_right_logical3A_467 = arith.constant 16 : i32
        %shift_right_logical3A_468 = vector.broadcast %shift_right_logical3A_467 : i32 to vector<16xi32>
        %shift_right_logical3A_469 = arith.shrui %get3A_459, %shift_right_logical3A_468 : vector<16xi32>
        %swap3A_470 = arith.constant 96 : index
        %swap3A_471 = tpu.vector_load %arg13[%swap3A_470] {strides = array<i32>} : memref<128xi32, #tpu.memory_space<vmem>>, vector<16xi32>,
        %swap3A_472 = vector.shape_cast %swap3A_471 : vector<16xi32> to vector<16xi32>
        %swap3A_473 = vector.shape_cast %shift_right_logical3A_469 : vector<16xi32> to vector<16xi32>
        tpu.vector_store %arg13[%swap3A_470], %swap3A_473 {strides = array<i32>} : memref<128xi32, #tpu.memory_space<vmem>>, vector<16xi32>,
        %get3A_474 = arith.index_cast %add3A_342 : i32 to index
        %get3A_475 = arith.constant 112 : index
        %get3A_476 = tpu.vector_load %arg6[%get3A_474, %get3A_475] {strides = array<i32>} : memref<80x128xi32, #tpu.memory_space<vmem>>, vector<1x16xi32>,
        %get3A_477 = vector.shape_cast %get3A_476 : vector<1x16xi32> to vector<16xi32>
        %and3A_478 = arith.constant 65535 : i32
        %and3A_479 = vector.broadcast %and3A_478 : i32 to vector<16xi32>
        %and3A_480 = arith.andi %get3A_477, %and3A_479 : vector<16xi32>
        %swap3A_481 = arith.constant 112 : index
        %swap3A_482 = tpu.vector_load %arg11[%swap3A_481] {strides = array<i32>} : memref<128xi32, #tpu.memory_space<vmem>>, vector<16xi32>,
        %swap3A_483 = vector.shape_cast %swap3A_482 : vector<16xi32> to vector<16xi32>
        %swap3A_484 = vector.shape_cast %and3A_480 : vector<16xi32> to vector<16xi32>
        tpu.vector_store %arg11[%swap3A_481], %swap3A_484 {strides = array<i32>} : memref<128xi32, #tpu.memory_space<vmem>>, vector<16xi32>,
        %shift_right_logical3A_485 = arith.constant 16 : i32
        %shift_right_logical3A_486 = vector.broadcast %shift_right_logical3A_485 : i32 to vector<16xi32>
        %shift_right_logical3A_487 = arith.shrui %get3A_477, %shift_right_logical3A_486 : vector<16xi32>
        %swap3A_488 = arith.constant 112 : index
        %swap3A_489 = tpu.vector_load %arg13[%swap3A_488] {strides = array<i32>} : memref<128xi32, #tpu.memory_space<vmem>>, vector<16xi32>,
        %swap3A_490 = vector.shape_cast %swap3A_489 : vector<16xi32> to vector<16xi32>
        %swap3A_491 = vector.shape_cast %shift_right_logical3A_487 : vector<16xi32> to vector<16xi32>
        tpu.vector_store %arg13[%swap3A_488], %swap3A_491 {strides = array<i32>} : memref<128xi32, #tpu.memory_space<vmem>>, vector<16xi32>,
        %dma_start3A_492 = arith.constant 0 : i32
        %dma_start3A_493 = arith.constant 0 : i32
        %dma_start3A_494 = tpu.memref_slice %arg2[%dma_start3A_492, %dma_start3A_493] : memref<10000x128xf32, #tpu.memory_space<hbm>> -> memref<10000x128xf32, #tpu.memory_space<hbm>>
        tpu.enqueue_indirect_dma source(%dma_start3A_494 : memref<10000x128xf32, #tpu.memory_space<hbm>>) target(%arg9 : memref<128x128xf32, #tpu.memory_space<vmem>>) offsets(%arg11 : memref<128xi32, #tpu.memory_space<vmem>>) semaphore(%arg15 : memref<!tpu.dma_semaphore, #tpu.memory_space<semaphore_mem>>)
      } else {
      }
    }
    %scan3A_312 = arith.constant 40 : i32
    %barrier3A_313 = arith.constant 0 : index
    tpu.barrier barrier_id(%barrier3A_313)
    %mul3A_314 = arith.constant 10112 : i32
    %mul3A_315 = arith.muli %arg0, %mul3A_314 : i32
    %add3A_316 = arith.addi %mul3A_315, %mul3A_2 : i32
    "tpu.region"() ({
      %run_scoped3A = tpu.sem_alloc : memref<!tpu.dma_semaphore, #tpu.memory_space<semaphore_mem>>
      %dma_start3A_317 = arith.constant 0 : i32
      %dma_start3A_318 = tpu.memref_slice %arg5[%add3A_316, %dma_start3A_317] : memref<20224x128xf32, #tpu.memory_space<hbm>> -> memref<632x128xf32, #tpu.memory_space<hbm>>
      %dma_start3A_319 = arith.constant 0 : i32
      %dma_start3A_320 = tpu.memref_slice %arg7[%mul3A_2, %dma_start3A_319] : memref<10112x128xf32, #tpu.memory_space<vmem_shared>> -> memref<632x128xf32, #tpu.memory_space<vmem_shared>>
      tpu.enqueue_dma source(%dma_start3A_320 : memref<632x128xf32, #tpu.memory_space<vmem_shared>>) target(%dma_start3A_318 : memref<632x128xf32, #tpu.memory_space<hbm>>) target_semaphore(%run_scoped3A : memref<!tpu.dma_semaphore, #tpu.memory_space<semaphore_mem>>)
      %dma_wait3A = arith.constant 0 : i32
      %dma_wait3A_321 = tpu.memref_slice %arg5[%add3A_316, %dma_wait3A] : memref<20224x128xf32, #tpu.memory_space<hbm>> -> memref<632x128xf32, #tpu.memory_space<hbm>>
      %dma_wait3A_322 = arith.constant 0 : i32
      %dma_wait3A_323 = tpu.memref_slice %arg7[%mul3A_2, %dma_wait3A_322] : memref<10112x128xf32, #tpu.memory_space<vmem_shared>> -> memref<632x128xf32, #tpu.memory_space<vmem_shared>>
      tpu.wait_dma2 semaphore(%run_scoped3A : memref<!tpu.dma_semaphore, #tpu.memory_space<semaphore_mem>>) src(%dma_wait3A_323 : memref<632x128xf32, #tpu.memory_space<vmem_shared>>) dst(%dma_wait3A_321 : memref<632x128xf32, #tpu.memory_space<hbm>>)
      tpu.yield
    }) : () -> ()
    return
  }
}

#map = affine_map<(d0, d1) -> (0, 0)>
#map1 = affine_map<(d0, d1) -> (0, 0, 0)>
module attributes {stable_mosaic.version = 14 : i64} {
  func.func @sc_agg(%arg0: i32, %arg1: i32, %arg2: memref<10000x128xf32, #tpu.memory_space<hbm>>, %arg3: memref<32x80x128xi32, #tpu.memory_space<hbm>>, %arg4: memref<10112x128xf32, #tpu.memory_space<hbm>>, %arg5: memref<20224x128xf32, #tpu.memory_space<hbm>>, %arg6: memref<80x128xi32, #tpu.memory_space<vmem>>, %arg7: memref<10112x128xf32, #tpu.memory_space<vmem_shared>>, %arg8: memref<128x128xf32, #tpu.memory_space<vmem>>, %arg9: memref<128x128xf32, #tpu.memory_space<vmem>>, %arg10: memref<128xi32, #tpu.memory_space<vmem>>, %arg11: memref<128xi32, #tpu.memory_space<vmem>>, %arg12: memref<128xi32, #tpu.memory_space<vmem>>, %arg13: memref<128xi32, #tpu.memory_space<vmem>>, %arg14: memref<!tpu.dma_semaphore, #tpu.memory_space<semaphore_mem>>, %arg15: memref<!tpu.dma_semaphore, #tpu.memory_space<semaphore_mem>>) attributes {dimension_semantics = [#tpu.dimension_semantics<core_parallel>, #tpu.dimension_semantics<subcore_parallel>], iteration_bounds = array<i64: 2, 16>, scalar_prefetch = 0 : i64, scratch_operands = 10 : i64, tpu.core_type = #tpu.core_type<sc_vector_subcore>, window_params = [{transform_indices = #map}, {transform_indices = #map1}, {transform_indices = #map}, {transform_indices = #map}]} {
    %mul3A = arith.constant 2 : i32
    %mul3A_0 = arith.muli %arg1, %mul3A : i32
    %add3A = arith.addi %mul3A_0, %arg0 : i32
    %mul3A_1 = arith.constant 632 : i32
    %mul3A_2 = arith.muli %arg1, %mul3A_1 : i32
    "tpu.region"() ({
      %run_scoped3A = tpu.sem_alloc : memref<!tpu.dma_semaphore, #tpu.memory_space<semaphore_mem>>
      %dma_start3A_317 = arith.constant 0 : i32
      %dma_start3A_318 = arith.constant 0 : i32
      %dma_start3A_319 = tpu.memref_slice %arg3[%add3A, %dma_start3A_317, %dma_start3A_318] : memref<32x80x128xi32, #tpu.memory_space<hbm>> -> memref<1x80x128xi32, #tpu.memory_space<hbm>>
      %dma_start3A_320 = tpu.memref_squeeze %dma_start3A_319 : memref<1x80x128xi32, #tpu.memory_space<hbm>> -> memref<80x128xi32, #tpu.memory_space<hbm>>
      %dma_start3A_321 = arith.constant 0 : i32
      %dma_start3A_322 = arith.constant 0 : i32
      %dma_start3A_323 = tpu.memref_slice %arg3[%add3A, %dma_start3A_321, %dma_start3A_322] : memref<32x80x128xi32, #tpu.memory_space<hbm>> -> memref<1x80x128xi32, #tpu.memory_space<hbm>>
      %dma_start3A_324 = tpu.memref_squeeze %dma_start3A_323 : memref<1x80x128xi32, #tpu.memory_space<hbm>> -> memref<80x128xi32, #tpu.memory_space<hbm>>
      tpu.enqueue_dma source(%dma_start3A_324 : memref<80x128xi32, #tpu.memory_space<hbm>>) target(%arg6 : memref<80x128xi32, #tpu.memory_space<vmem>>) target_semaphore(%run_scoped3A : memref<!tpu.dma_semaphore, #tpu.memory_space<semaphore_mem>>)
      %dma_wait3A = arith.constant 0 : i32
      %dma_wait3A_325 = arith.constant 0 : i32
      %dma_wait3A_326 = tpu.memref_slice %arg3[%add3A, %dma_wait3A, %dma_wait3A_325] : memref<32x80x128xi32, #tpu.memory_space<hbm>> -> memref<1x80x128xi32, #tpu.memory_space<hbm>>
      %dma_wait3A_327 = tpu.memref_squeeze %dma_wait3A_326 : memref<1x80x128xi32, #tpu.memory_space<hbm>> -> memref<80x128xi32, #tpu.memory_space<hbm>>
      %dma_wait3A_328 = arith.constant 0 : i32
      %dma_wait3A_329 = arith.constant 0 : i32
      %dma_wait3A_330 = tpu.memref_slice %arg3[%add3A, %dma_wait3A_328, %dma_wait3A_329] : memref<32x80x128xi32, #tpu.memory_space<hbm>> -> memref<1x80x128xi32, #tpu.memory_space<hbm>>
      %dma_wait3A_331 = tpu.memref_squeeze %dma_wait3A_330 : memref<1x80x128xi32, #tpu.memory_space<hbm>> -> memref<80x128xi32, #tpu.memory_space<hbm>>
      tpu.wait_dma2 semaphore(%run_scoped3A : memref<!tpu.dma_semaphore, #tpu.memory_space<semaphore_mem>>) src(%dma_wait3A_331 : memref<80x128xi32, #tpu.memory_space<hbm>>) dst(%arg6 : memref<80x128xi32, #tpu.memory_space<vmem>>)
      tpu.yield
    }) : () -> ()
    "tpu.region"() ({
      %run_scoped3A = tpu.sem_alloc : memref<!tpu.dma_semaphore, #tpu.memory_space<semaphore_mem>>
      %dma_start3A_317 = arith.constant 0 : i32
      %dma_start3A_318 = tpu.memref_slice %arg7[%mul3A_2, %dma_start3A_317] : memref<10112x128xf32, #tpu.memory_space<vmem_shared>> -> memref<632x128xf32, #tpu.memory_space<vmem_shared>>
      %dma_start3A_319 = arith.constant 0 : i32
      %dma_start3A_320 = tpu.memref_slice %arg4[%mul3A_2, %dma_start3A_319] : memref<10112x128xf32, #tpu.memory_space<hbm>> -> memref<632x128xf32, #tpu.memory_space<hbm>>
      tpu.enqueue_dma source(%dma_start3A_320 : memref<632x128xf32, #tpu.memory_space<hbm>>) target(%dma_start3A_318 : memref<632x128xf32, #tpu.memory_space<vmem_shared>>) target_semaphore(%run_scoped3A : memref<!tpu.dma_semaphore, #tpu.memory_space<semaphore_mem>>)
      %dma_wait3A = arith.constant 0 : i32
      %dma_wait3A_321 = tpu.memref_slice %arg7[%mul3A_2, %dma_wait3A] : memref<10112x128xf32, #tpu.memory_space<vmem_shared>> -> memref<632x128xf32, #tpu.memory_space<vmem_shared>>
      %dma_wait3A_322 = arith.constant 0 : i32
      %dma_wait3A_323 = tpu.memref_slice %arg4[%mul3A_2, %dma_wait3A_322] : memref<10112x128xf32, #tpu.memory_space<hbm>> -> memref<632x128xf32, #tpu.memory_space<hbm>>
      tpu.wait_dma2 semaphore(%run_scoped3A : memref<!tpu.dma_semaphore, #tpu.memory_space<semaphore_mem>>) src(%dma_wait3A_323 : memref<632x128xf32, #tpu.memory_space<hbm>>) dst(%dma_wait3A_321 : memref<632x128xf32, #tpu.memory_space<vmem_shared>>)
      tpu.yield
    }) : () -> ()
    %barrier3A = arith.constant 0 : index
    tpu.barrier barrier_id(%barrier3A)
    %get3A = arith.constant 0 : i32
    %get3A_3 = arith.index_cast %get3A : i32 to index
    %get3A_4 = arith.constant 0 : index
    %get3A_5 = tpu.vector_load %arg6[%get3A_3, %get3A_4] {strides = array<i32>} : memref<80x128xi32, #tpu.memory_space<vmem>>, vector<1x16xi32>,
    %get3A_6 = vector.shape_cast %get3A_5 : vector<1x16xi32> to vector<16xi32>
    %and3A = arith.constant 65535 : i32
    %and3A_7 = vector.broadcast %and3A : i32 to vector<16xi32>
    %and3A_8 = arith.andi %get3A_6, %and3A_7 : vector<16xi32>
    %swap3A = arith.constant 0 : index
    %swap3A_9 = tpu.vector_load %arg10[%swap3A] {strides = array<i32>} : memref<128xi32, #tpu.memory_space<vmem>>, vector<16xi32>,
    %swap3A_10 = vector.shape_cast %swap3A_9 : vector<16xi32> to vector<16xi32>
    %swap3A_11 = vector.shape_cast %and3A_8 : vector<16xi32> to vector<16xi32>
    tpu.vector_store %arg10[%swap3A], %swap3A_11 {strides = array<i32>} : memref<128xi32, #tpu.memory_space<vmem>>, vector<16xi32>,
    %shift_right_logical3A = arith.constant 16 : i32
    %shift_right_logical3A_12 = vector.broadcast %shift_right_logical3A : i32 to vector<16xi32>
    %shift_right_logical3A_13 = arith.shrui %get3A_6, %shift_right_logical3A_12 : vector<16xi32>
    %swap3A_14 = arith.constant 0 : index
    %swap3A_15 = tpu.vector_load %arg12[%swap3A_14] {strides = array<i32>} : memref<128xi32, #tpu.memory_space<vmem>>, vector<16xi32>,
    %swap3A_16 = vector.shape_cast %swap3A_15 : vector<16xi32> to vector<16xi32>
    %swap3A_17 = vector.shape_cast %shift_right_logical3A_13 : vector<16xi32> to vector<16xi32>
    tpu.vector_store %arg12[%swap3A_14], %swap3A_17 {strides = array<i32>} : memref<128xi32, #tpu.memory_space<vmem>>, vector<16xi32>,
    %get3A_18 = arith.constant 0 : i32
    %get3A_19 = arith.index_cast %get3A_18 : i32 to index
    %get3A_20 = arith.constant 16 : index
    %get3A_21 = tpu.vector_load %arg6[%get3A_19, %get3A_20] {strides = array<i32>} : memref<80x128xi32, #tpu.memory_space<vmem>>, vector<1x16xi32>,
    %get3A_22 = vector.shape_cast %get3A_21 : vector<1x16xi32> to vector<16xi32>
    %and3A_23 = arith.constant 65535 : i32
    %and3A_24 = vector.broadcast %and3A_23 : i32 to vector<16xi32>
    %and3A_25 = arith.andi %get3A_22, %and3A_24 : vector<16xi32>
    %swap3A_26 = arith.constant 16 : index
    %swap3A_27 = tpu.vector_load %arg10[%swap3A_26] {strides = array<i32>} : memref<128xi32, #tpu.memory_space<vmem>>, vector<16xi32>,
    %swap3A_28 = vector.shape_cast %swap3A_27 : vector<16xi32> to vector<16xi32>
    %swap3A_29 = vector.shape_cast %and3A_25 : vector<16xi32> to vector<16xi32>
    tpu.vector_store %arg10[%swap3A_26], %swap3A_29 {strides = array<i32>} : memref<128xi32, #tpu.memory_space<vmem>>, vector<16xi32>,
    %shift_right_logical3A_30 = arith.constant 16 : i32
    %shift_right_logical3A_31 = vector.broadcast %shift_right_logical3A_30 : i32 to vector<16xi32>
    %shift_right_logical3A_32 = arith.shrui %get3A_22, %shift_right_logical3A_31 : vector<16xi32>
    %swap3A_33 = arith.constant 16 : index
    %swap3A_34 = tpu.vector_load %arg12[%swap3A_33] {strides = array<i32>} : memref<128xi32, #tpu.memory_space<vmem>>, vector<16xi32>,
    %swap3A_35 = vector.shape_cast %swap3A_34 : vector<16xi32> to vector<16xi32>
    %swap3A_36 = vector.shape_cast %shift_right_logical3A_32 : vector<16xi32> to vector<16xi32>
    tpu.vector_store %arg12[%swap3A_33], %swap3A_36 {strides = array<i32>} : memref<128xi32, #tpu.memory_space<vmem>>, vector<16xi32>,
    %get3A_37 = arith.constant 0 : i32
    %get3A_38 = arith.index_cast %get3A_37 : i32 to index
    %get3A_39 = arith.constant 32 : index
    %get3A_40 = tpu.vector_load %arg6[%get3A_38, %get3A_39] {strides = array<i32>} : memref<80x128xi32, #tpu.memory_space<vmem>>, vector<1x16xi32>,
    %get3A_41 = vector.shape_cast %get3A_40 : vector<1x16xi32> to vector<16xi32>
    %and3A_42 = arith.constant 65535 : i32
    %and3A_43 = vector.broadcast %and3A_42 : i32 to vector<16xi32>
    %and3A_44 = arith.andi %get3A_41, %and3A_43 : vector<16xi32>
    %swap3A_45 = arith.constant 32 : index
    %swap3A_46 = tpu.vector_load %arg10[%swap3A_45] {strides = array<i32>} : memref<128xi32, #tpu.memory_space<vmem>>, vector<16xi32>,
    %swap3A_47 = vector.shape_cast %swap3A_46 : vector<16xi32> to vector<16xi32>
    %swap3A_48 = vector.shape_cast %and3A_44 : vector<16xi32> to vector<16xi32>
    tpu.vector_store %arg10[%swap3A_45], %swap3A_48 {strides = array<i32>} : memref<128xi32, #tpu.memory_space<vmem>>, vector<16xi32>,
    %shift_right_logical3A_49 = arith.constant 16 : i32
    %shift_right_logical3A_50 = vector.broadcast %shift_right_logical3A_49 : i32 to vector<16xi32>
    %shift_right_logical3A_51 = arith.shrui %get3A_41, %shift_right_logical3A_50 : vector<16xi32>
    %swap3A_52 = arith.constant 32 : index
    %swap3A_53 = tpu.vector_load %arg12[%swap3A_52] {strides = array<i32>} : memref<128xi32, #tpu.memory_space<vmem>>, vector<16xi32>,
    %swap3A_54 = vector.shape_cast %swap3A_53 : vector<16xi32> to vector<16xi32>
    %swap3A_55 = vector.shape_cast %shift_right_logical3A_51 : vector<16xi32> to vector<16xi32>
    tpu.vector_store %arg12[%swap3A_52], %swap3A_55 {strides = array<i32>} : memref<128xi32, #tpu.memory_space<vmem>>, vector<16xi32>,
    %get3A_56 = arith.constant 0 : i32
    %get3A_57 = arith.index_cast %get3A_56 : i32 to index
    %get3A_58 = arith.constant 48 : index
    %get3A_59 = tpu.vector_load %arg6[%get3A_57, %get3A_58] {strides = array<i32>} : memref<80x128xi32, #tpu.memory_space<vmem>>, vector<1x16xi32>,
    %get3A_60 = vector.shape_cast %get3A_59 : vector<1x16xi32> to vector<16xi32>
    %and3A_61 = arith.constant 65535 : i32
    %and3A_62 = vector.broadcast %and3A_61 : i32 to vector<16xi32>
    %and3A_63 = arith.andi %get3A_60, %and3A_62 : vector<16xi32>
    %swap3A_64 = arith.constant 48 : index
    %swap3A_65 = tpu.vector_load %arg10[%swap3A_64] {strides = array<i32>} : memref<128xi32, #tpu.memory_space<vmem>>, vector<16xi32>,
    %swap3A_66 = vector.shape_cast %swap3A_65 : vector<16xi32> to vector<16xi32>
    %swap3A_67 = vector.shape_cast %and3A_63 : vector<16xi32> to vector<16xi32>
    tpu.vector_store %arg10[%swap3A_64], %swap3A_67 {strides = array<i32>} : memref<128xi32, #tpu.memory_space<vmem>>, vector<16xi32>,
    %shift_right_logical3A_68 = arith.constant 16 : i32
    %shift_right_logical3A_69 = vector.broadcast %shift_right_logical3A_68 : i32 to vector<16xi32>
    %shift_right_logical3A_70 = arith.shrui %get3A_60, %shift_right_logical3A_69 : vector<16xi32>
    %swap3A_71 = arith.constant 48 : index
    %swap3A_72 = tpu.vector_load %arg12[%swap3A_71] {strides = array<i32>} : memref<128xi32, #tpu.memory_space<vmem>>, vector<16xi32>,
    %swap3A_73 = vector.shape_cast %swap3A_72 : vector<16xi32> to vector<16xi32>
    %swap3A_74 = vector.shape_cast %shift_right_logical3A_70 : vector<16xi32> to vector<16xi32>
    tpu.vector_store %arg12[%swap3A_71], %swap3A_74 {strides = array<i32>} : memref<128xi32, #tpu.memory_space<vmem>>, vector<16xi32>,
    %get3A_75 = arith.constant 0 : i32
    %get3A_76 = arith.index_cast %get3A_75 : i32 to index
    %get3A_77 = arith.constant 64 : index
    %get3A_78 = tpu.vector_load %arg6[%get3A_76, %get3A_77] {strides = array<i32>} : memref<80x128xi32, #tpu.memory_space<vmem>>, vector<1x16xi32>,
    %get3A_79 = vector.shape_cast %get3A_78 : vector<1x16xi32> to vector<16xi32>
    %and3A_80 = arith.constant 65535 : i32
    %and3A_81 = vector.broadcast %and3A_80 : i32 to vector<16xi32>
    %and3A_82 = arith.andi %get3A_79, %and3A_81 : vector<16xi32>
    %swap3A_83 = arith.constant 64 : index
    %swap3A_84 = tpu.vector_load %arg10[%swap3A_83] {strides = array<i32>} : memref<128xi32, #tpu.memory_space<vmem>>, vector<16xi32>,
    %swap3A_85 = vector.shape_cast %swap3A_84 : vector<16xi32> to vector<16xi32>
    %swap3A_86 = vector.shape_cast %and3A_82 : vector<16xi32> to vector<16xi32>
    tpu.vector_store %arg10[%swap3A_83], %swap3A_86 {strides = array<i32>} : memref<128xi32, #tpu.memory_space<vmem>>, vector<16xi32>,
    %shift_right_logical3A_87 = arith.constant 16 : i32
    %shift_right_logical3A_88 = vector.broadcast %shift_right_logical3A_87 : i32 to vector<16xi32>
    %shift_right_logical3A_89 = arith.shrui %get3A_79, %shift_right_logical3A_88 : vector<16xi32>
    %swap3A_90 = arith.constant 64 : index
    %swap3A_91 = tpu.vector_load %arg12[%swap3A_90] {strides = array<i32>} : memref<128xi32, #tpu.memory_space<vmem>>, vector<16xi32>,
    %swap3A_92 = vector.shape_cast %swap3A_91 : vector<16xi32> to vector<16xi32>
    %swap3A_93 = vector.shape_cast %shift_right_logical3A_89 : vector<16xi32> to vector<16xi32>
    tpu.vector_store %arg12[%swap3A_90], %swap3A_93 {strides = array<i32>} : memref<128xi32, #tpu.memory_space<vmem>>, vector<16xi32>,
    %get3A_94 = arith.constant 0 : i32
    %get3A_95 = arith.index_cast %get3A_94 : i32 to index
    %get3A_96 = arith.constant 80 : index
    %get3A_97 = tpu.vector_load %arg6[%get3A_95, %get3A_96] {strides = array<i32>} : memref<80x128xi32, #tpu.memory_space<vmem>>, vector<1x16xi32>,
    %get3A_98 = vector.shape_cast %get3A_97 : vector<1x16xi32> to vector<16xi32>
    %and3A_99 = arith.constant 65535 : i32
    %and3A_100 = vector.broadcast %and3A_99 : i32 to vector<16xi32>
    %and3A_101 = arith.andi %get3A_98, %and3A_100 : vector<16xi32>
    %swap3A_102 = arith.constant 80 : index
    %swap3A_103 = tpu.vector_load %arg10[%swap3A_102] {strides = array<i32>} : memref<128xi32, #tpu.memory_space<vmem>>, vector<16xi32>,
    %swap3A_104 = vector.shape_cast %swap3A_103 : vector<16xi32> to vector<16xi32>
    %swap3A_105 = vector.shape_cast %and3A_101 : vector<16xi32> to vector<16xi32>
    tpu.vector_store %arg10[%swap3A_102], %swap3A_105 {strides = array<i32>} : memref<128xi32, #tpu.memory_space<vmem>>, vector<16xi32>,
    %shift_right_logical3A_106 = arith.constant 16 : i32
    %shift_right_logical3A_107 = vector.broadcast %shift_right_logical3A_106 : i32 to vector<16xi32>
    %shift_right_logical3A_108 = arith.shrui %get3A_98, %shift_right_logical3A_107 : vector<16xi32>
    %swap3A_109 = arith.constant 80 : index
    %swap3A_110 = tpu.vector_load %arg12[%swap3A_109] {strides = array<i32>} : memref<128xi32, #tpu.memory_space<vmem>>, vector<16xi32>,
    %swap3A_111 = vector.shape_cast %swap3A_110 : vector<16xi32> to vector<16xi32>
    %swap3A_112 = vector.shape_cast %shift_right_logical3A_108 : vector<16xi32> to vector<16xi32>
    tpu.vector_store %arg12[%swap3A_109], %swap3A_112 {strides = array<i32>} : memref<128xi32, #tpu.memory_space<vmem>>, vector<16xi32>,
    %get3A_113 = arith.constant 0 : i32
    %get3A_114 = arith.index_cast %get3A_113 : i32 to index
    %get3A_115 = arith.constant 96 : index
    %get3A_116 = tpu.vector_load %arg6[%get3A_114, %get3A_115] {strides = array<i32>} : memref<80x128xi32, #tpu.memory_space<vmem>>, vector<1x16xi32>,
    %get3A_117 = vector.shape_cast %get3A_116 : vector<1x16xi32> to vector<16xi32>
    %and3A_118 = arith.constant 65535 : i32
    %and3A_119 = vector.broadcast %and3A_118 : i32 to vector<16xi32>
    %and3A_120 = arith.andi %get3A_117, %and3A_119 : vector<16xi32>
    %swap3A_121 = arith.constant 96 : index
    %swap3A_122 = tpu.vector_load %arg10[%swap3A_121] {strides = array<i32>} : memref<128xi32, #tpu.memory_space<vmem>>, vector<16xi32>,
    %swap3A_123 = vector.shape_cast %swap3A_122 : vector<16xi32> to vector<16xi32>
    %swap3A_124 = vector.shape_cast %and3A_120 : vector<16xi32> to vector<16xi32>
    tpu.vector_store %arg10[%swap3A_121], %swap3A_124 {strides = array<i32>} : memref<128xi32, #tpu.memory_space<vmem>>, vector<16xi32>,
    %shift_right_logical3A_125 = arith.constant 16 : i32
    %shift_right_logical3A_126 = vector.broadcast %shift_right_logical3A_125 : i32 to vector<16xi32>
    %shift_right_logical3A_127 = arith.shrui %get3A_117, %shift_right_logical3A_126 : vector<16xi32>
    %swap3A_128 = arith.constant 96 : index
    %swap3A_129 = tpu.vector_load %arg12[%swap3A_128] {strides = array<i32>} : memref<128xi32, #tpu.memory_space<vmem>>, vector<16xi32>,
    %swap3A_130 = vector.shape_cast %swap3A_129 : vector<16xi32> to vector<16xi32>
    %swap3A_131 = vector.shape_cast %shift_right_logical3A_127 : vector<16xi32> to vector<16xi32>
    tpu.vector_store %arg12[%swap3A_128], %swap3A_131 {strides = array<i32>} : memref<128xi32, #tpu.memory_space<vmem>>, vector<16xi32>,
    %get3A_132 = arith.constant 0 : i32
    %get3A_133 = arith.index_cast %get3A_132 : i32 to index
    %get3A_134 = arith.constant 112 : index
    %get3A_135 = tpu.vector_load %arg6[%get3A_133, %get3A_134] {strides = array<i32>} : memref<80x128xi32, #tpu.memory_space<vmem>>, vector<1x16xi32>,
    %get3A_136 = vector.shape_cast %get3A_135 : vector<1x16xi32> to vector<16xi32>
    %and3A_137 = arith.constant 65535 : i32
    %and3A_138 = vector.broadcast %and3A_137 : i32 to vector<16xi32>
    %and3A_139 = arith.andi %get3A_136, %and3A_138 : vector<16xi32>
    %swap3A_140 = arith.constant 112 : index
    %swap3A_141 = tpu.vector_load %arg10[%swap3A_140] {strides = array<i32>} : memref<128xi32, #tpu.memory_space<vmem>>, vector<16xi32>,
    %swap3A_142 = vector.shape_cast %swap3A_141 : vector<16xi32> to vector<16xi32>
    %swap3A_143 = vector.shape_cast %and3A_139 : vector<16xi32> to vector<16xi32>
    tpu.vector_store %arg10[%swap3A_140], %swap3A_143 {strides = array<i32>} : memref<128xi32, #tpu.memory_space<vmem>>, vector<16xi32>,
    %shift_right_logical3A_144 = arith.constant 16 : i32
    %shift_right_logical3A_145 = vector.broadcast %shift_right_logical3A_144 : i32 to vector<16xi32>
    %shift_right_logical3A_146 = arith.shrui %get3A_136, %shift_right_logical3A_145 : vector<16xi32>
    %swap3A_147 = arith.constant 112 : index
    %swap3A_148 = tpu.vector_load %arg12[%swap3A_147] {strides = array<i32>} : memref<128xi32, #tpu.memory_space<vmem>>, vector<16xi32>,
    %swap3A_149 = vector.shape_cast %swap3A_148 : vector<16xi32> to vector<16xi32>
    %swap3A_150 = vector.shape_cast %shift_right_logical3A_146 : vector<16xi32> to vector<16xi32>
    tpu.vector_store %arg12[%swap3A_147], %swap3A_150 {strides = array<i32>} : memref<128xi32, #tpu.memory_space<vmem>>, vector<16xi32>,
    %dma_start3A = arith.constant 0 : i32
    %dma_start3A_151 = arith.constant 0 : i32
    %dma_start3A_152 = tpu.memref_slice %arg2[%dma_start3A, %dma_start3A_151] : memref<10000x128xf32, #tpu.memory_space<hbm>> -> memref<10000x128xf32, #tpu.memory_space<hbm>>
    tpu.enqueue_indirect_dma source(%dma_start3A_152 : memref<10000x128xf32, #tpu.memory_space<hbm>>) target(%arg8 : memref<128x128xf32, #tpu.memory_space<vmem>>) offsets(%arg10 : memref<128xi32, #tpu.memory_space<vmem>>) semaphore(%arg14 : memref<!tpu.dma_semaphore, #tpu.memory_space<semaphore_mem>>)
    %get3A_153 = arith.constant 1 : i32
    %get3A_154 = arith.index_cast %get3A_153 : i32 to index
    %get3A_155 = arith.constant 0 : index
    %get3A_156 = tpu.vector_load %arg6[%get3A_154, %get3A_155] {strides = array<i32>} : memref<80x128xi32, #tpu.memory_space<vmem>>, vector<1x16xi32>,
    %get3A_157 = vector.shape_cast %get3A_156 : vector<1x16xi32> to vector<16xi32>
    %and3A_158 = arith.constant 65535 : i32
    %and3A_159 = vector.broadcast %and3A_158 : i32 to vector<16xi32>
    %and3A_160 = arith.andi %get3A_157, %and3A_159 : vector<16xi32>
    %swap3A_161 = arith.constant 0 : index
    %swap3A_162 = tpu.vector_load %arg11[%swap3A_161] {strides = array<i32>} : memref<128xi32, #tpu.memory_space<vmem>>, vector<16xi32>,
    %swap3A_163 = vector.shape_cast %swap3A_162 : vector<16xi32> to vector<16xi32>
    %swap3A_164 = vector.shape_cast %and3A_160 : vector<16xi32> to vector<16xi32>
    tpu.vector_store %arg11[%swap3A_161], %swap3A_164 {strides = array<i32>} : memref<128xi32, #tpu.memory_space<vmem>>, vector<16xi32>,
    %shift_right_logical3A_165 = arith.constant 16 : i32
    %shift_right_logical3A_166 = vector.broadcast %shift_right_logical3A_165 : i32 to vector<16xi32>
    %shift_right_logical3A_167 = arith.shrui %get3A_157, %shift_right_logical3A_166 : vector<16xi32>
    %swap3A_168 = arith.constant 0 : index
    %swap3A_169 = tpu.vector_load %arg13[%swap3A_168] {strides = array<i32>} : memref<128xi32, #tpu.memory_space<vmem>>, vector<16xi32>,
    %swap3A_170 = vector.shape_cast %swap3A_169 : vector<16xi32> to vector<16xi32>
    %swap3A_171 = vector.shape_cast %shift_right_logical3A_167 : vector<16xi32> to vector<16xi32>
    tpu.vector_store %arg13[%swap3A_168], %swap3A_171 {strides = array<i32>} : memref<128xi32, #tpu.memory_space<vmem>>, vector<16xi32>,
    %get3A_172 = arith.constant 1 : i32
    %get3A_173 = arith.index_cast %get3A_172 : i32 to index
    %get3A_174 = arith.constant 16 : index
    %get3A_175 = tpu.vector_load %arg6[%get3A_173, %get3A_174] {strides = array<i32>} : memref<80x128xi32, #tpu.memory_space<vmem>>, vector<1x16xi32>,
    %get3A_176 = vector.shape_cast %get3A_175 : vector<1x16xi32> to vector<16xi32>
    %and3A_177 = arith.constant 65535 : i32
    %and3A_178 = vector.broadcast %and3A_177 : i32 to vector<16xi32>
    %and3A_179 = arith.andi %get3A_176, %and3A_178 : vector<16xi32>
    %swap3A_180 = arith.constant 16 : index
    %swap3A_181 = tpu.vector_load %arg11[%swap3A_180] {strides = array<i32>} : memref<128xi32, #tpu.memory_space<vmem>>, vector<16xi32>,
    %swap3A_182 = vector.shape_cast %swap3A_181 : vector<16xi32> to vector<16xi32>
    %swap3A_183 = vector.shape_cast %and3A_179 : vector<16xi32> to vector<16xi32>
    tpu.vector_store %arg11[%swap3A_180], %swap3A_183 {strides = array<i32>} : memref<128xi32, #tpu.memory_space<vmem>>, vector<16xi32>,
    %shift_right_logical3A_184 = arith.constant 16 : i32
    %shift_right_logical3A_185 = vector.broadcast %shift_right_logical3A_184 : i32 to vector<16xi32>
    %shift_right_logical3A_186 = arith.shrui %get3A_176, %shift_right_logical3A_185 : vector<16xi32>
    %swap3A_187 = arith.constant 16 : index
    %swap3A_188 = tpu.vector_load %arg13[%swap3A_187] {strides = array<i32>} : memref<128xi32, #tpu.memory_space<vmem>>, vector<16xi32>,
    %swap3A_189 = vector.shape_cast %swap3A_188 : vector<16xi32> to vector<16xi32>
    %swap3A_190 = vector.shape_cast %shift_right_logical3A_186 : vector<16xi32> to vector<16xi32>
    tpu.vector_store %arg13[%swap3A_187], %swap3A_190 {strides = array<i32>} : memref<128xi32, #tpu.memory_space<vmem>>, vector<16xi32>,
    %get3A_191 = arith.constant 1 : i32
    %get3A_192 = arith.index_cast %get3A_191 : i32 to index
    %get3A_193 = arith.constant 32 : index
    %get3A_194 = tpu.vector_load %arg6[%get3A_192, %get3A_193] {strides = array<i32>} : memref<80x128xi32, #tpu.memory_space<vmem>>, vector<1x16xi32>,
    %get3A_195 = vector.shape_cast %get3A_194 : vector<1x16xi32> to vector<16xi32>
    %and3A_196 = arith.constant 65535 : i32
    %and3A_197 = vector.broadcast %and3A_196 : i32 to vector<16xi32>
    %and3A_198 = arith.andi %get3A_195, %and3A_197 : vector<16xi32>
    %swap3A_199 = arith.constant 32 : index
    %swap3A_200 = tpu.vector_load %arg11[%swap3A_199] {strides = array<i32>} : memref<128xi32, #tpu.memory_space<vmem>>, vector<16xi32>,
    %swap3A_201 = vector.shape_cast %swap3A_200 : vector<16xi32> to vector<16xi32>
    %swap3A_202 = vector.shape_cast %and3A_198 : vector<16xi32> to vector<16xi32>
    tpu.vector_store %arg11[%swap3A_199], %swap3A_202 {strides = array<i32>} : memref<128xi32, #tpu.memory_space<vmem>>, vector<16xi32>,
    %shift_right_logical3A_203 = arith.constant 16 : i32
    %shift_right_logical3A_204 = vector.broadcast %shift_right_logical3A_203 : i32 to vector<16xi32>
    %shift_right_logical3A_205 = arith.shrui %get3A_195, %shift_right_logical3A_204 : vector<16xi32>
    %swap3A_206 = arith.constant 32 : index
    %swap3A_207 = tpu.vector_load %arg13[%swap3A_206] {strides = array<i32>} : memref<128xi32, #tpu.memory_space<vmem>>, vector<16xi32>,
    %swap3A_208 = vector.shape_cast %swap3A_207 : vector<16xi32> to vector<16xi32>
    %swap3A_209 = vector.shape_cast %shift_right_logical3A_205 : vector<16xi32> to vector<16xi32>
    tpu.vector_store %arg13[%swap3A_206], %swap3A_209 {strides = array<i32>} : memref<128xi32, #tpu.memory_space<vmem>>, vector<16xi32>,
    %get3A_210 = arith.constant 1 : i32
    %get3A_211 = arith.index_cast %get3A_210 : i32 to index
    %get3A_212 = arith.constant 48 : index
    %get3A_213 = tpu.vector_load %arg6[%get3A_211, %get3A_212] {strides = array<i32>} : memref<80x128xi32, #tpu.memory_space<vmem>>, vector<1x16xi32>,
    %get3A_214 = vector.shape_cast %get3A_213 : vector<1x16xi32> to vector<16xi32>
    %and3A_215 = arith.constant 65535 : i32
    %and3A_216 = vector.broadcast %and3A_215 : i32 to vector<16xi32>
    %and3A_217 = arith.andi %get3A_214, %and3A_216 : vector<16xi32>
    %swap3A_218 = arith.constant 48 : index
    %swap3A_219 = tpu.vector_load %arg11[%swap3A_218] {strides = array<i32>} : memref<128xi32, #tpu.memory_space<vmem>>, vector<16xi32>,
    %swap3A_220 = vector.shape_cast %swap3A_219 : vector<16xi32> to vector<16xi32>
    %swap3A_221 = vector.shape_cast %and3A_217 : vector<16xi32> to vector<16xi32>
    tpu.vector_store %arg11[%swap3A_218], %swap3A_221 {strides = array<i32>} : memref<128xi32, #tpu.memory_space<vmem>>, vector<16xi32>,
    %shift_right_logical3A_222 = arith.constant 16 : i32
    %shift_right_logical3A_223 = vector.broadcast %shift_right_logical3A_222 : i32 to vector<16xi32>
    %shift_right_logical3A_224 = arith.shrui %get3A_214, %shift_right_logical3A_223 : vector<16xi32>
    %swap3A_225 = arith.constant 48 : index
    %swap3A_226 = tpu.vector_load %arg13[%swap3A_225] {strides = array<i32>} : memref<128xi32, #tpu.memory_space<vmem>>, vector<16xi32>,
    %swap3A_227 = vector.shape_cast %swap3A_226 : vector<16xi32> to vector<16xi32>
    %swap3A_228 = vector.shape_cast %shift_right_logical3A_224 : vector<16xi32> to vector<16xi32>
    tpu.vector_store %arg13[%swap3A_225], %swap3A_228 {strides = array<i32>} : memref<128xi32, #tpu.memory_space<vmem>>, vector<16xi32>,
    %get3A_229 = arith.constant 1 : i32
    %get3A_230 = arith.index_cast %get3A_229 : i32 to index
    %get3A_231 = arith.constant 64 : index
    %get3A_232 = tpu.vector_load %arg6[%get3A_230, %get3A_231] {strides = array<i32>} : memref<80x128xi32, #tpu.memory_space<vmem>>, vector<1x16xi32>,
    %get3A_233 = vector.shape_cast %get3A_232 : vector<1x16xi32> to vector<16xi32>
    %and3A_234 = arith.constant 65535 : i32
    %and3A_235 = vector.broadcast %and3A_234 : i32 to vector<16xi32>
    %and3A_236 = arith.andi %get3A_233, %and3A_235 : vector<16xi32>
    %swap3A_237 = arith.constant 64 : index
    %swap3A_238 = tpu.vector_load %arg11[%swap3A_237] {strides = array<i32>} : memref<128xi32, #tpu.memory_space<vmem>>, vector<16xi32>,
    %swap3A_239 = vector.shape_cast %swap3A_238 : vector<16xi32> to vector<16xi32>
    %swap3A_240 = vector.shape_cast %and3A_236 : vector<16xi32> to vector<16xi32>
    tpu.vector_store %arg11[%swap3A_237], %swap3A_240 {strides = array<i32>} : memref<128xi32, #tpu.memory_space<vmem>>, vector<16xi32>,
    %shift_right_logical3A_241 = arith.constant 16 : i32
    %shift_right_logical3A_242 = vector.broadcast %shift_right_logical3A_241 : i32 to vector<16xi32>
    %shift_right_logical3A_243 = arith.shrui %get3A_233, %shift_right_logical3A_242 : vector<16xi32>
    %swap3A_244 = arith.constant 64 : index
    %swap3A_245 = tpu.vector_load %arg13[%swap3A_244] {strides = array<i32>} : memref<128xi32, #tpu.memory_space<vmem>>, vector<16xi32>,
    %swap3A_246 = vector.shape_cast %swap3A_245 : vector<16xi32> to vector<16xi32>
    %swap3A_247 = vector.shape_cast %shift_right_logical3A_243 : vector<16xi32> to vector<16xi32>
    tpu.vector_store %arg13[%swap3A_244], %swap3A_247 {strides = array<i32>} : memref<128xi32, #tpu.memory_space<vmem>>, vector<16xi32>,
    %get3A_248 = arith.constant 1 : i32
    %get3A_249 = arith.index_cast %get3A_248 : i32 to index
    %get3A_250 = arith.constant 80 : index
    %get3A_251 = tpu.vector_load %arg6[%get3A_249, %get3A_250] {strides = array<i32>} : memref<80x128xi32, #tpu.memory_space<vmem>>, vector<1x16xi32>,
    %get3A_252 = vector.shape_cast %get3A_251 : vector<1x16xi32> to vector<16xi32>
    %and3A_253 = arith.constant 65535 : i32
    %and3A_254 = vector.broadcast %and3A_253 : i32 to vector<16xi32>
    %and3A_255 = arith.andi %get3A_252, %and3A_254 : vector<16xi32>
    %swap3A_256 = arith.constant 80 : index
    %swap3A_257 = tpu.vector_load %arg11[%swap3A_256] {strides = array<i32>} : memref<128xi32, #tpu.memory_space<vmem>>, vector<16xi32>,
    %swap3A_258 = vector.shape_cast %swap3A_257 : vector<16xi32> to vector<16xi32>
    %swap3A_259 = vector.shape_cast %and3A_255 : vector<16xi32> to vector<16xi32>
    tpu.vector_store %arg11[%swap3A_256], %swap3A_259 {strides = array<i32>} : memref<128xi32, #tpu.memory_space<vmem>>, vector<16xi32>,
    %shift_right_logical3A_260 = arith.constant 16 : i32
    %shift_right_logical3A_261 = vector.broadcast %shift_right_logical3A_260 : i32 to vector<16xi32>
    %shift_right_logical3A_262 = arith.shrui %get3A_252, %shift_right_logical3A_261 : vector<16xi32>
    %swap3A_263 = arith.constant 80 : index
    %swap3A_264 = tpu.vector_load %arg13[%swap3A_263] {strides = array<i32>} : memref<128xi32, #tpu.memory_space<vmem>>, vector<16xi32>,
    %swap3A_265 = vector.shape_cast %swap3A_264 : vector<16xi32> to vector<16xi32>
    %swap3A_266 = vector.shape_cast %shift_right_logical3A_262 : vector<16xi32> to vector<16xi32>
    tpu.vector_store %arg13[%swap3A_263], %swap3A_266 {strides = array<i32>} : memref<128xi32, #tpu.memory_space<vmem>>, vector<16xi32>,
    %get3A_267 = arith.constant 1 : i32
    %get3A_268 = arith.index_cast %get3A_267 : i32 to index
    %get3A_269 = arith.constant 96 : index
    %get3A_270 = tpu.vector_load %arg6[%get3A_268, %get3A_269] {strides = array<i32>} : memref<80x128xi32, #tpu.memory_space<vmem>>, vector<1x16xi32>,
    %get3A_271 = vector.shape_cast %get3A_270 : vector<1x16xi32> to vector<16xi32>
    %and3A_272 = arith.constant 65535 : i32
    %and3A_273 = vector.broadcast %and3A_272 : i32 to vector<16xi32>
    %and3A_274 = arith.andi %get3A_271, %and3A_273 : vector<16xi32>
    %swap3A_275 = arith.constant 96 : index
    %swap3A_276 = tpu.vector_load %arg11[%swap3A_275] {strides = array<i32>} : memref<128xi32, #tpu.memory_space<vmem>>, vector<16xi32>,
    %swap3A_277 = vector.shape_cast %swap3A_276 : vector<16xi32> to vector<16xi32>
    %swap3A_278 = vector.shape_cast %and3A_274 : vector<16xi32> to vector<16xi32>
    tpu.vector_store %arg11[%swap3A_275], %swap3A_278 {strides = array<i32>} : memref<128xi32, #tpu.memory_space<vmem>>, vector<16xi32>,
    %shift_right_logical3A_279 = arith.constant 16 : i32
    %shift_right_logical3A_280 = vector.broadcast %shift_right_logical3A_279 : i32 to vector<16xi32>
    %shift_right_logical3A_281 = arith.shrui %get3A_271, %shift_right_logical3A_280 : vector<16xi32>
    %swap3A_282 = arith.constant 96 : index
    %swap3A_283 = tpu.vector_load %arg13[%swap3A_282] {strides = array<i32>} : memref<128xi32, #tpu.memory_space<vmem>>, vector<16xi32>,
    %swap3A_284 = vector.shape_cast %swap3A_283 : vector<16xi32> to vector<16xi32>
    %swap3A_285 = vector.shape_cast %shift_right_logical3A_281 : vector<16xi32> to vector<16xi32>
    tpu.vector_store %arg13[%swap3A_282], %swap3A_285 {strides = array<i32>} : memref<128xi32, #tpu.memory_space<vmem>>, vector<16xi32>,
    %get3A_286 = arith.constant 1 : i32
    %get3A_287 = arith.index_cast %get3A_286 : i32 to index
    %get3A_288 = arith.constant 112 : index
    %get3A_289 = tpu.vector_load %arg6[%get3A_287, %get3A_288] {strides = array<i32>} : memref<80x128xi32, #tpu.memory_space<vmem>>, vector<1x16xi32>,
    %get3A_290 = vector.shape_cast %get3A_289 : vector<1x16xi32> to vector<16xi32>
    %and3A_291 = arith.constant 65535 : i32
    %and3A_292 = vector.broadcast %and3A_291 : i32 to vector<16xi32>
    %and3A_293 = arith.andi %get3A_290, %and3A_292 : vector<16xi32>
    %swap3A_294 = arith.constant 112 : index
    %swap3A_295 = tpu.vector_load %arg11[%swap3A_294] {strides = array<i32>} : memref<128xi32, #tpu.memory_space<vmem>>, vector<16xi32>,
    %swap3A_296 = vector.shape_cast %swap3A_295 : vector<16xi32> to vector<16xi32>
    %swap3A_297 = vector.shape_cast %and3A_293 : vector<16xi32> to vector<16xi32>
    tpu.vector_store %arg11[%swap3A_294], %swap3A_297 {strides = array<i32>} : memref<128xi32, #tpu.memory_space<vmem>>, vector<16xi32>,
    %shift_right_logical3A_298 = arith.constant 16 : i32
    %shift_right_logical3A_299 = vector.broadcast %shift_right_logical3A_298 : i32 to vector<16xi32>
    %shift_right_logical3A_300 = arith.shrui %get3A_290, %shift_right_logical3A_299 : vector<16xi32>
    %swap3A_301 = arith.constant 112 : index
    %swap3A_302 = tpu.vector_load %arg13[%swap3A_301] {strides = array<i32>} : memref<128xi32, #tpu.memory_space<vmem>>, vector<16xi32>,
    %swap3A_303 = vector.shape_cast %swap3A_302 : vector<16xi32> to vector<16xi32>
    %swap3A_304 = vector.shape_cast %shift_right_logical3A_300 : vector<16xi32> to vector<16xi32>
    tpu.vector_store %arg13[%swap3A_301], %swap3A_304 {strides = array<i32>} : memref<128xi32, #tpu.memory_space<vmem>>, vector<16xi32>,
    %dma_start3A_305 = arith.constant 0 : i32
    %dma_start3A_306 = arith.constant 0 : i32
    %dma_start3A_307 = tpu.memref_slice %arg2[%dma_start3A_305, %dma_start3A_306] : memref<10000x128xf32, #tpu.memory_space<hbm>> -> memref<10000x128xf32, #tpu.memory_space<hbm>>
    tpu.enqueue_indirect_dma source(%dma_start3A_307 : memref<10000x128xf32, #tpu.memory_space<hbm>>) target(%arg9 : memref<128x128xf32, #tpu.memory_space<vmem>>) offsets(%arg11 : memref<128xi32, #tpu.memory_space<vmem>>) semaphore(%arg15 : memref<!tpu.dma_semaphore, #tpu.memory_space<semaphore_mem>>)
    %scan3A = arith.constant 0 : i32
    %scan3A_308 = arith.constant 0 : i32
    %scan3A_309 = arith.constant 40 : i32
    %scan3A_310 = arith.addi %scan3A_308, %scan3A_309 : i32
    %scan3A_311 = arith.constant 1 : i32
    scf.for %scan3A_317 = %scan3A_308 to %scan3A_310 step %scan3A_311  : i32 {
      %mul3A_318 = arith.constant 2 : i32
      %mul3A_319 = arith.muli %scan3A_317, %mul3A_318 : i32
      %add3A_320 = arith.constant 0 : i32
      %add3A_321 = arith.addi %mul3A_319, %add3A_320 : i32
      %dma_wait3A = arith.constant 0 : i32
      %dma_wait3A_322 = arith.constant 0 : i32
      %dma_wait3A_323 = tpu.memref_slice %arg2[%dma_wait3A, %dma_wait3A_322] : memref<10000x128xf32, #tpu.memory_space<hbm>> -> memref<128x128xf32, #tpu.memory_space<hbm>>
      %dma_wait3A_324 = arith.constant 0 : i32
      %dma_wait3A_325 = arith.constant 0 : i32
      %dma_wait3A_326 = tpu.memref_slice %arg2[%dma_wait3A_324, %dma_wait3A_325] : memref<10000x128xf32, #tpu.memory_space<hbm>> -> memref<128x128xf32, #tpu.memory_space<hbm>>
      tpu.wait_dma2 semaphore(%arg14 : memref<!tpu.dma_semaphore, #tpu.memory_space<semaphore_mem>>) src(%dma_wait3A_326 : memref<128x128xf32, #tpu.memory_space<hbm>>) dst(%arg8 : memref<128x128xf32, #tpu.memory_space<vmem>>)
      "tpu.region"() ({
        %run_scoped3A = tpu.sem_alloc : memref<!tpu.dma_semaphore, #tpu.memory_space<semaphore_mem>>
        %dma_start3A_348 = arith.constant 0 : i32
        %dma_start3A_349 = arith.constant 0 : i32
        %dma_start3A_350 = tpu.memref_slice %arg7[%dma_start3A_348, %dma_start3A_349] : memref<10112x128xf32, #tpu.memory_space<vmem_shared>> -> memref<10112x128xf32, #tpu.memory_space<vmem_shared>>
        tpu.enqueue_indirect_dma source(%arg8 : memref<128x128xf32, #tpu.memory_space<vmem>>) target(%dma_start3A_350 : memref<10112x128xf32, #tpu.memory_space<vmem_shared>>) offsets(%arg12 : memref<128xi32, #tpu.memory_space<vmem>>) semaphore(%run_scoped3A : memref<!tpu.dma_semaphore, #tpu.memory_space<semaphore_mem>>) {add = true}
        %dma_wait3A_351 = arith.constant 0 : i32
        %dma_wait3A_352 = arith.constant 0 : i32
        %dma_wait3A_353 = tpu.memref_slice %arg7[%dma_wait3A_351, %dma_wait3A_352] : memref<10112x128xf32, #tpu.memory_space<vmem_shared>> -> memref<10112x128xf32, #tpu.memory_space<vmem_shared>>
        tpu.wait_indirect_dma semaphore(%run_scoped3A : memref<!tpu.dma_semaphore, #tpu.memory_space<semaphore_mem>>) src(%arg8 : memref<128x128xf32, #tpu.memory_space<vmem>>) dst(%dma_wait3A_353 : memref<10112x128xf32, #tpu.memory_space<vmem_shared>>)
        tpu.yield
      }) : () -> ()
      %add3A_327 = arith.constant 2 : i32
      %add3A_328 = arith.addi %add3A_321, %add3A_327 : i32
      %lt3A = arith.constant 80 : i32
      %lt3A_329 = arith.cmpi slt, %add3A_328, %lt3A : i32
      %convert_element_type3A = arith.extui %lt3A_329 : i1 to i32
      %cond3A = arith.constant 0 : i32
      %cond3A_330 = arith.cmpi ne, %convert_element_type3A, %cond3A : i32
      scf.if %cond3A_330 {
        %get3A_348 = arith.index_cast %add3A_328 : i32 to index
        %get3A_349 = arith.constant 0 : index
        %get3A_350 = tpu.vector_load %arg6[%get3A_348, %get3A_349] {strides = array<i32>} : memref<80x128xi32, #tpu.memory_space<vmem>>, vector<1x16xi32>,
        %get3A_351 = vector.shape_cast %get3A_350 : vector<1x16xi32> to vector<16xi32>
        %and3A_352 = arith.constant 65535 : i32
        %and3A_353 = vector.broadcast %and3A_352 : i32 to vector<16xi32>
        %and3A_354 = arith.andi %get3A_351, %and3A_353 : vector<16xi32>
        %swap3A_355 = arith.constant 0 : index
        %swap3A_356 = tpu.vector_load %arg10[%swap3A_355] {strides = array<i32>} : memref<128xi32, #tpu.memory_space<vmem>>, vector<16xi32>,
        %swap3A_357 = vector.shape_cast %swap3A_356 : vector<16xi32> to vector<16xi32>
        %swap3A_358 = vector.shape_cast %and3A_354 : vector<16xi32> to vector<16xi32>
        tpu.vector_store %arg10[%swap3A_355], %swap3A_358 {strides = array<i32>} : memref<128xi32, #tpu.memory_space<vmem>>, vector<16xi32>,
        %shift_right_logical3A_359 = arith.constant 16 : i32
        %shift_right_logical3A_360 = vector.broadcast %shift_right_logical3A_359 : i32 to vector<16xi32>
        %shift_right_logical3A_361 = arith.shrui %get3A_351, %shift_right_logical3A_360 : vector<16xi32>
        %swap3A_362 = arith.constant 0 : index
        %swap3A_363 = tpu.vector_load %arg12[%swap3A_362] {strides = array<i32>} : memref<128xi32, #tpu.memory_space<vmem>>, vector<16xi32>,
        %swap3A_364 = vector.shape_cast %swap3A_363 : vector<16xi32> to vector<16xi32>
        %swap3A_365 = vector.shape_cast %shift_right_logical3A_361 : vector<16xi32> to vector<16xi32>
        tpu.vector_store %arg12[%swap3A_362], %swap3A_365 {strides = array<i32>} : memref<128xi32, #tpu.memory_space<vmem>>, vector<16xi32>,
        %get3A_366 = arith.index_cast %add3A_328 : i32 to index
        %get3A_367 = arith.constant 16 : index
        %get3A_368 = tpu.vector_load %arg6[%get3A_366, %get3A_367] {strides = array<i32>} : memref<80x128xi32, #tpu.memory_space<vmem>>, vector<1x16xi32>,
        %get3A_369 = vector.shape_cast %get3A_368 : vector<1x16xi32> to vector<16xi32>
        %and3A_370 = arith.constant 65535 : i32
        %and3A_371 = vector.broadcast %and3A_370 : i32 to vector<16xi32>
        %and3A_372 = arith.andi %get3A_369, %and3A_371 : vector<16xi32>
        %swap3A_373 = arith.constant 16 : index
        %swap3A_374 = tpu.vector_load %arg10[%swap3A_373] {strides = array<i32>} : memref<128xi32, #tpu.memory_space<vmem>>, vector<16xi32>,
        %swap3A_375 = vector.shape_cast %swap3A_374 : vector<16xi32> to vector<16xi32>
        %swap3A_376 = vector.shape_cast %and3A_372 : vector<16xi32> to vector<16xi32>
        tpu.vector_store %arg10[%swap3A_373], %swap3A_376 {strides = array<i32>} : memref<128xi32, #tpu.memory_space<vmem>>, vector<16xi32>,
        %shift_right_logical3A_377 = arith.constant 16 : i32
        %shift_right_logical3A_378 = vector.broadcast %shift_right_logical3A_377 : i32 to vector<16xi32>
        %shift_right_logical3A_379 = arith.shrui %get3A_369, %shift_right_logical3A_378 : vector<16xi32>
        %swap3A_380 = arith.constant 16 : index
        %swap3A_381 = tpu.vector_load %arg12[%swap3A_380] {strides = array<i32>} : memref<128xi32, #tpu.memory_space<vmem>>, vector<16xi32>,
        %swap3A_382 = vector.shape_cast %swap3A_381 : vector<16xi32> to vector<16xi32>
        %swap3A_383 = vector.shape_cast %shift_right_logical3A_379 : vector<16xi32> to vector<16xi32>
        tpu.vector_store %arg12[%swap3A_380], %swap3A_383 {strides = array<i32>} : memref<128xi32, #tpu.memory_space<vmem>>, vector<16xi32>,
        %get3A_384 = arith.index_cast %add3A_328 : i32 to index
        %get3A_385 = arith.constant 32 : index
        %get3A_386 = tpu.vector_load %arg6[%get3A_384, %get3A_385] {strides = array<i32>} : memref<80x128xi32, #tpu.memory_space<vmem>>, vector<1x16xi32>,
        %get3A_387 = vector.shape_cast %get3A_386 : vector<1x16xi32> to vector<16xi32>
        %and3A_388 = arith.constant 65535 : i32
        %and3A_389 = vector.broadcast %and3A_388 : i32 to vector<16xi32>
        %and3A_390 = arith.andi %get3A_387, %and3A_389 : vector<16xi32>
        %swap3A_391 = arith.constant 32 : index
        %swap3A_392 = tpu.vector_load %arg10[%swap3A_391] {strides = array<i32>} : memref<128xi32, #tpu.memory_space<vmem>>, vector<16xi32>,
        %swap3A_393 = vector.shape_cast %swap3A_392 : vector<16xi32> to vector<16xi32>
        %swap3A_394 = vector.shape_cast %and3A_390 : vector<16xi32> to vector<16xi32>
        tpu.vector_store %arg10[%swap3A_391], %swap3A_394 {strides = array<i32>} : memref<128xi32, #tpu.memory_space<vmem>>, vector<16xi32>,
        %shift_right_logical3A_395 = arith.constant 16 : i32
        %shift_right_logical3A_396 = vector.broadcast %shift_right_logical3A_395 : i32 to vector<16xi32>
        %shift_right_logical3A_397 = arith.shrui %get3A_387, %shift_right_logical3A_396 : vector<16xi32>
        %swap3A_398 = arith.constant 32 : index
        %swap3A_399 = tpu.vector_load %arg12[%swap3A_398] {strides = array<i32>} : memref<128xi32, #tpu.memory_space<vmem>>, vector<16xi32>,
        %swap3A_400 = vector.shape_cast %swap3A_399 : vector<16xi32> to vector<16xi32>
        %swap3A_401 = vector.shape_cast %shift_right_logical3A_397 : vector<16xi32> to vector<16xi32>
        tpu.vector_store %arg12[%swap3A_398], %swap3A_401 {strides = array<i32>} : memref<128xi32, #tpu.memory_space<vmem>>, vector<16xi32>,
        %get3A_402 = arith.index_cast %add3A_328 : i32 to index
        %get3A_403 = arith.constant 48 : index
        %get3A_404 = tpu.vector_load %arg6[%get3A_402, %get3A_403] {strides = array<i32>} : memref<80x128xi32, #tpu.memory_space<vmem>>, vector<1x16xi32>,
        %get3A_405 = vector.shape_cast %get3A_404 : vector<1x16xi32> to vector<16xi32>
        %and3A_406 = arith.constant 65535 : i32
        %and3A_407 = vector.broadcast %and3A_406 : i32 to vector<16xi32>
        %and3A_408 = arith.andi %get3A_405, %and3A_407 : vector<16xi32>
        %swap3A_409 = arith.constant 48 : index
        %swap3A_410 = tpu.vector_load %arg10[%swap3A_409] {strides = array<i32>} : memref<128xi32, #tpu.memory_space<vmem>>, vector<16xi32>,
        %swap3A_411 = vector.shape_cast %swap3A_410 : vector<16xi32> to vector<16xi32>
        %swap3A_412 = vector.shape_cast %and3A_408 : vector<16xi32> to vector<16xi32>
        tpu.vector_store %arg10[%swap3A_409], %swap3A_412 {strides = array<i32>} : memref<128xi32, #tpu.memory_space<vmem>>, vector<16xi32>,
        %shift_right_logical3A_413 = arith.constant 16 : i32
        %shift_right_logical3A_414 = vector.broadcast %shift_right_logical3A_413 : i32 to vector<16xi32>
        %shift_right_logical3A_415 = arith.shrui %get3A_405, %shift_right_logical3A_414 : vector<16xi32>
        %swap3A_416 = arith.constant 48 : index
        %swap3A_417 = tpu.vector_load %arg12[%swap3A_416] {strides = array<i32>} : memref<128xi32, #tpu.memory_space<vmem>>, vector<16xi32>,
        %swap3A_418 = vector.shape_cast %swap3A_417 : vector<16xi32> to vector<16xi32>
        %swap3A_419 = vector.shape_cast %shift_right_logical3A_415 : vector<16xi32> to vector<16xi32>
        tpu.vector_store %arg12[%swap3A_416], %swap3A_419 {strides = array<i32>} : memref<128xi32, #tpu.memory_space<vmem>>, vector<16xi32>,
        %get3A_420 = arith.index_cast %add3A_328 : i32 to index
        %get3A_421 = arith.constant 64 : index
        %get3A_422 = tpu.vector_load %arg6[%get3A_420, %get3A_421] {strides = array<i32>} : memref<80x128xi32, #tpu.memory_space<vmem>>, vector<1x16xi32>,
        %get3A_423 = vector.shape_cast %get3A_422 : vector<1x16xi32> to vector<16xi32>
        %and3A_424 = arith.constant 65535 : i32
        %and3A_425 = vector.broadcast %and3A_424 : i32 to vector<16xi32>
        %and3A_426 = arith.andi %get3A_423, %and3A_425 : vector<16xi32>
        %swap3A_427 = arith.constant 64 : index
        %swap3A_428 = tpu.vector_load %arg10[%swap3A_427] {strides = array<i32>} : memref<128xi32, #tpu.memory_space<vmem>>, vector<16xi32>,
        %swap3A_429 = vector.shape_cast %swap3A_428 : vector<16xi32> to vector<16xi32>
        %swap3A_430 = vector.shape_cast %and3A_426 : vector<16xi32> to vector<16xi32>
        tpu.vector_store %arg10[%swap3A_427], %swap3A_430 {strides = array<i32>} : memref<128xi32, #tpu.memory_space<vmem>>, vector<16xi32>,
        %shift_right_logical3A_431 = arith.constant 16 : i32
        %shift_right_logical3A_432 = vector.broadcast %shift_right_logical3A_431 : i32 to vector<16xi32>
        %shift_right_logical3A_433 = arith.shrui %get3A_423, %shift_right_logical3A_432 : vector<16xi32>
        %swap3A_434 = arith.constant 64 : index
        %swap3A_435 = tpu.vector_load %arg12[%swap3A_434] {strides = array<i32>} : memref<128xi32, #tpu.memory_space<vmem>>, vector<16xi32>,
        %swap3A_436 = vector.shape_cast %swap3A_435 : vector<16xi32> to vector<16xi32>
        %swap3A_437 = vector.shape_cast %shift_right_logical3A_433 : vector<16xi32> to vector<16xi32>
        tpu.vector_store %arg12[%swap3A_434], %swap3A_437 {strides = array<i32>} : memref<128xi32, #tpu.memory_space<vmem>>, vector<16xi32>,
        %get3A_438 = arith.index_cast %add3A_328 : i32 to index
        %get3A_439 = arith.constant 80 : index
        %get3A_440 = tpu.vector_load %arg6[%get3A_438, %get3A_439] {strides = array<i32>} : memref<80x128xi32, #tpu.memory_space<vmem>>, vector<1x16xi32>,
        %get3A_441 = vector.shape_cast %get3A_440 : vector<1x16xi32> to vector<16xi32>
        %and3A_442 = arith.constant 65535 : i32
        %and3A_443 = vector.broadcast %and3A_442 : i32 to vector<16xi32>
        %and3A_444 = arith.andi %get3A_441, %and3A_443 : vector<16xi32>
        %swap3A_445 = arith.constant 80 : index
        %swap3A_446 = tpu.vector_load %arg10[%swap3A_445] {strides = array<i32>} : memref<128xi32, #tpu.memory_space<vmem>>, vector<16xi32>,
        %swap3A_447 = vector.shape_cast %swap3A_446 : vector<16xi32> to vector<16xi32>
        %swap3A_448 = vector.shape_cast %and3A_444 : vector<16xi32> to vector<16xi32>
        tpu.vector_store %arg10[%swap3A_445], %swap3A_448 {strides = array<i32>} : memref<128xi32, #tpu.memory_space<vmem>>, vector<16xi32>,
        %shift_right_logical3A_449 = arith.constant 16 : i32
        %shift_right_logical3A_450 = vector.broadcast %shift_right_logical3A_449 : i32 to vector<16xi32>
        %shift_right_logical3A_451 = arith.shrui %get3A_441, %shift_right_logical3A_450 : vector<16xi32>
        %swap3A_452 = arith.constant 80 : index
        %swap3A_453 = tpu.vector_load %arg12[%swap3A_452] {strides = array<i32>} : memref<128xi32, #tpu.memory_space<vmem>>, vector<16xi32>,
        %swap3A_454 = vector.shape_cast %swap3A_453 : vector<16xi32> to vector<16xi32>
        %swap3A_455 = vector.shape_cast %shift_right_logical3A_451 : vector<16xi32> to vector<16xi32>
        tpu.vector_store %arg12[%swap3A_452], %swap3A_455 {strides = array<i32>} : memref<128xi32, #tpu.memory_space<vmem>>, vector<16xi32>,
        %get3A_456 = arith.index_cast %add3A_328 : i32 to index
        %get3A_457 = arith.constant 96 : index
        %get3A_458 = tpu.vector_load %arg6[%get3A_456, %get3A_457] {strides = array<i32>} : memref<80x128xi32, #tpu.memory_space<vmem>>, vector<1x16xi32>,
        %get3A_459 = vector.shape_cast %get3A_458 : vector<1x16xi32> to vector<16xi32>
        %and3A_460 = arith.constant 65535 : i32
        %and3A_461 = vector.broadcast %and3A_460 : i32 to vector<16xi32>
        %and3A_462 = arith.andi %get3A_459, %and3A_461 : vector<16xi32>
        %swap3A_463 = arith.constant 96 : index
        %swap3A_464 = tpu.vector_load %arg10[%swap3A_463] {strides = array<i32>} : memref<128xi32, #tpu.memory_space<vmem>>, vector<16xi32>,
        %swap3A_465 = vector.shape_cast %swap3A_464 : vector<16xi32> to vector<16xi32>
        %swap3A_466 = vector.shape_cast %and3A_462 : vector<16xi32> to vector<16xi32>
        tpu.vector_store %arg10[%swap3A_463], %swap3A_466 {strides = array<i32>} : memref<128xi32, #tpu.memory_space<vmem>>, vector<16xi32>,
        %shift_right_logical3A_467 = arith.constant 16 : i32
        %shift_right_logical3A_468 = vector.broadcast %shift_right_logical3A_467 : i32 to vector<16xi32>
        %shift_right_logical3A_469 = arith.shrui %get3A_459, %shift_right_logical3A_468 : vector<16xi32>
        %swap3A_470 = arith.constant 96 : index
        %swap3A_471 = tpu.vector_load %arg12[%swap3A_470] {strides = array<i32>} : memref<128xi32, #tpu.memory_space<vmem>>, vector<16xi32>,
        %swap3A_472 = vector.shape_cast %swap3A_471 : vector<16xi32> to vector<16xi32>
        %swap3A_473 = vector.shape_cast %shift_right_logical3A_469 : vector<16xi32> to vector<16xi32>
        tpu.vector_store %arg12[%swap3A_470], %swap3A_473 {strides = array<i32>} : memref<128xi32, #tpu.memory_space<vmem>>, vector<16xi32>,
        %get3A_474 = arith.index_cast %add3A_328 : i32 to index
        %get3A_475 = arith.constant 112 : index
        %get3A_476 = tpu.vector_load %arg6[%get3A_474, %get3A_475] {strides = array<i32>} : memref<80x128xi32, #tpu.memory_space<vmem>>, vector<1x16xi32>,
        %get3A_477 = vector.shape_cast %get3A_476 : vector<1x16xi32> to vector<16xi32>
        %and3A_478 = arith.constant 65535 : i32
        %and3A_479 = vector.broadcast %and3A_478 : i32 to vector<16xi32>
        %and3A_480 = arith.andi %get3A_477, %and3A_479 : vector<16xi32>
        %swap3A_481 = arith.constant 112 : index
        %swap3A_482 = tpu.vector_load %arg10[%swap3A_481] {strides = array<i32>} : memref<128xi32, #tpu.memory_space<vmem>>, vector<16xi32>,
        %swap3A_483 = vector.shape_cast %swap3A_482 : vector<16xi32> to vector<16xi32>
        %swap3A_484 = vector.shape_cast %and3A_480 : vector<16xi32> to vector<16xi32>
        tpu.vector_store %arg10[%swap3A_481], %swap3A_484 {strides = array<i32>} : memref<128xi32, #tpu.memory_space<vmem>>, vector<16xi32>,
        %shift_right_logical3A_485 = arith.constant 16 : i32
        %shift_right_logical3A_486 = vector.broadcast %shift_right_logical3A_485 : i32 to vector<16xi32>
        %shift_right_logical3A_487 = arith.shrui %get3A_477, %shift_right_logical3A_486 : vector<16xi32>
        %swap3A_488 = arith.constant 112 : index
        %swap3A_489 = tpu.vector_load %arg12[%swap3A_488] {strides = array<i32>} : memref<128xi32, #tpu.memory_space<vmem>>, vector<16xi32>,
        %swap3A_490 = vector.shape_cast %swap3A_489 : vector<16xi32> to vector<16xi32>
        %swap3A_491 = vector.shape_cast %shift_right_logical3A_487 : vector<16xi32> to vector<16xi32>
        tpu.vector_store %arg12[%swap3A_488], %swap3A_491 {strides = array<i32>} : memref<128xi32, #tpu.memory_space<vmem>>, vector<16xi32>,
        %dma_start3A_492 = arith.constant 0 : i32
        %dma_start3A_493 = arith.constant 0 : i32
        %dma_start3A_494 = tpu.memref_slice %arg2[%dma_start3A_492, %dma_start3A_493] : memref<10000x128xf32, #tpu.memory_space<hbm>> -> memref<10000x128xf32, #tpu.memory_space<hbm>>
        tpu.enqueue_indirect_dma source(%dma_start3A_494 : memref<10000x128xf32, #tpu.memory_space<hbm>>) target(%arg8 : memref<128x128xf32, #tpu.memory_space<vmem>>) offsets(%arg10 : memref<128xi32, #tpu.memory_space<vmem>>) semaphore(%arg14 : memref<!tpu.dma_semaphore, #tpu.memory_space<semaphore_mem>>)
      } else {
      }
      %mul3A_331 = arith.constant 2 : i32
      %mul3A_332 = arith.muli %scan3A_317, %mul3A_331 : i32
      %add3A_333 = arith.constant 1 : i32
      %add3A_334 = arith.addi %mul3A_332, %add3A_333 : i32
      %dma_wait3A_335 = arith.constant 0 : i32
      %dma_wait3A_336 = arith.constant 0 : i32
      %dma_wait3A_337 = tpu.memref_slice %arg2[%dma_wait3A_335, %dma_wait3A_336] : memref<10000x128xf32, #tpu.memory_space<hbm>> -> memref<128x128xf32, #tpu.memory_space<hbm>>
      %dma_wait3A_338 = arith.constant 0 : i32
      %dma_wait3A_339 = arith.constant 0 : i32
      %dma_wait3A_340 = tpu.memref_slice %arg2[%dma_wait3A_338, %dma_wait3A_339] : memref<10000x128xf32, #tpu.memory_space<hbm>> -> memref<128x128xf32, #tpu.memory_space<hbm>>
      tpu.wait_dma2 semaphore(%arg15 : memref<!tpu.dma_semaphore, #tpu.memory_space<semaphore_mem>>) src(%dma_wait3A_340 : memref<128x128xf32, #tpu.memory_space<hbm>>) dst(%arg9 : memref<128x128xf32, #tpu.memory_space<vmem>>)
      "tpu.region"() ({
        %run_scoped3A = tpu.sem_alloc : memref<!tpu.dma_semaphore, #tpu.memory_space<semaphore_mem>>
        %dma_start3A_348 = arith.constant 0 : i32
        %dma_start3A_349 = arith.constant 0 : i32
        %dma_start3A_350 = tpu.memref_slice %arg7[%dma_start3A_348, %dma_start3A_349] : memref<10112x128xf32, #tpu.memory_space<vmem_shared>> -> memref<10112x128xf32, #tpu.memory_space<vmem_shared>>
        tpu.enqueue_indirect_dma source(%arg9 : memref<128x128xf32, #tpu.memory_space<vmem>>) target(%dma_start3A_350 : memref<10112x128xf32, #tpu.memory_space<vmem_shared>>) offsets(%arg13 : memref<128xi32, #tpu.memory_space<vmem>>) semaphore(%run_scoped3A : memref<!tpu.dma_semaphore, #tpu.memory_space<semaphore_mem>>) {add = true}
        %dma_wait3A_351 = arith.constant 0 : i32
        %dma_wait3A_352 = arith.constant 0 : i32
        %dma_wait3A_353 = tpu.memref_slice %arg7[%dma_wait3A_351, %dma_wait3A_352] : memref<10112x128xf32, #tpu.memory_space<vmem_shared>> -> memref<10112x128xf32, #tpu.memory_space<vmem_shared>>
        tpu.wait_indirect_dma semaphore(%run_scoped3A : memref<!tpu.dma_semaphore, #tpu.memory_space<semaphore_mem>>) src(%arg9 : memref<128x128xf32, #tpu.memory_space<vmem>>) dst(%dma_wait3A_353 : memref<10112x128xf32, #tpu.memory_space<vmem_shared>>)
        tpu.yield
      }) : () -> ()
      %add3A_341 = arith.constant 2 : i32
      %add3A_342 = arith.addi %add3A_334, %add3A_341 : i32
      %lt3A_343 = arith.constant 80 : i32
      %lt3A_344 = arith.cmpi slt, %add3A_342, %lt3A_343 : i32
      %convert_element_type3A_345 = arith.extui %lt3A_344 : i1 to i32
      %cond3A_346 = arith.constant 0 : i32
      %cond3A_347 = arith.cmpi ne, %convert_element_type3A_345, %cond3A_346 : i32
      scf.if %cond3A_347 {
        %get3A_348 = arith.index_cast %add3A_342 : i32 to index
        %get3A_349 = arith.constant 0 : index
        %get3A_350 = tpu.vector_load %arg6[%get3A_348, %get3A_349] {strides = array<i32>} : memref<80x128xi32, #tpu.memory_space<vmem>>, vector<1x16xi32>,
        %get3A_351 = vector.shape_cast %get3A_350 : vector<1x16xi32> to vector<16xi32>
        %and3A_352 = arith.constant 65535 : i32
        %and3A_353 = vector.broadcast %and3A_352 : i32 to vector<16xi32>
        %and3A_354 = arith.andi %get3A_351, %and3A_353 : vector<16xi32>
        %swap3A_355 = arith.constant 0 : index
        %swap3A_356 = tpu.vector_load %arg11[%swap3A_355] {strides = array<i32>} : memref<128xi32, #tpu.memory_space<vmem>>, vector<16xi32>,
        %swap3A_357 = vector.shape_cast %swap3A_356 : vector<16xi32> to vector<16xi32>
        %swap3A_358 = vector.shape_cast %and3A_354 : vector<16xi32> to vector<16xi32>
        tpu.vector_store %arg11[%swap3A_355], %swap3A_358 {strides = array<i32>} : memref<128xi32, #tpu.memory_space<vmem>>, vector<16xi32>,
        %shift_right_logical3A_359 = arith.constant 16 : i32
        %shift_right_logical3A_360 = vector.broadcast %shift_right_logical3A_359 : i32 to vector<16xi32>
        %shift_right_logical3A_361 = arith.shrui %get3A_351, %shift_right_logical3A_360 : vector<16xi32>
        %swap3A_362 = arith.constant 0 : index
        %swap3A_363 = tpu.vector_load %arg13[%swap3A_362] {strides = array<i32>} : memref<128xi32, #tpu.memory_space<vmem>>, vector<16xi32>,
        %swap3A_364 = vector.shape_cast %swap3A_363 : vector<16xi32> to vector<16xi32>
        %swap3A_365 = vector.shape_cast %shift_right_logical3A_361 : vector<16xi32> to vector<16xi32>
        tpu.vector_store %arg13[%swap3A_362], %swap3A_365 {strides = array<i32>} : memref<128xi32, #tpu.memory_space<vmem>>, vector<16xi32>,
        %get3A_366 = arith.index_cast %add3A_342 : i32 to index
        %get3A_367 = arith.constant 16 : index
        %get3A_368 = tpu.vector_load %arg6[%get3A_366, %get3A_367] {strides = array<i32>} : memref<80x128xi32, #tpu.memory_space<vmem>>, vector<1x16xi32>,
        %get3A_369 = vector.shape_cast %get3A_368 : vector<1x16xi32> to vector<16xi32>
        %and3A_370 = arith.constant 65535 : i32
        %and3A_371 = vector.broadcast %and3A_370 : i32 to vector<16xi32>
        %and3A_372 = arith.andi %get3A_369, %and3A_371 : vector<16xi32>
        %swap3A_373 = arith.constant 16 : index
        %swap3A_374 = tpu.vector_load %arg11[%swap3A_373] {strides = array<i32>} : memref<128xi32, #tpu.memory_space<vmem>>, vector<16xi32>,
        %swap3A_375 = vector.shape_cast %swap3A_374 : vector<16xi32> to vector<16xi32>
        %swap3A_376 = vector.shape_cast %and3A_372 : vector<16xi32> to vector<16xi32>
        tpu.vector_store %arg11[%swap3A_373], %swap3A_376 {strides = array<i32>} : memref<128xi32, #tpu.memory_space<vmem>>, vector<16xi32>,
        %shift_right_logical3A_377 = arith.constant 16 : i32
        %shift_right_logical3A_378 = vector.broadcast %shift_right_logical3A_377 : i32 to vector<16xi32>
        %shift_right_logical3A_379 = arith.shrui %get3A_369, %shift_right_logical3A_378 : vector<16xi32>
        %swap3A_380 = arith.constant 16 : index
        %swap3A_381 = tpu.vector_load %arg13[%swap3A_380] {strides = array<i32>} : memref<128xi32, #tpu.memory_space<vmem>>, vector<16xi32>,
        %swap3A_382 = vector.shape_cast %swap3A_381 : vector<16xi32> to vector<16xi32>
        %swap3A_383 = vector.shape_cast %shift_right_logical3A_379 : vector<16xi32> to vector<16xi32>
        tpu.vector_store %arg13[%swap3A_380], %swap3A_383 {strides = array<i32>} : memref<128xi32, #tpu.memory_space<vmem>>, vector<16xi32>,
        %get3A_384 = arith.index_cast %add3A_342 : i32 to index
        %get3A_385 = arith.constant 32 : index
        %get3A_386 = tpu.vector_load %arg6[%get3A_384, %get3A_385] {strides = array<i32>} : memref<80x128xi32, #tpu.memory_space<vmem>>, vector<1x16xi32>,
        %get3A_387 = vector.shape_cast %get3A_386 : vector<1x16xi32> to vector<16xi32>
        %and3A_388 = arith.constant 65535 : i32
        %and3A_389 = vector.broadcast %and3A_388 : i32 to vector<16xi32>
        %and3A_390 = arith.andi %get3A_387, %and3A_389 : vector<16xi32>
        %swap3A_391 = arith.constant 32 : index
        %swap3A_392 = tpu.vector_load %arg11[%swap3A_391] {strides = array<i32>} : memref<128xi32, #tpu.memory_space<vmem>>, vector<16xi32>,
        %swap3A_393 = vector.shape_cast %swap3A_392 : vector<16xi32> to vector<16xi32>
        %swap3A_394 = vector.shape_cast %and3A_390 : vector<16xi32> to vector<16xi32>
        tpu.vector_store %arg11[%swap3A_391], %swap3A_394 {strides = array<i32>} : memref<128xi32, #tpu.memory_space<vmem>>, vector<16xi32>,
        %shift_right_logical3A_395 = arith.constant 16 : i32
        %shift_right_logical3A_396 = vector.broadcast %shift_right_logical3A_395 : i32 to vector<16xi32>
        %shift_right_logical3A_397 = arith.shrui %get3A_387, %shift_right_logical3A_396 : vector<16xi32>
        %swap3A_398 = arith.constant 32 : index
        %swap3A_399 = tpu.vector_load %arg13[%swap3A_398] {strides = array<i32>} : memref<128xi32, #tpu.memory_space<vmem>>, vector<16xi32>,
        %swap3A_400 = vector.shape_cast %swap3A_399 : vector<16xi32> to vector<16xi32>
        %swap3A_401 = vector.shape_cast %shift_right_logical3A_397 : vector<16xi32> to vector<16xi32>
        tpu.vector_store %arg13[%swap3A_398], %swap3A_401 {strides = array<i32>} : memref<128xi32, #tpu.memory_space<vmem>>, vector<16xi32>,
        %get3A_402 = arith.index_cast %add3A_342 : i32 to index
        %get3A_403 = arith.constant 48 : index
        %get3A_404 = tpu.vector_load %arg6[%get3A_402, %get3A_403] {strides = array<i32>} : memref<80x128xi32, #tpu.memory_space<vmem>>, vector<1x16xi32>,
        %get3A_405 = vector.shape_cast %get3A_404 : vector<1x16xi32> to vector<16xi32>
        %and3A_406 = arith.constant 65535 : i32
        %and3A_407 = vector.broadcast %and3A_406 : i32 to vector<16xi32>
        %and3A_408 = arith.andi %get3A_405, %and3A_407 : vector<16xi32>
        %swap3A_409 = arith.constant 48 : index
        %swap3A_410 = tpu.vector_load %arg11[%swap3A_409] {strides = array<i32>} : memref<128xi32, #tpu.memory_space<vmem>>, vector<16xi32>,
        %swap3A_411 = vector.shape_cast %swap3A_410 : vector<16xi32> to vector<16xi32>
        %swap3A_412 = vector.shape_cast %and3A_408 : vector<16xi32> to vector<16xi32>
        tpu.vector_store %arg11[%swap3A_409], %swap3A_412 {strides = array<i32>} : memref<128xi32, #tpu.memory_space<vmem>>, vector<16xi32>,
        %shift_right_logical3A_413 = arith.constant 16 : i32
        %shift_right_logical3A_414 = vector.broadcast %shift_right_logical3A_413 : i32 to vector<16xi32>
        %shift_right_logical3A_415 = arith.shrui %get3A_405, %shift_right_logical3A_414 : vector<16xi32>
        %swap3A_416 = arith.constant 48 : index
        %swap3A_417 = tpu.vector_load %arg13[%swap3A_416] {strides = array<i32>} : memref<128xi32, #tpu.memory_space<vmem>>, vector<16xi32>,
        %swap3A_418 = vector.shape_cast %swap3A_417 : vector<16xi32> to vector<16xi32>
        %swap3A_419 = vector.shape_cast %shift_right_logical3A_415 : vector<16xi32> to vector<16xi32>
        tpu.vector_store %arg13[%swap3A_416], %swap3A_419 {strides = array<i32>} : memref<128xi32, #tpu.memory_space<vmem>>, vector<16xi32>,
        %get3A_420 = arith.index_cast %add3A_342 : i32 to index
        %get3A_421 = arith.constant 64 : index
        %get3A_422 = tpu.vector_load %arg6[%get3A_420, %get3A_421] {strides = array<i32>} : memref<80x128xi32, #tpu.memory_space<vmem>>, vector<1x16xi32>,
        %get3A_423 = vector.shape_cast %get3A_422 : vector<1x16xi32> to vector<16xi32>
        %and3A_424 = arith.constant 65535 : i32
        %and3A_425 = vector.broadcast %and3A_424 : i32 to vector<16xi32>
        %and3A_426 = arith.andi %get3A_423, %and3A_425 : vector<16xi32>
        %swap3A_427 = arith.constant 64 : index
        %swap3A_428 = tpu.vector_load %arg11[%swap3A_427] {strides = array<i32>} : memref<128xi32, #tpu.memory_space<vmem>>, vector<16xi32>,
        %swap3A_429 = vector.shape_cast %swap3A_428 : vector<16xi32> to vector<16xi32>
        %swap3A_430 = vector.shape_cast %and3A_426 : vector<16xi32> to vector<16xi32>
        tpu.vector_store %arg11[%swap3A_427], %swap3A_430 {strides = array<i32>} : memref<128xi32, #tpu.memory_space<vmem>>, vector<16xi32>,
        %shift_right_logical3A_431 = arith.constant 16 : i32
        %shift_right_logical3A_432 = vector.broadcast %shift_right_logical3A_431 : i32 to vector<16xi32>
        %shift_right_logical3A_433 = arith.shrui %get3A_423, %shift_right_logical3A_432 : vector<16xi32>
        %swap3A_434 = arith.constant 64 : index
        %swap3A_435 = tpu.vector_load %arg13[%swap3A_434] {strides = array<i32>} : memref<128xi32, #tpu.memory_space<vmem>>, vector<16xi32>,
        %swap3A_436 = vector.shape_cast %swap3A_435 : vector<16xi32> to vector<16xi32>
        %swap3A_437 = vector.shape_cast %shift_right_logical3A_433 : vector<16xi32> to vector<16xi32>
        tpu.vector_store %arg13[%swap3A_434], %swap3A_437 {strides = array<i32>} : memref<128xi32, #tpu.memory_space<vmem>>, vector<16xi32>,
        %get3A_438 = arith.index_cast %add3A_342 : i32 to index
        %get3A_439 = arith.constant 80 : index
        %get3A_440 = tpu.vector_load %arg6[%get3A_438, %get3A_439] {strides = array<i32>} : memref<80x128xi32, #tpu.memory_space<vmem>>, vector<1x16xi32>,
        %get3A_441 = vector.shape_cast %get3A_440 : vector<1x16xi32> to vector<16xi32>
        %and3A_442 = arith.constant 65535 : i32
        %and3A_443 = vector.broadcast %and3A_442 : i32 to vector<16xi32>
        %and3A_444 = arith.andi %get3A_441, %and3A_443 : vector<16xi32>
        %swap3A_445 = arith.constant 80 : index
        %swap3A_446 = tpu.vector_load %arg11[%swap3A_445] {strides = array<i32>} : memref<128xi32, #tpu.memory_space<vmem>>, vector<16xi32>,
        %swap3A_447 = vector.shape_cast %swap3A_446 : vector<16xi32> to vector<16xi32>
        %swap3A_448 = vector.shape_cast %and3A_444 : vector<16xi32> to vector<16xi32>
        tpu.vector_store %arg11[%swap3A_445], %swap3A_448 {strides = array<i32>} : memref<128xi32, #tpu.memory_space<vmem>>, vector<16xi32>,
        %shift_right_logical3A_449 = arith.constant 16 : i32
        %shift_right_logical3A_450 = vector.broadcast %shift_right_logical3A_449 : i32 to vector<16xi32>
        %shift_right_logical3A_451 = arith.shrui %get3A_441, %shift_right_logical3A_450 : vector<16xi32>
        %swap3A_452 = arith.constant 80 : index
        %swap3A_453 = tpu.vector_load %arg13[%swap3A_452] {strides = array<i32>} : memref<128xi32, #tpu.memory_space<vmem>>, vector<16xi32>,
        %swap3A_454 = vector.shape_cast %swap3A_453 : vector<16xi32> to vector<16xi32>
        %swap3A_455 = vector.shape_cast %shift_right_logical3A_451 : vector<16xi32> to vector<16xi32>
        tpu.vector_store %arg13[%swap3A_452], %swap3A_455 {strides = array<i32>} : memref<128xi32, #tpu.memory_space<vmem>>, vector<16xi32>,
        %get3A_456 = arith.index_cast %add3A_342 : i32 to index
        %get3A_457 = arith.constant 96 : index
        %get3A_458 = tpu.vector_load %arg6[%get3A_456, %get3A_457] {strides = array<i32>} : memref<80x128xi32, #tpu.memory_space<vmem>>, vector<1x16xi32>,
        %get3A_459 = vector.shape_cast %get3A_458 : vector<1x16xi32> to vector<16xi32>
        %and3A_460 = arith.constant 65535 : i32
        %and3A_461 = vector.broadcast %and3A_460 : i32 to vector<16xi32>
        %and3A_462 = arith.andi %get3A_459, %and3A_461 : vector<16xi32>
        %swap3A_463 = arith.constant 96 : index
        %swap3A_464 = tpu.vector_load %arg11[%swap3A_463] {strides = array<i32>} : memref<128xi32, #tpu.memory_space<vmem>>, vector<16xi32>,
        %swap3A_465 = vector.shape_cast %swap3A_464 : vector<16xi32> to vector<16xi32>
        %swap3A_466 = vector.shape_cast %and3A_462 : vector<16xi32> to vector<16xi32>
        tpu.vector_store %arg11[%swap3A_463], %swap3A_466 {strides = array<i32>} : memref<128xi32, #tpu.memory_space<vmem>>, vector<16xi32>,
        %shift_right_logical3A_467 = arith.constant 16 : i32
        %shift_right_logical3A_468 = vector.broadcast %shift_right_logical3A_467 : i32 to vector<16xi32>
        %shift_right_logical3A_469 = arith.shrui %get3A_459, %shift_right_logical3A_468 : vector<16xi32>
        %swap3A_470 = arith.constant 96 : index
        %swap3A_471 = tpu.vector_load %arg13[%swap3A_470] {strides = array<i32>} : memref<128xi32, #tpu.memory_space<vmem>>, vector<16xi32>,
        %swap3A_472 = vector.shape_cast %swap3A_471 : vector<16xi32> to vector<16xi32>
        %swap3A_473 = vector.shape_cast %shift_right_logical3A_469 : vector<16xi32> to vector<16xi32>
        tpu.vector_store %arg13[%swap3A_470], %swap3A_473 {strides = array<i32>} : memref<128xi32, #tpu.memory_space<vmem>>, vector<16xi32>,
        %get3A_474 = arith.index_cast %add3A_342 : i32 to index
        %get3A_475 = arith.constant 112 : index
        %get3A_476 = tpu.vector_load %arg6[%get3A_474, %get3A_475] {strides = array<i32>} : memref<80x128xi32, #tpu.memory_space<vmem>>, vector<1x16xi32>,
        %get3A_477 = vector.shape_cast %get3A_476 : vector<1x16xi32> to vector<16xi32>
        %and3A_478 = arith.constant 65535 : i32
        %and3A_479 = vector.broadcast %and3A_478 : i32 to vector<16xi32>
        %and3A_480 = arith.andi %get3A_477, %and3A_479 : vector<16xi32>
        %swap3A_481 = arith.constant 112 : index
        %swap3A_482 = tpu.vector_load %arg11[%swap3A_481] {strides = array<i32>} : memref<128xi32, #tpu.memory_space<vmem>>, vector<16xi32>,
        %swap3A_483 = vector.shape_cast %swap3A_482 : vector<16xi32> to vector<16xi32>
        %swap3A_484 = vector.shape_cast %and3A_480 : vector<16xi32> to vector<16xi32>
        tpu.vector_store %arg11[%swap3A_481], %swap3A_484 {strides = array<i32>} : memref<128xi32, #tpu.memory_space<vmem>>, vector<16xi32>,
        %shift_right_logical3A_485 = arith.constant 16 : i32
        %shift_right_logical3A_486 = vector.broadcast %shift_right_logical3A_485 : i32 to vector<16xi32>
        %shift_right_logical3A_487 = arith.shrui %get3A_477, %shift_right_logical3A_486 : vector<16xi32>
        %swap3A_488 = arith.constant 112 : index
        %swap3A_489 = tpu.vector_load %arg13[%swap3A_488] {strides = array<i32>} : memref<128xi32, #tpu.memory_space<vmem>>, vector<16xi32>,
        %swap3A_490 = vector.shape_cast %swap3A_489 : vector<16xi32> to vector<16xi32>
        %swap3A_491 = vector.shape_cast %shift_right_logical3A_487 : vector<16xi32> to vector<16xi32>
        tpu.vector_store %arg13[%swap3A_488], %swap3A_491 {strides = array<i32>} : memref<128xi32, #tpu.memory_space<vmem>>, vector<16xi32>,
        %dma_start3A_492 = arith.constant 0 : i32
        %dma_start3A_493 = arith.constant 0 : i32
        %dma_start3A_494 = tpu.memref_slice %arg2[%dma_start3A_492, %dma_start3A_493] : memref<10000x128xf32, #tpu.memory_space<hbm>> -> memref<10000x128xf32, #tpu.memory_space<hbm>>
        tpu.enqueue_indirect_dma source(%dma_start3A_494 : memref<10000x128xf32, #tpu.memory_space<hbm>>) target(%arg9 : memref<128x128xf32, #tpu.memory_space<vmem>>) offsets(%arg11 : memref<128xi32, #tpu.memory_space<vmem>>) semaphore(%arg15 : memref<!tpu.dma_semaphore, #tpu.memory_space<semaphore_mem>>)
      } else {
      }
    }
    %scan3A_312 = arith.constant 40 : i32
    %barrier3A_313 = arith.constant 0 : index
    tpu.barrier barrier_id(%barrier3A_313)
    %mul3A_314 = arith.constant 10112 : i32
    %mul3A_315 = arith.muli %arg0, %mul3A_314 : i32
    %add3A_316 = arith.addi %mul3A_315, %mul3A_2 : i32
    "tpu.region"() ({
      %run_scoped3A = tpu.sem_alloc : memref<!tpu.dma_semaphore, #tpu.memory_space<semaphore_mem>>
      %dma_start3A_317 = arith.constant 0 : i32
      %dma_start3A_318 = tpu.memref_slice %arg5[%add3A_316, %dma_start3A_317] : memref<20224x128xf32, #tpu.memory_space<hbm>> -> memref<632x128xf32, #tpu.memory_space<hbm>>
      %dma_start3A_319 = arith.constant 0 : i32
      %dma_start3A_320 = tpu.memref_slice %arg7[%mul3A_2, %dma_start3A_319] : memref<10112x128xf32, #tpu.memory_space<vmem_shared>> -> memref<632x128xf32, #tpu.memory_space<vmem_shared>>
      tpu.enqueue_dma source(%dma_start3A_320 : memref<632x128xf32, #tpu.memory_space<vmem_shared>>) target(%dma_start3A_318 : memref<632x128xf32, #tpu.memory_space<hbm>>) target_semaphore(%run_scoped3A : memref<!tpu.dma_semaphore, #tpu.memory_space<semaphore_mem>>)
      %dma_wait3A = arith.constant 0 : i32
      %dma_wait3A_321 = tpu.memref_slice %arg5[%add3A_316, %dma_wait3A] : memref<20224x128xf32, #tpu.memory_space<hbm>> -> memref<632x128xf32, #tpu.memory_space<hbm>>
      %dma_wait3A_322 = arith.constant 0 : i32
      %dma_wait3A_323 = tpu.memref_slice %arg7[%mul3A_2, %dma_wait3A_322] : memref<10112x128xf32, #tpu.memory_space<vmem_shared>> -> memref<632x128xf32, #tpu.memory_space<vmem_shared>>
      tpu.wait_dma2 semaphore(%run_scoped3A : memref<!tpu.dma_semaphore, #tpu.memory_space<semaphore_mem>>) src(%dma_wait3A_323 : memref<632x128xf32, #tpu.memory_space<vmem_shared>>) dst(%dma_wait3A_321 : memref<632x128xf32, #tpu.memory_space<hbm>>)
      tpu.yield
    }) : () -> ()
    return
  }
}

module attributes {stable_mosaic.version = 14 : i64} {
  func.func @_affine_body(%arg0: i32, %arg1: memref<2000x128xf32, #tpu.memory_space<vmem>>, %arg2: memref<1x128xf32, #tpu.memory_space<vmem>>, %arg3: memref<1x128xf32, #tpu.memory_space<vmem>>, %arg4: memref<2000x128xf32, #tpu.memory_space<vmem>>) attributes {dimension_semantics = [#tpu.dimension_semantics<arbitrary>], iteration_bounds = array<i64: 5>, scalar_prefetch = 0 : i64, scratch_operands = 0 : i64, tpu.core_type = #tpu.core_type<tc>, window_params = [{transform_indices = @transform_0, window_bounds = array<i64: 2000, 128>}, {pipeline_mode = #tpu.pipeline_mode<synchronous>, transform_indices = @transform_1, window_bounds = array<i64: 1, 128>}, {pipeline_mode = #tpu.pipeline_mode<synchronous>, transform_indices = @transform_2, window_bounds = array<i64: 1, 128>}, {transform_indices = @transform_3, window_bounds = array<i64: 2000, 128>}]} {
    %get3A = arith.constant 0 : index
    %get3A_0 = arith.constant 0 : index
    %get3A_1 = vector.load %arg1[%get3A, %get3A_0] : memref<2000x128xf32, #tpu.memory_space<vmem>>, vector<2000x128xf32>
    %get3A_2 = arith.constant 0 : index
    %get3A_3 = arith.constant 0 : index
    %get3A_4 = vector.load %arg2[%get3A_2, %get3A_3] : memref<1x128xf32, #tpu.memory_space<vmem>>, vector<1x128xf32>
    %mul3A = vector.broadcast %get3A_4 : vector<1x128xf32> to vector<2000x128xf32>
    %mul3A_5 = arith.mulf %get3A_1, %mul3A : vector<2000x128xf32>
    %get3A_6 = arith.constant 0 : index
    %get3A_7 = arith.constant 0 : index
    %get3A_8 = vector.load %arg3[%get3A_6, %get3A_7] : memref<1x128xf32, #tpu.memory_space<vmem>>, vector<1x128xf32>
    %add3A = vector.broadcast %get3A_8 : vector<1x128xf32> to vector<2000x128xf32>
    %add3A_9 = arith.addf %mul3A_5, %add3A : vector<2000x128xf32>
    %swap3A = arith.constant 0 : index
    %swap3A_10 = arith.constant 0 : index
    %swap3A_11 = vector.load %arg4[%swap3A, %swap3A_10] : memref<2000x128xf32, #tpu.memory_space<vmem>>, vector<2000x128xf32>
    tpu.vector_store %arg4[%swap3A, %swap3A_10], %add3A_9 {strides = array<i32>} : memref<2000x128xf32, #tpu.memory_space<vmem>>, vector<2000x128xf32>,
    return
  }
  func.func @transform_0(%arg0: i32) -> (i32, i32) {
    %c0_i32 = arith.constant 0 : i32
    %c0_i32_0 = arith.constant 0 : i32
    return %arg0, %c0_i32 : i32, i32
  }
  func.func @transform_1(%arg0: i32) -> (i32, i32) {
    %c0_i32 = arith.constant 0 : i32
    %c0_i32_0 = arith.constant 0 : i32
    %c0_i32_1 = arith.constant 0 : i32
    return %c0_i32, %c0_i32_0 : i32, i32
  }
  func.func @transform_2(%arg0: i32) -> (i32, i32) {
    %c0_i32 = arith.constant 0 : i32
    %c0_i32_0 = arith.constant 0 : i32
    %c0_i32_1 = arith.constant 0 : i32
    return %c0_i32, %c0_i32_0 : i32, i32
  }
  func.func @transform_3(%arg0: i32) -> (i32, i32) {
    %c0_i32 = arith.constant 0 : i32
    %c0_i32_0 = arith.constant 0 : i32
    return %arg0, %c0_i32 : i32, i32
  }
}

module attributes {stable_mosaic.version = 14 : i64} {
  func.func @_layer_body(%arg0: i32, %arg1: memref<2000x128xf32, #tpu.memory_space<vmem>>, %arg2: memref<1x2000x128xf32, #tpu.memory_space<vmem>>, %arg3: memref<1x2000x128xf32, #tpu.memory_space<vmem>>, %arg4: memref<1x128xf32, #tpu.memory_space<vmem>>, %arg5: memref<128x128xf32, #tpu.memory_space<vmem>>, %arg6: memref<1x128xf32, #tpu.memory_space<vmem>>, %arg7: memref<128x128xf32, #tpu.memory_space<vmem>>, %arg8: memref<1x128xf32, #tpu.memory_space<vmem>>, %arg9: memref<1x128xf32, #tpu.memory_space<vmem>>, %arg10: memref<1x128xf32, #tpu.memory_space<vmem>>, %arg11: memref<2000x128xf32, #tpu.memory_space<vmem>>) attributes {dimension_semantics = [#tpu.dimension_semantics<arbitrary>], iteration_bounds = array<i64: 5>, scalar_prefetch = 0 : i64, scratch_operands = 0 : i64, tpu.core_type = #tpu.core_type<tc>, window_params = [{transform_indices = @transform_0, window_bounds = array<i64: 2000, 128>}, {transform_indices = @transform_1, window_bounds = array<i64: 1, 2000, 128>}, {transform_indices = @transform_2, window_bounds = array<i64: 1, 2000, 128>}, {pipeline_mode = #tpu.pipeline_mode<synchronous>, transform_indices = @transform_3, window_bounds = array<i64: 1, 128>}, {pipeline_mode = #tpu.pipeline_mode<synchronous>, transform_indices = @transform_4, window_bounds = array<i64: 128, 128>}, {pipeline_mode = #tpu.pipeline_mode<synchronous>, transform_indices = @transform_5, window_bounds = array<i64: 1, 128>}, {pipeline_mode = #tpu.pipeline_mode<synchronous>, transform_indices = @transform_6, window_bounds = array<i64: 128, 128>}, {pipeline_mode = #tpu.pipeline_mode<synchronous>, transform_indices = @transform_7, window_bounds = array<i64: 1, 128>}, {pipeline_mode = #tpu.pipeline_mode<synchronous>, transform_indices = @transform_8, window_bounds = array<i64: 1, 128>}, {pipeline_mode = #tpu.pipeline_mode<synchronous>, transform_indices = @transform_9, window_bounds = array<i64: 1, 128>}, {transform_indices = @transform_10, window_bounds = array<i64: 2000, 128>}]} {
    %get3A = arith.constant 0 : index
    %get3A_0 = arith.constant 0 : index
    %get3A_1 = vector.load %arg1[%get3A, %get3A_0] : memref<2000x128xf32, #tpu.memory_space<vmem>>, vector<2000x128xf32>
    %get3A_2 = arith.constant 0 : index
    %get3A_3 = arith.constant 0 : index
    %get3A_4 = vector.load %arg4[%get3A_2, %get3A_3] : memref<1x128xf32, #tpu.memory_space<vmem>>, vector<1x128xf32>
    %mul3A = vector.broadcast %get3A_4 : vector<1x128xf32> to vector<2000x128xf32>
    %mul3A_5 = arith.mulf %get3A_1, %mul3A : vector<2000x128xf32>
    %get3A_6 = arith.constant 0 : index
    %get3A_7 = arith.constant 0 : index
    %get3A_8 = arith.constant 0 : index
    %get3A_9 = vector.load %arg2[%get3A_6, %get3A_7, %get3A_8] : memref<1x2000x128xf32, #tpu.memory_space<vmem>>, vector<1x2000x128xf32>
    %get3A_10 = vector.shape_cast %get3A_9 : vector<1x2000x128xf32> to vector<2000x128xf32>
    %add3A = arith.addf %mul3A_5, %get3A_10 : vector<2000x128xf32>
    %get3A_11 = arith.constant 0 : index
    %get3A_12 = arith.constant 0 : index
    %get3A_13 = arith.constant 0 : index
    %get3A_14 = vector.load %arg3[%get3A_11, %get3A_12, %get3A_13] : memref<1x2000x128xf32, #tpu.memory_space<vmem>>, vector<1x2000x128xf32>
    %get3A_15 = vector.shape_cast %get3A_14 : vector<1x2000x128xf32> to vector<2000x128xf32>
    %add3A_16 = arith.addf %add3A, %get3A_15 : vector<2000x128xf32>
    %get3A_17 = arith.constant 0 : index
    %get3A_18 = arith.constant 0 : index
    %get3A_19 = vector.load %arg5[%get3A_17, %get3A_18] : memref<128x128xf32, #tpu.memory_space<vmem>>, vector<128x128xf32>
    %dot_general3A = arith.constant dense<0.000000e+00> : vector<2000x128xf32>
    %dot_general3A_20 = tpu.matmul %add3A_16, %get3A_19, %dot_general3A {dimension_numbers = #tpu.dot_dimension_numbers<[1], [0], [0], [1], [0, 0, 1, 1], [], []>, transpose_lhs_hint = false} : vector<2000x128xf32>, vector<128x128xf32>, vector<2000x128xf32> -> vector<2000x128xf32>
    %get3A_21 = arith.constant 0 : index
    %get3A_22 = arith.constant 0 : index
    %get3A_23 = vector.load %arg6[%get3A_21, %get3A_22] : memref<1x128xf32, #tpu.memory_space<vmem>>, vector<1x128xf32>
    %add3A_24 = vector.broadcast %get3A_23 : vector<1x128xf32> to vector<2000x128xf32>
    %add3A_25 = arith.addf %dot_general3A_20, %add3A_24 : vector<2000x128xf32>
    %mul3A_26 = arith.constant 5.000000e-01 : f32
    %mul3A_27 = vector.broadcast %mul3A_26 : f32 to vector<2000x128xf32>
    %mul3A_28 = arith.mulf %mul3A_27, %add3A_25 : vector<2000x128xf32>
    %mul3A_29 = arith.constant 0.707106769 : f32
    %mul3A_30 = vector.broadcast %mul3A_29 : f32 to vector<2000x128xf32>
    %mul3A_31 = arith.mulf %add3A_25, %mul3A_30 : vector<2000x128xf32>
    %erf3A = math.erf %mul3A_31 : vector<2000x128xf32>
    %add3A_32 = arith.constant 1.000000e+00 : f32
    %add3A_33 = vector.broadcast %add3A_32 : f32 to vector<2000x128xf32>
    %add3A_34 = arith.addf %add3A_33, %erf3A : vector<2000x128xf32>
    %mul3A_35 = arith.mulf %mul3A_28, %add3A_34 : vector<2000x128xf32>
    %get3A_36 = arith.constant 0 : index
    %get3A_37 = arith.constant 0 : index
    %get3A_38 = vector.load %arg7[%get3A_36, %get3A_37] : memref<128x128xf32, #tpu.memory_space<vmem>>, vector<128x128xf32>
    %dot_general3A_39 = arith.constant dense<0.000000e+00> : vector<2000x128xf32>
    %dot_general3A_40 = tpu.matmul %mul3A_35, %get3A_38, %dot_general3A_39 {dimension_numbers = #tpu.dot_dimension_numbers<[1], [0], [0], [1], [0, 0, 1, 1], [], []>, transpose_lhs_hint = false} : vector<2000x128xf32>, vector<128x128xf32>, vector<2000x128xf32> -> vector<2000x128xf32>
    %get3A_41 = arith.constant 0 : index
    %get3A_42 = arith.constant 0 : index
    %get3A_43 = vector.load %arg8[%get3A_41, %get3A_42] : memref<1x128xf32, #tpu.memory_space<vmem>>, vector<1x128xf32>
    %add3A_44 = vector.broadcast %get3A_43 : vector<1x128xf32> to vector<2000x128xf32>
    %add3A_45 = arith.addf %dot_general3A_40, %add3A_44 : vector<2000x128xf32>
    %get3A_46 = arith.constant 0 : index
    %get3A_47 = arith.constant 0 : index
    %get3A_48 = vector.load %arg9[%get3A_46, %get3A_47] : memref<1x128xf32, #tpu.memory_space<vmem>>, vector<1x128xf32>
    %mul3A_49 = vector.broadcast %get3A_48 : vector<1x128xf32> to vector<2000x128xf32>
    %mul3A_50 = arith.mulf %add3A_45, %mul3A_49 : vector<2000x128xf32>
    %get3A_51 = arith.constant 0 : index
    %get3A_52 = arith.constant 0 : index
    %get3A_53 = vector.load %arg10[%get3A_51, %get3A_52] : memref<1x128xf32, #tpu.memory_space<vmem>>, vector<1x128xf32>
    %add3A_54 = vector.broadcast %get3A_53 : vector<1x128xf32> to vector<2000x128xf32>
    %add3A_55 = arith.addf %mul3A_50, %add3A_54 : vector<2000x128xf32>
    %mul3A_56 = arith.constant 5.000000e-01 : f32
    %mul3A_57 = vector.broadcast %mul3A_56 : f32 to vector<2000x128xf32>
    %mul3A_58 = arith.mulf %mul3A_57, %add3A_55 : vector<2000x128xf32>
    %mul3A_59 = arith.constant 0.707106769 : f32
    %mul3A_60 = vector.broadcast %mul3A_59 : f32 to vector<2000x128xf32>
    %mul3A_61 = arith.mulf %add3A_55, %mul3A_60 : vector<2000x128xf32>
    %erf3A_62 = math.erf %mul3A_61 : vector<2000x128xf32>
    %add3A_63 = arith.constant 1.000000e+00 : f32
    %add3A_64 = vector.broadcast %add3A_63 : f32 to vector<2000x128xf32>
    %add3A_65 = arith.addf %add3A_64, %erf3A_62 : vector<2000x128xf32>
    %mul3A_66 = arith.mulf %mul3A_58, %add3A_65 : vector<2000x128xf32>
    %swap3A = arith.constant 0 : index
    %swap3A_67 = arith.constant 0 : index
    %swap3A_68 = vector.load %arg11[%swap3A, %swap3A_67] : memref<2000x128xf32, #tpu.memory_space<vmem>>, vector<2000x128xf32>
    tpu.vector_store %arg11[%swap3A, %swap3A_67], %mul3A_66 {strides = array<i32>} : memref<2000x128xf32, #tpu.memory_space<vmem>>, vector<2000x128xf32>,
    return
  }
  func.func @transform_0(%arg0: i32) -> (i32, i32) {
    %c0_i32 = arith.constant 0 : i32
    %c0_i32_0 = arith.constant 0 : i32
    return %arg0, %c0_i32 : i32, i32
  }
  func.func @transform_1(%arg0: i32) -> (i32, i32, i32) {
    %c0_i32 = arith.constant 0 : i32
    %c0_i32_0 = arith.constant 0 : i32
    %c0_i32_1 = arith.constant 0 : i32
    return %c0_i32, %arg0, %c0_i32_0 : i32, i32, i32
  }
  func.func @transform_2(%arg0: i32) -> (i32, i32, i32) {
    %c1_i32 = arith.constant 1 : i32
    %c0_i32 = arith.constant 0 : i32
    %c0_i32_0 = arith.constant 0 : i32
    return %c1_i32, %arg0, %c0_i32 : i32, i32, i32
  }
  func.func @transform_3(%arg0: i32) -> (i32, i32) {
    %c0_i32 = arith.constant 0 : i32
    %c0_i32_0 = arith.constant 0 : i32
    %c0_i32_1 = arith.constant 0 : i32
    return %c0_i32, %c0_i32_0 : i32, i32
  }
  func.func @transform_4(%arg0: i32) -> (i32, i32) {
    %c0_i32 = arith.constant 0 : i32
    %c0_i32_0 = arith.constant 0 : i32
    %c0_i32_1 = arith.constant 0 : i32
    return %c0_i32, %c0_i32_0 : i32, i32
  }
  func.func @transform_5(%arg0: i32) -> (i32, i32) {
    %c0_i32 = arith.constant 0 : i32
    %c0_i32_0 = arith.constant 0 : i32
    %c0_i32_1 = arith.constant 0 : i32
    return %c0_i32, %c0_i32_0 : i32, i32
  }
  func.func @transform_6(%arg0: i32) -> (i32, i32) {
    %c0_i32 = arith.constant 0 : i32
    %c0_i32_0 = arith.constant 0 : i32
    %c0_i32_1 = arith.constant 0 : i32
    return %c0_i32, %c0_i32_0 : i32, i32
  }
  func.func @transform_7(%arg0: i32) -> (i32, i32) {
    %c0_i32 = arith.constant 0 : i32
    %c0_i32_0 = arith.constant 0 : i32
    %c0_i32_1 = arith.constant 0 : i32
    return %c0_i32, %c0_i32_0 : i32, i32
  }
  func.func @transform_8(%arg0: i32) -> (i32, i32) {
    %c0_i32 = arith.constant 0 : i32
    %c0_i32_0 = arith.constant 0 : i32
    %c0_i32_1 = arith.constant 0 : i32
    return %c0_i32, %c0_i32_0 : i32, i32
  }
  func.func @transform_9(%arg0: i32) -> (i32, i32) {
    %c0_i32 = arith.constant 0 : i32
    %c0_i32_0 = arith.constant 0 : i32
    %c0_i32_1 = arith.constant 0 : i32
    return %c0_i32, %c0_i32_0 : i32, i32
  }
  func.func @transform_10(%arg0: i32) -> (i32, i32) {
    %c0_i32 = arith.constant 0 : i32
    %c0_i32_0 = arith.constant 0 : i32
    return %arg0, %c0_i32 : i32, i32
  }
}

module attributes {stable_mosaic.version = 14 : i64} {
  func.func @_layer_pool_head_body(%arg0: i32, %arg1: memref<2000x128xf32, #tpu.memory_space<vmem>>, %arg2: memref<1x2000x128xf32, #tpu.memory_space<vmem>>, %arg3: memref<1x2000x128xf32, #tpu.memory_space<vmem>>, %arg4: memref<1x128xf32, #tpu.memory_space<vmem>>, %arg5: memref<128x128xf32, #tpu.memory_space<vmem>>, %arg6: memref<1x128xf32, #tpu.memory_space<vmem>>, %arg7: memref<128x128xf32, #tpu.memory_space<vmem>>, %arg8: memref<1x128xf32, #tpu.memory_space<vmem>>, %arg9: memref<1x128xf32, #tpu.memory_space<vmem>>, %arg10: memref<1x128xf32, #tpu.memory_space<vmem>>, %arg11: memref<2000x1xi32, #tpu.memory_space<vmem>>, %arg12: memref<128x128xf32, #tpu.memory_space<vmem>>, %arg13: memref<1x128xf32, #tpu.memory_space<vmem>>, %arg14: memref<1x128xf32, #tpu.memory_space<vmem>>, %arg15: memref<1x128xf32, #tpu.memory_space<vmem>>, %arg16: memref<128x64xf32, #tpu.memory_space<vmem>>, %arg17: memref<1x64xf32, #tpu.memory_space<vmem>>, %arg18: memref<64x64xf32, #tpu.memory_space<vmem>>, %arg19: memref<64x128xf32, #tpu.memory_space<vmem>>, %arg20: memref<64x1xf32, #tpu.memory_space<vmem>>) attributes {dimension_semantics = [#tpu.dimension_semantics<arbitrary>], iteration_bounds = array<i64: 5>, scalar_prefetch = 0 : i64, scratch_operands = 2 : i64, tpu.core_type = #tpu.core_type<tc>, window_params = [{transform_indices = @transform_0, window_bounds = array<i64: 2000, 128>}, {transform_indices = @transform_1, window_bounds = array<i64: 1, 2000, 128>}, {transform_indices = @transform_2, window_bounds = array<i64: 1, 2000, 128>}, {pipeline_mode = #tpu.pipeline_mode<synchronous>, transform_indices = @transform_3, window_bounds = array<i64: 1, 128>}, {pipeline_mode = #tpu.pipeline_mode<synchronous>, transform_indices = @transform_4, window_bounds = array<i64: 128, 128>}, {pipeline_mode = #tpu.pipeline_mode<synchronous>, transform_indices = @transform_5, window_bounds = array<i64: 1, 128>}, {pipeline_mode = #tpu.pipeline_mode<synchronous>, transform_indices = @transform_6, window_bounds = array<i64: 128, 128>}, {pipeline_mode = #tpu.pipeline_mode<synchronous>, transform_indices = @transform_7, window_bounds = array<i64: 1, 128>}, {pipeline_mode = #tpu.pipeline_mode<synchronous>, transform_indices = @transform_8, window_bounds = array<i64: 1, 128>}, {pipeline_mode = #tpu.pipeline_mode<synchronous>, transform_indices = @transform_9, window_bounds = array<i64: 1, 128>}, {transform_indices = @transform_10, window_bounds = array<i64: 2000, 1>}, {pipeline_mode = #tpu.pipeline_mode<synchronous>, transform_indices = @transform_11, window_bounds = array<i64: 128, 128>}, {pipeline_mode = #tpu.pipeline_mode<synchronous>, transform_indices = @transform_12, window_bounds = array<i64: 1, 128>}, {pipeline_mode = #tpu.pipeline_mode<synchronous>, transform_indices = @transform_13, window_bounds = array<i64: 1, 128>}, {pipeline_mode = #tpu.pipeline_mode<synchronous>, transform_indices = @transform_14, window_bounds = array<i64: 1, 128>}, {pipeline_mode = #tpu.pipeline_mode<synchronous>, transform_indices = @transform_15, window_bounds = array<i64: 128, 64>}, {pipeline_mode = #tpu.pipeline_mode<synchronous>, transform_indices = @transform_16, window_bounds = array<i64: 1, 64>}, {pipeline_mode = #tpu.pipeline_mode<synchronous>, transform_indices = @transform_17, window_bounds = array<i64: 64, 64>}]} {
    %eq3A = arith.constant 0 : i32
    %eq3A_0 = arith.cmpi eq, %arg0, %eq3A : i32
    %convert_element_type3A = arith.extui %eq3A_0 : i1 to i32
    %cond3A = arith.constant 0 : i32
    %cond3A_1 = arith.cmpi ne, %convert_element_type3A, %cond3A : i32
    scf.if %cond3A_1 {
      %broadcast_in_dim3A_99 = arith.constant 0.000000e+00 : f32
      %broadcast_in_dim3A_100 = vector.broadcast %broadcast_in_dim3A_99 : f32 to vector<64x128xf32>
      %swap3A_101 = arith.constant 0 : index
      %swap3A_102 = arith.constant 0 : index
      %swap3A_103 = vector.load %arg19[%swap3A_101, %swap3A_102] : memref<64x128xf32, #tpu.memory_space<vmem>>, vector<64x128xf32>
      tpu.vector_store %arg19[%swap3A_101, %swap3A_102], %broadcast_in_dim3A_100 {strides = array<i32>} : memref<64x128xf32, #tpu.memory_space<vmem>>, vector<64x128xf32>,
      %broadcast_in_dim3A_104 = arith.constant 0.000000e+00 : f32
      %broadcast_in_dim3A_105 = vector.broadcast %broadcast_in_dim3A_104 : f32 to vector<64x1xf32>
      %swap3A_106 = arith.constant 0 : index
      %swap3A_107 = arith.constant 0 : index
      %swap3A_108 = vector.load %arg20[%swap3A_106, %swap3A_107] : memref<64x1xf32, #tpu.memory_space<vmem>>, vector<64x1xf32>
      tpu.vector_store %arg20[%swap3A_106, %swap3A_107], %broadcast_in_dim3A_105 {strides = array<i32>} : memref<64x1xf32, #tpu.memory_space<vmem>>, vector<64x1xf32>,
    } else {
    }
    %get3A = arith.constant 0 : index
    %get3A_2 = arith.constant 0 : index
    %get3A_3 = vector.load %arg1[%get3A, %get3A_2] : memref<2000x128xf32, #tpu.memory_space<vmem>>, vector<2000x128xf32>
    %get3A_4 = arith.constant 0 : index
    %get3A_5 = arith.constant 0 : index
    %get3A_6 = vector.load %arg4[%get3A_4, %get3A_5] : memref<1x128xf32, #tpu.memory_space<vmem>>, vector<1x128xf32>
    %mul3A = vector.broadcast %get3A_6 : vector<1x128xf32> to vector<2000x128xf32>
    %mul3A_7 = arith.mulf %get3A_3, %mul3A : vector<2000x128xf32>
    %get3A_8 = arith.constant 0 : index
    %get3A_9 = arith.constant 0 : index
    %get3A_10 = arith.constant 0 : index
    %get3A_11 = vector.load %arg2[%get3A_8, %get3A_9, %get3A_10] : memref<1x2000x128xf32, #tpu.memory_space<vmem>>, vector<1x2000x128xf32>
    %get3A_12 = vector.shape_cast %get3A_11 : vector<1x2000x128xf32> to vector<2000x128xf32>
    %add3A = arith.addf %mul3A_7, %get3A_12 : vector<2000x128xf32>
    %get3A_13 = arith.constant 0 : index
    %get3A_14 = arith.constant 0 : index
    %get3A_15 = arith.constant 0 : index
    %get3A_16 = vector.load %arg3[%get3A_13, %get3A_14, %get3A_15] : memref<1x2000x128xf32, #tpu.memory_space<vmem>>, vector<1x2000x128xf32>
    %get3A_17 = vector.shape_cast %get3A_16 : vector<1x2000x128xf32> to vector<2000x128xf32>
    %add3A_18 = arith.addf %add3A, %get3A_17 : vector<2000x128xf32>
    %get3A_19 = arith.constant 0 : index
    %get3A_20 = arith.constant 0 : index
    %get3A_21 = vector.load %arg5[%get3A_19, %get3A_20] : memref<128x128xf32, #tpu.memory_space<vmem>>, vector<128x128xf32>
    %dot_general3A = arith.constant dense<0.000000e+00> : vector<2000x128xf32>
    %dot_general3A_22 = tpu.matmul %add3A_18, %get3A_21, %dot_general3A {dimension_numbers = #tpu.dot_dimension_numbers<[1], [0], [0], [1], [0, 0, 1, 1], [], []>, transpose_lhs_hint = false} : vector<2000x128xf32>, vector<128x128xf32>, vector<2000x128xf32> -> vector<2000x128xf32>
    %get3A_23 = arith.constant 0 : index
    %get3A_24 = arith.constant 0 : index
    %get3A_25 = vector.load %arg6[%get3A_23, %get3A_24] : memref<1x128xf32, #tpu.memory_space<vmem>>, vector<1x128xf32>
    %add3A_26 = vector.broadcast %get3A_25 : vector<1x128xf32> to vector<2000x128xf32>
    %add3A_27 = arith.addf %dot_general3A_22, %add3A_26 : vector<2000x128xf32>
    %mul3A_28 = arith.constant 5.000000e-01 : f32
    %mul3A_29 = vector.broadcast %mul3A_28 : f32 to vector<2000x128xf32>
    %mul3A_30 = arith.mulf %mul3A_29, %add3A_27 : vector<2000x128xf32>
    %mul3A_31 = arith.constant 0.707106769 : f32
    %mul3A_32 = vector.broadcast %mul3A_31 : f32 to vector<2000x128xf32>
    %mul3A_33 = arith.mulf %add3A_27, %mul3A_32 : vector<2000x128xf32>
    %erf3A = math.erf %mul3A_33 : vector<2000x128xf32>
    %add3A_34 = arith.constant 1.000000e+00 : f32
    %add3A_35 = vector.broadcast %add3A_34 : f32 to vector<2000x128xf32>
    %add3A_36 = arith.addf %add3A_35, %erf3A : vector<2000x128xf32>
    %mul3A_37 = arith.mulf %mul3A_30, %add3A_36 : vector<2000x128xf32>
    %get3A_38 = arith.constant 0 : index
    %get3A_39 = arith.constant 0 : index
    %get3A_40 = vector.load %arg7[%get3A_38, %get3A_39] : memref<128x128xf32, #tpu.memory_space<vmem>>, vector<128x128xf32>
    %dot_general3A_41 = arith.constant dense<0.000000e+00> : vector<2000x128xf32>
    %dot_general3A_42 = tpu.matmul %mul3A_37, %get3A_40, %dot_general3A_41 {dimension_numbers = #tpu.dot_dimension_numbers<[1], [0], [0], [1], [0, 0, 1, 1], [], []>, transpose_lhs_hint = false} : vector<2000x128xf32>, vector<128x128xf32>, vector<2000x128xf32> -> vector<2000x128xf32>
    %get3A_43 = arith.constant 0 : index
    %get3A_44 = arith.constant 0 : index
    %get3A_45 = vector.load %arg8[%get3A_43, %get3A_44] : memref<1x128xf32, #tpu.memory_space<vmem>>, vector<1x128xf32>
    %add3A_46 = vector.broadcast %get3A_45 : vector<1x128xf32> to vector<2000x128xf32>
    %add3A_47 = arith.addf %dot_general3A_42, %add3A_46 : vector<2000x128xf32>
    %get3A_48 = arith.constant 0 : index
    %get3A_49 = arith.constant 0 : index
    %get3A_50 = vector.load %arg9[%get3A_48, %get3A_49] : memref<1x128xf32, #tpu.memory_space<vmem>>, vector<1x128xf32>
    %mul3A_51 = vector.broadcast %get3A_50 : vector<1x128xf32> to vector<2000x128xf32>
    %mul3A_52 = arith.mulf %add3A_47, %mul3A_51 : vector<2000x128xf32>
    %get3A_53 = arith.constant 0 : index
    %get3A_54 = arith.constant 0 : index
    %get3A_55 = vector.load %arg10[%get3A_53, %get3A_54] : memref<1x128xf32, #tpu.memory_space<vmem>>, vector<1x128xf32>
    %add3A_56 = vector.broadcast %get3A_55 : vector<1x128xf32> to vector<2000x128xf32>
    %add3A_57 = arith.addf %mul3A_52, %add3A_56 : vector<2000x128xf32>
    %mul3A_58 = arith.constant 5.000000e-01 : f32
    %mul3A_59 = vector.broadcast %mul3A_58 : f32 to vector<2000x128xf32>
    %mul3A_60 = arith.mulf %mul3A_59, %add3A_57 : vector<2000x128xf32>
    %mul3A_61 = arith.constant 0.707106769 : f32
    %mul3A_62 = vector.broadcast %mul3A_61 : f32 to vector<2000x128xf32>
    %mul3A_63 = arith.mulf %add3A_57, %mul3A_62 : vector<2000x128xf32>
    %erf3A_64 = math.erf %mul3A_63 : vector<2000x128xf32>
    %add3A_65 = arith.constant 1.000000e+00 : f32
    %add3A_66 = vector.broadcast %add3A_65 : f32 to vector<2000x128xf32>
    %add3A_67 = arith.addf %add3A_66, %erf3A_64 : vector<2000x128xf32>
    %mul3A_68 = arith.mulf %mul3A_60, %add3A_67 : vector<2000x128xf32>
    %get3A_69 = arith.constant 0 : index
    %get3A_70 = arith.constant 0 : index
    %get3A_71 = vector.load %arg11[%get3A_69, %get3A_70] : memref<2000x1xi32, #tpu.memory_space<vmem>>, vector<2000x1xi32>
    %iota3A = tpu.iota {dimensions = array<i32: 1>} : vector<2000x64xi32>
    %eq3A_72 = vector.broadcast %get3A_71 : vector<2000x1xi32> to vector<2000x64xi32>
    %eq3A_73 = arith.cmpi eq, %eq3A_72, %iota3A : vector<2000x64xi32>
    %convert_element_type3A_74 = arith.extui %eq3A_73 : vector<2000x64xi1> to vector<2000x64xi32>
    %convert_element_type3A_75 = arith.sitofp %convert_element_type3A_74 : vector<2000x64xi32> to vector<2000x64xf32>
    %get3A_76 = arith.constant 0 : index
    %get3A_77 = arith.constant 0 : index
    %get3A_78 = vector.load %arg19[%get3A_76, %get3A_77] : memref<64x128xf32, #tpu.memory_space<vmem>>, vector<64x128xf32>
    %dot_general3A_79 = arith.constant dense<0.000000e+00> : vector<64x128xf32>
    %dot_general3A_80 = tpu.matmul %convert_element_type3A_75, %mul3A_68, %dot_general3A_79 {dimension_numbers = #tpu.dot_dimension_numbers<[0], [0], [1], [1], [0, 1, 1, 1], [], []>, transpose_lhs_hint = false} : vector<2000x64xf32>, vector<2000x128xf32>, vector<64x128xf32> -> vector<64x128xf32>
    %add3A_81 = arith.addf %get3A_78, %dot_general3A_80 : vector<64x128xf32>
    %swap3A = arith.constant 0 : index
    %swap3A_82 = arith.constant 0 : index
    %swap3A_83 = vector.load %arg19[%swap3A, %swap3A_82] : memref<64x128xf32, #tpu.memory_space<vmem>>, vector<64x128xf32>
    tpu.vector_store %arg19[%swap3A, %swap3A_82], %add3A_81 {strides = array<i32>} : memref<64x128xf32, #tpu.memory_space<vmem>>, vector<64x128xf32>,
    %get3A_84 = arith.constant 0 : index
    %get3A_85 = arith.constant 0 : index
    %get3A_86 = vector.load %arg20[%get3A_84, %get3A_85] : memref<64x1xf32, #tpu.memory_space<vmem>>, vector<64x1xf32>
    %broadcast_in_dim3A = arith.constant 1.000000e+00 : f32
    %broadcast_in_dim3A_87 = vector.broadcast %broadcast_in_dim3A : f32 to vector<2000x1xf32>
    %dot_general3A_88 = arith.constant dense<0.000000e+00> : vector<64x1xf32>
    %dot_general3A_89 = tpu.matmul %convert_element_type3A_75, %broadcast_in_dim3A_87, %dot_general3A_88 {dimension_numbers = #tpu.dot_dimension_numbers<[0], [0], [1], [1], [0, 1, 1, 1], [], []>, transpose_lhs_hint = false} : vector<2000x64xf32>, vector<2000x1xf32>, vector<64x1xf32> -> vector<64x1xf32>
    %add3A_90 = arith.addf %get3A_86, %dot_general3A_89 : vector<64x1xf32>
    %swap3A_91 = arith.constant 0 : index
    %swap3A_92 = arith.constant 0 : index
    %swap3A_93 = vector.load %arg20[%swap3A_91, %swap3A_92] : memref<64x1xf32, #tpu.memory_space<vmem>>, vector<64x1xf32>
    tpu.vector_store %arg20[%swap3A_91, %swap3A_92], %add3A_90 {strides = array<i32>} : memref<64x1xf32, #tpu.memory_space<vmem>>, vector<64x1xf32>,
    %eq3A_94 = arith.constant 4 : i32
    %eq3A_95 = arith.cmpi eq, %arg0, %eq3A_94 : i32
    %convert_element_type3A_96 = arith.extui %eq3A_95 : i1 to i32
    %cond3A_97 = arith.constant 0 : i32
    %cond3A_98 = arith.cmpi ne, %convert_element_type3A_96, %cond3A_97 : i32
    scf.if %cond3A_98 {
      %get3A_99 = arith.constant 0 : index
      %get3A_100 = arith.constant 0 : index
      %get3A_101 = vector.load %arg20[%get3A_99, %get3A_100] : memref<64x1xf32, #tpu.memory_space<vmem>>, vector<64x1xf32>
      %max3A = arith.constant 1.000000e+00 : f32
      %max3A_102 = vector.broadcast %max3A : f32 to vector<64x1xf32>
      %max3A_103 = arith.maximumf %get3A_101, %max3A_102 : vector<64x1xf32>
      %get3A_104 = arith.constant 0 : index
      %get3A_105 = arith.constant 0 : index
      %get3A_106 = vector.load %arg19[%get3A_104, %get3A_105] : memref<64x128xf32, #tpu.memory_space<vmem>>, vector<64x128xf32>
      %div3A = vector.broadcast %max3A_103 : vector<64x1xf32> to vector<64x128xf32>
      %div3A_107 = arith.divf %get3A_106, %div3A : vector<64x128xf32>
      %get3A_108 = arith.constant 0 : index
      %get3A_109 = arith.constant 0 : index
      %get3A_110 = vector.load %arg12[%get3A_108, %get3A_109] : memref<128x128xf32, #tpu.memory_space<vmem>>, vector<128x128xf32>
      %dot_general3A_111 = arith.constant dense<0.000000e+00> : vector<64x128xf32>
      %dot_general3A_112 = tpu.matmul %div3A_107, %get3A_110, %dot_general3A_111 {dimension_numbers = #tpu.dot_dimension_numbers<[1], [0], [0], [1], [0, 0, 1, 1], [], []>, transpose_lhs_hint = false} : vector<64x128xf32>, vector<128x128xf32>, vector<64x128xf32> -> vector<64x128xf32>
      %get3A_113 = arith.constant 0 : index
      %get3A_114 = arith.constant 0 : index
      %get3A_115 = vector.load %arg13[%get3A_113, %get3A_114] : memref<1x128xf32, #tpu.memory_space<vmem>>, vector<1x128xf32>
      %add3A_116 = vector.broadcast %get3A_115 : vector<1x128xf32> to vector<64x128xf32>
      %add3A_117 = arith.addf %dot_general3A_112, %add3A_116 : vector<64x128xf32>
      %reduce_sum3A = arith.constant dense<0.000000e+00> : vector<64xf32>
      %reduce_sum3A_118 = vector.multi_reduction <add>, %add3A_117, %reduce_sum3A [1] : vector<64x128xf32> to vector<64xf32>
      %broadcast_in_dim3A_119 = vector.shape_cast %reduce_sum3A_118 : vector<64xf32> to vector<64x1xf32>
      %div3A_120 = arith.constant 1.280000e+02 : f32
      %div3A_121 = vector.broadcast %div3A_120 : f32 to vector<64x1xf32>
      %div3A_122 = arith.divf %broadcast_in_dim3A_119, %div3A_121 : vector<64x1xf32>
      %sub3A = vector.broadcast %div3A_122 : vector<64x1xf32> to vector<64x128xf32>
      %sub3A_123 = arith.subf %add3A_117, %sub3A : vector<64x128xf32>
      %integer_pow3A = arith.mulf %sub3A_123, %sub3A_123 : vector<64x128xf32>
      %reduce_sum3A_124 = arith.constant dense<0.000000e+00> : vector<64xf32>
      %reduce_sum3A_125 = vector.multi_reduction <add>, %integer_pow3A, %reduce_sum3A_124 [1] : vector<64x128xf32> to vector<64xf32>
      %broadcast_in_dim3A_126 = vector.shape_cast %reduce_sum3A_125 : vector<64xf32> to vector<64x1xf32>
      %div3A_127 = arith.constant 1.280000e+02 : f32
      %div3A_128 = vector.broadcast %div3A_127 : f32 to vector<64x1xf32>
      %div3A_129 = arith.divf %broadcast_in_dim3A_126, %div3A_128 : vector<64x1xf32>
      %sub3A_130 = vector.broadcast %div3A_122 : vector<64x1xf32> to vector<64x128xf32>
      %sub3A_131 = arith.subf %add3A_117, %sub3A_130 : vector<64x128xf32>
      %add3A_132 = arith.constant 9.99999974E-6 : f32
      %add3A_133 = vector.broadcast %add3A_132 : f32 to vector<64x1xf32>
      %add3A_134 = arith.addf %div3A_129, %add3A_133 : vector<64x1xf32>
      %sqrt3A = math.sqrt %add3A_134 : vector<64x1xf32>
      %div3A_135 = vector.broadcast %sqrt3A : vector<64x1xf32> to vector<64x128xf32>
      %div3A_136 = arith.divf %sub3A_131, %div3A_135 : vector<64x128xf32>
      %get3A_137 = arith.constant 0 : index
      %get3A_138 = arith.constant 0 : index
      %get3A_139 = vector.load %arg14[%get3A_137, %get3A_138] : memref<1x128xf32, #tpu.memory_space<vmem>>, vector<1x128xf32>
      %mul3A_140 = vector.broadcast %get3A_139 : vector<1x128xf32> to vector<64x128xf32>
      %mul3A_141 = arith.mulf %div3A_136, %mul3A_140 : vector<64x128xf32>
      %get3A_142 = arith.constant 0 : index
      %get3A_143 = arith.constant 0 : index
      %get3A_144 = vector.load %arg15[%get3A_142, %get3A_143] : memref<1x128xf32, #tpu.memory_space<vmem>>, vector<1x128xf32>
      %add3A_145 = vector.broadcast %get3A_144 : vector<1x128xf32> to vector<64x128xf32>
      %add3A_146 = arith.addf %mul3A_141, %add3A_145 : vector<64x128xf32>
      %mul3A_147 = arith.constant 5.000000e-01 : f32
      %mul3A_148 = vector.broadcast %mul3A_147 : f32 to vector<64x128xf32>
      %mul3A_149 = arith.mulf %mul3A_148, %add3A_146 : vector<64x128xf32>
      %mul3A_150 = arith.constant 0.707106769 : f32
      %mul3A_151 = vector.broadcast %mul3A_150 : f32 to vector<64x128xf32>
      %mul3A_152 = arith.mulf %add3A_146, %mul3A_151 : vector<64x128xf32>
      %erf3A_153 = math.erf %mul3A_152 : vector<64x128xf32>
      %add3A_154 = arith.constant 1.000000e+00 : f32
      %add3A_155 = vector.broadcast %add3A_154 : f32 to vector<64x128xf32>
      %add3A_156 = arith.addf %add3A_155, %erf3A_153 : vector<64x128xf32>
      %mul3A_157 = arith.mulf %mul3A_149, %add3A_156 : vector<64x128xf32>
      %add3A_158 = arith.addf %mul3A_157, %div3A_107 : vector<64x128xf32>
      %get3A_159 = arith.constant 0 : index
      %get3A_160 = arith.constant 0 : index
      %get3A_161 = vector.load %arg16[%get3A_159, %get3A_160] : memref<128x64xf32, #tpu.memory_space<vmem>>, vector<128x64xf32>
      %dot_general3A_162 = arith.constant dense<0.000000e+00> : vector<64x64xf32>
      %dot_general3A_163 = tpu.matmul %add3A_158, %get3A_161, %dot_general3A_162 {dimension_numbers = #tpu.dot_dimension_numbers<[1], [0], [0], [1], [0, 0, 1, 1], [], []>, transpose_lhs_hint = false} : vector<64x128xf32>, vector<128x64xf32>, vector<64x64xf32> -> vector<64x64xf32>
      %get3A_164 = arith.constant 0 : index
      %get3A_165 = arith.constant 0 : index
      %get3A_166 = vector.load %arg17[%get3A_164, %get3A_165] : memref<1x64xf32, #tpu.memory_space<vmem>>, vector<1x64xf32>
      %add3A_167 = vector.broadcast %get3A_166 : vector<1x64xf32> to vector<64x64xf32>
      %add3A_168 = arith.addf %dot_general3A_163, %add3A_167 : vector<64x64xf32>
      %swap3A_169 = arith.constant 0 : index
      %swap3A_170 = arith.constant 0 : index
      %swap3A_171 = vector.load %arg18[%swap3A_169, %swap3A_170] : memref<64x64xf32, #tpu.memory_space<vmem>>, vector<64x64xf32>
      tpu.vector_store %arg18[%swap3A_169, %swap3A_170], %add3A_168 {strides = array<i32>} : memref<64x64xf32, #tpu.memory_space<vmem>>, vector<64x64xf32>,
    } else {
    }
    return
  }
  func.func @transform_0(%arg0: i32) -> (i32, i32) {
    %c0_i32 = arith.constant 0 : i32
    %c0_i32_0 = arith.constant 0 : i32
    return %arg0, %c0_i32 : i32, i32
  }
  func.func @transform_1(%arg0: i32) -> (i32, i32, i32) {
    %c0_i32 = arith.constant 0 : i32
    %c0_i32_0 = arith.constant 0 : i32
    %c0_i32_1 = arith.constant 0 : i32
    return %c0_i32, %arg0, %c0_i32_0 : i32, i32, i32
  }
  func.func @transform_2(%arg0: i32) -> (i32, i32, i32) {
    %c1_i32 = arith.constant 1 : i32
    %c0_i32 = arith.constant 0 : i32
    %c0_i32_0 = arith.constant 0 : i32
    return %c1_i32, %arg0, %c0_i32 : i32, i32, i32
  }
  func.func @transform_3(%arg0: i32) -> (i32, i32) {
    %c0_i32 = arith.constant 0 : i32
    %c0_i32_0 = arith.constant 0 : i32
    %c0_i32_1 = arith.constant 0 : i32
    return %c0_i32, %c0_i32_0 : i32, i32
  }
  func.func @transform_4(%arg0: i32) -> (i32, i32) {
    %c0_i32 = arith.constant 0 : i32
    %c0_i32_0 = arith.constant 0 : i32
    %c0_i32_1 = arith.constant 0 : i32
    return %c0_i32, %c0_i32_0 : i32, i32
  }
  func.func @transform_5(%arg0: i32) -> (i32, i32) {
    %c0_i32 = arith.constant 0 : i32
    %c0_i32_0 = arith.constant 0 : i32
    %c0_i32_1 = arith.constant 0 : i32
    return %c0_i32, %c0_i32_0 : i32, i32
  }
  func.func @transform_6(%arg0: i32) -> (i32, i32) {
    %c0_i32 = arith.constant 0 : i32
    %c0_i32_0 = arith.constant 0 : i32
    %c0_i32_1 = arith.constant 0 : i32
    return %c0_i32, %c0_i32_0 : i32, i32
  }
  func.func @transform_7(%arg0: i32) -> (i32, i32) {
    %c0_i32 = arith.constant 0 : i32
    %c0_i32_0 = arith.constant 0 : i32
    %c0_i32_1 = arith.constant 0 : i32
    return %c0_i32, %c0_i32_0 : i32, i32
  }
  func.func @transform_8(%arg0: i32) -> (i32, i32) {
    %c0_i32 = arith.constant 0 : i32
    %c0_i32_0 = arith.constant 0 : i32
    %c0_i32_1 = arith.constant 0 : i32
    return %c0_i32, %c0_i32_0 : i32, i32
  }
  func.func @transform_9(%arg0: i32) -> (i32, i32) {
    %c0_i32 = arith.constant 0 : i32
    %c0_i32_0 = arith.constant 0 : i32
    %c0_i32_1 = arith.constant 0 : i32
    return %c0_i32, %c0_i32_0 : i32, i32
  }
  func.func @transform_10(%arg0: i32) -> (i32, i32) {
    %c0_i32 = arith.constant 0 : i32
    %c0_i32_0 = arith.constant 0 : i32
    return %arg0, %c0_i32 : i32, i32
  }
  func.func @transform_11(%arg0: i32) -> (i32, i32) {
    %c0_i32 = arith.constant 0 : i32
    %c0_i32_0 = arith.constant 0 : i32
    %c0_i32_1 = arith.constant 0 : i32
    return %c0_i32, %c0_i32_0 : i32, i32
  }
  func.func @transform_12(%arg0: i32) -> (i32, i32) {
    %c0_i32 = arith.constant 0 : i32
    %c0_i32_0 = arith.constant 0 : i32
    %c0_i32_1 = arith.constant 0 : i32
    return %c0_i32, %c0_i32_0 : i32, i32
  }
  func.func @transform_13(%arg0: i32) -> (i32, i32) {
    %c0_i32 = arith.constant 0 : i32
    %c0_i32_0 = arith.constant 0 : i32
    %c0_i32_1 = arith.constant 0 : i32
    return %c0_i32, %c0_i32_0 : i32, i32
  }
  func.func @transform_14(%arg0: i32) -> (i32, i32) {
    %c0_i32 = arith.constant 0 : i32
    %c0_i32_0 = arith.constant 0 : i32
    %c0_i32_1 = arith.constant 0 : i32
    return %c0_i32, %c0_i32_0 : i32, i32
  }
  func.func @transform_15(%arg0: i32) -> (i32, i32) {
    %c0_i32 = arith.constant 0 : i32
    %c0_i32_0 = arith.constant 0 : i32
    %c0_i32_1 = arith.constant 0 : i32
    return %c0_i32, %c0_i32_0 : i32, i32
  }
  func.func @transform_16(%arg0: i32) -> (i32, i32) {
    %c0_i32 = arith.constant 0 : i32
    %c0_i32_0 = arith.constant 0 : i32
    %c0_i32_1 = arith.constant 0 : i32
    return %c0_i32, %c0_i32_0 : i32, i32
  }
  func.func @transform_17(%arg0: i32) -> (i32, i32) {
    %c0_i32 = arith.constant 0 : i32
    %c0_i32_0 = arith.constant 0 : i32
    %c0_i32_1 = arith.constant 0 : i32
    return %c0_i32, %c0_i32_0 : i32, i32
  }
}

</mosaic_0001>

<sc_bundles>
// kernel: kernel.12.cloned.1.call-start
scs
__scs_entry_jumppad:
0x0: {  	(pc) =	sbr.rel $0x88, $3  }
0x1: {  	(tag) =	ssettag $0x0;
	lr =	simm.s32 $0x1  }
0x2: {  	[smem:$0x3F6D] =	sst lr;
	_ =	strace $0xD0000000  }
0x3: {  	_ = 	snop  }
0x4: {  	_ = 	snop  }
0x5: {  	_ = 	snop  }
0x6: {  	_ = 	snop  }
0x7: {  	_ = 	snop  }
__scs_overlays_trampoline_lowered:
0x8: {  	[smem:$0x3F7C] =	sst s0  }
0x9: {  	[smem:$0x3F7D] =	sst s1  }
0xa: {  	[smem:$0x3F7E] =	sst s2  }
0xb: {  	[smem:$0x3F7F] =	sst s3  }
0xc: {  	[smem:$0x3F80] =	sst s4  }
0xd: {  	[smem:$0x3F81] =	sst s5  }
0xe: {  	[smem:$0x3F82] =	sst s6  }
0xf: {  	[smem:$0x3F83] =	sst s7  }
0x10: {  	[smem:$0x3F84] =	sst s8  }
0x11: {  	[smem:$0x3F85] =	sst s9;
	s0 =	simm.s32 @!p0 $0x0  }
0x12: {  	s1 =	sld [smem:$0x3F6B];
	s0 =	simm.s32 @p0 $0x1  }
0x13: {  	[smem:$0x3F86] =	sst s0;
	s0 =	simm.s32 @!p1 $0x0  }
0x14: {  	s2 =	sld [smem:$0x3F6A];
	s0 =	simm.s32 @p1 $0x1  }
0x15: {  	[smem:$0x3F87] =	sst s0;
	s0 =	simm.s32 @!p2 $0x0  }
0x16: {  	s3 =	sld [smem:$0x3FDB];
	s0 =	simm.s32 @p2 $0x1  }
0x17: {  	s4 =	simm.s32 $0x1BF5;
	[smem:$0x3F89] =	sst s0  }
0x18: {  	s0 =	sld [smem:$0x3F6C];
	_ =	swait.ge [sflag:s4], $0x0  }
0x19: {  	s7 =	sld [smem:$0x3F6D]  }
0x1a: {  	s8 =	sadd.s32 $0xFFFFE003, lr  }
0x1b: {  	s9 =	sadd.s32 $0xFFFFFEF7, lr;
	s5 =	simm.s32 $0xFFFFFFFF;
	p2 =	slt.u32 s8, $0xFFFFF086  }
0x1c: {  	p1 =	slt.u32 s9, $0xF7A;
	s5 =	simm.s32 @!p2 $0x0  }
0x1d: {  	s5 =	simm.s32 @p1 $0x1;
	p0 =	seq.s32 s7, s2  }
0x1e: {  	s7 =	smul.u32 @!p0 $0xF7A, s2;
	p2 =	seq.s32 @!p0 s5, $0x0  }
0x1f: {  	s9 =	smul.u32 $0xF7A, s1;
	s8 =	simm.s32 @!p0 $0x1BF5;
	p2 =	por !p2, p0  }
0x20: {  	[sflag:s8] =	ssyncset.s32 @!p0 $0xFFFFF086;
	s6 =	sadd.s32 @!p0 s3, s7;
	s7 =	simm.s32 @!p0 $0x108  }
0x21: {  	s3 =	sadd.s32 s3, s9;
	s6 =	sadd.s32 @!p0 $0x88, s6;
	s7 =	simm.s32 @p2 $0x1082  }
0x22: {  	[simem:s7], [sflag:s8] =	dma.local @!p0 [hbm:s6], $0xF7A  }
0x23: {  	s9 =	sor.u32 $0xD0000000, s2;
	s6 =	simm.s32 $0x108;
	_ =	swait.ge @!p0 [sflag:s8], $0x0  }
0x24: {  	s3 =	sadd.s32 $0x88, s3;
	s6 =	simm.s32 @!p1 $0x1082;
	[sflag:s4] =	ssyncset.s32 $0xFFFFF086  }
0x25: {  	[simem:s6], [sflag:s4] =	dma.local [hbm:s3], $0xF7A  }
0x26: {  	[smem:$0x3F6D] =	sst s1;
	(tag) =	ssettag s2;
	_ =	strace s9  }
0x27: {  	s1 =	sld [smem:$0x3F7D]  }
0x28: {  	s2 =	sld [smem:$0x3F7E]  }
0x29: {  	s4 =	sld [smem:$0x3F80]  }
0x2a: {  	p0 =	seq.s32 s5, $0x0;
	s5 =	sld [smem:$0x3F81]  }
0x2b: {  	s6 =	sld [smem:$0x3F82]  }
0x2c: {  	s7 =	sld [smem:$0x3F83]  }
0x2d: {  	s3 =	simm.s32 $0x108;
	s8 =	sld [smem:$0x3F84]  }
0x2e: {  	s3 =	simm.s32 @!p0 $0x1082;
	s9 =	sld [smem:$0x3F85]  }
0x2f: {  	lr =	sadd.s32 s0, s3;
	s0 =	sld [smem:$0x3F7C]  }
0x30: {  	s3 =	sld [smem:$0x3F7F]  }
0x31: {  	[smem:$0x3F88] =	sst s10  }
0x32: {  	s10 =	sld [smem:$0x3F86];
	_ =	sdelay $0x3  }
0x33: {  	p0 =	seq.s32 s10, $0x1;
	s10 =	sld [smem:$0x3F88];
	_ =	sdelay $0x3  }
0x34: {  	[smem:$0x3F88] =	sst s10  }
0x35: {  	s10 =	sld [smem:$0x3F87];
	_ =	sdelay $0x3  }
0x36: {  	p1 =	seq.s32 s10, $0x1;
	s10 =	sld [smem:$0x3F88];
	_ =	sdelay $0x3  }
0x37: {  	[smem:$0x3F88] =	sst s10  }
0x38: {  	s10 =	sld [smem:$0x3F89]  }
0x39: {  	_ = 	snop;
	(pc) =	sbr.ind lr, $3  }
0x3a: {  	_ = 	snop  }
0x3b: {  	_ = 	snop  }
0x3c: {  	p2 =	seq.s32 s10, $0x1;
	s10 =	sld [smem:$0x3F88]  }
0x3d: {  	_ =	shalt  }
0x3e: {  	_ =	shalt  }
0x3f: {  	_ =	shalt  }
0x40: {  	_ =	shalt  }
0x41: {  	_ =	shalt  }
0x42: {  	_ =	shalt  }
0x43: {  	_ =	shalt  }
0x44: {  	_ =	shalt  }
0x45: {  	_ =	shalt  }
0x46: {  	_ =	shalt  }
0x47: {  	_ =	shalt  }
0x48: {  	_ =	shalt  }
0x49: {  	_ =	shalt  }
0x4a: {  	_ =	shalt  }
0x4b: {  	_ =	shalt  }
0x4c: {  	_ =	shalt  }
0x4d: {  	_ =	shalt  }
0x4e: {  	_ =	shalt  }
0x4f: {  	_ =	shalt  }
0x50: {  	_ =	shalt  }
0x51: {  	_ =	shalt  }
0x52: {  	_ =	shalt  }
0x53: {  	_ =	shalt  }
0x54: {  	_ =	shalt  }
0x55: {  	_ =	shalt  }
0x56: {  	_ =	shalt  }
0x57: {  	_ =	shalt  }
0x58: {  	_ =	shalt  }
0x59: {  	_ =	shalt  }
0x5a: {  	_ =	shalt  }
0x5b: {  	_ =	shalt  }
0x5c: {  	_ =	shalt  }
0x5d: {  	_ =	shalt  }
0x5e: {  	_ =	shalt  }
0x5f: {  	_ =	shalt  }
0x60: {  	_ =	shalt  }
0x61: {  	_ =	shalt  }
0x62: {  	_ =	shalt  }
0x63: {  	_ =	shalt  }
0x64: {  	_ =	shalt  }
0x65: {  	_ =	shalt  }
0x66: {  	_ =	shalt  }
0x67: {  	_ =	shalt  }
0x68: {  	_ =	shalt  }
0x69: {  	_ =	shalt  }
0x6a: {  	_ =	shalt  }
0x6b: {  	_ =	shalt  }
0x6c: {  	_ =	shalt  }
0x6d: {  	_ =	shalt  }
0x6e: {  	_ =	shalt  }
0x6f: {  	_ =	shalt  }
0x70: {  	_ =	shalt  }
0x71: {  	_ =	shalt  }
0x72: {  	_ =	shalt  }
0x73: {  	_ =	shalt  }
0x74: {  	_ =	shalt  }
0x75: {  	_ =	shalt  }
0x76: {  	_ =	shalt  }
0x77: {  	_ =	shalt  }
0x78: {  	_ =	shalt  }
0x79: {  	_ =	shalt  }
0x7a: {  	_ =	shalt  }
0x7b: {  	_ =	shalt  }
0x7c: {  	_ =	shalt  }
0x7d: {  	_ =	shalt  }
0x7e: {  	_ =	shalt  }
0x7f: {  	_ =	shalt  }
0x80: {  	_ =	shalt  }
0x81: {  	_ =	shalt  }
0x82: {  	_ =	shalt  }
0x83: {  	_ =	shalt  }
0x84: {  	_ =	shalt  }
0x85: {  	_ =	shalt  }
0x86: {  	_ =	shalt  }
0x87: {  	_ =	shalt  }
.Lfunc_end0:
.L_simem_size_0:
called_computation.1_lowered:
.L_overlay_start_0:
0x88: {  	s2 =	sld [smem:$0x3FD9]  }
0x89: {  	s3 =	sld [smem:$0x3FFE];
	_ =	sdelay $0x1  }
0x8a: {  	s1 =	srdreg.scid  }
0x8b: {  	s0 =	sand.u32 $0x1, s1  }
0x8c: {  	s16 =	sshll.u32 s0, $0xA;
	s2 =	sadd.s32 s3, s2  }
0x8d: {  	s2 =	sadd.s32 s2, s16  }
0x8e: {  	[smem:$0x3F94] =	sst s2  }
0x8f: {  	_ = 	snop  }
0x90: {  	(tm) =	ssettm $0x1  }
0x91: {  	s17 =	sld [smem:$0x3FFB];
	_ =	sdelay $0x3  }
0x92: {  	_ =	strace s17  }
0x93: {  	s2 =	sld [smem:$0x3FFC];
	_ =	sdelay $0x3  }
0x94: {  	_ =	strace s2  }
0x95: {  	s2 =	sld [smem:$0x3FFD];
	_ =	sdelay $0x3  }
0x96: {  	_ =	strace s2  }
0x97: {  	_ =	strace $0x8FFFFFFF  }
0x98: {  	s18 =	sld [smem:$0x3FDB];
	_ =	sdelay $0x1  }
0x99: {  	s19 =	simm.s32 $_scs_section_size  }
0x9a: {  	s4 =	simm.s32 $_size__tile_overlayer_lowered;
	s5 =	simm.s32 $_tile_overlayer_lowered  }
0x9b: {  	s22 =	simm.s32 $0x1BFF;
	s21 =	sshll.u32 s5, $0x1;
	s2 =	sadd.s32 s19, s18  }
0x9c: {  	s6 =	simm.s32 $0x0;
	s20 =	sshll.u32 s4, $0x1;
	s4 =	sadd.s32 s21, s2  }
0x9d: {  	[timem:s6], [sflag:s22] =	dma.local [hbm:s4], s20  }
0x9e: {  	_ =	swait.ge [sflag:s22], s20  }
0x9f: {  	s3 =	ssub.s32 $0x0, s20;
	[sflag:s22] =	ssyncset.done $0x0  }
0xa0: {  	[sflag:s22] =	ssyncadd.s32 s3;
	_ =	sdelay $0x1  }
0xa1: {  	s23 =	simm.s32 $0x1B8B  }
0xa2: {  	_ =	swait.ge [sflag:s23], $0x1  }
0xa3: {  	[sflag:s23] =	ssyncset.done $0x0  }
0xa4: {  	s25 =	simm.s32 $0x1B8E;
	s24 =	sld [smem:$0x3FFE];
	[sflag:s23] =	ssyncadd.s32 $0xFFFFFFFF  }
0xa5: {  	s26 =	simm.s32 $execute0_lowered;
	[smem:$0x3FD2] =	sst s25  }
0xa6: {  	s4 =	sshll.u32 s26, $0x1;
	_ =	strace $0x80000049;
	[dreg:$0x1] =	wrdreg $0xFFFFFFFF  }
0xa7: {  	s28 =	simm.s32 $_size_execute0_lowered;
	s2 =	sadd.s32 s2, s4;
	[dreg:$0x0] =	wrdreg $0x0  }
0xa8: {  	s4 =	sshll.u32 s28, $0x1;
	[dreg:$0x2] =	wrdreg s2  }
0xa9: {  	[dreg:$0x3] =	wrdreg s4  }
0xaa: {  	[dreg:$0x4] =	wrdreg $0xC0  }
0xab: {  	_ =	task [dreg:s6], $0x5FFFF  }
0xac: {  	[dreg:$0x1] =	wrdreg $0xFFFFFFFF  }
0xad: {  	[dreg:$0x0] =	wrdreg $0x60  }
0xae: {  	[dreg:$0x2] =	wrdreg s24  }
0xaf: {  	[dreg:$0x3] =	wrdreg $0x28000  }
0xb0: {  	[dreg:$0x4] =	wrdreg $0x9  }
0xb1: {  	_ =	task.clear_ibuf [dreg:s6], $0x5FFFF;
	_ =	strace $0x90000049  }
0xb2: {  	s29 =	simm.s32 $0x9;
	_ =	strace $0x8000004B  }
0xb3: {  	_ =	swait.ge [sflag:s29], $0x1  }
0xb4: {  	[sflag:s29] =	ssyncadd.s32 $0xFFFFFFFF  }
0xb5: {  	_ =	strace $0x9000004B  }
0xb6: {  	_ =	sfence  }
0xb7: {  	s30 =	sld [smem:$0x0];
	_ =	sdelay $0x2  }
0xb8: {  	s31 =	sshll.u32 s1, $0xD;
	s1 =	sshrl.u32 s1, $0x2  }
0xb9: {  	s3 =	sand.u32 $0x4000, s31;
	s1 =	sadd.s32 s1, s30  }
0xba: {  	s0 =	sor.u32 s3, s0;
	s1 =	sshll.u32 s1, $0x11  }
0xbb: {  	s0 =	sor.u32 s1, s0  }
0xbc: {  	s0 =	sadd.s32 $0x8F2B, s0  }
0xbd: {  	[sflag:s0] =	ssyncadd.remote.s32 $0x1  }
0xbe: {  	_ =	sfence.sel $0xFFFF  }
0xbf: {  	[dreg:$0x0] =	wrdreg $0xFFFFFFFF;
	(pc) =	sbr.abs _section_cstart, $3  }
0xc0: {  	[dreg:$0x1] =	wrdreg $0xFFFFFFFF  }
0xc1: {  	_ =	task.clear_ibuf [dreg:s6], $0x2FFFF;
	_ =	strace $0x9FFFFFFF  }
0xc2: {  	(tm) =	ssettm $0x7FFFFFFF  }
0xc3: {  	_ =	shalt  }
tec
execute0_lowered:
.L_overlay_start_1:
0x0: {  	(tag) =	ssettag $0x1  }
0x1: {  	s1 =	srdreg.scid;
	s6 =	rddreg [dreg:$0x0]  }
0x2: {  	s0 =	stileid.u32;
	s2 =	rddreg [dreg:$0x1]  }
0x3: {  	s3 =	simm.s32 $0x0;
	s13 =	simm.s32 $0x1E400;
	s14 =	simm.s32 $0x16400  }
0x4: {  	s15 =	simm.s32 $0x1E480;
	s16 =	simm.s32 $0x1A400;
	s17 =	simm.s32 $0x1  }
0x5: {  	s18 =	simm.s32 $0x1E500;
	s19 =	simm.s32 $0x2;
	s20 =	simm.s32 $0x1E580  }
0x6: {  	s21 =	simm.s32 $0x0;
	s5 =	sand.u32 $0x1, s1;
	s8 =	smul.u32 $0x2780, s0  }
0x7: {  	s28 =	sshll.u32 s0, $0x1;
	[smem:$0x7FF] =	sst s3;
	s10 =	smul.u32 $0x4F000, s0  }
0x8: {  	s4 =	sadd.s32 $0x12E00, s6;
	s1 =	sor.u32 s5, s28;
	s9 =	smul.u32 $0x27800, s5  }
0x9: {  	s31 =	sshll.u32 s0, $0x6;
	s5 =	ssub.s32 $0x2, s5;
	s7 =	smul.u32 $0x500, s1  }
0xa: {  	s1 =	rddreg [dreg:$0x2];
	_ =	strace $0x8000004A;
	s29 =	sshrl.u32 s5, $0x1  }
0xb: {  	s30 =	sshrl.u32 s10, $0x2;
	s10 =	sor.u32 $0x1C03, s31;
	s9 =	sadd.s32 s8, s9  }
0xc: {  	s8 =	sadd.s32 s8, s6;
	s11 =	ssub.s32 s5, s29;
	s12 =	sadd.s32 s30, s2  }
0xd: {  	s7 =	sadd.s32 s7, s6;
	s9 =	sadd.s32 s9, s6;
	s6 =	sadd.s32 $0x3A000, s8  }
0xe: {  	s8 =	smax.u32 s11, $0x1;
	s11 =	sshrl.u32 s12, $0x3;
	s12 =	simm.s32 $0x80  }
0xf: {  	s5 =	sadd.s32 $0x8E00, s7;
	s7 =	sadd.s32 $0x61800, s9;
	s9 =	simm.s32 $0x3  }
.LBB2_1:
0x10: {  	[tilespmem:s3], [sflag:$0x3] =	stream.linear.gather [hbm4b:s5+s3], $0x2800, $0x38;
	[tilespmem:$0x1E600] =	vst v63  }
0x11: {  	_ =	swait.ge [sflag:s9], $0x2800  }
0x12: {  	[sflag:s9] =	ssyncset.done $0x0  }
0x13: {  	[sflag:s9] =	ssyncadd.s32 $0xFFFFD800  }
0x14: {  	[spmem:s11], [sflag:s10] =	dma.local [hbm:s6], $0x2780  }
0x15: {  	_ =	swait.ge [sflag:s9], $0x2780  }
0x16: {  	[sflag:s9] =	ssyncset.done $0x0  }
0x17: {  	[sflag:s9] =	ssyncadd.s32 $0xFFFFD880  }
0x18: {  	[bflag:$0x0] =	sbarrier.arrive $0xFFFF  }
0x19: {  	v0 =	vld [tilespmem:$0x0];
	_ =	sdelay $0x1  }
0x1a: {  	v1 =	vld [tilespmem:$0x10];
	_ =	sdelay $0x1  }
0x1b: {  	v2 =	vld [tilespmem:$0x20]  }
0x1c: {  	v3 =	vand.u32 $0xFFFF, v0  }
0x1d: {  	v0 =	vshrl.u32 v0, $0x10;
	[tilespmem:$0x1E400] =	vst v3;
	v3 =	vld [tilespmem:$0x30]  }
0x1e: {  	[tilespmem:$0x1E500] =	vst v0;
	v0 =	vand.u32 $0xFFFF, v1  }
0x1f: {  	[tilespmem:$0x1E410] =	vst v0;
	v0 =	vshrl.u32 v1, $0x10;
	v1 =	vld [tilespmem:$0x40]  }
0x20: {  	[tilespmem:$0x1E510] =	vst v0;
	v0 =	vand.u32 $0xFFFF, v2  }
0x21: {  	[tilespmem:$0x1E420] =	vst v0;
	v0 =	vshrl.u32 v2, $0x10;
	v2 =	vld [tilespmem:$0x50]  }
0x22: {  	[tilespmem:$0x1E520] =	vst v0;
	v0 =	vand.u32 $0xFFFF, v3  }
0x23: {  	[tilespmem:$0x1E430] =	vst v0;
	v0 =	vshrl.u32 v3, $0x10;
	v3 =	vld [tilespmem:$0x60]  }
0x24: {  	[tilespmem:$0x1E530] =	vst v0;
	v0 =	vand.u32 $0xFFFF, v1  }
0x25: {  	[tilespmem:$0x1E440] =	vst v0;
	v0 =	vshrl.u32 v1, $0x10;
	v1 =	vld [tilespmem:$0x70]  }
0x26: {  	[tilespmem:$0x1E540] =	vst v0;
	v0 =	vand.u32 $0xFFFF, v2  }
0x27: {  	[tilespmem:$0x1E450] =	vst v0;
	v0 =	vshrl.u32 v2, $0x10  }
0x28: {  	[tilespmem:$0x1E550] =	vst v0;
	v0 =	vand.u32 $0xFFFF, v3  }
0x29: {  	[tilespmem:$0x1E460] =	vst v0;
	v0 =	vshrl.u32 v3, $0x10  }
0x2a: {  	[tilespmem:$0x1E560] =	vst v0;
	v0 =	vand.u32 $0xFFFF, v1  }
0x2b: {  	[tilespmem:$0x1E470] =	vst v0;
	v0 =	vshrl.u32 v1, $0x10  }
0x2c: {  	[tilespmem:$0x1E570] =	vst v0  }
0x2d: {  	[tilespmem:s14], [sflag:$0x1] =	stream.indirect.gather [hbm4b:s4+s12], $0x80, s13, s12, $0xb8;
	[tilespmem:$0x1E600] =	vst v63  }
0x2e: {  	v0 =	vld [tilespmem:$0x80];
	_ =	sdelay $0x1  }
0x2f: {  	v1 =	vld [tilespmem:$0x90];
	_ =	sdelay $0x1  }
0x30: {  	v2 =	vld [tilespmem:$0xA0]  }
0x31: {  	v3 =	vand.u32 $0xFFFF, v0  }
0x32: {  	v0 =	vshrl.u32 v0, $0x10;
	[tilespmem:$0x1E480] =	vst v3;
	v3 =	vld [tilespmem:$0xB0]  }
0x33: {  	[tilespmem:$0x1E580] =	vst v0;
	v0 =	vand.u32 $0xFFFF, v1  }
0x34: {  	[tilespmem:$0x1E490] =	vst v0;
	v0 =	vshrl.u32 v1, $0x10;
	v1 =	vld [tilespmem:$0xC0]  }
0x35: {  	[tilespmem:$0x1E590] =	vst v0;
	v0 =	vand.u32 $0xFFFF, v2  }
0x36: {  	[tilespmem:$0x1E4A0] =	vst v0;
	v0 =	vshrl.u32 v2, $0x10;
	v2 =	vld [tilespmem:$0xD0]  }
0x37: {  	[tilespmem:$0x1E5A0] =	vst v0;
	v0 =	vand.u32 $0xFFFF, v3  }
0x38: {  	[tilespmem:$0x1E4B0] =	vst v0;
	v0 =	vshrl.u32 v3, $0x10;
	v3 =	vld [tilespmem:$0xE0]  }
0x39: {  	[tilespmem:$0x1E5B0] =	vst v0;
	v0 =	vand.u32 $0xFFFF, v1  }
0x3a: {  	[tilespmem:$0x1E4C0] =	vst v0;
	v0 =	vshrl.u32 v1, $0x10;
	v1 =	vld [tilespmem:$0xF0]  }
0x3b: {  	[tilespmem:$0x1E5C0] =	vst v0;
	v0 =	vand.u32 $0xFFFF, v2  }
0x3c: {  	[tilespmem:$0x1E4D0] =	vst v0;
	v0 =	vshrl.u32 v2, $0x10  }
0x3d: {  	[tilespmem:$0x1E5D0] =	vst v0;
	v0 =	vand.u32 $0xFFFF, v3  }
0x3e: {  	[tilespmem:$0x1E4E0] =	vst v0;
	v0 =	vshrl.u32 v3, $0x10  }
0x3f: {  	[tilespmem:$0x1E5E0] =	vst v0;
	v0 =	vand.u32 $0xFFFF, v1  }
0x40: {  	[tilespmem:$0x1E4F0] =	vst v0;
	v0 =	vshrl.u32 v1, $0x10  }
0x41: {  	[tilespmem:$0x1E5F0] =	vst v0  }
0x42: {  	[tilespmem:s16], [sflag:$0x2] =	stream.indirect.gather [hbm4b:s4+s12], $0x80, s15, s12, $0xb8;
	[tilespmem:$0x1E600] =	vst v63  }
0x43: {  	_ =	swait.ge [sflag:s17], $0x4000  }
0x44: {  	[sflag:s17] =	ssyncset.done $0x0  }
0x45: {  	[sflag:s17] =	ssyncadd.s32 $0xFFFFC000  }
0x46: {  	[spmem:s2] =	stream.indirect.scatter.add.f32 [tilespmem:s14], [sflag:$0x3], $0x80, s18, s12, $0xb8;
	[tilespmem:$0x1E600] =	vst v63  }
0x47: {  	_ =	swait.ge [sflag:s9], $0x4000  }
0x48: {  	[sflag:s9] =	ssyncset.done $0x0  }
0x49: {  	s22 =	simm.s32 $0x1F0;
	[sflag:s9] =	ssyncadd.s32 $0xFFFFC000  }
0x4a: {  	v0 =	vld [tilespmem:s22+$0xFFFFFF10];
	_ =	sdelay $0x4  }
0x4b: {  	v1 =	vand.u32 $0xFFFF, v0  }
0x4c: {  	v0 =	vshrl.u32 v0, $0x10;
	[tilespmem:$0x1E400] =	vst v1  }
0x4d: {  	[tilespmem:$0x1E500] =	vst v0  }
0x4e: {  	v0 =	vld [tilespmem:s22+$0xFFFFFF20];
	_ =	sdelay $0x4  }
0x4f: {  	v1 =	vand.u32 $0xFFFF, v0  }
0x50: {  	v0 =	vshrl.u32 v0, $0x10;
	[tilespmem:$0x1E410] =	vst v1  }
0x51: {  	[tilespmem:$0x1E510] =	vst v0  }
0x52: {  	v0 =	vld [tilespmem:s22+$0xFFFFFF30];
	_ =	sdelay $0x4  }
0x53: {  	v1 =	vand.u32 $0xFFFF, v0  }
0x54: {  	v0 =	vshrl.u32 v0, $0x10;
	[tilespmem:$0x1E420] =	vst v1  }
0x55: {  	[tilespmem:$0x1E520] =	vst v0  }
0x56: {  	v0 =	vld [tilespmem:s22+$0xFFFFFF40];
	_ =	sdelay $0x4  }
0x57: {  	v1 =	vand.u32 $0xFFFF, v0  }
0x58: {  	v0 =	vshrl.u32 v0, $0x10;
	[tilespmem:$0x1E430] =	vst v1  }
0x59: {  	[tilespmem:$0x1E530] =	vst v0  }
0x5a: {  	v0 =	vld [tilespmem:s22+$0xFFFFFF50];
	_ =	sdelay $0x4  }
0x5b: {  	v1 =	vand.u32 $0xFFFF, v0  }
0x5c: {  	v0 =	vshrl.u32 v0, $0x10;
	[tilespmem:$0x1E440] =	vst v1  }
0x5d: {  	[tilespmem:$0x1E540] =	vst v0  }
0x5e: {  	v0 =	vld [tilespmem:s22+$0xFFFFFF60];
	_ =	sdelay $0x4  }
0x5f: {  	v1 =	vand.u32 $0xFFFF, v0  }
0x60: {  	v0 =	vshrl.u32 v0, $0x10;
	[tilespmem:$0x1E450] =	vst v1  }
0x61: {  	[tilespmem:$0x1E550] =	vst v0  }
0x62: {  	v0 =	vld [tilespmem:s22+$0xFFFFFF70];
	_ =	sdelay $0x4  }
0x63: {  	v1 =	vand.u32 $0xFFFF, v0  }
0x64: {  	v0 =	vshrl.u32 v0, $0x10;
	[tilespmem:$0x1E460] =	vst v1  }
0x65: {  	[tilespmem:$0x1E560] =	vst v0  }
0x66: {  	v0 =	vld [tilespmem:s22+$0xFFFFFF80];
	_ =	sdelay $0x4  }
0x67: {  	v1 =	vand.u32 $0xFFFF, v0  }
0x68: {  	v0 =	vshrl.u32 v0, $0x10;
	[tilespmem:$0x1E470] =	vst v1  }
0x69: {  	[tilespmem:$0x1E570] =	vst v0  }
0x6a: {  	[tilespmem:s14], [sflag:$0x1] =	stream.indirect.gather [hbm4b:s4+s12], $0x80, s13, s12, $0xb8;
	[tilespmem:$0x1E600] =	vst v63  }
0x6b: {  	_ =	swait.ge [sflag:s19], $0x4000  }
0x6c: {  	[sflag:s19] =	ssyncset.done $0x0  }
0x6d: {  	[sflag:s19] =	ssyncadd.s32 $0xFFFFC000  }
0x6e: {  	[spmem:s2] =	stream.indirect.scatter.add.f32 [tilespmem:s16], [sflag:$0x3], $0x80, s20, s12, $0xb8;
	[tilespmem:$0x1E600] =	vst v63  }
0x6f: {  	_ =	swait.ge [sflag:s9], $0x4000  }
0x70: {  	[sflag:s9] =	ssyncset.done $0x0  }
0x71: {  	[sflag:s9] =	ssyncadd.s32 $0xFFFFC000  }
0x72: {  	v0 =	vld [tilespmem:s22+$0xFFFFFF90];
	_ =	sdelay $0x4  }
0x73: {  	v1 =	vand.u32 $0xFFFF, v0  }
0x74: {  	v0 =	vshrl.u32 v0, $0x10;
	[tilespmem:$0x1E480] =	vst v1  }
0x75: {  	[tilespmem:$0x1E580] =	vst v0  }
0x76: {  	v0 =	vld [tilespmem:s22+$0xFFFFFFA0];
	_ =	sdelay $0x4  }
0x77: {  	v1 =	vand.u32 $0xFFFF, v0  }
0x78: {  	v0 =	vshrl.u32 v0, $0x10;
	[tilespmem:$0x1E490] =	vst v1  }
0x79: {  	[tilespmem:$0x1E590] =	vst v0  }
0x7a: {  	v0 =	vld [tilespmem:s22+$0xFFFFFFB0];
	_ =	sdelay $0x4  }
0x7b: {  	v1 =	vand.u32 $0xFFFF, v0  }
0x7c: {  	v0 =	vshrl.u32 v0, $0x10;
	[tilespmem:$0x1E4A0] =	vst v1  }
0x7d: {  	[tilespmem:$0x1E5A0] =	vst v0  }
0x7e: {  	v0 =	vld [tilespmem:s22+$0xFFFFFFC0];
	_ =	sdelay $0x4  }
0x7f: {  	v1 =	vand.u32 $0xFFFF, v0  }
0x80: {  	v0 =	vshrl.u32 v0, $0x10;
	[tilespmem:$0x1E4B0] =	vst v1  }
0x81: {  	[tilespmem:$0x1E5B0] =	vst v0  }
0x82: {  	v0 =	vld [tilespmem:s22+$0xFFFFFFD0];
	_ =	sdelay $0x4  }
0x83: {  	v1 =	vand.u32 $0xFFFF, v0  }
0x84: {  	v0 =	vshrl.u32 v0, $0x10;
	[tilespmem:$0x1E4C0] =	vst v1  }
0x85: {  	[tilespmem:$0x1E5C0] =	vst v0  }
0x86: {  	v0 =	vld [tilespmem:s22+$0xFFFFFFE0];
	_ =	sdelay $0x4  }
0x87: {  	v1 =	vand.u32 $0xFFFF, v0  }
0x88: {  	v0 =	vshrl.u32 v0, $0x10;
	[tilespmem:$0x1E4D0] =	vst v1  }
0x89: {  	[tilespmem:$0x1E5D0] =	vst v0  }
0x8a: {  	v0 =	vld [tilespmem:s22+$0xFFFFFFF0];
	_ =	sdelay $0x4  }
0x8b: {  	v1 =	vand.u32 $0xFFFF, v0  }
0x8c: {  	s23 =	simm.s32 $0xBC0;
	v0 =	vshrl.u32 v0, $0x10;
	[tilespmem:$0x1E4E0] =	vst v1  }
.LBB2_2:
0x8d: {  	p0 =	sne.s32 s23, $0x9FC0;
	[tilespmem:$0x1E5E0] =	vst v0;
	s24 =	smov.u32 s23;
	s23 =	sadd.s32 $0x400, s23  }
0x8e: {  	v0 =	vld [tilespmem:s22+$0x0];
	_ =	sdelay $0x4  }
0x8f: {  	v1 =	vand.u32 $0xFFFF, v0;
	v0 =	vshrl.u32 v0, $0x10  }
0x90: {  	[tilespmem:$0x1E4F0] =	vst v1  }
0x91: {  	[tilespmem:$0x1E5F0] =	vst v0  }
0x92: {  	[tilespmem:s16], [sflag:$0x2] =	stream.indirect.gather [hbm4b:s4+s12], $0x80, s15, s12, $0xb8;
	[tilespmem:$0x1E600] =	vst v63  }
0x93: {  	_ =	swait.ge [sflag:s17], $0x4000  }
0x94: {  	[sflag:s17] =	ssyncset.done $0x0  }
0x95: {  	[sflag:s17] =	ssyncadd.s32 $0xFFFFC000  }
0x96: {  	[spmem:s2] =	stream.indirect.scatter.add.f32 [tilespmem:s14], [sflag:$0x3], $0x80, s18, s12, $0xb8;
	[tilespmem:$0x1E600] =	vst v63  }
0x97: {  	_ =	swait.ge [sflag:s9], $0x4000  }
0x98: {  	[sflag:s9] =	ssyncset.done $0x0  }
0x99: {  	s22 =	sshra.s32 s24, $0x2;
	[sflag:s9] =	ssyncadd.s32 $0xFFFFC000  }
0x9a: {  	v0 =	vld [tilespmem:s22+$0xFFFFFF10];
	_ =	sdelay $0x4  }
0x9b: {  	v1 =	vand.u32 $0xFFFF, v0;
	v0 =	vshrl.u32 v0, $0x10  }
0x9c: {  	[tilespmem:$0x1E400] =	vst v1  }
0x9d: {  	[tilespmem:$0x1E500] =	vst v0  }
0x9e: {  	v0 =	vld [tilespmem:s22+$0xFFFFFF20];
	_ =	sdelay $0x4  }
0x9f: {  	v1 =	vand.u32 $0xFFFF, v0;
	v0 =	vshrl.u32 v0, $0x10  }
0xa0: {  	[tilespmem:$0x1E410] =	vst v1  }
0xa1: {  	[tilespmem:$0x1E510] =	vst v0  }
0xa2: {  	v0 =	vld [tilespmem:s22+$0xFFFFFF30];
	_ =	sdelay $0x4  }
0xa3: {  	v1 =	vand.u32 $0xFFFF, v0;
	v0 =	vshrl.u32 v0, $0x10  }
0xa4: {  	[tilespmem:$0x1E420] =	vst v1  }
0xa5: {  	[tilespmem:$0x1E520] =	vst v0  }
0xa6: {  	v0 =	vld [tilespmem:s22+$0xFFFFFF40];
	_ =	sdelay $0x4  }
0xa7: {  	v1 =	vand.u32 $0xFFFF, v0;
	v0 =	vshrl.u32 v0, $0x10  }
0xa8: {  	[tilespmem:$0x1E430] =	vst v1  }
0xa9: {  	[tilespmem:$0x1E530] =	vst v0  }
0xaa: {  	v0 =	vld [tilespmem:s22+$0xFFFFFF50];
	_ =	sdelay $0x4  }
0xab: {  	v1 =	vand.u32 $0xFFFF, v0;
	v0 =	vshrl.u32 v0, $0x10  }
0xac: {  	[tilespmem:$0x1E440] =	vst v1  }
0xad: {  	[tilespmem:$0x1E540] =	vst v0  }
0xae: {  	v0 =	vld [tilespmem:s22+$0xFFFFFF60];
	_ =	sdelay $0x4  }
0xaf: {  	v1 =	vand.u32 $0xFFFF, v0;
	v0 =	vshrl.u32 v0, $0x10  }
0xb0: {  	[tilespmem:$0x1E450] =	vst v1  }
0xb1: {  	[tilespmem:$0x1E550] =	vst v0  }
0xb2: {  	v0 =	vld [tilespmem:s22+$0xFFFFFF70];
	_ =	sdelay $0x4  }
0xb3: {  	v1 =	vand.u32 $0xFFFF, v0;
	v0 =	vshrl.u32 v0, $0x10  }
0xb4: {  	[tilespmem:$0x1E460] =	vst v1  }
0xb5: {  	[tilespmem:$0x1E560] =	vst v0  }
0xb6: {  	v0 =	vld [tilespmem:s22+$0xFFFFFF80];
	_ =	sdelay $0x4  }
0xb7: {  	v1 =	vand.u32 $0xFFFF, v0;
	v0 =	vshrl.u32 v0, $0x10  }
0xb8: {  	[tilespmem:$0x1E470] =	vst v1  }
0xb9: {  	[tilespmem:$0x1E570] =	vst v0  }
0xba: {  	[tilespmem:s14], [sflag:$0x1] =	stream.indirect.gather [hbm4b:s4+s12], $0x80, s13, s12, $0xb8;
	[tilespmem:$0x1E600] =	vst v63  }
0xbb: {  	_ =	swait.ge [sflag:s19], $0x4000  }
0xbc: {  	[sflag:s19] =	ssyncset.done $0x0  }
0xbd: {  	[sflag:s19] =	ssyncadd.s32 $0xFFFFC000  }
0xbe: {  	[spmem:s2] =	stream.indirect.scatter.add.f32 [tilespmem:s16], [sflag:$0x3], $0x80, s20, s12, $0xb8;
	[tilespmem:$0x1E600] =	vst v63  }
0xbf: {  	_ =	swait.ge [sflag:s9], $0x4000  }
0xc0: {  	[sflag:s9] =	ssyncset.done $0x0  }
0xc1: {  	[sflag:s9] =	ssyncadd.s32 $0xFFFFC000  }
0xc2: {  	v0 =	vld [tilespmem:s22+$0xFFFFFF90];
	_ =	sdelay $0x4  }
0xc3: {  	v1 =	vand.u32 $0xFFFF, v0;
	v0 =	vshrl.u32 v0, $0x10  }
0xc4: {  	[tilespmem:$0x1E480] =	vst v1  }
0xc5: {  	[tilespmem:$0x1E580] =	vst v0  }
0xc6: {  	v0 =	vld [tilespmem:s22+$0xFFFFFFA0];
	_ =	sdelay $0x4  }
0xc7: {  	v1 =	vand.u32 $0xFFFF, v0;
	v0 =	vshrl.u32 v0, $0x10  }
0xc8: {  	[tilespmem:$0x1E490] =	vst v1  }
0xc9: {  	[tilespmem:$0x1E590] =	vst v0  }
0xca: {  	v0 =	vld [tilespmem:s22+$0xFFFFFFB0];
	_ =	sdelay $0x4  }
0xcb: {  	v1 =	vand.u32 $0xFFFF, v0;
	v0 =	vshrl.u32 v0, $0x10  }
0xcc: {  	[tilespmem:$0x1E4A0] =	vst v1  }
0xcd: {  	[tilespmem:$0x1E5A0] =	vst v0  }
0xce: {  	v0 =	vld [tilespmem:s22+$0xFFFFFFC0];
	_ =	sdelay $0x4  }
0xcf: {  	v1 =	vand.u32 $0xFFFF, v0;
	v0 =	vshrl.u32 v0, $0x10  }
0xd0: {  	[tilespmem:$0x1E4B0] =	vst v1  }
0xd1: {  	[tilespmem:$0x1E5B0] =	vst v0  }
0xd2: {  	v0 =	vld [tilespmem:s22+$0xFFFFFFD0];
	_ =	sdelay $0x4  }
0xd3: {  	v1 =	vand.u32 $0xFFFF, v0;
	v0 =	vshrl.u32 v0, $0x10  }
0xd4: {  	[tilespmem:$0x1E4C0] =	vst v1  }
0xd5: {  	[tilespmem:$0x1E5C0] =	vst v0  }
0xd6: {  	v0 =	vld [tilespmem:s22+$0xFFFFFFE0];
	_ =	sdelay $0x4  }
0xd7: {  	v1 =	vand.u32 $0xFFFF, v0;
	v0 =	vshrl.u32 v0, $0x10  }
0xd8: {  	[tilespmem:$0x1E4D0] =	vst v1  }
0xd9: {  	[tilespmem:$0x1E5D0] =	vst v0  }
0xda: {  	v0 =	vld [tilespmem:s22+$0xFFFFFFF0];
	_ =	sdelay $0x1  }
.Ltmp0:
0xdb: {  	(pc) =	sbr.rel @p0 .LBB2_2-.Ltmp0, $3  }
0xdc: {  	_ =	sdelay $0x1  }
0xdd: {  	v1 =	vand.u32 $0xFFFF, v0;
	v0 =	vshrl.u32 v0, $0x10  }
0xde: {  	[tilespmem:$0x1E4E0] =	vst v1  }
0xdf: {  	[tilespmem:$0x1E5E0] =	vst v0  }
0xe0: {  	v0 =	vld [tilespmem:s22+$0x0];
	_ =	sdelay $0x4  }
0xe1: {  	v1 =	vand.u32 $0xFFFF, v0  }
0xe2: {  	v0 =	vshrl.u32 v0, $0x10;
	[tilespmem:$0x1E4F0] =	vst v1  }
0xe3: {  	[tilespmem:$0x1E5F0] =	vst v0  }
0xe4: {  	[tilespmem:s16], [sflag:$0x2] =	stream.indirect.gather [hbm4b:s4+s12], $0x80, s15, s12, $0xb8;
	[tilespmem:$0x1E600] =	vst v63  }
0xe5: {  	_ =	swait.ge [sflag:s17], $0x4000  }
0xe6: {  	[sflag:s17] =	ssyncset.done $0x0  }
0xe7: {  	[sflag:s17] =	ssyncadd.s32 $0xFFFFC000  }
0xe8: {  	[spmem:s2] =	stream.indirect.scatter.add.f32 [tilespmem:s14], [sflag:$0x3], $0x80, s18, s12, $0xb8;
	[tilespmem:$0x1E600] =	vst v63  }
0xe9: {  	_ =	swait.ge [sflag:s9], $0x4000  }
0xea: {  	[sflag:s9] =	ssyncset.done $0x0  }
0xeb: {  	[sflag:s9] =	ssyncadd.s32 $0xFFFFC000  }
0xec: {  	_ =	swait.ge [sflag:s19], $0x4000  }
0xed: {  	[sflag:s19] =	ssyncset.done $0x0  }
0xee: {  	[sflag:s19] =	ssyncadd.s32 $0xFFFFC000  }
0xef: {  	[spmem:s2] =	stream.indirect.scatter.add.f32 [tilespmem:s16], [sflag:$0x3], $0x80, s20, s12, $0xb8;
	[tilespmem:$0x1E600] =	vst v63  }
0xf0: {  	_ =	swait.ge [sflag:s9], $0x4000  }
0xf1: {  	s21 =	sadd.s32 $0x1, s21;
	[sflag:s9] =	ssyncset.done $0x0  }
0xf2: {  	p0 =	sne.s32 s21, s8;
	[sflag:s9] =	ssyncadd.s32 $0xFFFFC000  }
.Ltmp1:
0xf3: {  	[bflag:$0x0] =	sbarrier.arrive $0xFFFF;
	(pc) =	sbr.rel @p0 .LBB2_1-.Ltmp1, $4  }
0xf4: {  	[hbm:s7], [sflag:s10] =	dma.local [spmem:s11], $0x2780  }
0xf5: {  	_ =	swait.ge [sflag:s9], $0x2780  }
0xf6: {  	[sflag:s9] =	ssyncset.done $0x0  }
0xf7: {  	[sflag:s9] =	ssyncadd.s32 $0xFFFFD880  }
0xf8: {  	_ =	sfence.sel $0x180000  }
0xf9: {  	[bflag:$0x0] =	sbarrier.arrive $0xFFFF  }
0xfa: {  	p0 =	sne.s32 s0, $0x0;
	_ =	strace $0x9000004A  }
0xfb: {  	s0 =	sadd.s32 @!p0 $0x100000, s1;
	[bflag:$0x2] =	sbarrier.arrive $0xFFFF  }
0xfc: {  	[sflag:s0] =	ssyncadd.tile.s32 @!p0 $0x1;
	_ =	shalt  }
.Lfunc_end2:
_tile_overlayer_lowered:
.L_overlay_start_2:
0xfd: {  	(tag) =	ssettag $0x2  }
0xfe: {  	s0 =	rddreg [dreg:$0x0];
	s2 =	stileid.u32  }
0xff: {  	s1 =	rddreg [dreg:$0x1];
	p0 =	sne.s32 s2, $0x0  }
0x100: {  	s3 =	rddreg [dreg:$0x2];
	[bflag:$0x3] =	sbarrier.arrive $0xFFFF;
	s2 =	simm.s32 @!p0 $0x1C03  }
0x101: {  	[timem:s3], [sflag:s2] =	dma.local @!p0 [hbm:s0], s1  }
0x102: {  	s0 =	simm.s32 @!p0 $0x3  }
0x103: {  	_ =	swait.ge @!p0 [sflag:s0], s1  }
0x104: {  	s1 =	ssub.s32 @!p0 $0x0, s1;
	[sflag:s0] =	ssyncset.done @!p0 $0x0  }
0x105: {  	[sflag:s0] =	ssyncadd.s32 @!p0 s1  }
0x106: {  	[bflag:$0x3] =	sbarrier.arrive $0xFFFF  }
0x107: {  	_ =	shalt  }

// kernel: kernel.15.cloned.1.call-start
scs
__scs_entry_jumppad:
0x0: {  	(pc) =	sbr.rel $0x88, $3  }
0x1: {  	(tag) =	ssettag $0x0;
	lr =	simm.s32 $0x1  }
0x2: {  	[smem:$0x3F6D] =	sst lr;
	_ =	strace $0xD0000000  }
0x3: {  	_ = 	snop  }
0x4: {  	_ = 	snop  }
0x5: {  	_ = 	snop  }
0x6: {  	_ = 	snop  }
0x7: {  	_ = 	snop  }
__scs_overlays_trampoline_lowered:
0x8: {  	[smem:$0x3F7C] =	sst s0  }
0x9: {  	[smem:$0x3F7D] =	sst s1  }
0xa: {  	[smem:$0x3F7E] =	sst s2  }
0xb: {  	[smem:$0x3F7F] =	sst s3  }
0xc: {  	[smem:$0x3F80] =	sst s4  }
0xd: {  	[smem:$0x3F81] =	sst s5  }
0xe: {  	[smem:$0x3F82] =	sst s6  }
0xf: {  	[smem:$0x3F83] =	sst s7  }
0x10: {  	[smem:$0x3F84] =	sst s8  }
0x11: {  	[smem:$0x3F85] =	sst s9;
	s0 =	simm.s32 @!p0 $0x0  }
0x12: {  	s1 =	sld [smem:$0x3F6B];
	s0 =	simm.s32 @p0 $0x1  }
0x13: {  	[smem:$0x3F86] =	sst s0;
	s0 =	simm.s32 @!p1 $0x0  }
0x14: {  	s2 =	sld [smem:$0x3F6A];
	s0 =	simm.s32 @p1 $0x1  }
0x15: {  	[smem:$0x3F87] =	sst s0;
	s0 =	simm.s32 @!p2 $0x0  }
0x16: {  	s3 =	sld [smem:$0x3FDB];
	s0 =	simm.s32 @p2 $0x1  }
0x17: {  	s4 =	simm.s32 $0x1BF5;
	[smem:$0x3F89] =	sst s0  }
0x18: {  	s0 =	sld [smem:$0x3F6C];
	_ =	swait.ge [sflag:s4], $0x0  }
0x19: {  	s7 =	sld [smem:$0x3F6D]  }
0x1a: {  	s8 =	sadd.s32 $0xFFFFE003, lr  }
0x1b: {  	s9 =	sadd.s32 $0xFFFFFEF7, lr;
	s5 =	simm.s32 $0xFFFFFFFF;
	p2 =	slt.u32 s8, $0xFFFFF086  }
0x1c: {  	p1 =	slt.u32 s9, $0xF7A;
	s5 =	simm.s32 @!p2 $0x0  }
0x1d: {  	s5 =	simm.s32 @p1 $0x1;
	p0 =	seq.s32 s7, s2  }
0x1e: {  	s7 =	smul.u32 @!p0 $0xF7A, s2;
	p2 =	seq.s32 @!p0 s5, $0x0  }
0x1f: {  	s9 =	smul.u32 $0xF7A, s1;
	s8 =	simm.s32 @!p0 $0x1BF5;
	p2 =	por !p2, p0  }
0x20: {  	[sflag:s8] =	ssyncset.s32 @!p0 $0xFFFFF086;
	s6 =	sadd.s32 @!p0 s3, s7;
	s7 =	simm.s32 @!p0 $0x108  }
0x21: {  	s3 =	sadd.s32 s3, s9;
	s6 =	sadd.s32 @!p0 $0x88, s6;
	s7 =	simm.s32 @p2 $0x1082  }
0x22: {  	[simem:s7], [sflag:s8] =	dma.local @!p0 [hbm:s6], $0xF7A  }
0x23: {  	s9 =	sor.u32 $0xD0000000, s2;
	s6 =	simm.s32 $0x108;
	_ =	swait.ge @!p0 [sflag:s8], $0x0  }
0x24: {  	s3 =	sadd.s32 $0x88, s3;
	s6 =	simm.s32 @!p1 $0x1082;
	[sflag:s4] =	ssyncset.s32 $0xFFFFF086  }
0x25: {  	[simem:s6], [sflag:s4] =	dma.local [hbm:s3], $0xF7A  }
0x26: {  	[smem:$0x3F6D] =	sst s1;
	(tag) =	ssettag s2;
	_ =	strace s9  }
0x27: {  	s1 =	sld [smem:$0x3F7D]  }
0x28: {  	s2 =	sld [smem:$0x3F7E]  }
0x29: {  	s4 =	sld [smem:$0x3F80]  }
0x2a: {  	p0 =	seq.s32 s5, $0x0;
	s5 =	sld [smem:$0x3F81]  }
0x2b: {  	s6 =	sld [smem:$0x3F82]  }
0x2c: {  	s7 =	sld [smem:$0x3F83]  }
0x2d: {  	s3 =	simm.s32 $0x108;
	s8 =	sld [smem:$0x3F84]  }
0x2e: {  	s3 =	simm.s32 @!p0 $0x1082;
	s9 =	sld [smem:$0x3F85]  }
0x2f: {  	lr =	sadd.s32 s0, s3;
	s0 =	sld [smem:$0x3F7C]  }
0x30: {  	s3 =	sld [smem:$0x3F7F]  }
0x31: {  	[smem:$0x3F88] =	sst s10  }
0x32: {  	s10 =	sld [smem:$0x3F86];
	_ =	sdelay $0x3  }
0x33: {  	p0 =	seq.s32 s10, $0x1;
	s10 =	sld [smem:$0x3F88];
	_ =	sdelay $0x3  }
0x34: {  	[smem:$0x3F88] =	sst s10  }
0x35: {  	s10 =	sld [smem:$0x3F87];
	_ =	sdelay $0x3  }
0x36: {  	p1 =	seq.s32 s10, $0x1;
	s10 =	sld [smem:$0x3F88];
	_ =	sdelay $0x3  }
0x37: {  	[smem:$0x3F88] =	sst s10  }
0x38: {  	s10 =	sld [smem:$0x3F89]  }
0x39: {  	_ = 	snop;
	(pc) =	sbr.ind lr, $3  }
0x3a: {  	_ = 	snop  }
0x3b: {  	_ = 	snop  }
0x3c: {  	p2 =	seq.s32 s10, $0x1;
	s10 =	sld [smem:$0x3F88]  }
0x3d: {  	_ =	shalt  }
0x3e: {  	_ =	shalt  }
0x3f: {  	_ =	shalt  }
0x40: {  	_ =	shalt  }
0x41: {  	_ =	shalt  }
0x42: {  	_ =	shalt  }
0x43: {  	_ =	shalt  }
0x44: {  	_ =	shalt  }
0x45: {  	_ =	shalt  }
0x46: {  	_ =	shalt  }
0x47: {  	_ =	shalt  }
0x48: {  	_ =	shalt  }
0x49: {  	_ =	shalt  }
0x4a: {  	_ =	shalt  }
0x4b: {  	_ =	shalt  }
0x4c: {  	_ =	shalt  }
0x4d: {  	_ =	shalt  }
0x4e: {  	_ =	shalt  }
0x4f: {  	_ =	shalt  }
0x50: {  	_ =	shalt  }
0x51: {  	_ =	shalt  }
0x52: {  	_ =	shalt  }
0x53: {  	_ =	shalt  }
0x54: {  	_ =	shalt  }
0x55: {  	_ =	shalt  }
0x56: {  	_ =	shalt  }
0x57: {  	_ =	shalt  }
0x58: {  	_ =	shalt  }
0x59: {  	_ =	shalt  }
0x5a: {  	_ =	shalt  }
0x5b: {  	_ =	shalt  }
0x5c: {  	_ =	shalt  }
0x5d: {  	_ =	shalt  }
0x5e: {  	_ =	shalt  }
0x5f: {  	_ =	shalt  }
0x60: {  	_ =	shalt  }
0x61: {  	_ =	shalt  }
0x62: {  	_ =	shalt  }
0x63: {  	_ =	shalt  }
0x64: {  	_ =	shalt  }
0x65: {  	_ =	shalt  }
0x66: {  	_ =	shalt  }
0x67: {  	_ =	shalt  }
0x68: {  	_ =	shalt  }
0x69: {  	_ =	shalt  }
0x6a: {  	_ =	shalt  }
0x6b: {  	_ =	shalt  }
0x6c: {  	_ =	shalt  }
0x6d: {  	_ =	shalt  }
0x6e: {  	_ =	shalt  }
0x6f: {  	_ =	shalt  }
0x70: {  	_ =	shalt  }
0x71: {  	_ =	shalt  }
0x72: {  	_ =	shalt  }
0x73: {  	_ =	shalt  }
0x74: {  	_ =	shalt  }
0x75: {  	_ =	shalt  }
0x76: {  	_ =	shalt  }
0x77: {  	_ =	shalt  }
0x78: {  	_ =	shalt  }
0x79: {  	_ =	shalt  }
0x7a: {  	_ =	shalt  }
0x7b: {  	_ =	shalt  }
0x7c: {  	_ =	shalt  }
0x7d: {  	_ =	shalt  }
0x7e: {  	_ =	shalt  }
0x7f: {  	_ =	shalt  }
0x80: {  	_ =	shalt  }
0x81: {  	_ =	shalt  }
0x82: {  	_ =	shalt  }
0x83: {  	_ =	shalt  }
0x84: {  	_ =	shalt  }
0x85: {  	_ =	shalt  }
0x86: {  	_ =	shalt  }
0x87: {  	_ =	shalt  }
.Lfunc_end0:
.L_simem_size_0:
called_computation.2_lowered:
.L_overlay_start_0:
0x88: {  	s2 =	sld [smem:$0x3FD9]  }
0x89: {  	s3 =	sld [smem:$0x3FFE];
	_ =	sdelay $0x1  }
0x8a: {  	s1 =	srdreg.scid  }
0x8b: {  	s0 =	sand.u32 $0x1, s1  }
0x8c: {  	s16 =	sshll.u32 s0, $0xA;
	s2 =	sadd.s32 s3, s2  }
0x8d: {  	s2 =	sadd.s32 s2, s16  }
0x8e: {  	[smem:$0x3F94] =	sst s2  }
0x8f: {  	_ = 	snop  }
0x90: {  	(tm) =	ssettm $0x1  }
0x91: {  	s17 =	sld [smem:$0x3FFB];
	_ =	sdelay $0x3  }
0x92: {  	_ =	strace s17  }
0x93: {  	s2 =	sld [smem:$0x3FFC];
	_ =	sdelay $0x3  }
0x94: {  	_ =	strace s2  }
0x95: {  	s2 =	sld [smem:$0x3FFD];
	_ =	sdelay $0x3  }
0x96: {  	_ =	strace s2  }
0x97: {  	_ =	strace $0x8FFFFFFF  }
0x98: {  	s18 =	sld [smem:$0x3FDB];
	_ =	sdelay $0x1  }
0x99: {  	s19 =	simm.s32 $_scs_section_size  }
0x9a: {  	s4 =	simm.s32 $_size__tile_overlayer_lowered;
	s5 =	simm.s32 $_tile_overlayer_lowered  }
0x9b: {  	s22 =	simm.s32 $0x1BFF;
	s21 =	sshll.u32 s5, $0x1;
	s2 =	sadd.s32 s19, s18  }
0x9c: {  	s6 =	simm.s32 $0x0;
	s20 =	sshll.u32 s4, $0x1;
	s4 =	sadd.s32 s21, s2  }
0x9d: {  	[timem:s6], [sflag:s22] =	dma.local [hbm:s4], s20  }
0x9e: {  	_ =	swait.ge [sflag:s22], s20  }
0x9f: {  	s3 =	ssub.s32 $0x0, s20;
	[sflag:s22] =	ssyncset.done $0x0  }
0xa0: {  	[sflag:s22] =	ssyncadd.s32 s3;
	_ =	sdelay $0x1  }
0xa1: {  	s23 =	simm.s32 $0x1B8B  }
0xa2: {  	_ =	swait.ge [sflag:s23], $0x1  }
0xa3: {  	[sflag:s23] =	ssyncset.done $0x0  }
0xa4: {  	s25 =	simm.s32 $0x1B8E;
	s24 =	sld [smem:$0x3FFE];
	[sflag:s23] =	ssyncadd.s32 $0xFFFFFFFF  }
0xa5: {  	s26 =	simm.s32 $execute0_lowered;
	[smem:$0x3FD2] =	sst s25  }
0xa6: {  	s4 =	sshll.u32 s26, $0x1;
	_ =	strace $0x8000004C;
	[dreg:$0x1] =	wrdreg $0xFFFFFFFF  }
0xa7: {  	s28 =	simm.s32 $_size_execute0_lowered;
	s2 =	sadd.s32 s2, s4;
	[dreg:$0x0] =	wrdreg $0x0  }
0xa8: {  	s4 =	sshll.u32 s28, $0x1;
	[dreg:$0x2] =	wrdreg s2  }
0xa9: {  	[dreg:$0x3] =	wrdreg s4  }
0xaa: {  	[dreg:$0x4] =	wrdreg $0xC0  }
0xab: {  	_ =	task [dreg:s6], $0x5FFFF  }
0xac: {  	[dreg:$0x1] =	wrdreg $0xFFFFFFFF  }
0xad: {  	[dreg:$0x0] =	wrdreg $0x60  }
0xae: {  	[dreg:$0x2] =	wrdreg s24  }
0xaf: {  	[dreg:$0x3] =	wrdreg $0x28000  }
0xb0: {  	[dreg:$0x4] =	wrdreg $0x9  }
0xb1: {  	_ =	task.clear_ibuf [dreg:s6], $0x5FFFF;
	_ =	strace $0x9000004C  }
0xb2: {  	s29 =	simm.s32 $0x9;
	_ =	strace $0x8000004E  }
0xb3: {  	_ =	swait.ge [sflag:s29], $0x1  }
0xb4: {  	[sflag:s29] =	ssyncadd.s32 $0xFFFFFFFF  }
0xb5: {  	_ =	strace $0x9000004E  }
0xb6: {  	_ =	sfence  }
0xb7: {  	s30 =	sld [smem:$0x0];
	_ =	sdelay $0x2  }
0xb8: {  	s31 =	sshll.u32 s1, $0xD;
	s1 =	sshrl.u32 s1, $0x2  }
0xb9: {  	s3 =	sand.u32 $0x4000, s31;
	s1 =	sadd.s32 s1, s30  }
0xba: {  	s0 =	sor.u32 s3, s0;
	s1 =	sshll.u32 s1, $0x11  }
0xbb: {  	s0 =	sor.u32 s1, s0  }
0xbc: {  	s0 =	sadd.s32 $0x8F2B, s0  }
0xbd: {  	[sflag:s0] =	ssyncadd.remote.s32 $0x1  }
0xbe: {  	_ =	sfence.sel $0xFFFF  }
0xbf: {  	[dreg:$0x0] =	wrdreg $0xFFFFFFFF;
	(pc) =	sbr.abs _section_cstart, $3  }
0xc0: {  	[dreg:$0x1] =	wrdreg $0xFFFFFFFF  }
0xc1: {  	_ =	task.clear_ibuf [dreg:s6], $0x2FFFF;
	_ =	strace $0x9FFFFFFF  }
0xc2: {  	(tm) =	ssettm $0x7FFFFFFF  }
0xc3: {  	_ =	shalt  }
tec
execute0_lowered:
.L_overlay_start_1:
0x0: {  	(tag) =	ssettag $0x1  }
0x1: {  	s1 =	srdreg.scid;
	s6 =	rddreg [dreg:$0x0]  }
0x2: {  	s0 =	stileid.u32;
	s2 =	rddreg [dreg:$0x1]  }
0x3: {  	s3 =	simm.s32 $0x0;
	s13 =	simm.s32 $0x1E400;
	s14 =	simm.s32 $0x16400  }
0x4: {  	s15 =	simm.s32 $0x1E480;
	s16 =	simm.s32 $0x1A400;
	s17 =	simm.s32 $0x1  }
0x5: {  	s18 =	simm.s32 $0x1E500;
	s19 =	simm.s32 $0x2;
	s20 =	simm.s32 $0x1E580  }
0x6: {  	s21 =	simm.s32 $0x0;
	s5 =	sand.u32 $0x1, s1;
	s8 =	smul.u32 $0x2780, s0  }
0x7: {  	s28 =	sshll.u32 s0, $0x1;
	[smem:$0x7FF] =	sst s3;
	s10 =	smul.u32 $0x4F000, s0  }
0x8: {  	s4 =	sadd.s32 $0x12E00, s6;
	s1 =	sor.u32 s5, s28;
	s9 =	smul.u32 $0x27800, s5  }
0x9: {  	s31 =	sshll.u32 s0, $0x6;
	s5 =	ssub.s32 $0x2, s5;
	s7 =	smul.u32 $0x500, s1  }
0xa: {  	s1 =	rddreg [dreg:$0x2];
	_ =	strace $0x8000004D;
	s29 =	sshrl.u32 s5, $0x1  }
0xb: {  	s30 =	sshrl.u32 s10, $0x2;
	s10 =	sor.u32 $0x1C03, s31;
	s9 =	sadd.s32 s8, s9  }
0xc: {  	s8 =	sadd.s32 s8, s6;
	s11 =	ssub.s32 s5, s29;
	s12 =	sadd.s32 s30, s2  }
0xd: {  	s7 =	sadd.s32 s7, s6;
	s9 =	sadd.s32 s9, s6;
	s6 =	sadd.s32 $0x3A000, s8  }
0xe: {  	s8 =	smax.u32 s11, $0x1;
	s11 =	sshrl.u32 s12, $0x3;
	s12 =	simm.s32 $0x80  }
0xf: {  	s5 =	sadd.s32 $0x8E00, s7;
	s7 =	sadd.s32 $0x61800, s9;
	s9 =	simm.s32 $0x3  }
.LBB2_1:
0x10: {  	[tilespmem:s3], [sflag:$0x3] =	stream.linear.gather [hbm4b:s5+s3], $0x2800, $0x38;
	[tilespmem:$0x1E600] =	vst v63  }
0x11: {  	_ =	swait.ge [sflag:s9], $0x2800  }
0x12: {  	[sflag:s9] =	ssyncset.done $0x0  }
0x13: {  	[sflag:s9] =	ssyncadd.s32 $0xFFFFD800  }
0x14: {  	[spmem:s11], [sflag:s10] =	dma.local [hbm:s6], $0x2780  }
0x15: {  	_ =	swait.ge [sflag:s9], $0x2780  }
0x16: {  	[sflag:s9] =	ssyncset.done $0x0  }
0x17: {  	[sflag:s9] =	ssyncadd.s32 $0xFFFFD880  }
0x18: {  	[bflag:$0x0] =	sbarrier.arrive $0xFFFF  }
0x19: {  	v0 =	vld [tilespmem:$0x0];
	_ =	sdelay $0x1  }
0x1a: {  	v1 =	vld [tilespmem:$0x10];
	_ =	sdelay $0x1  }
0x1b: {  	v2 =	vld [tilespmem:$0x20]  }
0x1c: {  	v3 =	vand.u32 $0xFFFF, v0  }
0x1d: {  	v0 =	vshrl.u32 v0, $0x10;
	[tilespmem:$0x1E400] =	vst v3;
	v3 =	vld [tilespmem:$0x30]  }
0x1e: {  	[tilespmem:$0x1E500] =	vst v0;
	v0 =	vand.u32 $0xFFFF, v1  }
0x1f: {  	[tilespmem:$0x1E410] =	vst v0;
	v0 =	vshrl.u32 v1, $0x10;
	v1 =	vld [tilespmem:$0x40]  }
0x20: {  	[tilespmem:$0x1E510] =	vst v0;
	v0 =	vand.u32 $0xFFFF, v2  }
0x21: {  	[tilespmem:$0x1E420] =	vst v0;
	v0 =	vshrl.u32 v2, $0x10;
	v2 =	vld [tilespmem:$0x50]  }
0x22: {  	[tilespmem:$0x1E520] =	vst v0;
	v0 =	vand.u32 $0xFFFF, v3  }
0x23: {  	[tilespmem:$0x1E430] =	vst v0;
	v0 =	vshrl.u32 v3, $0x10;
	v3 =	vld [tilespmem:$0x60]  }
0x24: {  	[tilespmem:$0x1E530] =	vst v0;
	v0 =	vand.u32 $0xFFFF, v1  }
0x25: {  	[tilespmem:$0x1E440] =	vst v0;
	v0 =	vshrl.u32 v1, $0x10;
	v1 =	vld [tilespmem:$0x70]  }
0x26: {  	[tilespmem:$0x1E540] =	vst v0;
	v0 =	vand.u32 $0xFFFF, v2  }
0x27: {  	[tilespmem:$0x1E450] =	vst v0;
	v0 =	vshrl.u32 v2, $0x10  }
0x28: {  	[tilespmem:$0x1E550] =	vst v0;
	v0 =	vand.u32 $0xFFFF, v3  }
0x29: {  	[tilespmem:$0x1E460] =	vst v0;
	v0 =	vshrl.u32 v3, $0x10  }
0x2a: {  	[tilespmem:$0x1E560] =	vst v0;
	v0 =	vand.u32 $0xFFFF, v1  }
0x2b: {  	[tilespmem:$0x1E470] =	vst v0;
	v0 =	vshrl.u32 v1, $0x10  }
0x2c: {  	[tilespmem:$0x1E570] =	vst v0  }
0x2d: {  	[tilespmem:s14], [sflag:$0x1] =	stream.indirect.gather [hbm4b:s4+s12], $0x80, s13, s12, $0xb8;
	[tilespmem:$0x1E600] =	vst v63  }
0x2e: {  	v0 =	vld [tilespmem:$0x80];
	_ =	sdelay $0x1  }
0x2f: {  	v1 =	vld [tilespmem:$0x90];
	_ =	sdelay $0x1  }
0x30: {  	v2 =	vld [tilespmem:$0xA0]  }
0x31: {  	v3 =	vand.u32 $0xFFFF, v0  }
0x32: {  	v0 =	vshrl.u32 v0, $0x10;
	[tilespmem:$0x1E480] =	vst v3;
	v3 =	vld [tilespmem:$0xB0]  }
0x33: {  	[tilespmem:$0x1E580] =	vst v0;
	v0 =	vand.u32 $0xFFFF, v1  }
0x34: {  	[tilespmem:$0x1E490] =	vst v0;
	v0 =	vshrl.u32 v1, $0x10;
	v1 =	vld [tilespmem:$0xC0]  }
0x35: {  	[tilespmem:$0x1E590] =	vst v0;
	v0 =	vand.u32 $0xFFFF, v2  }
0x36: {  	[tilespmem:$0x1E4A0] =	vst v0;
	v0 =	vshrl.u32 v2, $0x10;
	v2 =	vld [tilespmem:$0xD0]  }
0x37: {  	[tilespmem:$0x1E5A0] =	vst v0;
	v0 =	vand.u32 $0xFFFF, v3  }
0x38: {  	[tilespmem:$0x1E4B0] =	vst v0;
	v0 =	vshrl.u32 v3, $0x10;
	v3 =	vld [tilespmem:$0xE0]  }
0x39: {  	[tilespmem:$0x1E5B0] =	vst v0;
	v0 =	vand.u32 $0xFFFF, v1  }
0x3a: {  	[tilespmem:$0x1E4C0] =	vst v0;
	v0 =	vshrl.u32 v1, $0x10;
	v1 =	vld [tilespmem:$0xF0]  }
0x3b: {  	[tilespmem:$0x1E5C0] =	vst v0;
	v0 =	vand.u32 $0xFFFF, v2  }
0x3c: {  	[tilespmem:$0x1E4D0] =	vst v0;
	v0 =	vshrl.u32 v2, $0x10  }
0x3d: {  	[tilespmem:$0x1E5D0] =	vst v0;
	v0 =	vand.u32 $0xFFFF, v3  }
0x3e: {  	[tilespmem:$0x1E4E0] =	vst v0;
	v0 =	vshrl.u32 v3, $0x10  }
0x3f: {  	[tilespmem:$0x1E5E0] =	vst v0;
	v0 =	vand.u32 $0xFFFF, v1  }
0x40: {  	[tilespmem:$0x1E4F0] =	vst v0;
	v0 =	vshrl.u32 v1, $0x10  }
0x41: {  	[tilespmem:$0x1E5F0] =	vst v0  }
0x42: {  	[tilespmem:s16], [sflag:$0x2] =	stream.indirect.gather [hbm4b:s4+s12], $0x80, s15, s12, $0xb8;
	[tilespmem:$0x1E600] =	vst v63  }
0x43: {  	_ =	swait.ge [sflag:s17], $0x4000  }
0x44: {  	[sflag:s17] =	ssyncset.done $0x0  }
0x45: {  	[sflag:s17] =	ssyncadd.s32 $0xFFFFC000  }
0x46: {  	[spmem:s2] =	stream.indirect.scatter.add.f32 [tilespmem:s14], [sflag:$0x3], $0x80, s18, s12, $0xb8;
	[tilespmem:$0x1E600] =	vst v63  }
0x47: {  	_ =	swait.ge [sflag:s9], $0x4000  }
0x48: {  	[sflag:s9] =	ssyncset.done $0x0  }
0x49: {  	s22 =	simm.s32 $0x1F0;
	[sflag:s9] =	ssyncadd.s32 $0xFFFFC000  }
0x4a: {  	v0 =	vld [tilespmem:s22+$0xFFFFFF10];
	_ =	sdelay $0x4  }
0x4b: {  	v1 =	vand.u32 $0xFFFF, v0  }
0x4c: {  	v0 =	vshrl.u32 v0, $0x10;
	[tilespmem:$0x1E400] =	vst v1  }
0x4d: {  	[tilespmem:$0x1E500] =	vst v0  }
0x4e: {  	v0 =	vld [tilespmem:s22+$0xFFFFFF20];
	_ =	sdelay $0x4  }
0x4f: {  	v1 =	vand.u32 $0xFFFF, v0  }
0x50: {  	v0 =	vshrl.u32 v0, $0x10;
	[tilespmem:$0x1E410] =	vst v1  }
0x51: {  	[tilespmem:$0x1E510] =	vst v0  }
0x52: {  	v0 =	vld [tilespmem:s22+$0xFFFFFF30];
	_ =	sdelay $0x4  }
0x53: {  	v1 =	vand.u32 $0xFFFF, v0  }
0x54: {  	v0 =	vshrl.u32 v0, $0x10;
	[tilespmem:$0x1E420] =	vst v1  }
0x55: {  	[tilespmem:$0x1E520] =	vst v0  }
0x56: {  	v0 =	vld [tilespmem:s22+$0xFFFFFF40];
	_ =	sdelay $0x4  }
0x57: {  	v1 =	vand.u32 $0xFFFF, v0  }
0x58: {  	v0 =	vshrl.u32 v0, $0x10;
	[tilespmem:$0x1E430] =	vst v1  }
0x59: {  	[tilespmem:$0x1E530] =	vst v0  }
0x5a: {  	v0 =	vld [tilespmem:s22+$0xFFFFFF50];
	_ =	sdelay $0x4  }
0x5b: {  	v1 =	vand.u32 $0xFFFF, v0  }
0x5c: {  	v0 =	vshrl.u32 v0, $0x10;
	[tilespmem:$0x1E440] =	vst v1  }
0x5d: {  	[tilespmem:$0x1E540] =	vst v0  }
0x5e: {  	v0 =	vld [tilespmem:s22+$0xFFFFFF60];
	_ =	sdelay $0x4  }
0x5f: {  	v1 =	vand.u32 $0xFFFF, v0  }
0x60: {  	v0 =	vshrl.u32 v0, $0x10;
	[tilespmem:$0x1E450] =	vst v1  }
0x61: {  	[tilespmem:$0x1E550] =	vst v0  }
0x62: {  	v0 =	vld [tilespmem:s22+$0xFFFFFF70];
	_ =	sdelay $0x4  }
0x63: {  	v1 =	vand.u32 $0xFFFF, v0  }
0x64: {  	v0 =	vshrl.u32 v0, $0x10;
	[tilespmem:$0x1E460] =	vst v1  }
0x65: {  	[tilespmem:$0x1E560] =	vst v0  }
0x66: {  	v0 =	vld [tilespmem:s22+$0xFFFFFF80];
	_ =	sdelay $0x4  }
0x67: {  	v1 =	vand.u32 $0xFFFF, v0  }
0x68: {  	v0 =	vshrl.u32 v0, $0x10;
	[tilespmem:$0x1E470] =	vst v1  }
0x69: {  	[tilespmem:$0x1E570] =	vst v0  }
0x6a: {  	[tilespmem:s14], [sflag:$0x1] =	stream.indirect.gather [hbm4b:s4+s12], $0x80, s13, s12, $0xb8;
	[tilespmem:$0x1E600] =	vst v63  }
0x6b: {  	_ =	swait.ge [sflag:s19], $0x4000  }
0x6c: {  	[sflag:s19] =	ssyncset.done $0x0  }
0x6d: {  	[sflag:s19] =	ssyncadd.s32 $0xFFFFC000  }
0x6e: {  	[spmem:s2] =	stream.indirect.scatter.add.f32 [tilespmem:s16], [sflag:$0x3], $0x80, s20, s12, $0xb8;
	[tilespmem:$0x1E600] =	vst v63  }
0x6f: {  	_ =	swait.ge [sflag:s9], $0x4000  }
0x70: {  	[sflag:s9] =	ssyncset.done $0x0  }
0x71: {  	[sflag:s9] =	ssyncadd.s32 $0xFFFFC000  }
0x72: {  	v0 =	vld [tilespmem:s22+$0xFFFFFF90];
	_ =	sdelay $0x4  }
0x73: {  	v1 =	vand.u32 $0xFFFF, v0  }
0x74: {  	v0 =	vshrl.u32 v0, $0x10;
	[tilespmem:$0x1E480] =	vst v1  }
0x75: {  	[tilespmem:$0x1E580] =	vst v0  }
0x76: {  	v0 =	vld [tilespmem:s22+$0xFFFFFFA0];
	_ =	sdelay $0x4  }
0x77: {  	v1 =	vand.u32 $0xFFFF, v0  }
0x78: {  	v0 =	vshrl.u32 v0, $0x10;
	[tilespmem:$0x1E490] =	vst v1  }
0x79: {  	[tilespmem:$0x1E590] =	vst v0  }
0x7a: {  	v0 =	vld [tilespmem:s22+$0xFFFFFFB0];
	_ =	sdelay $0x4  }
0x7b: {  	v1 =	vand.u32 $0xFFFF, v0  }
0x7c: {  	v0 =	vshrl.u32 v0, $0x10;
	[tilespmem:$0x1E4A0] =	vst v1  }
0x7d: {  	[tilespmem:$0x1E5A0] =	vst v0  }
0x7e: {  	v0 =	vld [tilespmem:s22+$0xFFFFFFC0];
	_ =	sdelay $0x4  }
0x7f: {  	v1 =	vand.u32 $0xFFFF, v0  }
0x80: {  	v0 =	vshrl.u32 v0, $0x10;
	[tilespmem:$0x1E4B0] =	vst v1  }
0x81: {  	[tilespmem:$0x1E5B0] =	vst v0  }
0x82: {  	v0 =	vld [tilespmem:s22+$0xFFFFFFD0];
	_ =	sdelay $0x4  }
0x83: {  	v1 =	vand.u32 $0xFFFF, v0  }
0x84: {  	v0 =	vshrl.u32 v0, $0x10;
	[tilespmem:$0x1E4C0] =	vst v1  }
0x85: {  	[tilespmem:$0x1E5C0] =	vst v0  }
0x86: {  	v0 =	vld [tilespmem:s22+$0xFFFFFFE0];
	_ =	sdelay $0x4  }
0x87: {  	v1 =	vand.u32 $0xFFFF, v0  }
0x88: {  	v0 =	vshrl.u32 v0, $0x10;
	[tilespmem:$0x1E4D0] =	vst v1  }
0x89: {  	[tilespmem:$0x1E5D0] =	vst v0  }
0x8a: {  	v0 =	vld [tilespmem:s22+$0xFFFFFFF0];
	_ =	sdelay $0x4  }
0x8b: {  	v1 =	vand.u32 $0xFFFF, v0  }
0x8c: {  	s23 =	simm.s32 $0xBC0;
	v0 =	vshrl.u32 v0, $0x10;
	[tilespmem:$0x1E4E0] =	vst v1  }
.LBB2_2:
0x8d: {  	p0 =	sne.s32 s23, $0x9FC0;
	[tilespmem:$0x1E5E0] =	vst v0;
	s24 =	smov.u32 s23;
	s23 =	sadd.s32 $0x400, s23  }
0x8e: {  	v0 =	vld [tilespmem:s22+$0x0];
	_ =	sdelay $0x4  }
0x8f: {  	v1 =	vand.u32 $0xFFFF, v0;
	v0 =	vshrl.u32 v0, $0x10  }
0x90: {  	[tilespmem:$0x1E4F0] =	vst v1  }
0x91: {  	[tilespmem:$0x1E5F0] =	vst v0  }
0x92: {  	[tilespmem:s16], [sflag:$0x2] =	stream.indirect.gather [hbm4b:s4+s12], $0x80, s15, s12, $0xb8;
	[tilespmem:$0x1E600] =	vst v63  }
0x93: {  	_ =	swait.ge [sflag:s17], $0x4000  }
0x94: {  	[sflag:s17] =	ssyncset.done $0x0  }
0x95: {  	[sflag:s17] =	ssyncadd.s32 $0xFFFFC000  }
0x96: {  	[spmem:s2] =	stream.indirect.scatter.add.f32 [tilespmem:s14], [sflag:$0x3], $0x80, s18, s12, $0xb8;
	[tilespmem:$0x1E600] =	vst v63  }
0x97: {  	_ =	swait.ge [sflag:s9], $0x4000  }
0x98: {  	[sflag:s9] =	ssyncset.done $0x0  }
0x99: {  	s22 =	sshra.s32 s24, $0x2;
	[sflag:s9] =	ssyncadd.s32 $0xFFFFC000  }
0x9a: {  	v0 =	vld [tilespmem:s22+$0xFFFFFF10];
	_ =	sdelay $0x4  }
0x9b: {  	v1 =	vand.u32 $0xFFFF, v0;
	v0 =	vshrl.u32 v0, $0x10  }
0x9c: {  	[tilespmem:$0x1E400] =	vst v1  }
0x9d: {  	[tilespmem:$0x1E500] =	vst v0  }
0x9e: {  	v0 =	vld [tilespmem:s22+$0xFFFFFF20];
	_ =	sdelay $0x4  }
0x9f: {  	v1 =	vand.u32 $0xFFFF, v0;
	v0 =	vshrl.u32 v0, $0x10  }
0xa0: {  	[tilespmem:$0x1E410] =	vst v1  }
0xa1: {  	[tilespmem:$0x1E510] =	vst v0  }
0xa2: {  	v0 =	vld [tilespmem:s22+$0xFFFFFF30];
	_ =	sdelay $0x4  }
0xa3: {  	v1 =	vand.u32 $0xFFFF, v0;
	v0 =	vshrl.u32 v0, $0x10  }
0xa4: {  	[tilespmem:$0x1E420] =	vst v1  }
0xa5: {  	[tilespmem:$0x1E520] =	vst v0  }
0xa6: {  	v0 =	vld [tilespmem:s22+$0xFFFFFF40];
	_ =	sdelay $0x4  }
0xa7: {  	v1 =	vand.u32 $0xFFFF, v0;
	v0 =	vshrl.u32 v0, $0x10  }
0xa8: {  	[tilespmem:$0x1E430] =	vst v1  }
0xa9: {  	[tilespmem:$0x1E530] =	vst v0  }
0xaa: {  	v0 =	vld [tilespmem:s22+$0xFFFFFF50];
	_ =	sdelay $0x4  }
0xab: {  	v1 =	vand.u32 $0xFFFF, v0;
	v0 =	vshrl.u32 v0, $0x10  }
0xac: {  	[tilespmem:$0x1E440] =	vst v1  }
0xad: {  	[tilespmem:$0x1E540] =	vst v0  }
0xae: {  	v0 =	vld [tilespmem:s22+$0xFFFFFF60];
	_ =	sdelay $0x4  }
0xaf: {  	v1 =	vand.u32 $0xFFFF, v0;
	v0 =	vshrl.u32 v0, $0x10  }
0xb0: {  	[tilespmem:$0x1E450] =	vst v1  }
0xb1: {  	[tilespmem:$0x1E550] =	vst v0  }
0xb2: {  	v0 =	vld [tilespmem:s22+$0xFFFFFF70];
	_ =	sdelay $0x4  }
0xb3: {  	v1 =	vand.u32 $0xFFFF, v0;
	v0 =	vshrl.u32 v0, $0x10  }
0xb4: {  	[tilespmem:$0x1E460] =	vst v1  }
0xb5: {  	[tilespmem:$0x1E560] =	vst v0  }
0xb6: {  	v0 =	vld [tilespmem:s22+$0xFFFFFF80];
	_ =	sdelay $0x4  }
0xb7: {  	v1 =	vand.u32 $0xFFFF, v0;
	v0 =	vshrl.u32 v0, $0x10  }
0xb8: {  	[tilespmem:$0x1E470] =	vst v1  }
0xb9: {  	[tilespmem:$0x1E570] =	vst v0  }
0xba: {  	[tilespmem:s14], [sflag:$0x1] =	stream.indirect.gather [hbm4b:s4+s12], $0x80, s13, s12, $0xb8;
	[tilespmem:$0x1E600] =	vst v63  }
0xbb: {  	_ =	swait.ge [sflag:s19], $0x4000  }
0xbc: {  	[sflag:s19] =	ssyncset.done $0x0  }
0xbd: {  	[sflag:s19] =	ssyncadd.s32 $0xFFFFC000  }
0xbe: {  	[spmem:s2] =	stream.indirect.scatter.add.f32 [tilespmem:s16], [sflag:$0x3], $0x80, s20, s12, $0xb8;
	[tilespmem:$0x1E600] =	vst v63  }
0xbf: {  	_ =	swait.ge [sflag:s9], $0x4000  }
0xc0: {  	[sflag:s9] =	ssyncset.done $0x0  }
0xc1: {  	[sflag:s9] =	ssyncadd.s32 $0xFFFFC000  }
0xc2: {  	v0 =	vld [tilespmem:s22+$0xFFFFFF90];
	_ =	sdelay $0x4  }
0xc3: {  	v1 =	vand.u32 $0xFFFF, v0;
	v0 =	vshrl.u32 v0, $0x10  }
0xc4: {  	[tilespmem:$0x1E480] =	vst v1  }
0xc5: {  	[tilespmem:$0x1E580] =	vst v0  }
0xc6: {  	v0 =	vld [tilespmem:s22+$0xFFFFFFA0];
	_ =	sdelay $0x4  }
0xc7: {  	v1 =	vand.u32 $0xFFFF, v0;
	v0 =	vshrl.u32 v0, $0x10  }
0xc8: {  	[tilespmem:$0x1E490] =	vst v1  }
0xc9: {  	[tilespmem:$0x1E590] =	vst v0  }
0xca: {  	v0 =	vld [tilespmem:s22+$0xFFFFFFB0];
	_ =	sdelay $0x4  }
0xcb: {  	v1 =	vand.u32 $0xFFFF, v0;
	v0 =	vshrl.u32 v0, $0x10  }
0xcc: {  	[tilespmem:$0x1E4A0] =	vst v1  }
0xcd: {  	[tilespmem:$0x1E5A0] =	vst v0  }
0xce: {  	v0 =	vld [tilespmem:s22+$0xFFFFFFC0];
	_ =	sdelay $0x4  }
0xcf: {  	v1 =	vand.u32 $0xFFFF, v0;
	v0 =	vshrl.u32 v0, $0x10  }
0xd0: {  	[tilespmem:$0x1E4B0] =	vst v1  }
0xd1: {  	[tilespmem:$0x1E5B0] =	vst v0  }
0xd2: {  	v0 =	vld [tilespmem:s22+$0xFFFFFFD0];
	_ =	sdelay $0x4  }
0xd3: {  	v1 =	vand.u32 $0xFFFF, v0;
	v0 =	vshrl.u32 v0, $0x10  }
0xd4: {  	[tilespmem:$0x1E4C0] =	vst v1  }
0xd5: {  	[tilespmem:$0x1E5C0] =	vst v0  }
0xd6: {  	v0 =	vld [tilespmem:s22+$0xFFFFFFE0];
	_ =	sdelay $0x4  }
0xd7: {  	v1 =	vand.u32 $0xFFFF, v0;
	v0 =	vshrl.u32 v0, $0x10  }
0xd8: {  	[tilespmem:$0x1E4D0] =	vst v1  }
0xd9: {  	[tilespmem:$0x1E5D0] =	vst v0  }
0xda: {  	v0 =	vld [tilespmem:s22+$0xFFFFFFF0];
	_ =	sdelay $0x1  }
.Ltmp0:
0xdb: {  	(pc) =	sbr.rel @p0 .LBB2_2-.Ltmp0, $3  }
0xdc: {  	_ =	sdelay $0x1  }
0xdd: {  	v1 =	vand.u32 $0xFFFF, v0;
	v0 =	vshrl.u32 v0, $0x10  }
0xde: {  	[tilespmem:$0x1E4E0] =	vst v1  }
0xdf: {  	[tilespmem:$0x1E5E0] =	vst v0  }
0xe0: {  	v0 =	vld [tilespmem:s22+$0x0];
	_ =	sdelay $0x4  }
0xe1: {  	v1 =	vand.u32 $0xFFFF, v0  }
0xe2: {  	v0 =	vshrl.u32 v0, $0x10;
	[tilespmem:$0x1E4F0] =	vst v1  }
0xe3: {  	[tilespmem:$0x1E5F0] =	vst v0  }
0xe4: {  	[tilespmem:s16], [sflag:$0x2] =	stream.indirect.gather [hbm4b:s4+s12], $0x80, s15, s12, $0xb8;
	[tilespmem:$0x1E600] =	vst v63  }
0xe5: {  	_ =	swait.ge [sflag:s17], $0x4000  }
0xe6: {  	[sflag:s17] =	ssyncset.done $0x0  }
0xe7: {  	[sflag:s17] =	ssyncadd.s32 $0xFFFFC000  }
0xe8: {  	[spmem:s2] =	stream.indirect.scatter.add.f32 [tilespmem:s14], [sflag:$0x3], $0x80, s18, s12, $0xb8;
	[tilespmem:$0x1E600] =	vst v63  }
0xe9: {  	_ =	swait.ge [sflag:s9], $0x4000  }
0xea: {  	[sflag:s9] =	ssyncset.done $0x0  }
0xeb: {  	[sflag:s9] =	ssyncadd.s32 $0xFFFFC000  }
0xec: {  	_ =	swait.ge [sflag:s19], $0x4000  }
0xed: {  	[sflag:s19] =	ssyncset.done $0x0  }
0xee: {  	[sflag:s19] =	ssyncadd.s32 $0xFFFFC000  }
0xef: {  	[spmem:s2] =	stream.indirect.scatter.add.f32 [tilespmem:s16], [sflag:$0x3], $0x80, s20, s12, $0xb8;
	[tilespmem:$0x1E600] =	vst v63  }
0xf0: {  	_ =	swait.ge [sflag:s9], $0x4000  }
0xf1: {  	s21 =	sadd.s32 $0x1, s21;
	[sflag:s9] =	ssyncset.done $0x0  }
0xf2: {  	p0 =	sne.s32 s21, s8;
	[sflag:s9] =	ssyncadd.s32 $0xFFFFC000  }
.Ltmp1:
0xf3: {  	[bflag:$0x0] =	sbarrier.arrive $0xFFFF;
	(pc) =	sbr.rel @p0 .LBB2_1-.Ltmp1, $4  }
0xf4: {  	[hbm:s7], [sflag:s10] =	dma.local [spmem:s11], $0x2780  }
0xf5: {  	_ =	swait.ge [sflag:s9], $0x2780  }
0xf6: {  	[sflag:s9] =	ssyncset.done $0x0  }
0xf7: {  	[sflag:s9] =	ssyncadd.s32 $0xFFFFD880  }
0xf8: {  	_ =	sfence.sel $0x180000  }
0xf9: {  	[bflag:$0x0] =	sbarrier.arrive $0xFFFF  }
0xfa: {  	p0 =	sne.s32 s0, $0x0;
	_ =	strace $0x9000004D  }
0xfb: {  	s0 =	sadd.s32 @!p0 $0x100000, s1;
	[bflag:$0x2] =	sbarrier.arrive $0xFFFF  }
0xfc: {  	[sflag:s0] =	ssyncadd.tile.s32 @!p0 $0x1;
	_ =	shalt  }
.Lfunc_end2:
_tile_overlayer_lowered:
.L_overlay_start_2:
0xfd: {  	(tag) =	ssettag $0x2  }
0xfe: {  	s0 =	rddreg [dreg:$0x0];
	s2 =	stileid.u32  }
0xff: {  	s1 =	rddreg [dreg:$0x1];
	p0 =	sne.s32 s2, $0x0  }
0x100: {  	s3 =	rddreg [dreg:$0x2];
	[bflag:$0x3] =	sbarrier.arrive $0xFFFF;
	s2 =	simm.s32 @!p0 $0x1C03  }
0x101: {  	[timem:s3], [sflag:s2] =	dma.local @!p0 [hbm:s0], s1  }
0x102: {  	s0 =	simm.s32 @!p0 $0x3  }
0x103: {  	_ =	swait.ge @!p0 [sflag:s0], s1  }
0x104: {  	s1 =	ssub.s32 @!p0 $0x0, s1;
	[sflag:s0] =	ssyncset.done @!p0 $0x0  }
0x105: {  	[sflag:s0] =	ssyncadd.s32 @!p0 s1  }
0x106: {  	[bflag:$0x3] =	sbarrier.arrive $0xFFFF  }
0x107: {  	_ =	shalt  }

// kernel: kernel.9.cloned.1.call-start
scs
__scs_entry_jumppad:
0x0: {  	(pc) =	sbr.rel $0x88, $3  }
0x1: {  	(tag) =	ssettag $0x0;
	lr =	simm.s32 $0x1  }
0x2: {  	[smem:$0x3F6D] =	sst lr;
	_ =	strace $0xD0000000  }
0x3: {  	_ = 	snop  }
0x4: {  	_ = 	snop  }
0x5: {  	_ = 	snop  }
0x6: {  	_ = 	snop  }
0x7: {  	_ = 	snop  }
__scs_overlays_trampoline_lowered:
0x8: {  	[smem:$0x3F7C] =	sst s0  }
0x9: {  	[smem:$0x3F7D] =	sst s1  }
0xa: {  	[smem:$0x3F7E] =	sst s2  }
0xb: {  	[smem:$0x3F7F] =	sst s3  }
0xc: {  	[smem:$0x3F80] =	sst s4  }
0xd: {  	[smem:$0x3F81] =	sst s5  }
0xe: {  	[smem:$0x3F82] =	sst s6  }
0xf: {  	[smem:$0x3F83] =	sst s7  }
0x10: {  	[smem:$0x3F84] =	sst s8  }
0x11: {  	[smem:$0x3F85] =	sst s9;
	s0 =	simm.s32 @!p0 $0x0  }
0x12: {  	s1 =	sld [smem:$0x3F6B];
	s0 =	simm.s32 @p0 $0x1  }
0x13: {  	[smem:$0x3F86] =	sst s0;
	s0 =	simm.s32 @!p1 $0x0  }
0x14: {  	s2 =	sld [smem:$0x3F6A];
	s0 =	simm.s32 @p1 $0x1  }
0x15: {  	[smem:$0x3F87] =	sst s0;
	s0 =	simm.s32 @!p2 $0x0  }
0x16: {  	s3 =	sld [smem:$0x3FDB];
	s0 =	simm.s32 @p2 $0x1  }
0x17: {  	s4 =	simm.s32 $0x1BF5;
	[smem:$0x3F89] =	sst s0  }
0x18: {  	s0 =	sld [smem:$0x3F6C];
	_ =	swait.ge [sflag:s4], $0x0  }
0x19: {  	s7 =	sld [smem:$0x3F6D]  }
0x1a: {  	s8 =	sadd.s32 $0xFFFFE003, lr  }
0x1b: {  	s9 =	sadd.s32 $0xFFFFFEF7, lr;
	s5 =	simm.s32 $0xFFFFFFFF;
	p2 =	slt.u32 s8, $0xFFFFF086  }
0x1c: {  	p1 =	slt.u32 s9, $0xF7A;
	s5 =	simm.s32 @!p2 $0x0  }
0x1d: {  	s5 =	simm.s32 @p1 $0x1;
	p0 =	seq.s32 s7, s2  }
0x1e: {  	s7 =	smul.u32 @!p0 $0xF7A, s2;
	p2 =	seq.s32 @!p0 s5, $0x0  }
0x1f: {  	s9 =	smul.u32 $0xF7A, s1;
	s8 =	simm.s32 @!p0 $0x1BF5;
	p2 =	por !p2, p0  }
0x20: {  	[sflag:s8] =	ssyncset.s32 @!p0 $0xFFFFF086;
	s6 =	sadd.s32 @!p0 s3, s7;
	s7 =	simm.s32 @!p0 $0x108  }
0x21: {  	s3 =	sadd.s32 s3, s9;
	s6 =	sadd.s32 @!p0 $0x88, s6;
	s7 =	simm.s32 @p2 $0x1082  }
0x22: {  	[simem:s7], [sflag:s8] =	dma.local @!p0 [hbm:s6], $0xF7A  }
0x23: {  	s9 =	sor.u32 $0xD0000000, s2;
	s6 =	simm.s32 $0x108;
	_ =	swait.ge @!p0 [sflag:s8], $0x0  }
0x24: {  	s3 =	sadd.s32 $0x88, s3;
	s6 =	simm.s32 @!p1 $0x1082;
	[sflag:s4] =	ssyncset.s32 $0xFFFFF086  }
0x25: {  	[simem:s6], [sflag:s4] =	dma.local [hbm:s3], $0xF7A  }
0x26: {  	[smem:$0x3F6D] =	sst s1;
	(tag) =	ssettag s2;
	_ =	strace s9  }
0x27: {  	s1 =	sld [smem:$0x3F7D]  }
0x28: {  	s2 =	sld [smem:$0x3F7E]  }
0x29: {  	s4 =	sld [smem:$0x3F80]  }
0x2a: {  	p0 =	seq.s32 s5, $0x0;
	s5 =	sld [smem:$0x3F81]  }
0x2b: {  	s6 =	sld [smem:$0x3F82]  }
0x2c: {  	s7 =	sld [smem:$0x3F83]  }
0x2d: {  	s3 =	simm.s32 $0x108;
	s8 =	sld [smem:$0x3F84]  }
0x2e: {  	s3 =	simm.s32 @!p0 $0x1082;
	s9 =	sld [smem:$0x3F85]  }
0x2f: {  	lr =	sadd.s32 s0, s3;
	s0 =	sld [smem:$0x3F7C]  }
0x30: {  	s3 =	sld [smem:$0x3F7F]  }
0x31: {  	[smem:$0x3F88] =	sst s10  }
0x32: {  	s10 =	sld [smem:$0x3F86];
	_ =	sdelay $0x3  }
0x33: {  	p0 =	seq.s32 s10, $0x1;
	s10 =	sld [smem:$0x3F88];
	_ =	sdelay $0x3  }
0x34: {  	[smem:$0x3F88] =	sst s10  }
0x35: {  	s10 =	sld [smem:$0x3F87];
	_ =	sdelay $0x3  }
0x36: {  	p1 =	seq.s32 s10, $0x1;
	s10 =	sld [smem:$0x3F88];
	_ =	sdelay $0x3  }
0x37: {  	[smem:$0x3F88] =	sst s10  }
0x38: {  	s10 =	sld [smem:$0x3F89]  }
0x39: {  	_ = 	snop;
	(pc) =	sbr.ind lr, $3  }
0x3a: {  	_ = 	snop  }
0x3b: {  	_ = 	snop  }
0x3c: {  	p2 =	seq.s32 s10, $0x1;
	s10 =	sld [smem:$0x3F88]  }
0x3d: {  	_ =	shalt  }
0x3e: {  	_ =	shalt  }
0x3f: {  	_ =	shalt  }
0x40: {  	_ =	shalt  }
0x41: {  	_ =	shalt  }
0x42: {  	_ =	shalt  }
0x43: {  	_ =	shalt  }
0x44: {  	_ =	shalt  }
0x45: {  	_ =	shalt  }
0x46: {  	_ =	shalt  }
0x47: {  	_ =	shalt  }
0x48: {  	_ =	shalt  }
0x49: {  	_ =	shalt  }
0x4a: {  	_ =	shalt  }
0x4b: {  	_ =	shalt  }
0x4c: {  	_ =	shalt  }
0x4d: {  	_ =	shalt  }
0x4e: {  	_ =	shalt  }
0x4f: {  	_ =	shalt  }
0x50: {  	_ =	shalt  }
0x51: {  	_ =	shalt  }
0x52: {  	_ =	shalt  }
0x53: {  	_ =	shalt  }
0x54: {  	_ =	shalt  }
0x55: {  	_ =	shalt  }
0x56: {  	_ =	shalt  }
0x57: {  	_ =	shalt  }
0x58: {  	_ =	shalt  }
0x59: {  	_ =	shalt  }
0x5a: {  	_ =	shalt  }
0x5b: {  	_ =	shalt  }
0x5c: {  	_ =	shalt  }
0x5d: {  	_ =	shalt  }
0x5e: {  	_ =	shalt  }
0x5f: {  	_ =	shalt  }
0x60: {  	_ =	shalt  }
0x61: {  	_ =	shalt  }
0x62: {  	_ =	shalt  }
0x63: {  	_ =	shalt  }
0x64: {  	_ =	shalt  }
0x65: {  	_ =	shalt  }
0x66: {  	_ =	shalt  }
0x67: {  	_ =	shalt  }
0x68: {  	_ =	shalt  }
0x69: {  	_ =	shalt  }
0x6a: {  	_ =	shalt  }
0x6b: {  	_ =	shalt  }
0x6c: {  	_ =	shalt  }
0x6d: {  	_ =	shalt  }
0x6e: {  	_ =	shalt  }
0x6f: {  	_ =	shalt  }
0x70: {  	_ =	shalt  }
0x71: {  	_ =	shalt  }
0x72: {  	_ =	shalt  }
0x73: {  	_ =	shalt  }
0x74: {  	_ =	shalt  }
0x75: {  	_ =	shalt  }
0x76: {  	_ =	shalt  }
0x77: {  	_ =	shalt  }
0x78: {  	_ =	shalt  }
0x79: {  	_ =	shalt  }
0x7a: {  	_ =	shalt  }
0x7b: {  	_ =	shalt  }
0x7c: {  	_ =	shalt  }
0x7d: {  	_ =	shalt  }
0x7e: {  	_ =	shalt  }
0x7f: {  	_ =	shalt  }
0x80: {  	_ =	shalt  }
0x81: {  	_ =	shalt  }
0x82: {  	_ =	shalt  }
0x83: {  	_ =	shalt  }
0x84: {  	_ =	shalt  }
0x85: {  	_ =	shalt  }
0x86: {  	_ =	shalt  }
0x87: {  	_ =	shalt  }
.Lfunc_end0:
.L_simem_size_0:
called_computation_lowered:
.L_overlay_start_0:
0x88: {  	s2 =	sld [smem:$0x3FD9]  }
0x89: {  	s3 =	sld [smem:$0x3FFE];
	_ =	sdelay $0x1  }
0x8a: {  	s1 =	srdreg.scid  }
0x8b: {  	s0 =	sand.u32 $0x1, s1  }
0x8c: {  	s16 =	sshll.u32 s0, $0xA;
	s2 =	sadd.s32 s3, s2  }
0x8d: {  	s2 =	sadd.s32 s2, s16  }
0x8e: {  	[smem:$0x3F94] =	sst s2  }
0x8f: {  	_ = 	snop  }
0x90: {  	(tm) =	ssettm $0x1  }
0x91: {  	s17 =	sld [smem:$0x3FFB];
	_ =	sdelay $0x3  }
0x92: {  	_ =	strace s17  }
0x93: {  	s2 =	sld [smem:$0x3FFC];
	_ =	sdelay $0x3  }
0x94: {  	_ =	strace s2  }
0x95: {  	s2 =	sld [smem:$0x3FFD];
	_ =	sdelay $0x3  }
0x96: {  	_ =	strace s2  }
0x97: {  	_ =	strace $0x8FFFFFFF  }
0x98: {  	s18 =	sld [smem:$0x3FDB];
	_ =	sdelay $0x1  }
0x99: {  	s19 =	simm.s32 $_scs_section_size  }
0x9a: {  	s4 =	simm.s32 $_size__tile_overlayer_lowered;
	s5 =	simm.s32 $_tile_overlayer_lowered  }
0x9b: {  	s22 =	simm.s32 $0x1BFF;
	s21 =	sshll.u32 s5, $0x1;
	s2 =	sadd.s32 s19, s18  }
0x9c: {  	s6 =	simm.s32 $0x0;
	s20 =	sshll.u32 s4, $0x1;
	s4 =	sadd.s32 s21, s2  }
0x9d: {  	[timem:s6], [sflag:s22] =	dma.local [hbm:s4], s20  }
0x9e: {  	_ =	swait.ge [sflag:s22], s20  }
0x9f: {  	s3 =	ssub.s32 $0x0, s20;
	[sflag:s22] =	ssyncset.done $0x0  }
0xa0: {  	[sflag:s22] =	ssyncadd.s32 s3;
	_ =	sdelay $0x1  }
0xa1: {  	s23 =	simm.s32 $0x1B8B  }
0xa2: {  	_ =	swait.ge [sflag:s23], $0x1  }
0xa3: {  	[sflag:s23] =	ssyncset.done $0x0  }
0xa4: {  	s25 =	simm.s32 $0x1B8E;
	s24 =	sld [smem:$0x3FFE];
	[sflag:s23] =	ssyncadd.s32 $0xFFFFFFFF  }
0xa5: {  	s26 =	simm.s32 $execute0_lowered;
	[smem:$0x3FD2] =	sst s25  }
0xa6: {  	s4 =	sshll.u32 s26, $0x1;
	_ =	strace $0x80000046;
	[dreg:$0x1] =	wrdreg $0xFFFFFFFF  }
0xa7: {  	s28 =	simm.s32 $_size_execute0_lowered;
	s2 =	sadd.s32 s2, s4;
	[dreg:$0x0] =	wrdreg $0x0  }
0xa8: {  	s4 =	sshll.u32 s28, $0x1;
	[dreg:$0x2] =	wrdreg s2  }
0xa9: {  	[dreg:$0x3] =	wrdreg s4  }
0xaa: {  	[dreg:$0x4] =	wrdreg $0xC0  }
0xab: {  	_ =	task [dreg:s6], $0x5FFFF  }
0xac: {  	[dreg:$0x1] =	wrdreg $0xFFFFFFFF  }
0xad: {  	[dreg:$0x0] =	wrdreg $0x60  }
0xae: {  	[dreg:$0x2] =	wrdreg s24  }
0xaf: {  	[dreg:$0x3] =	wrdreg $0x28000  }
0xb0: {  	[dreg:$0x4] =	wrdreg $0x9  }
0xb1: {  	_ =	task.clear_ibuf [dreg:s6], $0x5FFFF;
	_ =	strace $0x90000046  }
0xb2: {  	s29 =	simm.s32 $0x9;
	_ =	strace $0x80000048  }
0xb3: {  	_ =	swait.ge [sflag:s29], $0x1  }
0xb4: {  	[sflag:s29] =	ssyncadd.s32 $0xFFFFFFFF  }
0xb5: {  	_ =	strace $0x90000048  }
0xb6: {  	_ =	sfence  }
0xb7: {  	s30 =	sld [smem:$0x0];
	_ =	sdelay $0x2  }
0xb8: {  	s31 =	sshll.u32 s1, $0xD;
	s1 =	sshrl.u32 s1, $0x2  }
0xb9: {  	s3 =	sand.u32 $0x4000, s31;
	s1 =	sadd.s32 s1, s30  }
0xba: {  	s0 =	sor.u32 s3, s0;
	s1 =	sshll.u32 s1, $0x11  }
0xbb: {  	s0 =	sor.u32 s1, s0  }
0xbc: {  	s0 =	sadd.s32 $0x8F2B, s0  }
0xbd: {  	[sflag:s0] =	ssyncadd.remote.s32 $0x1  }
0xbe: {  	_ =	sfence.sel $0xFFFF  }
0xbf: {  	[dreg:$0x0] =	wrdreg $0xFFFFFFFF;
	(pc) =	sbr.abs _section_cstart, $3  }
0xc0: {  	[dreg:$0x1] =	wrdreg $0xFFFFFFFF  }
0xc1: {  	_ =	task.clear_ibuf [dreg:s6], $0x2FFFF;
	_ =	strace $0x9FFFFFFF  }
0xc2: {  	(tm) =	ssettm $0x7FFFFFFF  }
0xc3: {  	_ =	shalt  }
tec
execute0_lowered:
.L_overlay_start_1:
0x0: {  	(tag) =	ssettag $0x1  }
0x1: {  	s1 =	srdreg.scid;
	s6 =	rddreg [dreg:$0x0]  }
0x2: {  	s0 =	stileid.u32;
	s2 =	rddreg [dreg:$0x1]  }
0x3: {  	s3 =	simm.s32 $0x0;
	s13 =	simm.s32 $0x1E400;
	s14 =	simm.s32 $0x16400  }
0x4: {  	s15 =	simm.s32 $0x1E480;
	s16 =	simm.s32 $0x1A400;
	s17 =	simm.s32 $0x1  }
0x5: {  	s18 =	simm.s32 $0x1E500;
	s19 =	simm.s32 $0x2;
	s20 =	simm.s32 $0x1E580  }
0x6: {  	s21 =	simm.s32 $0x0;
	s5 =	sand.u32 $0x1, s1;
	s8 =	smul.u32 $0x2780, s0  }
0x7: {  	s28 =	sshll.u32 s0, $0x1;
	[smem:$0x7FF] =	sst s3;
	s10 =	smul.u32 $0x4F000, s0  }
0x8: {  	s4 =	sadd.s32 $0x12E00, s6;
	s1 =	sor.u32 s5, s28;
	s9 =	smul.u32 $0x27800, s5  }
0x9: {  	s31 =	sshll.u32 s0, $0x6;
	s5 =	ssub.s32 $0x2, s5;
	s7 =	smul.u32 $0x500, s1  }
0xa: {  	s1 =	rddreg [dreg:$0x2];
	_ =	strace $0x80000047;
	s29 =	sshrl.u32 s5, $0x1  }
0xb: {  	s30 =	sshrl.u32 s10, $0x2;
	s10 =	sor.u32 $0x1C03, s31;
	s9 =	sadd.s32 s8, s9  }
0xc: {  	s8 =	sadd.s32 s8, s6;
	s11 =	ssub.s32 s5, s29;
	s12 =	sadd.s32 s30, s2  }
0xd: {  	s7 =	sadd.s32 s7, s6;
	s9 =	sadd.s32 s9, s6;
	s6 =	sadd.s32 $0x3A000, s8  }
0xe: {  	s8 =	smax.u32 s11, $0x1;
	s11 =	sshrl.u32 s12, $0x3;
	s12 =	simm.s32 $0x80  }
0xf: {  	s5 =	sadd.s32 $0x8E00, s7;
	s7 =	sadd.s32 $0x61800, s9;
	s9 =	simm.s32 $0x3  }
.LBB2_1:
0x10: {  	[tilespmem:s3], [sflag:$0x3] =	stream.linear.gather [hbm4b:s5+s3], $0x2800, $0x38;
	[tilespmem:$0x1E600] =	vst v63  }
0x11: {  	_ =	swait.ge [sflag:s9], $0x2800  }
0x12: {  	[sflag:s9] =	ssyncset.done $0x0  }
0x13: {  	[sflag:s9] =	ssyncadd.s32 $0xFFFFD800  }
0x14: {  	[spmem:s11], [sflag:s10] =	dma.local [hbm:s6], $0x2780  }
0x15: {  	_ =	swait.ge [sflag:s9], $0x2780  }
0x16: {  	[sflag:s9] =	ssyncset.done $0x0  }
0x17: {  	[sflag:s9] =	ssyncadd.s32 $0xFFFFD880  }
0x18: {  	[bflag:$0x0] =	sbarrier.arrive $0xFFFF  }
0x19: {  	v0 =	vld [tilespmem:$0x0];
	_ =	sdelay $0x1  }
0x1a: {  	v1 =	vld [tilespmem:$0x10];
	_ =	sdelay $0x1  }
0x1b: {  	v2 =	vld [tilespmem:$0x20]  }
0x1c: {  	v3 =	vand.u32 $0xFFFF, v0  }
0x1d: {  	v0 =	vshrl.u32 v0, $0x10;
	[tilespmem:$0x1E400] =	vst v3;
	v3 =	vld [tilespmem:$0x30]  }
0x1e: {  	[tilespmem:$0x1E500] =	vst v0;
	v0 =	vand.u32 $0xFFFF, v1  }
0x1f: {  	[tilespmem:$0x1E410] =	vst v0;
	v0 =	vshrl.u32 v1, $0x10;
	v1 =	vld [tilespmem:$0x40]  }
0x20: {  	[tilespmem:$0x1E510] =	vst v0;
	v0 =	vand.u32 $0xFFFF, v2  }
0x21: {  	[tilespmem:$0x1E420] =	vst v0;
	v0 =	vshrl.u32 v2, $0x10;
	v2 =	vld [tilespmem:$0x50]  }
0x22: {  	[tilespmem:$0x1E520] =	vst v0;
	v0 =	vand.u32 $0xFFFF, v3  }
0x23: {  	[tilespmem:$0x1E430] =	vst v0;
	v0 =	vshrl.u32 v3, $0x10;
	v3 =	vld [tilespmem:$0x60]  }
0x24: {  	[tilespmem:$0x1E530] =	vst v0;
	v0 =	vand.u32 $0xFFFF, v1  }
0x25: {  	[tilespmem:$0x1E440] =	vst v0;
	v0 =	vshrl.u32 v1, $0x10;
	v1 =	vld [tilespmem:$0x70]  }
0x26: {  	[tilespmem:$0x1E540] =	vst v0;
	v0 =	vand.u32 $0xFFFF, v2  }
0x27: {  	[tilespmem:$0x1E450] =	vst v0;
	v0 =	vshrl.u32 v2, $0x10  }
0x28: {  	[tilespmem:$0x1E550] =	vst v0;
	v0 =	vand.u32 $0xFFFF, v3  }
0x29: {  	[tilespmem:$0x1E460] =	vst v0;
	v0 =	vshrl.u32 v3, $0x10  }
0x2a: {  	[tilespmem:$0x1E560] =	vst v0;
	v0 =	vand.u32 $0xFFFF, v1  }
0x2b: {  	[tilespmem:$0x1E470] =	vst v0;
	v0 =	vshrl.u32 v1, $0x10  }
0x2c: {  	[tilespmem:$0x1E570] =	vst v0  }
0x2d: {  	[tilespmem:s14], [sflag:$0x1] =	stream.indirect.gather [hbm4b:s4+s12], $0x80, s13, s12, $0xb8;
	[tilespmem:$0x1E600] =	vst v63  }
0x2e: {  	v0 =	vld [tilespmem:$0x80];
	_ =	sdelay $0x1  }
0x2f: {  	v1 =	vld [tilespmem:$0x90];
	_ =	sdelay $0x1  }
0x30: {  	v2 =	vld [tilespmem:$0xA0]  }
0x31: {  	v3 =	vand.u32 $0xFFFF, v0  }
0x32: {  	v0 =	vshrl.u32 v0, $0x10;
	[tilespmem:$0x1E480] =	vst v3;
	v3 =	vld [tilespmem:$0xB0]  }
0x33: {  	[tilespmem:$0x1E580] =	vst v0;
	v0 =	vand.u32 $0xFFFF, v1  }
0x34: {  	[tilespmem:$0x1E490] =	vst v0;
	v0 =	vshrl.u32 v1, $0x10;
	v1 =	vld [tilespmem:$0xC0]  }
0x35: {  	[tilespmem:$0x1E590] =	vst v0;
	v0 =	vand.u32 $0xFFFF, v2  }
0x36: {  	[tilespmem:$0x1E4A0] =	vst v0;
	v0 =	vshrl.u32 v2, $0x10;
	v2 =	vld [tilespmem:$0xD0]  }
0x37: {  	[tilespmem:$0x1E5A0] =	vst v0;
	v0 =	vand.u32 $0xFFFF, v3  }
0x38: {  	[tilespmem:$0x1E4B0] =	vst v0;
	v0 =	vshrl.u32 v3, $0x10;
	v3 =	vld [tilespmem:$0xE0]  }
0x39: {  	[tilespmem:$0x1E5B0] =	vst v0;
	v0 =	vand.u32 $0xFFFF, v1  }
0x3a: {  	[tilespmem:$0x1E4C0] =	vst v0;
	v0 =	vshrl.u32 v1, $0x10;
	v1 =	vld [tilespmem:$0xF0]  }
0x3b: {  	[tilespmem:$0x1E5C0] =	vst v0;
	v0 =	vand.u32 $0xFFFF, v2  }
0x3c: {  	[tilespmem:$0x1E4D0] =	vst v0;
	v0 =	vshrl.u32 v2, $0x10  }
0x3d: {  	[tilespmem:$0x1E5D0] =	vst v0;
	v0 =	vand.u32 $0xFFFF, v3  }
0x3e: {  	[tilespmem:$0x1E4E0] =	vst v0;
	v0 =	vshrl.u32 v3, $0x10  }
0x3f: {  	[tilespmem:$0x1E5E0] =	vst v0;
	v0 =	vand.u32 $0xFFFF, v1  }
0x40: {  	[tilespmem:$0x1E4F0] =	vst v0;
	v0 =	vshrl.u32 v1, $0x10  }
0x41: {  	[tilespmem:$0x1E5F0] =	vst v0  }
0x42: {  	[tilespmem:s16], [sflag:$0x2] =	stream.indirect.gather [hbm4b:s4+s12], $0x80, s15, s12, $0xb8;
	[tilespmem:$0x1E600] =	vst v63  }
0x43: {  	_ =	swait.ge [sflag:s17], $0x4000  }
0x44: {  	[sflag:s17] =	ssyncset.done $0x0  }
0x45: {  	[sflag:s17] =	ssyncadd.s32 $0xFFFFC000  }
0x46: {  	[spmem:s2] =	stream.indirect.scatter.add.f32 [tilespmem:s14], [sflag:$0x3], $0x80, s18, s12, $0xb8;
	[tilespmem:$0x1E600] =	vst v63  }
0x47: {  	_ =	swait.ge [sflag:s9], $0x4000  }
0x48: {  	[sflag:s9] =	ssyncset.done $0x0  }
0x49: {  	s22 =	simm.s32 $0x1F0;
	[sflag:s9] =	ssyncadd.s32 $0xFFFFC000  }
0x4a: {  	v0 =	vld [tilespmem:s22+$0xFFFFFF10];
	_ =	sdelay $0x4  }
0x4b: {  	v1 =	vand.u32 $0xFFFF, v0  }
0x4c: {  	v0 =	vshrl.u32 v0, $0x10;
	[tilespmem:$0x1E400] =	vst v1  }
0x4d: {  	[tilespmem:$0x1E500] =	vst v0  }
0x4e: {  	v0 =	vld [tilespmem:s22+$0xFFFFFF20];
	_ =	sdelay $0x4  }
0x4f: {  	v1 =	vand.u32 $0xFFFF, v0  }
0x50: {  	v0 =	vshrl.u32 v0, $0x10;
	[tilespmem:$0x1E410] =	vst v1  }
0x51: {  	[tilespmem:$0x1E510] =	vst v0  }
0x52: {  	v0 =	vld [tilespmem:s22+$0xFFFFFF30];
	_ =	sdelay $0x4  }
0x53: {  	v1 =	vand.u32 $0xFFFF, v0  }
0x54: {  	v0 =	vshrl.u32 v0, $0x10;
	[tilespmem:$0x1E420] =	vst v1  }
0x55: {  	[tilespmem:$0x1E520] =	vst v0  }
0x56: {  	v0 =	vld [tilespmem:s22+$0xFFFFFF40];
	_ =	sdelay $0x4  }
0x57: {  	v1 =	vand.u32 $0xFFFF, v0  }
0x58: {  	v0 =	vshrl.u32 v0, $0x10;
	[tilespmem:$0x1E430] =	vst v1  }
0x59: {  	[tilespmem:$0x1E530] =	vst v0  }
0x5a: {  	v0 =	vld [tilespmem:s22+$0xFFFFFF50];
	_ =	sdelay $0x4  }
0x5b: {  	v1 =	vand.u32 $0xFFFF, v0  }
0x5c: {  	v0 =	vshrl.u32 v0, $0x10;
	[tilespmem:$0x1E440] =	vst v1  }
0x5d: {  	[tilespmem:$0x1E540] =	vst v0  }
0x5e: {  	v0 =	vld [tilespmem:s22+$0xFFFFFF60];
	_ =	sdelay $0x4  }
0x5f: {  	v1 =	vand.u32 $0xFFFF, v0  }
0x60: {  	v0 =	vshrl.u32 v0, $0x10;
	[tilespmem:$0x1E450] =	vst v1  }
0x61: {  	[tilespmem:$0x1E550] =	vst v0  }
0x62: {  	v0 =	vld [tilespmem:s22+$0xFFFFFF70];
	_ =	sdelay $0x4  }
0x63: {  	v1 =	vand.u32 $0xFFFF, v0  }
0x64: {  	v0 =	vshrl.u32 v0, $0x10;
	[tilespmem:$0x1E460] =	vst v1  }
0x65: {  	[tilespmem:$0x1E560] =	vst v0  }
0x66: {  	v0 =	vld [tilespmem:s22+$0xFFFFFF80];
	_ =	sdelay $0x4  }
0x67: {  	v1 =	vand.u32 $0xFFFF, v0  }
0x68: {  	v0 =	vshrl.u32 v0, $0x10;
	[tilespmem:$0x1E470] =	vst v1  }
0x69: {  	[tilespmem:$0x1E570] =	vst v0  }
0x6a: {  	[tilespmem:s14], [sflag:$0x1] =	stream.indirect.gather [hbm4b:s4+s12], $0x80, s13, s12, $0xb8;
	[tilespmem:$0x1E600] =	vst v63  }
0x6b: {  	_ =	swait.ge [sflag:s19], $0x4000  }
0x6c: {  	[sflag:s19] =	ssyncset.done $0x0  }
0x6d: {  	[sflag:s19] =	ssyncadd.s32 $0xFFFFC000  }
0x6e: {  	[spmem:s2] =	stream.indirect.scatter.add.f32 [tilespmem:s16], [sflag:$0x3], $0x80, s20, s12, $0xb8;
	[tilespmem:$0x1E600] =	vst v63  }
0x6f: {  	_ =	swait.ge [sflag:s9], $0x4000  }
0x70: {  	[sflag:s9] =	ssyncset.done $0x0  }
0x71: {  	[sflag:s9] =	ssyncadd.s32 $0xFFFFC000  }
0x72: {  	v0 =	vld [tilespmem:s22+$0xFFFFFF90];
	_ =	sdelay $0x4  }
0x73: {  	v1 =	vand.u32 $0xFFFF, v0  }
0x74: {  	v0 =	vshrl.u32 v0, $0x10;
	[tilespmem:$0x1E480] =	vst v1  }
0x75: {  	[tilespmem:$0x1E580] =	vst v0  }
0x76: {  	v0 =	vld [tilespmem:s22+$0xFFFFFFA0];
	_ =	sdelay $0x4  }
0x77: {  	v1 =	vand.u32 $0xFFFF, v0  }
0x78: {  	v0 =	vshrl.u32 v0, $0x10;
	[tilespmem:$0x1E490] =	vst v1  }
0x79: {  	[tilespmem:$0x1E590] =	vst v0  }
0x7a: {  	v0 =	vld [tilespmem:s22+$0xFFFFFFB0];
	_ =	sdelay $0x4  }
0x7b: {  	v1 =	vand.u32 $0xFFFF, v0  }
0x7c: {  	v0 =	vshrl.u32 v0, $0x10;
	[tilespmem:$0x1E4A0] =	vst v1  }
0x7d: {  	[tilespmem:$0x1E5A0] =	vst v0  }
0x7e: {  	v0 =	vld [tilespmem:s22+$0xFFFFFFC0];
	_ =	sdelay $0x4  }
0x7f: {  	v1 =	vand.u32 $0xFFFF, v0  }
0x80: {  	v0 =	vshrl.u32 v0, $0x10;
	[tilespmem:$0x1E4B0] =	vst v1  }
0x81: {  	[tilespmem:$0x1E5B0] =	vst v0  }
0x82: {  	v0 =	vld [tilespmem:s22+$0xFFFFFFD0];
	_ =	sdelay $0x4  }
0x83: {  	v1 =	vand.u32 $0xFFFF, v0  }
0x84: {  	v0 =	vshrl.u32 v0, $0x10;
	[tilespmem:$0x1E4C0] =	vst v1  }
0x85: {  	[tilespmem:$0x1E5C0] =	vst v0  }
0x86: {  	v0 =	vld [tilespmem:s22+$0xFFFFFFE0];
	_ =	sdelay $0x4  }
0x87: {  	v1 =	vand.u32 $0xFFFF, v0  }
0x88: {  	v0 =	vshrl.u32 v0, $0x10;
	[tilespmem:$0x1E4D0] =	vst v1  }
0x89: {  	[tilespmem:$0x1E5D0] =	vst v0  }
0x8a: {  	v0 =	vld [tilespmem:s22+$0xFFFFFFF0];
	_ =	sdelay $0x4  }
0x8b: {  	v1 =	vand.u32 $0xFFFF, v0  }
0x8c: {  	s23 =	simm.s32 $0xBC0;
	v0 =	vshrl.u32 v0, $0x10;
	[tilespmem:$0x1E4E0] =	vst v1  }
.LBB2_2:
0x8d: {  	p0 =	sne.s32 s23, $0x9FC0;
	[tilespmem:$0x1E5E0] =	vst v0;
	s24 =	smov.u32 s23;
	s23 =	sadd.s32 $0x400, s23  }
0x8e: {  	v0 =	vld [tilespmem:s22+$0x0];
	_ =	sdelay $0x4  }
0x8f: {  	v1 =	vand.u32 $0xFFFF, v0;
	v0 =	vshrl.u32 v0, $0x10  }
0x90: {  	[tilespmem:$0x1E4F0] =	vst v1  }
0x91: {  	[tilespmem:$0x1E5F0] =	vst v0  }
0x92: {  	[tilespmem:s16], [sflag:$0x2] =	stream.indirect.gather [hbm4b:s4+s12], $0x80, s15, s12, $0xb8;
	[tilespmem:$0x1E600] =	vst v63  }
0x93: {  	_ =	swait.ge [sflag:s17], $0x4000  }
0x94: {  	[sflag:s17] =	ssyncset.done $0x0  }
0x95: {  	[sflag:s17] =	ssyncadd.s32 $0xFFFFC000  }
0x96: {  	[spmem:s2] =	stream.indirect.scatter.add.f32 [tilespmem:s14], [sflag:$0x3], $0x80, s18, s12, $0xb8;
	[tilespmem:$0x1E600] =	vst v63  }
0x97: {  	_ =	swait.ge [sflag:s9], $0x4000  }
0x98: {  	[sflag:s9] =	ssyncset.done $0x0  }
0x99: {  	s22 =	sshra.s32 s24, $0x2;
	[sflag:s9] =	ssyncadd.s32 $0xFFFFC000  }
0x9a: {  	v0 =	vld [tilespmem:s22+$0xFFFFFF10];
	_ =	sdelay $0x4  }
0x9b: {  	v1 =	vand.u32 $0xFFFF, v0;
	v0 =	vshrl.u32 v0, $0x10  }
0x9c: {  	[tilespmem:$0x1E400] =	vst v1  }
0x9d: {  	[tilespmem:$0x1E500] =	vst v0  }
0x9e: {  	v0 =	vld [tilespmem:s22+$0xFFFFFF20];
	_ =	sdelay $0x4  }
0x9f: {  	v1 =	vand.u32 $0xFFFF, v0;
	v0 =	vshrl.u32 v0, $0x10  }
0xa0: {  	[tilespmem:$0x1E410] =	vst v1  }
0xa1: {  	[tilespmem:$0x1E510] =	vst v0  }
0xa2: {  	v0 =	vld [tilespmem:s22+$0xFFFFFF30];
	_ =	sdelay $0x4  }
0xa3: {  	v1 =	vand.u32 $0xFFFF, v0;
	v0 =	vshrl.u32 v0, $0x10  }
0xa4: {  	[tilespmem:$0x1E420] =	vst v1  }
0xa5: {  	[tilespmem:$0x1E520] =	vst v0  }
0xa6: {  	v0 =	vld [tilespmem:s22+$0xFFFFFF40];
	_ =	sdelay $0x4  }
0xa7: {  	v1 =	vand.u32 $0xFFFF, v0;
	v0 =	vshrl.u32 v0, $0x10  }
0xa8: {  	[tilespmem:$0x1E430] =	vst v1  }
0xa9: {  	[tilespmem:$0x1E530] =	vst v0  }
0xaa: {  	v0 =	vld [tilespmem:s22+$0xFFFFFF50];
	_ =	sdelay $0x4  }
0xab: {  	v1 =	vand.u32 $0xFFFF, v0;
	v0 =	vshrl.u32 v0, $0x10  }
0xac: {  	[tilespmem:$0x1E440] =	vst v1  }
0xad: {  	[tilespmem:$0x1E540] =	vst v0  }
0xae: {  	v0 =	vld [tilespmem:s22+$0xFFFFFF60];
	_ =	sdelay $0x4  }
0xaf: {  	v1 =	vand.u32 $0xFFFF, v0;
	v0 =	vshrl.u32 v0, $0x10  }
0xb0: {  	[tilespmem:$0x1E450] =	vst v1  }
0xb1: {  	[tilespmem:$0x1E550] =	vst v0  }
0xb2: {  	v0 =	vld [tilespmem:s22+$0xFFFFFF70];
	_ =	sdelay $0x4  }
0xb3: {  	v1 =	vand.u32 $0xFFFF, v0;
	v0 =	vshrl.u32 v0, $0x10  }
0xb4: {  	[tilespmem:$0x1E460] =	vst v1  }
0xb5: {  	[tilespmem:$0x1E560] =	vst v0  }
0xb6: {  	v0 =	vld [tilespmem:s22+$0xFFFFFF80];
	_ =	sdelay $0x4  }
0xb7: {  	v1 =	vand.u32 $0xFFFF, v0;
	v0 =	vshrl.u32 v0, $0x10  }
0xb8: {  	[tilespmem:$0x1E470] =	vst v1  }
0xb9: {  	[tilespmem:$0x1E570] =	vst v0  }
0xba: {  	[tilespmem:s14], [sflag:$0x1] =	stream.indirect.gather [hbm4b:s4+s12], $0x80, s13, s12, $0xb8;
	[tilespmem:$0x1E600] =	vst v63  }
0xbb: {  	_ =	swait.ge [sflag:s19], $0x4000  }
0xbc: {  	[sflag:s19] =	ssyncset.done $0x0  }
0xbd: {  	[sflag:s19] =	ssyncadd.s32 $0xFFFFC000  }
0xbe: {  	[spmem:s2] =	stream.indirect.scatter.add.f32 [tilespmem:s16], [sflag:$0x3], $0x80, s20, s12, $0xb8;
	[tilespmem:$0x1E600] =	vst v63  }
0xbf: {  	_ =	swait.ge [sflag:s9], $0x4000  }
0xc0: {  	[sflag:s9] =	ssyncset.done $0x0  }
0xc1: {  	[sflag:s9] =	ssyncadd.s32 $0xFFFFC000  }
0xc2: {  	v0 =	vld [tilespmem:s22+$0xFFFFFF90];
	_ =	sdelay $0x4  }
0xc3: {  	v1 =	vand.u32 $0xFFFF, v0;
	v0 =	vshrl.u32 v0, $0x10  }
0xc4: {  	[tilespmem:$0x1E480] =	vst v1  }
0xc5: {  	[tilespmem:$0x1E580] =	vst v0  }
0xc6: {  	v0 =	vld [tilespmem:s22+$0xFFFFFFA0];
	_ =	sdelay $0x4  }
0xc7: {  	v1 =	vand.u32 $0xFFFF, v0;
	v0 =	vshrl.u32 v0, $0x10  }
0xc8: {  	[tilespmem:$0x1E490] =	vst v1  }
0xc9: {  	[tilespmem:$0x1E590] =	vst v0  }
0xca: {  	v0 =	vld [tilespmem:s22+$0xFFFFFFB0];
	_ =	sdelay $0x4  }
0xcb: {  	v1 =	vand.u32 $0xFFFF, v0;
	v0 =	vshrl.u32 v0, $0x10  }
0xcc: {  	[tilespmem:$0x1E4A0] =	vst v1  }
0xcd: {  	[tilespmem:$0x1E5A0] =	vst v0  }
0xce: {  	v0 =	vld [tilespmem:s22+$0xFFFFFFC0];
	_ =	sdelay $0x4  }
0xcf: {  	v1 =	vand.u32 $0xFFFF, v0;
	v0 =	vshrl.u32 v0, $0x10  }
0xd0: {  	[tilespmem:$0x1E4B0] =	vst v1  }
0xd1: {  	[tilespmem:$0x1E5B0] =	vst v0  }
0xd2: {  	v0 =	vld [tilespmem:s22+$0xFFFFFFD0];
	_ =	sdelay $0x4  }
0xd3: {  	v1 =	vand.u32 $0xFFFF, v0;
	v0 =	vshrl.u32 v0, $0x10  }
0xd4: {  	[tilespmem:$0x1E4C0] =	vst v1  }
0xd5: {  	[tilespmem:$0x1E5C0] =	vst v0  }
0xd6: {  	v0 =	vld [tilespmem:s22+$0xFFFFFFE0];
	_ =	sdelay $0x4  }
0xd7: {  	v1 =	vand.u32 $0xFFFF, v0;
	v0 =	vshrl.u32 v0, $0x10  }
0xd8: {  	[tilespmem:$0x1E4D0] =	vst v1  }
0xd9: {  	[tilespmem:$0x1E5D0] =	vst v0  }
0xda: {  	v0 =	vld [tilespmem:s22+$0xFFFFFFF0];
	_ =	sdelay $0x1  }
.Ltmp0:
0xdb: {  	(pc) =	sbr.rel @p0 .LBB2_2-.Ltmp0, $3  }
0xdc: {  	_ =	sdelay $0x1  }
0xdd: {  	v1 =	vand.u32 $0xFFFF, v0;
	v0 =	vshrl.u32 v0, $0x10  }
0xde: {  	[tilespmem:$0x1E4E0] =	vst v1  }
0xdf: {  	[tilespmem:$0x1E5E0] =	vst v0  }
0xe0: {  	v0 =	vld [tilespmem:s22+$0x0];
	_ =	sdelay $0x4  }
0xe1: {  	v1 =	vand.u32 $0xFFFF, v0  }
0xe2: {  	v0 =	vshrl.u32 v0, $0x10;
	[tilespmem:$0x1E4F0] =	vst v1  }
0xe3: {  	[tilespmem:$0x1E5F0] =	vst v0  }
0xe4: {  	[tilespmem:s16], [sflag:$0x2] =	stream.indirect.gather [hbm4b:s4+s12], $0x80, s15, s12, $0xb8;
	[tilespmem:$0x1E600] =	vst v63  }
0xe5: {  	_ =	swait.ge [sflag:s17], $0x4000  }
0xe6: {  	[sflag:s17] =	ssyncset.done $0x0  }
0xe7: {  	[sflag:s17] =	ssyncadd.s32 $0xFFFFC000  }
0xe8: {  	[spmem:s2] =	stream.indirect.scatter.add.f32 [tilespmem:s14], [sflag:$0x3], $0x80, s18, s12, $0xb8;
	[tilespmem:$0x1E600] =	vst v63  }
0xe9: {  	_ =	swait.ge [sflag:s9], $0x4000  }
0xea: {  	[sflag:s9] =	ssyncset.done $0x0  }
0xeb: {  	[sflag:s9] =	ssyncadd.s32 $0xFFFFC000  }
0xec: {  	_ =	swait.ge [sflag:s19], $0x4000  }
0xed: {  	[sflag:s19] =	ssyncset.done $0x0  }
0xee: {  	[sflag:s19] =	ssyncadd.s32 $0xFFFFC000  }
0xef: {  	[spmem:s2] =	stream.indirect.scatter.add.f32 [tilespmem:s16], [sflag:$0x3], $0x80, s20, s12, $0xb8;
	[tilespmem:$0x1E600] =	vst v63  }
0xf0: {  	_ =	swait.ge [sflag:s9], $0x4000  }
0xf1: {  	s21 =	sadd.s32 $0x1, s21;
	[sflag:s9] =	ssyncset.done $0x0  }
0xf2: {  	p0 =	sne.s32 s21, s8;
	[sflag:s9] =	ssyncadd.s32 $0xFFFFC000  }
.Ltmp1:
0xf3: {  	[bflag:$0x0] =	sbarrier.arrive $0xFFFF;
	(pc) =	sbr.rel @p0 .LBB2_1-.Ltmp1, $4  }
0xf4: {  	[hbm:s7], [sflag:s10] =	dma.local [spmem:s11], $0x2780  }
0xf5: {  	_ =	swait.ge [sflag:s9], $0x2780  }
0xf6: {  	[sflag:s9] =	ssyncset.done $0x0  }
0xf7: {  	[sflag:s9] =	ssyncadd.s32 $0xFFFFD880  }
0xf8: {  	_ =	sfence.sel $0x180000  }
0xf9: {  	[bflag:$0x0] =	sbarrier.arrive $0xFFFF  }
0xfa: {  	p0 =	sne.s32 s0, $0x0;
	_ =	strace $0x90000047  }
0xfb: {  	s0 =	sadd.s32 @!p0 $0x100000, s1;
	[bflag:$0x2] =	sbarrier.arrive $0xFFFF  }
0xfc: {  	[sflag:s0] =	ssyncadd.tile.s32 @!p0 $0x1;
	_ =	shalt  }
.Lfunc_end2:
_tile_overlayer_lowered:
.L_overlay_start_2:
0xfd: {  	(tag) =	ssettag $0x2  }
0xfe: {  	s0 =	rddreg [dreg:$0x0];
	s2 =	stileid.u32  }
0xff: {  	s1 =	rddreg [dreg:$0x1];
	p0 =	sne.s32 s2, $0x0  }
0x100: {  	s3 =	rddreg [dreg:$0x2];
	[bflag:$0x3] =	sbarrier.arrive $0xFFFF;
	s2 =	simm.s32 @!p0 $0x1C03  }
0x101: {  	[timem:s3], [sflag:s2] =	dma.local @!p0 [hbm:s0], s1  }
0x102: {  	s0 =	simm.s32 @!p0 $0x3  }
0x103: {  	_ =	swait.ge @!p0 [sflag:s0], s1  }
0x104: {  	s1 =	ssub.s32 @!p0 $0x0, s1;
	[sflag:s0] =	ssyncset.done @!p0 $0x0  }
0x105: {  	[sflag:s0] =	ssyncadd.s32 @!p0 s1  }
0x106: {  	[bflag:$0x3] =	sbarrier.arrive $0xFFFF  }
0x107: {  	_ =	shalt  }

</sc_bundles>
